<compile_context>
chip_gen: v7x
topology: tpu7x:2x2x1
jax: 0.10.2.dev20260603
libtpu: 0.0.44.dev20260713+nightly
codegen_flags: <defaults>
</compile_context>

<pallas_src>
import functools

import jax
import jax.numpy as jnp
from jax import lax
from jax.experimental import pallas as pl
from jax.experimental.pallas import tpu as pltpu
from jax.experimental.pallas import tpu_sc as plsc

N_NODES = 10000
N_EDGES = 320000
D = 128
N_PAIRS = 16384

NC = 2
NS = 16
L = 16
NW = NC * NS

EPW = N_EDGES // NW
ECHUNK = 112
NCHUNKS = EPW // ECHUNK
ETAIL = EPW - NCHUNKS * ECHUNK
NP = 10240
RPS = NP // NS

PPW = N_PAIRS // NW
PCHUNK = 64
PGROUPS = PCHUNK // L
NPCH = PPW // PCHUNK
BPAD = 10016

_mesh = plsc.VectorSubcoreMesh(
    core_axis_name="c", subcore_axis_name="s", num_cores=NC, num_subcores=NS)
_sc_params = pltpu.CompilerParams(needs_layout_passes=False)


@functools.partial(
    pl.kernel,
    out_type=(
        jax.ShapeDtypeStruct((NC, NP, D), jnp.float32),
        jax.ShapeDtypeStruct((NW * NP,), jnp.float32),
    ),
    mesh=_mesh,
    compiler_params=_sc_params,
    scratch_types=[
        pltpu.VMEM_SHARED((NP, D), jnp.float32),
        pltpu.VMEM((4, 1, ECHUNK), jnp.int32),
        pltpu.VMEM((4, 1, ECHUNK), jnp.int32),
        pltpu.VMEM((ECHUNK, D), jnp.float32),
        pltpu.VMEM((ECHUNK, D), jnp.float32),
        pltpu.VMEM((NP,), jnp.float32),
        pltpu.VMEM((ETAIL,), jnp.int32),
        pltpu.VMEM((ETAIL,), jnp.int32),
        pltpu.SemaphoreType.DMA,
        pltpu.SemaphoreType.DMA,
        pltpu.SemaphoreType.DMA,
        pltpu.SemaphoreType.DMA,
        pltpu.SemaphoreType.DMA,
        pltpu.SemaphoreType.DMA,
        pltpu.SemaphoreType.DMA,
        pltpu.SemaphoreType.DMA,
    ],
)
def _agg_kernel(x_hbm, srce_hbm, dste_hbm, zfeat_hbm,
                agg_out, deg_out,
                agg_sh, srcs_v, dsts_v, rows0_v, rows1_v, deg_v,
                tsrc_v, tdst_v,
                si0, si1, si2, si3, sg0, sg1, ss0, ss1):
    c = lax.axis_index("c")
    s = lax.axis_index("s")
    wid = s * NC + c
    r0 = s * RPS
    pltpu.sync_copy(zfeat_hbm.at[pl.ds(0, ECHUNK)], rows0_v)
    for k in range(RPS // ECHUNK + 1):
        nr = min(ECHUNK, RPS - k * ECHUNK)
        pltpu.sync_copy(rows0_v.at[pl.ds(0, nr)],
                        agg_sh.at[pl.ds(r0 + k * ECHUNK, nr)])
    zero16 = jnp.zeros((L,), jnp.float32)

    def zloop(j, carry):
        deg_v[pl.ds(j * L, L)] = zero16
        return carry

    lax.fori_loop(0, NP // L, zloop, 0)
    plsc.subcore_barrier()

    base = wid * EPW
    one16 = jnp.full((L,), 1.0, jnp.float32)
    isems = (si0, si1, si2, si3)
    rows = (rows0_v, rows1_v)
    gsems = (sg0, sg1)
    ssems = (ss0, ss1)

    def _start_idx(i, q):
        off = base + i * ECHUNK
        pltpu.async_copy(srce_hbm.at[pl.ds(off, ECHUNK)], srcs_v.at[q, 0], isems[q])
        pltpu.async_copy(dste_hbm.at[pl.ds(off, ECHUNK)], dsts_v.at[q, 0], isems[q])

    def _wait_idx(i, q):
        off = base + i * ECHUNK
        pltpu.make_async_copy(srce_hbm.at[pl.ds(off, ECHUNK)], srcs_v.at[q, 0],
                              isems[q]).wait()
        pltpu.make_async_copy(dste_hbm.at[pl.ds(off, ECHUNK)], dsts_v.at[q, 0],
                              isems[q]).wait()

    def _wait_scatter(i, q2, b):
        pltpu.make_async_copy(rows[b], agg_sh.at[dsts_v.at[q2, 0]],
                              ssems[b]).wait()

    def _chunk_body(i, q, last):
        b = q % 2
        ob = 1 - b
        @pl.when(i > 0)
        def _():
            _wait_scatter(i - 1, (q - 1) % 4, ob)

        @pl.when(i + 1 < NCHUNKS)
        def _():
            _wait_idx(i + 1, (q + 1) % 4)
            pltpu.async_copy(x_hbm.at[srcs_v.at[(q + 1) % 4, 0]], rows[ob],
                             gsems[ob])

        pltpu.make_async_copy(x_hbm.at[srcs_v.at[q, 0]], rows[b],
                              gsems[b]).wait()
        for g2 in range(ECHUNK // L):
            dvv = dsts_v[q, 0, pl.ds(g2 * L, L)]
            plsc.addupdate_scatter(deg_v, [dvv], one16)
        pltpu.async_copy(rows[b], agg_sh.at[dsts_v.at[q, 0]], ssems[b],
                         add=True)
        if last:
            _wait_scatter(i, q, b)
        else:
            @pl.when(i + 3 < NCHUNKS)
            def _():
                _start_idx(i + 3, (q + 3) % 4)

    _start_idx(0, 0)
    _start_idx(1, 1)
    _start_idx(2, 2)
    _wait_idx(0, 0)
    pltpu.async_copy(x_hbm.at[srcs_v.at[0, 0]], rows0_v, sg0)

    def quad(g, carry):
        for b4 in range(4):
            _chunk_body(4 * g + b4, b4, False)
        return carry

    lax.fori_loop(0, NCHUNKS // 4, quad, 0)
    _chunk_body(NCHUNKS - 1, (NCHUNKS - 1) % 4, True)
    toff = base + NCHUNKS * ECHUNK
    pltpu.sync_copy(srce_hbm.at[pl.ds(toff, ETAIL)], tsrc_v)
    pltpu.sync_copy(dste_hbm.at[pl.ds(toff, ETAIL)], tdst_v)
    pltpu.sync_copy(x_hbm.at[tsrc_v], rows0_v.at[pl.ds(0, ETAIL)])
    for g2 in range(ETAIL // L):
        dvv = tdst_v[pl.ds(g2 * L, L)]
        plsc.addupdate_scatter(deg_v, [dvv], one16)
    pltpu.sync_copy(rows0_v.at[pl.ds(0, ETAIL)], agg_sh.at[tdst_v], add=True)
    plsc.subcore_barrier()

    for k in range(RPS // ECHUNK + 1):
        nr = min(ECHUNK, RPS - k * ECHUNK)
        rr = r0 + k * ECHUNK
        pltpu.sync_copy(agg_sh.at[pl.ds(rr, nr)], rows0_v.at[pl.ds(0, nr)])
        pltpu.sync_copy(rows0_v.at[pl.ds(0, nr)], agg_out.at[c, pl.ds(rr, nr)])
    pltpu.sync_copy(deg_v, deg_out.at[pl.ds(wid * NP, NP)])


ROW_BLK = 1024


def _dense_body(x_ref, agg_ref, deg_ref, ws_ref, wn_ref, h_ref):
    agg = agg_ref[0] + agg_ref[1]
    deg = jnp.sum(deg_ref[...], axis=0)[:, None]
    mean = agg / jnp.clip(deg, 1.0, None)
    acc = jnp.dot(x_ref[...], ws_ref[...], preferred_element_type=jnp.float32)
    acc += jnp.dot(mean, wn_ref[...], preferred_element_type=jnp.float32)
    h_ref[...] = jnp.maximum(acc, 0.0)


def _dense_stage(x, agg2, deg2, W_self, W_neigh):
    grid = (pl.cdiv(N_NODES, ROW_BLK),)
    return pl.pallas_call(
        _dense_body,
        out_shape=jax.ShapeDtypeStruct((N_NODES, D), jnp.float32),
        grid=grid,
        in_specs=[
            pl.BlockSpec((ROW_BLK, D), lambda i: (i, 0)),
            pl.BlockSpec((NC, ROW_BLK, D), lambda i: (0, i, 0)),
            pl.BlockSpec((NW, ROW_BLK), lambda i: (0, i)),
            pl.BlockSpec((D, D), lambda i: (0, 0)),
            pl.BlockSpec((D, D), lambda i: (0, 0)),
        ],
        out_specs=pl.BlockSpec((ROW_BLK, D), lambda i: (i, 0)),
    )(x, agg2, deg2, W_self, W_neigh)


@functools.partial(
    pl.kernel,
    out_type=(
        jax.ShapeDtypeStruct((N_PAIRS, D), jnp.float32),
        jax.ShapeDtypeStruct((N_PAIRS, D), jnp.float32),
        jax.ShapeDtypeStruct((N_PAIRS,), jnp.float32),
    ),
    mesh=_mesh,
    compiler_params=_sc_params,
    scratch_types=[
        pltpu.VMEM((BPAD,), jnp.float32),
        pltpu.VMEM((L,), jnp.float32),
        pltpu.VMEM((4, 1, PCHUNK), jnp.int32),
        pltpu.VMEM((4, 1, PCHUNK), jnp.int32),
        pltpu.VMEM((PCHUNK, D), jnp.float32),
        pltpu.VMEM((PCHUNK, D), jnp.float32),
        pltpu.VMEM((PCHUNK, D), jnp.float32),
        pltpu.VMEM((PCHUNK, D), jnp.float32),
        pltpu.VMEM((PPW,), jnp.float32),
        pltpu.SemaphoreType.DMA,
        pltpu.SemaphoreType.DMA,
        pltpu.SemaphoreType.DMA,
        pltpu.SemaphoreType.DMA,
        pltpu.SemaphoreType.DMA,
        pltpu.SemaphoreType.DMA,
        pltpu.SemaphoreType.DMA,
        pltpu.SemaphoreType.DMA,
    ],
)
def _gather_kernel(h_hbm, src_hbm, dst_hbm, bias_hbm, mu_hbm,
                   hs_out, hd_out, bsum_out,
                   bias_v, mu_v, srcs_v, dsts_v, hs0_v, hs1_v, hd0_v, hd1_v,
                   sc_v, pi0, pi1, pi2, pi3, pg0, pg1, pw0, pw1):
    c = lax.axis_index("c")
    s = lax.axis_index("s")
    wid = s * NC + c
    base = wid * PPW
    pltpu.sync_copy(bias_hbm, bias_v)
    pltpu.sync_copy(mu_hbm, mu_v)
    muv = mu_v[...]
    isems = (pi0, pi1, pi2, pi3)
    hsb = (hs0_v, hs1_v)
    hdb = (hd0_v, hd1_v)
    gsems = (pg0, pg1)
    wsems = (pw0, pw1)

    def _start_idx(i, q):
        off = base + i * PCHUNK
        pltpu.async_copy(src_hbm.at[pl.ds(off, PCHUNK)], srcs_v.at[q, 0],
                         isems[q])
        pltpu.async_copy(dst_hbm.at[pl.ds(off, PCHUNK)], dsts_v.at[q, 0],
                         isems[q])

    def _wait_idx(i, q):
        off = base + i * PCHUNK
        pltpu.make_async_copy(src_hbm.at[pl.ds(off, PCHUNK)],
                              srcs_v.at[q, 0], isems[q]).wait()
        pltpu.make_async_copy(dst_hbm.at[pl.ds(off, PCHUNK)],
                              dsts_v.at[q, 0], isems[q]).wait()

    def _start_gather(q, b):
        pltpu.async_copy(h_hbm.at[srcs_v.at[q, 0]], hsb[b], gsems[b])
        pltpu.async_copy(h_hbm.at[dsts_v.at[q, 0]], hdb[b], gsems[b])

    def _wait_gather(q, b):
        pltpu.make_async_copy(h_hbm.at[srcs_v.at[q, 0]], hsb[b],
                              gsems[b]).wait()
        pltpu.make_async_copy(h_hbm.at[dsts_v.at[q, 0]], hdb[b],
                              gsems[b]).wait()

    def _start_wb(i, b):
        off = base + i * PCHUNK
        pltpu.async_copy(hsb[b], hs_out.at[pl.ds(off, PCHUNK)], wsems[b])
        pltpu.async_copy(hdb[b], hd_out.at[pl.ds(off, PCHUNK)], wsems[b])

    def _wait_wb(i, b):
        off = base + i * PCHUNK
        pltpu.make_async_copy(hsb[b], hs_out.at[pl.ds(off, PCHUNK)],
                              wsems[b]).wait()
        pltpu.make_async_copy(hdb[b], hd_out.at[pl.ds(off, PCHUNK)],
                              wsems[b]).wait()

    _start_idx(0, 0)
    _start_idx(1, 1)
    _start_idx(2, 2)
    _wait_idx(0, 0)
    _start_gather(0, 0)

    for i in range(NPCH):
        q = i % 4
        b = i % 2
        if i > 0:
            _wait_wb(i - 1, 1 - b)
        if i + 1 < NPCH:
            _wait_idx(i + 1, (q + 1) % 4)
            _start_gather((q + 1) % 4, 1 - b)
        _wait_gather(q, b)
        for g in range(PGROUPS):
            sidx = srcs_v[q, 0, pl.ds(g * L, L)]
            didx = dsts_v[q, 0, pl.ds(g * L, L)]
            bs = plsc.load_gather(bias_v, [sidx + 1])
            bd = plsc.load_gather(bias_v, [didx + 1])
            sc_v[pl.ds(i * PCHUNK + g * L, L)] = bs + bd + muv
        _start_wb(i, b)
        if i + 3 < NPCH:
            _start_idx(i + 3, (q + 3) % 4)
    _wait_wb(NPCH - 1, (NPCH - 1) % 2)
    pltpu.sync_copy(sc_v, bsum_out.at[pl.ds(base, PPW)])


PAIR_BLK = 4096


def _score_body(hs_ref, hd_ref, b_ref, out_ref):
    out_ref[...] = jnp.sum(hs_ref[...] * hd_ref[...], axis=1) + b_ref[...]


def _score_stage(hs, hd, bsum):
    grid = (N_PAIRS // PAIR_BLK,)
    return pl.pallas_call(
        _score_body,
        out_shape=jax.ShapeDtypeStruct((N_PAIRS,), jnp.float32),
        grid=grid,
        in_specs=[
            pl.BlockSpec((PAIR_BLK, D), lambda i: (i, 0)),
            pl.BlockSpec((PAIR_BLK, D), lambda i: (i, 0)),
            pl.BlockSpec((PAIR_BLK,), lambda i: (i,)),
        ],
        out_specs=pl.BlockSpec((PAIR_BLK,), lambda i: (i,)),
    )(hs, hd, bsum)


def kernel(x, edge_index, src, dst, W_self, W_neigh, node_biases, mu):
    src_e = edge_index[0].astype(jnp.int32)
    dst_e = edge_index[1].astype(jnp.int32)
    zfeat = jnp.zeros((NP, D), jnp.float32)
    agg2, deg_p = _agg_kernel(x, src_e, dst_e, zfeat)
    h = _dense_stage(x, agg2, deg_p.reshape(NW, NP), W_self, W_neigh)
    bias_pad = jnp.pad(node_biases, (0, BPAD - (N_NODES + 1)))
    mu_vec = jnp.full((L,), mu, jnp.float32)
    hs, hd, bsum = _gather_kernel(h, src.astype(jnp.int32),
                                  dst.astype(jnp.int32), bias_pad, mu_vec)
    return _score_stage(hs, hd, bsum)

# --- scband reference (transcript-rebuilt; emitter-appended) ---
"""Pipeline reference for scband-graph-sagerecommender-15032385536065 (READ-ONLY COPY).

The authoritative reference and input builder live on the scoring server;
editing this copy changes nothing except your own understanding.
"""

import jax, jax.numpy as jnp
import numpy as np

N_NODES = 10000
N_EDGES = 320000
D_FEAT = 128
D_OUT = 128
N_PAIRS = 16384


def setup_inputs(seed: int = 0) -> dict:
    key = jax.random.key(seed)
    k_x, k_ei, k_src, k_dst, k_ws, k_wn, k_b = jax.random.split(key, 7)
    x = jax.random.normal(k_x, (N_NODES, D_FEAT), dtype=jnp.float32)
    edge_index = jax.random.randint(k_ei, (2, N_EDGES), 0, N_NODES, dtype=jnp.int64)
    src = jax.random.randint(k_src, (N_PAIRS,), 0, N_NODES, dtype=jnp.int64)
    dst = jax.random.randint(k_dst, (N_PAIRS,), 0, N_NODES, dtype=jnp.int64)
    # learned params: single GraphSAGE (mean-aggregator) layer standing in for self.gcn
    W_self = jax.random.normal(k_ws, (D_FEAT, D_OUT), dtype=jnp.float32) * (1.0 / np.sqrt(D_FEAT))
    W_neigh = jax.random.normal(k_wn, (D_FEAT, D_OUT), dtype=jnp.float32) * (1.0 / np.sqrt(D_FEAT))
    node_biases = jax.random.normal(k_b, (N_NODES + 1,), dtype=jnp.float32) * 0.01
    node_biases = node_biases.at[jnp.array([0])].set(0.0)  # zeroed_indices
    mu = jnp.array(0.0, dtype=jnp.float32)
    return {"x": x, "edge_index": edge_index, "src": src, "dst": dst,
            "W_self": W_self, "W_neigh": W_neigh, "node_biases": node_biases, "mu": mu}


def reference(x, edge_index, src, dst, W_self, W_neigh, node_biases, mu):
    src_e = edge_index[0]
    dst_e = edge_index[1]
    # GraphSAGE mean aggregation: gather neighbor features, scatter-add by dst, normalize by degree
    msgs = jnp.take(x, src_e, axis=0)  # [E, D] gather
    agg = jax.ops.segment_sum(msgs, dst_e, num_segments=N_NODES)  # [N, D] scatter-add
    deg = jax.ops.segment_sum(jnp.ones((N_EDGES,), dtype=jnp.float32), dst_e, num_segments=N_NODES)
    mean_agg = agg / jnp.clip(deg, 1.0, None)[:, None]
    h = jax.nn.relu(x @ W_self + mean_agg @ W_neigh)  # gcn(nf)
    # nf.map_from_parent_nid(-1, ids, True) -> identity mapping on full graph
    h_src = jnp.take(h, src, axis=0)
    h_dst = jnp.take(h, dst, axis=0)
    # get_score: mu + <h_src, h_dst> + bias[src+1] + bias[dst+1]
    score = mu + (h_src * h_dst).sum(axis=1) + jnp.take(node_biases, src + 1) + jnp.take(node_biases, dst + 1)
    return score

if __name__ == "__main__":
    import jax
    _d = setup_inputs()
    print(jax.jit(kernel)(*tuple(_d.values())))

</pallas_src>

<mosaic_0001>
#map = affine_map<(d0, d1) -> (0, 0)>
#map1 = affine_map<(d0, d1) -> (0)>
module attributes {stable_mosaic.version = 14 : i64} {
  func.func @_gather_kernel(%arg0: i32, %arg1: i32, %arg2: memref<10000x128xf32, #tpu.memory_space<hbm>>, %arg3: memref<16384xi32, #tpu.memory_space<hbm>>, %arg4: memref<16384xi32, #tpu.memory_space<hbm>>, %arg5: memref<10016xf32, #tpu.memory_space<hbm>>, %arg6: memref<16xf32, #tpu.memory_space<hbm>>, %arg7: memref<16384x128xf32, #tpu.memory_space<hbm>>, %arg8: memref<16384x128xf32, #tpu.memory_space<hbm>>, %arg9: memref<16384xf32, #tpu.memory_space<hbm>>, %arg10: memref<10016xf32, #tpu.memory_space<vmem>>, %arg11: memref<16xf32, #tpu.memory_space<vmem>>, %arg12: memref<4x1x64xi32, #tpu.memory_space<vmem>>, %arg13: memref<4x1x64xi32, #tpu.memory_space<vmem>>, %arg14: memref<64x128xf32, #tpu.memory_space<vmem>>, %arg15: memref<64x128xf32, #tpu.memory_space<vmem>>, %arg16: memref<64x128xf32, #tpu.memory_space<vmem>>, %arg17: memref<64x128xf32, #tpu.memory_space<vmem>>, %arg18: memref<512xf32, #tpu.memory_space<vmem>>, %arg19: memref<!tpu.dma_semaphore, #tpu.memory_space<semaphore_mem>>, %arg20: memref<!tpu.dma_semaphore, #tpu.memory_space<semaphore_mem>>, %arg21: memref<!tpu.dma_semaphore, #tpu.memory_space<semaphore_mem>>, %arg22: memref<!tpu.dma_semaphore, #tpu.memory_space<semaphore_mem>>, %arg23: memref<!tpu.dma_semaphore, #tpu.memory_space<semaphore_mem>>, %arg24: memref<!tpu.dma_semaphore, #tpu.memory_space<semaphore_mem>>, %arg25: memref<!tpu.dma_semaphore, #tpu.memory_space<semaphore_mem>>, %arg26: memref<!tpu.dma_semaphore, #tpu.memory_space<semaphore_mem>>) attributes {dimension_semantics = [#tpu.dimension_semantics<core_parallel>, #tpu.dimension_semantics<subcore_parallel>], iteration_bounds = array<i64: 2, 16>, scalar_prefetch = 0 : i64, scratch_operands = 17 : i64, tpu.core_type = #tpu.core_type<sc_vector_subcore>, window_params = [{transform_indices = #map}, {transform_indices = #map1}, {transform_indices = #map1}, {transform_indices = #map1}, {transform_indices = #map1}, {transform_indices = #map}, {transform_indices = #map}, {transform_indices = #map1}]} {
    %mul3A = arith.constant 2 : i32
    %mul3A_0 = arith.muli %arg1, %mul3A : i32
    %add3A = arith.addi %mul3A_0, %arg0 : i32
    %mul3A_1 = arith.constant 512 : i32
    %mul3A_2 = arith.muli %add3A, %mul3A_1 : i32
    "tpu.region"() ({
      %run_scoped3A = tpu.sem_alloc : memref<!tpu.dma_semaphore, #tpu.memory_space<semaphore_mem>>
      tpu.enqueue_dma source(%arg5 : memref<10016xf32, #tpu.memory_space<hbm>>) target(%arg10 : memref<10016xf32, #tpu.memory_space<vmem>>) target_semaphore(%run_scoped3A : memref<!tpu.dma_semaphore, #tpu.memory_space<semaphore_mem>>)
      tpu.wait_dma2 semaphore(%run_scoped3A : memref<!tpu.dma_semaphore, #tpu.memory_space<semaphore_mem>>) src(%arg5 : memref<10016xf32, #tpu.memory_space<hbm>>) dst(%arg10 : memref<10016xf32, #tpu.memory_space<vmem>>)
      tpu.yield
    }) : () -> ()
    "tpu.region"() ({
      %run_scoped3A = tpu.sem_alloc : memref<!tpu.dma_semaphore, #tpu.memory_space<semaphore_mem>>
      tpu.enqueue_dma source(%arg6 : memref<16xf32, #tpu.memory_space<hbm>>) target(%arg11 : memref<16xf32, #tpu.memory_space<vmem>>) target_semaphore(%run_scoped3A : memref<!tpu.dma_semaphore, #tpu.memory_space<semaphore_mem>>)
      tpu.wait_dma2 semaphore(%run_scoped3A : memref<!tpu.dma_semaphore, #tpu.memory_space<semaphore_mem>>) src(%arg6 : memref<16xf32, #tpu.memory_space<hbm>>) dst(%arg11 : memref<16xf32, #tpu.memory_space<vmem>>)
      tpu.yield
    }) : () -> ()
    %get3A = arith.constant 0 : index
    %get3A_3 = tpu.vector_load %arg11[%get3A] {strides = array<i32>} : memref<16xf32, #tpu.memory_space<vmem>>, vector<16xf32>,
    %add3A_4 = arith.constant 0 : i32
    %add3A_5 = arith.addi %mul3A_2, %add3A_4 : i32
    %dma_start3A = arith.constant 0 : i32
    %dma_start3A_6 = arith.constant 0 : i32
    %dma_start3A_7 = arith.constant 0 : i32
    %dma_start3A_8 = tpu.memref_slice %arg12[%dma_start3A, %dma_start3A_6, %dma_start3A_7] : memref<4x1x64xi32, #tpu.memory_space<vmem>> -> memref<1x1x64xi32, #tpu.memory_space<vmem>>
    %dma_start3A_9 = tpu.memref_squeeze %dma_start3A_8 : memref<1x1x64xi32, #tpu.memory_space<vmem>> -> memref<64xi32, #tpu.memory_space<vmem>>
    %dma_start3A_10 = tpu.memref_slice %arg3[%add3A_5] : memref<16384xi32, #tpu.memory_space<hbm>> -> memref<64xi32, #tpu.memory_space<hbm>>
    %dma_start3A_11 = arith.constant 0 : i32
    %dma_start3A_12 = tpu.memref_slice %arg12[%dma_start3A, %dma_start3A_6, %dma_start3A_11] : memref<4x1x64xi32, #tpu.memory_space<vmem>> -> memref<1x1x64xi32, #tpu.memory_space<vmem>>
    %dma_start3A_13 = tpu.memref_squeeze %dma_start3A_12 : memref<1x1x64xi32, #tpu.memory_space<vmem>> -> memref<64xi32, #tpu.memory_space<vmem>>
    %dma_start3A_14 = tpu.memref_slice %arg3[%add3A_5] : memref<16384xi32, #tpu.memory_space<hbm>> -> memref<64xi32, #tpu.memory_space<hbm>>
    tpu.enqueue_dma source(%dma_start3A_14 : memref<64xi32, #tpu.memory_space<hbm>>) target(%dma_start3A_13 : memref<64xi32, #tpu.memory_space<vmem>>) target_semaphore(%arg19 : memref<!tpu.dma_semaphore, #tpu.memory_space<semaphore_mem>>)
    %dma_start3A_15 = arith.constant 0 : i32
    %dma_start3A_16 = arith.constant 0 : i32
    %dma_start3A_17 = arith.constant 0 : i32
    %dma_start3A_18 = tpu.memref_slice %arg13[%dma_start3A_15, %dma_start3A_16, %dma_start3A_17] : memref<4x1x64xi32, #tpu.memory_space<vmem>> -> memref<1x1x64xi32, #tpu.memory_space<vmem>>
    %dma_start3A_19 = tpu.memref_squeeze %dma_start3A_18 : memref<1x1x64xi32, #tpu.memory_space<vmem>> -> memref<64xi32, #tpu.memory_space<vmem>>
    %dma_start3A_20 = tpu.memref_slice %arg4[%add3A_5] : memref<16384xi32, #tpu.memory_space<hbm>> -> memref<64xi32, #tpu.memory_space<hbm>>
    %dma_start3A_21 = arith.constant 0 : i32
    %dma_start3A_22 = tpu.memref_slice %arg13[%dma_start3A_15, %dma_start3A_16, %dma_start3A_21] : memref<4x1x64xi32, #tpu.memory_space<vmem>> -> memref<1x1x64xi32, #tpu.memory_space<vmem>>
    %dma_start3A_23 = tpu.memref_squeeze %dma_start3A_22 : memref<1x1x64xi32, #tpu.memory_space<vmem>> -> memref<64xi32, #tpu.memory_space<vmem>>
    %dma_start3A_24 = tpu.memref_slice %arg4[%add3A_5] : memref<16384xi32, #tpu.memory_space<hbm>> -> memref<64xi32, #tpu.memory_space<hbm>>
    tpu.enqueue_dma source(%dma_start3A_24 : memref<64xi32, #tpu.memory_space<hbm>>) target(%dma_start3A_23 : memref<64xi32, #tpu.memory_space<vmem>>) target_semaphore(%arg19 : memref<!tpu.dma_semaphore, #tpu.memory_space<semaphore_mem>>)
    %add3A_25 = arith.constant 64 : i32
    %add3A_26 = arith.addi %mul3A_2, %add3A_25 : i32
    %dma_start3A_27 = arith.constant 1 : i32
    %dma_start3A_28 = arith.constant 0 : i32
    %dma_start3A_29 = arith.constant 0 : i32
    %dma_start3A_30 = tpu.memref_slice %arg12[%dma_start3A_27, %dma_start3A_28, %dma_start3A_29] : memref<4x1x64xi32, #tpu.memory_space<vmem>> -> memref<1x1x64xi32, #tpu.memory_space<vmem>>
    %dma_start3A_31 = tpu.memref_squeeze %dma_start3A_30 : memref<1x1x64xi32, #tpu.memory_space<vmem>> -> memref<64xi32, #tpu.memory_space<vmem>>
    %dma_start3A_32 = tpu.memref_slice %arg3[%add3A_26] : memref<16384xi32, #tpu.memory_space<hbm>> -> memref<64xi32, #tpu.memory_space<hbm>>
    %dma_start3A_33 = arith.constant 0 : i32
    %dma_start3A_34 = tpu.memref_slice %arg12[%dma_start3A_27, %dma_start3A_28, %dma_start3A_33] : memref<4x1x64xi32, #tpu.memory_space<vmem>> -> memref<1x1x64xi32, #tpu.memory_space<vmem>>
    %dma_start3A_35 = tpu.memref_squeeze %dma_start3A_34 : memref<1x1x64xi32, #tpu.memory_space<vmem>> -> memref<64xi32, #tpu.memory_space<vmem>>
    %dma_start3A_36 = tpu.memref_slice %arg3[%add3A_26] : memref<16384xi32, #tpu.memory_space<hbm>> -> memref<64xi32, #tpu.memory_space<hbm>>
    tpu.enqueue_dma source(%dma_start3A_36 : memref<64xi32, #tpu.memory_space<hbm>>) target(%dma_start3A_35 : memref<64xi32, #tpu.memory_space<vmem>>) target_semaphore(%arg20 : memref<!tpu.dma_semaphore, #tpu.memory_space<semaphore_mem>>)
    %dma_start3A_37 = arith.constant 1 : i32
    %dma_start3A_38 = arith.constant 0 : i32
    %dma_start3A_39 = arith.constant 0 : i32
    %dma_start3A_40 = tpu.memref_slice %arg13[%dma_start3A_37, %dma_start3A_38, %dma_start3A_39] : memref<4x1x64xi32, #tpu.memory_space<vmem>> -> memref<1x1x64xi32, #tpu.memory_space<vmem>>
    %dma_start3A_41 = tpu.memref_squeeze %dma_start3A_40 : memref<1x1x64xi32, #tpu.memory_space<vmem>> -> memref<64xi32, #tpu.memory_space<vmem>>
    %dma_start3A_42 = tpu.memref_slice %arg4[%add3A_26] : memref<16384xi32, #tpu.memory_space<hbm>> -> memref<64xi32, #tpu.memory_space<hbm>>
    %dma_start3A_43 = arith.constant 0 : i32
    %dma_start3A_44 = tpu.memref_slice %arg13[%dma_start3A_37, %dma_start3A_38, %dma_start3A_43] : memref<4x1x64xi32, #tpu.memory_space<vmem>> -> memref<1x1x64xi32, #tpu.memory_space<vmem>>
    %dma_start3A_45 = tpu.memref_squeeze %dma_start3A_44 : memref<1x1x64xi32, #tpu.memory_space<vmem>> -> memref<64xi32, #tpu.memory_space<vmem>>
    %dma_start3A_46 = tpu.memref_slice %arg4[%add3A_26] : memref<16384xi32, #tpu.memory_space<hbm>> -> memref<64xi32, #tpu.memory_space<hbm>>
    tpu.enqueue_dma source(%dma_start3A_46 : memref<64xi32, #tpu.memory_space<hbm>>) target(%dma_start3A_45 : memref<64xi32, #tpu.memory_space<vmem>>) target_semaphore(%arg20 : memref<!tpu.dma_semaphore, #tpu.memory_space<semaphore_mem>>)
    %add3A_47 = arith.constant 128 : i32
    %add3A_48 = arith.addi %mul3A_2, %add3A_47 : i32
    %dma_start3A_49 = arith.constant 2 : i32
    %dma_start3A_50 = arith.constant 0 : i32
    %dma_start3A_51 = arith.constant 0 : i32
    %dma_start3A_52 = tpu.memref_slice %arg12[%dma_start3A_49, %dma_start3A_50, %dma_start3A_51] : memref<4x1x64xi32, #tpu.memory_space<vmem>> -> memref<1x1x64xi32, #tpu.memory_space<vmem>>
    %dma_start3A_53 = tpu.memref_squeeze %dma_start3A_52 : memref<1x1x64xi32, #tpu.memory_space<vmem>> -> memref<64xi32, #tpu.memory_space<vmem>>
    %dma_start3A_54 = tpu.memref_slice %arg3[%add3A_48] : memref<16384xi32, #tpu.memory_space<hbm>> -> memref<64xi32, #tpu.memory_space<hbm>>
    %dma_start3A_55 = arith.constant 0 : i32
    %dma_start3A_56 = tpu.memref_slice %arg12[%dma_start3A_49, %dma_start3A_50, %dma_start3A_55] : memref<4x1x64xi32, #tpu.memory_space<vmem>> -> memref<1x1x64xi32, #tpu.memory_space<vmem>>
    %dma_start3A_57 = tpu.memref_squeeze %dma_start3A_56 : memref<1x1x64xi32, #tpu.memory_space<vmem>> -> memref<64xi32, #tpu.memory_space<vmem>>
    %dma_start3A_58 = tpu.memref_slice %arg3[%add3A_48] : memref<16384xi32, #tpu.memory_space<hbm>> -> memref<64xi32, #tpu.memory_space<hbm>>
    tpu.enqueue_dma source(%dma_start3A_58 : memref<64xi32, #tpu.memory_space<hbm>>) target(%dma_start3A_57 : memref<64xi32, #tpu.memory_space<vmem>>) target_semaphore(%arg21 : memref<!tpu.dma_semaphore, #tpu.memory_space<semaphore_mem>>)
    %dma_start3A_59 = arith.constant 2 : i32
    %dma_start3A_60 = arith.constant 0 : i32
    %dma_start3A_61 = arith.constant 0 : i32
    %dma_start3A_62 = tpu.memref_slice %arg13[%dma_start3A_59, %dma_start3A_60, %dma_start3A_61] : memref<4x1x64xi32, #tpu.memory_space<vmem>> -> memref<1x1x64xi32, #tpu.memory_space<vmem>>
    %dma_start3A_63 = tpu.memref_squeeze %dma_start3A_62 : memref<1x1x64xi32, #tpu.memory_space<vmem>> -> memref<64xi32, #tpu.memory_space<vmem>>
    %dma_start3A_64 = tpu.memref_slice %arg4[%add3A_48] : memref<16384xi32, #tpu.memory_space<hbm>> -> memref<64xi32, #tpu.memory_space<hbm>>
    %dma_start3A_65 = arith.constant 0 : i32
    %dma_start3A_66 = tpu.memref_slice %arg13[%dma_start3A_59, %dma_start3A_60, %dma_start3A_65] : memref<4x1x64xi32, #tpu.memory_space<vmem>> -> memref<1x1x64xi32, #tpu.memory_space<vmem>>
    %dma_start3A_67 = tpu.memref_squeeze %dma_start3A_66 : memref<1x1x64xi32, #tpu.memory_space<vmem>> -> memref<64xi32, #tpu.memory_space<vmem>>
    %dma_start3A_68 = tpu.memref_slice %arg4[%add3A_48] : memref<16384xi32, #tpu.memory_space<hbm>> -> memref<64xi32, #tpu.memory_space<hbm>>
    tpu.enqueue_dma source(%dma_start3A_68 : memref<64xi32, #tpu.memory_space<hbm>>) target(%dma_start3A_67 : memref<64xi32, #tpu.memory_space<vmem>>) target_semaphore(%arg21 : memref<!tpu.dma_semaphore, #tpu.memory_space<semaphore_mem>>)
    %add3A_69 = arith.constant 0 : i32
    %add3A_70 = arith.addi %mul3A_2, %add3A_69 : i32
    %dma_wait3A = arith.constant 0 : i32
    %dma_wait3A_71 = arith.constant 0 : i32
    %dma_wait3A_72 = arith.constant 0 : i32
    %dma_wait3A_73 = tpu.memref_slice %arg12[%dma_wait3A, %dma_wait3A_71, %dma_wait3A_72] : memref<4x1x64xi32, #tpu.memory_space<vmem>> -> memref<1x1x64xi32, #tpu.memory_space<vmem>>
    %dma_wait3A_74 = tpu.memref_squeeze %dma_wait3A_73 : memref<1x1x64xi32, #tpu.memory_space<vmem>> -> memref<64xi32, #tpu.memory_space<vmem>>
    %dma_wait3A_75 = tpu.memref_slice %arg3[%add3A_70] : memref<16384xi32, #tpu.memory_space<hbm>> -> memref<64xi32, #tpu.memory_space<hbm>>
    %dma_wait3A_76 = arith.constant 0 : i32
    %dma_wait3A_77 = tpu.memref_slice %arg12[%dma_wait3A, %dma_wait3A_71, %dma_wait3A_76] : memref<4x1x64xi32, #tpu.memory_space<vmem>> -> memref<1x1x64xi32, #tpu.memory_space<vmem>>
    %dma_wait3A_78 = tpu.memref_squeeze %dma_wait3A_77 : memref<1x1x64xi32, #tpu.memory_space<vmem>> -> memref<64xi32, #tpu.memory_space<vmem>>
    %dma_wait3A_79 = tpu.memref_slice %arg3[%add3A_70] : memref<16384xi32, #tpu.memory_space<hbm>> -> memref<64xi32, #tpu.memory_space<hbm>>
    tpu.wait_dma2 semaphore(%arg19 : memref<!tpu.dma_semaphore, #tpu.memory_space<semaphore_mem>>) src(%dma_wait3A_79 : memref<64xi32, #tpu.memory_space<hbm>>) dst(%dma_wait3A_78 : memref<64xi32, #tpu.memory_space<vmem>>)
    %dma_wait3A_80 = arith.constant 0 : i32
    %dma_wait3A_81 = arith.constant 0 : i32
    %dma_wait3A_82 = arith.constant 0 : i32
    %dma_wait3A_83 = tpu.memref_slice %arg13[%dma_wait3A_80, %dma_wait3A_81, %dma_wait3A_82] : memref<4x1x64xi32, #tpu.memory_space<vmem>> -> memref<1x1x64xi32, #tpu.memory_space<vmem>>
    %dma_wait3A_84 = tpu.memref_squeeze %dma_wait3A_83 : memref<1x1x64xi32, #tpu.memory_space<vmem>> -> memref<64xi32, #tpu.memory_space<vmem>>
    %dma_wait3A_85 = tpu.memref_slice %arg4[%add3A_70] : memref<16384xi32, #tpu.memory_space<hbm>> -> memref<64xi32, #tpu.memory_space<hbm>>
    %dma_wait3A_86 = arith.constant 0 : i32
    %dma_wait3A_87 = tpu.memref_slice %arg13[%dma_wait3A_80, %dma_wait3A_81, %dma_wait3A_86] : memref<4x1x64xi32, #tpu.memory_space<vmem>> -> memref<1x1x64xi32, #tpu.memory_space<vmem>>
    %dma_wait3A_88 = tpu.memref_squeeze %dma_wait3A_87 : memref<1x1x64xi32, #tpu.memory_space<vmem>> -> memref<64xi32, #tpu.memory_space<vmem>>
    %dma_wait3A_89 = tpu.memref_slice %arg4[%add3A_70] : memref<16384xi32, #tpu.memory_space<hbm>> -> memref<64xi32, #tpu.memory_space<hbm>>
    tpu.wait_dma2 semaphore(%arg19 : memref<!tpu.dma_semaphore, #tpu.memory_space<semaphore_mem>>) src(%dma_wait3A_89 : memref<64xi32, #tpu.memory_space<hbm>>) dst(%dma_wait3A_88 : memref<64xi32, #tpu.memory_space<vmem>>)
    %dma_start3A_90 = arith.constant 0 : i32
    %dma_start3A_91 = arith.constant 0 : i32
    %dma_start3A_92 = arith.constant 0 : i32
    %dma_start3A_93 = tpu.memref_slice %arg12[%dma_start3A_90, %dma_start3A_91, %dma_start3A_92] : memref<4x1x64xi32, #tpu.memory_space<vmem>> -> memref<1x1x64xi32, #tpu.memory_space<vmem>>
    %dma_start3A_94 = tpu.memref_squeeze %dma_start3A_93 : memref<1x1x64xi32, #tpu.memory_space<vmem>> -> memref<64xi32, #tpu.memory_space<vmem>>
    %dma_start3A_95 = arith.constant 0 : i32
    %dma_start3A_96 = arith.constant 0 : i32
    %dma_start3A_97 = tpu.memref_slice %arg2[%dma_start3A_95, %dma_start3A_96] : memref<10000x128xf32, #tpu.memory_space<hbm>> -> memref<10000x128xf32, #tpu.memory_space<hbm>>
    tpu.enqueue_indirect_dma source(%dma_start3A_97 : memref<10000x128xf32, #tpu.memory_space<hbm>>) target(%arg14 : memref<64x128xf32, #tpu.memory_space<vmem>>) offsets(%dma_start3A_94 : memref<64xi32, #tpu.memory_space<vmem>>) semaphore(%arg23 : memref<!tpu.dma_semaphore, #tpu.memory_space<semaphore_mem>>)
    %dma_start3A_98 = arith.constant 0 : i32
    %dma_start3A_99 = arith.constant 0 : i32
    %dma_start3A_100 = arith.constant 0 : i32
    %dma_start3A_101 = tpu.memref_slice %arg13[%dma_start3A_98, %dma_start3A_99, %dma_start3A_100] : memref<4x1x64xi32, #tpu.memory_space<vmem>> -> memref<1x1x64xi32, #tpu.memory_space<vmem>>
    %dma_start3A_102 = tpu.memref_squeeze %dma_start3A_101 : memref<1x1x64xi32, #tpu.memory_space<vmem>> -> memref<64xi32, #tpu.memory_space<vmem>>
    %dma_start3A_103 = arith.constant 0 : i32
    %dma_start3A_104 = arith.constant 0 : i32
    %dma_start3A_105 = tpu.memref_slice %arg2[%dma_start3A_103, %dma_start3A_104] : memref<10000x128xf32, #tpu.memory_space<hbm>> -> memref<10000x128xf32, #tpu.memory_space<hbm>>
    tpu.enqueue_indirect_dma source(%dma_start3A_105 : memref<10000x128xf32, #tpu.memory_space<hbm>>) target(%arg16 : memref<64x128xf32, #tpu.memory_space<vmem>>) offsets(%dma_start3A_102 : memref<64xi32, #tpu.memory_space<vmem>>) semaphore(%arg23 : memref<!tpu.dma_semaphore, #tpu.memory_space<semaphore_mem>>)
    %add3A_106 = arith.constant 64 : i32
    %add3A_107 = arith.addi %mul3A_2, %add3A_106 : i32
    %dma_wait3A_108 = arith.constant 1 : i32
    %dma_wait3A_109 = arith.constant 0 : i32
    %dma_wait3A_110 = arith.constant 0 : i32
    %dma_wait3A_111 = tpu.memref_slice %arg12[%dma_wait3A_108, %dma_wait3A_109, %dma_wait3A_110] : memref<4x1x64xi32, #tpu.memory_space<vmem>> -> memref<1x1x64xi32, #tpu.memory_space<vmem>>
    %dma_wait3A_112 = tpu.memref_squeeze %dma_wait3A_111 : memref<1x1x64xi32, #tpu.memory_space<vmem>> -> memref<64xi32, #tpu.memory_space<vmem>>
    %dma_wait3A_113 = tpu.memref_slice %arg3[%add3A_107] : memref<16384xi32, #tpu.memory_space<hbm>> -> memref<64xi32, #tpu.memory_space<hbm>>
    %dma_wait3A_114 = arith.constant 0 : i32
    %dma_wait3A_115 = tpu.memref_slice %arg12[%dma_wait3A_108, %dma_wait3A_109, %dma_wait3A_114] : memref<4x1x64xi32, #tpu.memory_space<vmem>> -> memref<1x1x64xi32, #tpu.memory_space<vmem>>
    %dma_wait3A_116 = tpu.memref_squeeze %dma_wait3A_115 : memref<1x1x64xi32, #tpu.memory_space<vmem>> -> memref<64xi32, #tpu.memory_space<vmem>>
    %dma_wait3A_117 = tpu.memref_slice %arg3[%add3A_107] : memref<16384xi32, #tpu.memory_space<hbm>> -> memref<64xi32, #tpu.memory_space<hbm>>
    tpu.wait_dma2 semaphore(%arg20 : memref<!tpu.dma_semaphore, #tpu.memory_space<semaphore_mem>>) src(%dma_wait3A_117 : memref<64xi32, #tpu.memory_space<hbm>>) dst(%dma_wait3A_116 : memref<64xi32, #tpu.memory_space<vmem>>)
    %dma_wait3A_118 = arith.constant 1 : i32
    %dma_wait3A_119 = arith.constant 0 : i32
    %dma_wait3A_120 = arith.constant 0 : i32
    %dma_wait3A_121 = tpu.memref_slice %arg13[%dma_wait3A_118, %dma_wait3A_119, %dma_wait3A_120] : memref<4x1x64xi32, #tpu.memory_space<vmem>> -> memref<1x1x64xi32, #tpu.memory_space<vmem>>
    %dma_wait3A_122 = tpu.memref_squeeze %dma_wait3A_121 : memref<1x1x64xi32, #tpu.memory_space<vmem>> -> memref<64xi32, #tpu.memory_space<vmem>>
    %dma_wait3A_123 = tpu.memref_slice %arg4[%add3A_107] : memref<16384xi32, #tpu.memory_space<hbm>> -> memref<64xi32, #tpu.memory_space<hbm>>
    %dma_wait3A_124 = arith.constant 0 : i32
    %dma_wait3A_125 = tpu.memref_slice %arg13[%dma_wait3A_118, %dma_wait3A_119, %dma_wait3A_124] : memref<4x1x64xi32, #tpu.memory_space<vmem>> -> memref<1x1x64xi32, #tpu.memory_space<vmem>>
    %dma_wait3A_126 = tpu.memref_squeeze %dma_wait3A_125 : memref<1x1x64xi32, #tpu.memory_space<vmem>> -> memref<64xi32, #tpu.memory_space<vmem>>
    %dma_wait3A_127 = tpu.memref_slice %arg4[%add3A_107] : memref<16384xi32, #tpu.memory_space<hbm>> -> memref<64xi32, #tpu.memory_space<hbm>>
    tpu.wait_dma2 semaphore(%arg20 : memref<!tpu.dma_semaphore, #tpu.memory_space<semaphore_mem>>) src(%dma_wait3A_127 : memref<64xi32, #tpu.memory_space<hbm>>) dst(%dma_wait3A_126 : memref<64xi32, #tpu.memory_space<vmem>>)
    %dma_start3A_128 = arith.constant 1 : i32
    %dma_start3A_129 = arith.constant 0 : i32
    %dma_start3A_130 = arith.constant 0 : i32
    %dma_start3A_131 = tpu.memref_slice %arg12[%dma_start3A_128, %dma_start3A_129, %dma_start3A_130] : memref<4x1x64xi32, #tpu.memory_space<vmem>> -> memref<1x1x64xi32, #tpu.memory_space<vmem>>
    %dma_start3A_132 = tpu.memref_squeeze %dma_start3A_131 : memref<1x1x64xi32, #tpu.memory_space<vmem>> -> memref<64xi32, #tpu.memory_space<vmem>>
    %dma_start3A_133 = arith.constant 0 : i32
    %dma_start3A_134 = arith.constant 0 : i32
    %dma_start3A_135 = tpu.memref_slice %arg2[%dma_start3A_133, %dma_start3A_134] : memref<10000x128xf32, #tpu.memory_space<hbm>> -> memref<10000x128xf32, #tpu.memory_space<hbm>>
    tpu.enqueue_indirect_dma source(%dma_start3A_135 : memref<10000x128xf32, #tpu.memory_space<hbm>>) target(%arg15 : memref<64x128xf32, #tpu.memory_space<vmem>>) offsets(%dma_start3A_132 : memref<64xi32, #tpu.memory_space<vmem>>) semaphore(%arg24 : memref<!tpu.dma_semaphore, #tpu.memory_space<semaphore_mem>>)
    %dma_start3A_136 = arith.constant 1 : i32
    %dma_start3A_137 = arith.constant 0 : i32
    %dma_start3A_138 = arith.constant 0 : i32
    %dma_start3A_139 = tpu.memref_slice %arg13[%dma_start3A_136, %dma_start3A_137, %dma_start3A_138] : memref<4x1x64xi32, #tpu.memory_space<vmem>> -> memref<1x1x64xi32, #tpu.memory_space<vmem>>
    %dma_start3A_140 = tpu.memref_squeeze %dma_start3A_139 : memref<1x1x64xi32, #tpu.memory_space<vmem>> -> memref<64xi32, #tpu.memory_space<vmem>>
    %dma_start3A_141 = arith.constant 0 : i32
    %dma_start3A_142 = arith.constant 0 : i32
    %dma_start3A_143 = tpu.memref_slice %arg2[%dma_start3A_141, %dma_start3A_142] : memref<10000x128xf32, #tpu.memory_space<hbm>> -> memref<10000x128xf32, #tpu.memory_space<hbm>>
    tpu.enqueue_indirect_dma source(%dma_start3A_143 : memref<10000x128xf32, #tpu.memory_space<hbm>>) target(%arg17 : memref<64x128xf32, #tpu.memory_space<vmem>>) offsets(%dma_start3A_140 : memref<64xi32, #tpu.memory_space<vmem>>) semaphore(%arg24 : memref<!tpu.dma_semaphore, #tpu.memory_space<semaphore_mem>>)
    %dma_wait3A_144 = arith.constant 0 : i32
    %dma_wait3A_145 = arith.constant 0 : i32
    %dma_wait3A_146 = arith.constant 0 : i32
    %dma_wait3A_147 = tpu.memref_slice %arg12[%dma_wait3A_144, %dma_wait3A_145, %dma_wait3A_146] : memref<4x1x64xi32, #tpu.memory_space<vmem>> -> memref<1x1x64xi32, #tpu.memory_space<vmem>>
    %dma_wait3A_148 = tpu.memref_squeeze %dma_wait3A_147 : memref<1x1x64xi32, #tpu.memory_space<vmem>> -> memref<64xi32, #tpu.memory_space<vmem>>
    %dma_wait3A_149 = arith.constant 0 : i32
    %dma_wait3A_150 = arith.constant 0 : i32
    %dma_wait3A_151 = tpu.memref_slice %arg2[%dma_wait3A_149, %dma_wait3A_150] : memref<10000x128xf32, #tpu.memory_space<hbm>> -> memref<10000x128xf32, #tpu.memory_space<hbm>>
    tpu.wait_indirect_dma semaphore(%arg23 : memref<!tpu.dma_semaphore, #tpu.memory_space<semaphore_mem>>) src(%dma_wait3A_151 : memref<10000x128xf32, #tpu.memory_space<hbm>>) dst(%arg14 : memref<64x128xf32, #tpu.memory_space<vmem>>)
    %dma_wait3A_152 = arith.constant 0 : i32
    %dma_wait3A_153 = arith.constant 0 : i32
    %dma_wait3A_154 = arith.constant 0 : i32
    %dma_wait3A_155 = tpu.memref_slice %arg13[%dma_wait3A_152, %dma_wait3A_153, %dma_wait3A_154] : memref<4x1x64xi32, #tpu.memory_space<vmem>> -> memref<1x1x64xi32, #tpu.memory_space<vmem>>
    %dma_wait3A_156 = tpu.memref_squeeze %dma_wait3A_155 : memref<1x1x64xi32, #tpu.memory_space<vmem>> -> memref<64xi32, #tpu.memory_space<vmem>>
    %dma_wait3A_157 = arith.constant 0 : i32
    %dma_wait3A_158 = arith.constant 0 : i32
    %dma_wait3A_159 = tpu.memref_slice %arg2[%dma_wait3A_157, %dma_wait3A_158] : memref<10000x128xf32, #tpu.memory_space<hbm>> -> memref<10000x128xf32, #tpu.memory_space<hbm>>
    tpu.wait_indirect_dma semaphore(%arg23 : memref<!tpu.dma_semaphore, #tpu.memory_space<semaphore_mem>>) src(%dma_wait3A_159 : memref<10000x128xf32, #tpu.memory_space<hbm>>) dst(%arg16 : memref<64x128xf32, #tpu.memory_space<vmem>>)
    %get3A_160 = arith.constant 0 : i32
    %get3A_161 = arith.constant 0 : i32
    %get3A_162 = arith.index_cast %get3A_160 : i32 to index
    %get3A_163 = arith.index_cast %get3A_161 : i32 to index
    %get3A_164 = arith.constant 0 : index
    %get3A_165 = tpu.vector_load %arg12[%get3A_162, %get3A_163, %get3A_164] {strides = array<i32>} : memref<4x1x64xi32, #tpu.memory_space<vmem>>, vector<16xi32>,
    %get3A_166 = arith.constant 0 : i32
    %get3A_167 = arith.constant 0 : i32
    %get3A_168 = arith.index_cast %get3A_166 : i32 to index
    %get3A_169 = arith.index_cast %get3A_167 : i32 to index
    %get3A_170 = arith.constant 0 : index
    %get3A_171 = tpu.vector_load %arg13[%get3A_168, %get3A_169, %get3A_170] {strides = array<i32>} : memref<4x1x64xi32, #tpu.memory_space<vmem>>, vector<16xi32>,
    %add3A_172 = arith.constant 1 : i32
    %add3A_173 = vector.broadcast %add3A_172 : i32 to vector<16xi32>
    %add3A_174 = arith.addi %get3A_165, %add3A_173 : vector<16xi32>
    %gather3A = tpu.vector_load_idx %arg10[%add3A_174] : memref<10016xf32, #tpu.memory_space<vmem>>[vector<16xi32>], vector<16xf32>,
    %add3A_175 = arith.constant 1 : i32
    %add3A_176 = vector.broadcast %add3A_175 : i32 to vector<16xi32>
    %add3A_177 = arith.addi %get3A_171, %add3A_176 : vector<16xi32>
    %gather3A_178 = tpu.vector_load_idx %arg10[%add3A_177] : memref<10016xf32, #tpu.memory_space<vmem>>[vector<16xi32>], vector<16xf32>,
    %add3A_179 = arith.addf %gather3A, %gather3A_178 : vector<16xf32>
    %add3A_180 = arith.addf %add3A_179, %get3A_3 : vector<16xf32>
    %swap3A = arith.constant 0 : index
    %swap3A_181 = tpu.vector_load %arg18[%swap3A] {strides = array<i32>} : memref<512xf32, #tpu.memory_space<vmem>>, vector<16xf32>,
    tpu.vector_store %arg18[%swap3A], %add3A_180 {strides = array<i32>} : memref<512xf32, #tpu.memory_space<vmem>>, vector<16xf32>,
    %get3A_182 = arith.constant 0 : i32
    %get3A_183 = arith.constant 0 : i32
    %get3A_184 = arith.index_cast %get3A_182 : i32 to index
    %get3A_185 = arith.index_cast %get3A_183 : i32 to index
    %get3A_186 = arith.constant 16 : index
    %get3A_187 = tpu.vector_load %arg12[%get3A_184, %get3A_185, %get3A_186] {strides = array<i32>} : memref<4x1x64xi32, #tpu.memory_space<vmem>>, vector<16xi32>,
    %get3A_188 = arith.constant 0 : i32
    %get3A_189 = arith.constant 0 : i32
    %get3A_190 = arith.index_cast %get3A_188 : i32 to index
    %get3A_191 = arith.index_cast %get3A_189 : i32 to index
    %get3A_192 = arith.constant 16 : index
    %get3A_193 = tpu.vector_load %arg13[%get3A_190, %get3A_191, %get3A_192] {strides = array<i32>} : memref<4x1x64xi32, #tpu.memory_space<vmem>>, vector<16xi32>,
    %add3A_194 = arith.constant 1 : i32
    %add3A_195 = vector.broadcast %add3A_194 : i32 to vector<16xi32>
    %add3A_196 = arith.addi %get3A_187, %add3A_195 : vector<16xi32>
    %gather3A_197 = tpu.vector_load_idx %arg10[%add3A_196] : memref<10016xf32, #tpu.memory_space<vmem>>[vector<16xi32>], vector<16xf32>,
    %add3A_198 = arith.constant 1 : i32
    %add3A_199 = vector.broadcast %add3A_198 : i32 to vector<16xi32>
    %add3A_200 = arith.addi %get3A_193, %add3A_199 : vector<16xi32>
    %gather3A_201 = tpu.vector_load_idx %arg10[%add3A_200] : memref<10016xf32, #tpu.memory_space<vmem>>[vector<16xi32>], vector<16xf32>,
    %add3A_202 = arith.addf %gather3A_197, %gather3A_201 : vector<16xf32>
    %add3A_203 = arith.addf %add3A_202, %get3A_3 : vector<16xf32>
    %swap3A_204 = arith.constant 16 : index
    %swap3A_205 = tpu.vector_load %arg18[%swap3A_204] {strides = array<i32>} : memref<512xf32, #tpu.memory_space<vmem>>, vector<16xf32>,
    tpu.vector_store %arg18[%swap3A_204], %add3A_203 {strides = array<i32>} : memref<512xf32, #tpu.memory_space<vmem>>, vector<16xf32>,
    %get3A_206 = arith.constant 0 : i32
    %get3A_207 = arith.constant 0 : i32
    %get3A_208 = arith.index_cast %get3A_206 : i32 to index
    %get3A_209 = arith.index_cast %get3A_207 : i32 to index
    %get3A_210 = arith.constant 32 : index
    %get3A_211 = tpu.vector_load %arg12[%get3A_208, %get3A_209, %get3A_210] {strides = array<i32>} : memref<4x1x64xi32, #tpu.memory_space<vmem>>, vector<16xi32>,
    %get3A_212 = arith.constant 0 : i32
    %get3A_213 = arith.constant 0 : i32
    %get3A_214 = arith.index_cast %get3A_212 : i32 to index
    %get3A_215 = arith.index_cast %get3A_213 : i32 to index
    %get3A_216 = arith.constant 32 : index
    %get3A_217 = tpu.vector_load %arg13[%get3A_214, %get3A_215, %get3A_216] {strides = array<i32>} : memref<4x1x64xi32, #tpu.memory_space<vmem>>, vector<16xi32>,
    %add3A_218 = arith.constant 1 : i32
    %add3A_219 = vector.broadcast %add3A_218 : i32 to vector<16xi32>
    %add3A_220 = arith.addi %get3A_211, %add3A_219 : vector<16xi32>
    %gather3A_221 = tpu.vector_load_idx %arg10[%add3A_220] : memref<10016xf32, #tpu.memory_space<vmem>>[vector<16xi32>], vector<16xf32>,
    %add3A_222 = arith.constant 1 : i32
    %add3A_223 = vector.broadcast %add3A_222 : i32 to vector<16xi32>
    %add3A_224 = arith.addi %get3A_217, %add3A_223 : vector<16xi32>
    %gather3A_225 = tpu.vector_load_idx %arg10[%add3A_224] : memref<10016xf32, #tpu.memory_space<vmem>>[vector<16xi32>], vector<16xf32>,
    %add3A_226 = arith.addf %gather3A_221, %gather3A_225 : vector<16xf32>
    %add3A_227 = arith.addf %add3A_226, %get3A_3 : vector<16xf32>
    %swap3A_228 = arith.constant 32 : index
    %swap3A_229 = tpu.vector_load %arg18[%swap3A_228] {strides = array<i32>} : memref<512xf32, #tpu.memory_space<vmem>>, vector<16xf32>,
    tpu.vector_store %arg18[%swap3A_228], %add3A_227 {strides = array<i32>} : memref<512xf32, #tpu.memory_space<vmem>>, vector<16xf32>,
    %get3A_230 = arith.constant 0 : i32
    %get3A_231 = arith.constant 0 : i32
    %get3A_232 = arith.index_cast %get3A_230 : i32 to index
    %get3A_233 = arith.index_cast %get3A_231 : i32 to index
    %get3A_234 = arith.constant 48 : index
    %get3A_235 = tpu.vector_load %arg12[%get3A_232, %get3A_233, %get3A_234] {strides = array<i32>} : memref<4x1x64xi32, #tpu.memory_space<vmem>>, vector<16xi32>,
    %get3A_236 = arith.constant 0 : i32
    %get3A_237 = arith.constant 0 : i32
    %get3A_238 = arith.index_cast %get3A_236 : i32 to index
    %get3A_239 = arith.index_cast %get3A_237 : i32 to index
    %get3A_240 = arith.constant 48 : index
    %get3A_241 = tpu.vector_load %arg13[%get3A_238, %get3A_239, %get3A_240] {strides = array<i32>} : memref<4x1x64xi32, #tpu.memory_space<vmem>>, vector<16xi32>,
    %add3A_242 = arith.constant 1 : i32
    %add3A_243 = vector.broadcast %add3A_242 : i32 to vector<16xi32>
    %add3A_244 = arith.addi %get3A_235, %add3A_243 : vector<16xi32>
    %gather3A_245 = tpu.vector_load_idx %arg10[%add3A_244] : memref<10016xf32, #tpu.memory_space<vmem>>[vector<16xi32>], vector<16xf32>,
    %add3A_246 = arith.constant 1 : i32
    %add3A_247 = vector.broadcast %add3A_246 : i32 to vector<16xi32>
    %add3A_248 = arith.addi %get3A_241, %add3A_247 : vector<16xi32>
    %gather3A_249 = tpu.vector_load_idx %arg10[%add3A_248] : memref<10016xf32, #tpu.memory_space<vmem>>[vector<16xi32>], vector<16xf32>,
    %add3A_250 = arith.addf %gather3A_245, %gather3A_249 : vector<16xf32>
    %add3A_251 = arith.addf %add3A_250, %get3A_3 : vector<16xf32>
    %swap3A_252 = arith.constant 48 : index
    %swap3A_253 = tpu.vector_load %arg18[%swap3A_252] {strides = array<i32>} : memref<512xf32, #tpu.memory_space<vmem>>, vector<16xf32>,
    tpu.vector_store %arg18[%swap3A_252], %add3A_251 {strides = array<i32>} : memref<512xf32, #tpu.memory_space<vmem>>, vector<16xf32>,
    %add3A_254 = arith.constant 0 : i32
    %add3A_255 = arith.addi %mul3A_2, %add3A_254 : i32
    %dma_start3A_256 = arith.constant 0 : i32
    %dma_start3A_257 = tpu.memref_slice %arg7[%add3A_255, %dma_start3A_256] : memref<16384x128xf32, #tpu.memory_space<hbm>> -> memref<64x128xf32, #tpu.memory_space<hbm>>
    %dma_start3A_258 = arith.constant 0 : i32
    %dma_start3A_259 = tpu.memref_slice %arg7[%add3A_255, %dma_start3A_258] : memref<16384x128xf32, #tpu.memory_space<hbm>> -> memref<64x128xf32, #tpu.memory_space<hbm>>
    tpu.enqueue_dma source(%arg14 : memref<64x128xf32, #tpu.memory_space<vmem>>) target(%dma_start3A_259 : memref<64x128xf32, #tpu.memory_space<hbm>>) target_semaphore(%arg25 : memref<!tpu.dma_semaphore, #tpu.memory_space<semaphore_mem>>)
    %dma_start3A_260 = arith.constant 0 : i32
    %dma_start3A_261 = tpu.memref_slice %arg8[%add3A_255, %dma_start3A_260] : memref<16384x128xf32, #tpu.memory_space<hbm>> -> memref<64x128xf32, #tpu.memory_space<hbm>>
    %dma_start3A_262 = arith.constant 0 : i32
    %dma_start3A_263 = tpu.memref_slice %arg8[%add3A_255, %dma_start3A_262] : memref<16384x128xf32, #tpu.memory_space<hbm>> -> memref<64x128xf32, #tpu.memory_space<hbm>>
    tpu.enqueue_dma source(%arg16 : memref<64x128xf32, #tpu.memory_space<vmem>>) target(%dma_start3A_263 : memref<64x128xf32, #tpu.memory_space<hbm>>) target_semaphore(%arg25 : memref<!tpu.dma_semaphore, #tpu.memory_space<semaphore_mem>>)
    %add3A_264 = arith.constant 192 : i32
    %add3A_265 = arith.addi %mul3A_2, %add3A_264 : i32
    %dma_start3A_266 = arith.constant 3 : i32
    %dma_start3A_267 = arith.constant 0 : i32
    %dma_start3A_268 = arith.constant 0 : i32
    %dma_start3A_269 = tpu.memref_slice %arg12[%dma_start3A_266, %dma_start3A_267, %dma_start3A_268] : memref<4x1x64xi32, #tpu.memory_space<vmem>> -> memref<1x1x64xi32, #tpu.memory_space<vmem>>
    %dma_start3A_270 = tpu.memref_squeeze %dma_start3A_269 : memref<1x1x64xi32, #tpu.memory_space<vmem>> -> memref<64xi32, #tpu.memory_space<vmem>>
    %dma_start3A_271 = tpu.memref_slice %arg3[%add3A_265] : memref<16384xi32, #tpu.memory_space<hbm>> -> memref<64xi32, #tpu.memory_space<hbm>>
    %dma_start3A_272 = arith.constant 0 : i32
    %dma_start3A_273 = tpu.memref_slice %arg12[%dma_start3A_266, %dma_start3A_267, %dma_start3A_272] : memref<4x1x64xi32, #tpu.memory_space<vmem>> -> memref<1x1x64xi32, #tpu.memory_space<vmem>>
    %dma_start3A_274 = tpu.memref_squeeze %dma_start3A_273 : memref<1x1x64xi32, #tpu.memory_space<vmem>> -> memref<64xi32, #tpu.memory_space<vmem>>
    %dma_start3A_275 = tpu.memref_slice %arg3[%add3A_265] : memref<16384xi32, #tpu.memory_space<hbm>> -> memref<64xi32, #tpu.memory_space<hbm>>
    tpu.enqueue_dma source(%dma_start3A_275 : memref<64xi32, #tpu.memory_space<hbm>>) target(%dma_start3A_274 : memref<64xi32, #tpu.memory_space<vmem>>) target_semaphore(%arg22 : memref<!tpu.dma_semaphore, #tpu.memory_space<semaphore_mem>>)
    %dma_start3A_276 = arith.constant 3 : i32
    %dma_start3A_277 = arith.constant 0 : i32
    %dma_start3A_278 = arith.constant 0 : i32
    %dma_start3A_279 = tpu.memref_slice %arg13[%dma_start3A_276, %dma_start3A_277, %dma_start3A_278] : memref<4x1x64xi32, #tpu.memory_space<vmem>> -> memref<1x1x64xi32, #tpu.memory_space<vmem>>
    %dma_start3A_280 = tpu.memref_squeeze %dma_start3A_279 : memref<1x1x64xi32, #tpu.memory_space<vmem>> -> memref<64xi32, #tpu.memory_space<vmem>>
    %dma_start3A_281 = tpu.memref_slice %arg4[%add3A_265] : memref<16384xi32, #tpu.memory_space<hbm>> -> memref<64xi32, #tpu.memory_space<hbm>>
    %dma_start3A_282 = arith.constant 0 : i32
    %dma_start3A_283 = tpu.memref_slice %arg13[%dma_start3A_276, %dma_start3A_277, %dma_start3A_282] : memref<4x1x64xi32, #tpu.memory_space<vmem>> -> memref<1x1x64xi32, #tpu.memory_space<vmem>>
    %dma_start3A_284 = tpu.memref_squeeze %dma_start3A_283 : memref<1x1x64xi32, #tpu.memory_space<vmem>> -> memref<64xi32, #tpu.memory_space<vmem>>
    %dma_start3A_285 = tpu.memref_slice %arg4[%add3A_265] : memref<16384xi32, #tpu.memory_space<hbm>> -> memref<64xi32, #tpu.memory_space<hbm>>
    tpu.enqueue_dma source(%dma_start3A_285 : memref<64xi32, #tpu.memory_space<hbm>>) target(%dma_start3A_284 : memref<64xi32, #tpu.memory_space<vmem>>) target_semaphore(%arg22 : memref<!tpu.dma_semaphore, #tpu.memory_space<semaphore_mem>>)
    %add3A_286 = arith.constant 0 : i32
    %add3A_287 = arith.addi %mul3A_2, %add3A_286 : i32
    %dma_wait3A_288 = arith.constant 0 : i32
    %dma_wait3A_289 = tpu.memref_slice %arg7[%add3A_287, %dma_wait3A_288] : memref<16384x128xf32, #tpu.memory_space<hbm>> -> memref<64x128xf32, #tpu.memory_space<hbm>>
    %dma_wait3A_290 = arith.constant 0 : i32
    %dma_wait3A_291 = tpu.memref_slice %arg7[%add3A_287, %dma_wait3A_290] : memref<16384x128xf32, #tpu.memory_space<hbm>> -> memref<64x128xf32, #tpu.memory_space<hbm>>
    tpu.wait_dma2 semaphore(%arg25 : memref<!tpu.dma_semaphore, #tpu.memory_space<semaphore_mem>>) src(%arg14 : memref<64x128xf32, #tpu.memory_space<vmem>>) dst(%dma_wait3A_291 : memref<64x128xf32, #tpu.memory_space<hbm>>)
    %dma_wait3A_292 = arith.constant 0 : i32
    %dma_wait3A_293 = tpu.memref_slice %arg8[%add3A_287, %dma_wait3A_292] : memref<16384x128xf32, #tpu.memory_space<hbm>> -> memref<64x128xf32, #tpu.memory_space<hbm>>
    %dma_wait3A_294 = arith.constant 0 : i32
    %dma_wait3A_295 = tpu.memref_slice %arg8[%add3A_287, %dma_wait3A_294] : memref<16384x128xf32, #tpu.memory_space<hbm>> -> memref<64x128xf32, #tpu.memory_space<hbm>>
    tpu.wait_dma2 semaphore(%arg25 : memref<!tpu.dma_semaphore, #tpu.memory_space<semaphore_mem>>) src(%arg16 : memref<64x128xf32, #tpu.memory_space<vmem>>) dst(%dma_wait3A_295 : memref<64x128xf32, #tpu.memory_space<hbm>>)
    %add3A_296 = arith.constant 128 : i32
    %add3A_297 = arith.addi %mul3A_2, %add3A_296 : i32
    %dma_wait3A_298 = arith.constant 2 : i32
    %dma_wait3A_299 = arith.constant 0 : i32
    %dma_wait3A_300 = arith.constant 0 : i32
    %dma_wait3A_301 = tpu.memref_slice %arg12[%dma_wait3A_298, %dma_wait3A_299, %dma_wait3A_300] : memref<4x1x64xi32, #tpu.memory_space<vmem>> -> memref<1x1x64xi32, #tpu.memory_space<vmem>>
    %dma_wait3A_302 = tpu.memref_squeeze %dma_wait3A_301 : memref<1x1x64xi32, #tpu.memory_space<vmem>> -> memref<64xi32, #tpu.memory_space<vmem>>
    %dma_wait3A_303 = tpu.memref_slice %arg3[%add3A_297] : memref<16384xi32, #tpu.memory_space<hbm>> -> memref<64xi32, #tpu.memory_space<hbm>>
    %dma_wait3A_304 = arith.constant 0 : i32
    %dma_wait3A_305 = tpu.memref_slice %arg12[%dma_wait3A_298, %dma_wait3A_299, %dma_wait3A_304] : memref<4x1x64xi32, #tpu.memory_space<vmem>> -> memref<1x1x64xi32, #tpu.memory_space<vmem>>
    %dma_wait3A_306 = tpu.memref_squeeze %dma_wait3A_305 : memref<1x1x64xi32, #tpu.memory_space<vmem>> -> memref<64xi32, #tpu.memory_space<vmem>>
    %dma_wait3A_307 = tpu.memref_slice %arg3[%add3A_297] : memref<16384xi32, #tpu.memory_space<hbm>> -> memref<64xi32, #tpu.memory_space<hbm>>
    tpu.wait_dma2 semaphore(%arg21 : memref<!tpu.dma_semaphore, #tpu.memory_space<semaphore_mem>>) src(%dma_wait3A_307 : memref<64xi32, #tpu.memory_space<hbm>>) dst(%dma_wait3A_306 : memref<64xi32, #tpu.memory_space<vmem>>)
    %dma_wait3A_308 = arith.constant 2 : i32
    %dma_wait3A_309 = arith.constant 0 : i32
    %dma_wait3A_310 = arith.constant 0 : i32
    %dma_wait3A_311 = tpu.memref_slice %arg13[%dma_wait3A_308, %dma_wait3A_309, %dma_wait3A_310] : memref<4x1x64xi32, #tpu.memory_space<vmem>> -> memref<1x1x64xi32, #tpu.memory_space<vmem>>
    %dma_wait3A_312 = tpu.memref_squeeze %dma_wait3A_311 : memref<1x1x64xi32, #tpu.memory_space<vmem>> -> memref<64xi32, #tpu.memory_space<vmem>>
    %dma_wait3A_313 = tpu.memref_slice %arg4[%add3A_297] : memref<16384xi32, #tpu.memory_space<hbm>> -> memref<64xi32, #tpu.memory_space<hbm>>
    %dma_wait3A_314 = arith.constant 0 : i32
    %dma_wait3A_315 = tpu.memref_slice %arg13[%dma_wait3A_308, %dma_wait3A_309, %dma_wait3A_314] : memref<4x1x64xi32, #tpu.memory_space<vmem>> -> memref<1x1x64xi32, #tpu.memory_space<vmem>>
    %dma_wait3A_316 = tpu.memref_squeeze %dma_wait3A_315 : memref<1x1x64xi32, #tpu.memory_space<vmem>> -> memref<64xi32, #tpu.memory_space<vmem>>
    %dma_wait3A_317 = tpu.memref_slice %arg4[%add3A_297] : memref<16384xi32, #tpu.memory_space<hbm>> -> memref<64xi32, #tpu.memory_space<hbm>>
    tpu.wait_dma2 semaphore(%arg21 : memref<!tpu.dma_semaphore, #tpu.memory_space<semaphore_mem>>) src(%dma_wait3A_317 : memref<64xi32, #tpu.memory_space<hbm>>) dst(%dma_wait3A_316 : memref<64xi32, #tpu.memory_space<vmem>>)
    %dma_start3A_318 = arith.constant 2 : i32
    %dma_start3A_319 = arith.constant 0 : i32
    %dma_start3A_320 = arith.constant 0 : i32
    %dma_start3A_321 = tpu.memref_slice %arg12[%dma_start3A_318, %dma_start3A_319, %dma_start3A_320] : memref<4x1x64xi32, #tpu.memory_space<vmem>> -> memref<1x1x64xi32, #tpu.memory_space<vmem>>
    %dma_start3A_322 = tpu.memref_squeeze %dma_start3A_321 : memref<1x1x64xi32, #tpu.memory_space<vmem>> -> memref<64xi32, #tpu.memory_space<vmem>>
    %dma_start3A_323 = arith.constant 0 : i32
    %dma_start3A_324 = arith.constant 0 : i32
    %dma_start3A_325 = tpu.memref_slice %arg2[%dma_start3A_323, %dma_start3A_324] : memref<10000x128xf32, #tpu.memory_space<hbm>> -> memref<10000x128xf32, #tpu.memory_space<hbm>>
    tpu.enqueue_indirect_dma source(%dma_start3A_325 : memref<10000x128xf32, #tpu.memory_space<hbm>>) target(%arg14 : memref<64x128xf32, #tpu.memory_space<vmem>>) offsets(%dma_start3A_322 : memref<64xi32, #tpu.memory_space<vmem>>) semaphore(%arg23 : memref<!tpu.dma_semaphore, #tpu.memory_space<semaphore_mem>>)
    %dma_start3A_326 = arith.constant 2 : i32
    %dma_start3A_327 = arith.constant 0 : i32
    %dma_start3A_328 = arith.constant 0 : i32
    %dma_start3A_329 = tpu.memref_slice %arg13[%dma_start3A_326, %dma_start3A_327, %dma_start3A_328] : memref<4x1x64xi32, #tpu.memory_space<vmem>> -> memref<1x1x64xi32, #tpu.memory_space<vmem>>
    %dma_start3A_330 = tpu.memref_squeeze %dma_start3A_329 : memref<1x1x64xi32, #tpu.memory_space<vmem>> -> memref<64xi32, #tpu.memory_space<vmem>>
    %dma_start3A_331 = arith.constant 0 : i32
    %dma_start3A_332 = arith.constant 0 : i32
    %dma_start3A_333 = tpu.memref_slice %arg2[%dma_start3A_331, %dma_start3A_332] : memref<10000x128xf32, #tpu.memory_space<hbm>> -> memref<10000x128xf32, #tpu.memory_space<hbm>>
    tpu.enqueue_indirect_dma source(%dma_start3A_333 : memref<10000x128xf32, #tpu.memory_space<hbm>>) target(%arg16 : memref<64x128xf32, #tpu.memory_space<vmem>>) offsets(%dma_start3A_330 : memref<64xi32, #tpu.memory_space<vmem>>) semaphore(%arg23 : memref<!tpu.dma_semaphore, #tpu.memory_space<semaphore_mem>>)
    %dma_wait3A_334 = arith.constant 1 : i32
    %dma_wait3A_335 = arith.constant 0 : i32
    %dma_wait3A_336 = arith.constant 0 : i32
    %dma_wait3A_337 = tpu.memref_slice %arg12[%dma_wait3A_334, %dma_wait3A_335, %dma_wait3A_336] : memref<4x1x64xi32, #tpu.memory_space<vmem>> -> memref<1x1x64xi32, #tpu.memory_space<vmem>>
    %dma_wait3A_338 = tpu.memref_squeeze %dma_wait3A_337 : memref<1x1x64xi32, #tpu.memory_space<vmem>> -> memref<64xi32, #tpu.memory_space<vmem>>
    %dma_wait3A_339 = arith.constant 0 : i32
    %dma_wait3A_340 = arith.constant 0 : i32
    %dma_wait3A_341 = tpu.memref_slice %arg2[%dma_wait3A_339, %dma_wait3A_340] : memref<10000x128xf32, #tpu.memory_space<hbm>> -> memref<10000x128xf32, #tpu.memory_space<hbm>>
    tpu.wait_indirect_dma semaphore(%arg24 : memref<!tpu.dma_semaphore, #tpu.memory_space<semaphore_mem>>) src(%dma_wait3A_341 : memref<10000x128xf32, #tpu.memory_space<hbm>>) dst(%arg15 : memref<64x128xf32, #tpu.memory_space<vmem>>)
    %dma_wait3A_342 = arith.constant 1 : i32
    %dma_wait3A_343 = arith.constant 0 : i32
    %dma_wait3A_344 = arith.constant 0 : i32
    %dma_wait3A_345 = tpu.memref_slice %arg13[%dma_wait3A_342, %dma_wait3A_343, %dma_wait3A_344] : memref<4x1x64xi32, #tpu.memory_space<vmem>> -> memref<1x1x64xi32, #tpu.memory_space<vmem>>
    %dma_wait3A_346 = tpu.memref_squeeze %dma_wait3A_345 : memref<1x1x64xi32, #tpu.memory_space<vmem>> -> memref<64xi32, #tpu.memory_space<vmem>>
    %dma_wait3A_347 = arith.constant 0 : i32
    %dma_wait3A_348 = arith.constant 0 : i32
    %dma_wait3A_349 = tpu.memref_slice %arg2[%dma_wait3A_347, %dma_wait3A_348] : memref<10000x128xf32, #tpu.memory_space<hbm>> -> memref<10000x128xf32, #tpu.memory_space<hbm>>
    tpu.wait_indirect_dma semaphore(%arg24 : memref<!tpu.dma_semaphore, #tpu.memory_space<semaphore_mem>>) src(%dma_wait3A_349 : memref<10000x128xf32, #tpu.memory_space<hbm>>) dst(%arg17 : memref<64x128xf32, #tpu.memory_space<vmem>>)
    %get3A_350 = arith.constant 1 : i32
    %get3A_351 = arith.constant 0 : i32
    %get3A_352 = arith.index_cast %get3A_350 : i32 to index
    %get3A_353 = arith.index_cast %get3A_351 : i32 to index
    %get3A_354 = arith.constant 0 : index
    %get3A_355 = tpu.vector_load %arg12[%get3A_352, %get3A_353, %get3A_354] {strides = array<i32>} : memref<4x1x64xi32, #tpu.memory_space<vmem>>, vector<16xi32>,
    %get3A_356 = arith.constant 1 : i32
    %get3A_357 = arith.constant 0 : i32
    %get3A_358 = arith.index_cast %get3A_356 : i32 to index
    %get3A_359 = arith.index_cast %get3A_357 : i32 to index
    %get3A_360 = arith.constant 0 : index
    %get3A_361 = tpu.vector_load %arg13[%get3A_358, %get3A_359, %get3A_360] {strides = array<i32>} : memref<4x1x64xi32, #tpu.memory_space<vmem>>, vector<16xi32>,
    %add3A_362 = arith.constant 1 : i32
    %add3A_363 = vector.broadcast %add3A_362 : i32 to vector<16xi32>
    %add3A_364 = arith.addi %get3A_355, %add3A_363 : vector<16xi32>
    %gather3A_365 = tpu.vector_load_idx %arg10[%add3A_364] : memref<10016xf32, #tpu.memory_space<vmem>>[vector<16xi32>], vector<16xf32>,
    %add3A_366 = arith.constant 1 : i32
    %add3A_367 = vector.broadcast %add3A_366 : i32 to vector<16xi32>
    %add3A_368 = arith.addi %get3A_361, %add3A_367 : vector<16xi32>
    %gather3A_369 = tpu.vector_load_idx %arg10[%add3A_368] : memref<10016xf32, #tpu.memory_space<vmem>>[vector<16xi32>], vector<16xf32>,
    %add3A_370 = arith.addf %gather3A_365, %gather3A_369 : vector<16xf32>
    %add3A_371 = arith.addf %add3A_370, %get3A_3 : vector<16xf32>
    %swap3A_372 = arith.constant 64 : index
    %swap3A_373 = tpu.vector_load %arg18[%swap3A_372] {strides = array<i32>} : memref<512xf32, #tpu.memory_space<vmem>>, vector<16xf32>,
    tpu.vector_store %arg18[%swap3A_372], %add3A_371 {strides = array<i32>} : memref<512xf32, #tpu.memory_space<vmem>>, vector<16xf32>,
    %get3A_374 = arith.constant 1 : i32
    %get3A_375 = arith.constant 0 : i32
    %get3A_376 = arith.index_cast %get3A_374 : i32 to index
    %get3A_377 = arith.index_cast %get3A_375 : i32 to index
    %get3A_378 = arith.constant 16 : index
    %get3A_379 = tpu.vector_load %arg12[%get3A_376, %get3A_377, %get3A_378] {strides = array<i32>} : memref<4x1x64xi32, #tpu.memory_space<vmem>>, vector<16xi32>,
    %get3A_380 = arith.constant 1 : i32
    %get3A_381 = arith.constant 0 : i32
    %get3A_382 = arith.index_cast %get3A_380 : i32 to index
    %get3A_383 = arith.index_cast %get3A_381 : i32 to index
    %get3A_384 = arith.constant 16 : index
    %get3A_385 = tpu.vector_load %arg13[%get3A_382, %get3A_383, %get3A_384] {strides = array<i32>} : memref<4x1x64xi32, #tpu.memory_space<vmem>>, vector<16xi32>,
    %add3A_386 = arith.constant 1 : i32
    %add3A_387 = vector.broadcast %add3A_386 : i32 to vector<16xi32>
    %add3A_388 = arith.addi %get3A_379, %add3A_387 : vector<16xi32>
    %gather3A_389 = tpu.vector_load_idx %arg10[%add3A_388] : memref<10016xf32, #tpu.memory_space<vmem>>[vector<16xi32>], vector<16xf32>,
    %add3A_390 = arith.constant 1 : i32
    %add3A_391 = vector.broadcast %add3A_390 : i32 to vector<16xi32>
    %add3A_392 = arith.addi %get3A_385, %add3A_391 : vector<16xi32>
    %gather3A_393 = tpu.vector_load_idx %arg10[%add3A_392] : memref<10016xf32, #tpu.memory_space<vmem>>[vector<16xi32>], vector<16xf32>,
    %add3A_394 = arith.addf %gather3A_389, %gather3A_393 : vector<16xf32>
    %add3A_395 = arith.addf %add3A_394, %get3A_3 : vector<16xf32>
    %swap3A_396 = arith.constant 80 : index
    %swap3A_397 = tpu.vector_load %arg18[%swap3A_396] {strides = array<i32>} : memref<512xf32, #tpu.memory_space<vmem>>, vector<16xf32>,
    tpu.vector_store %arg18[%swap3A_396], %add3A_395 {strides = array<i32>} : memref<512xf32, #tpu.memory_space<vmem>>, vector<16xf32>,
    %get3A_398 = arith.constant 1 : i32
    %get3A_399 = arith.constant 0 : i32
    %get3A_400 = arith.index_cast %get3A_398 : i32 to index
    %get3A_401 = arith.index_cast %get3A_399 : i32 to index
    %get3A_402 = arith.constant 32 : index
    %get3A_403 = tpu.vector_load %arg12[%get3A_400, %get3A_401, %get3A_402] {strides = array<i32>} : memref<4x1x64xi32, #tpu.memory_space<vmem>>, vector<16xi32>,
    %get3A_404 = arith.constant 1 : i32
    %get3A_405 = arith.constant 0 : i32
    %get3A_406 = arith.index_cast %get3A_404 : i32 to index
    %get3A_407 = arith.index_cast %get3A_405 : i32 to index
    %get3A_408 = arith.constant 32 : index
    %get3A_409 = tpu.vector_load %arg13[%get3A_406, %get3A_407, %get3A_408] {strides = array<i32>} : memref<4x1x64xi32, #tpu.memory_space<vmem>>, vector<16xi32>,
    %add3A_410 = arith.constant 1 : i32
    %add3A_411 = vector.broadcast %add3A_410 : i32 to vector<16xi32>
    %add3A_412 = arith.addi %get3A_403, %add3A_411 : vector<16xi32>
    %gather3A_413 = tpu.vector_load_idx %arg10[%add3A_412] : memref<10016xf32, #tpu.memory_space<vmem>>[vector<16xi32>], vector<16xf32>,
    %add3A_414 = arith.constant 1 : i32
    %add3A_415 = vector.broadcast %add3A_414 : i32 to vector<16xi32>
    %add3A_416 = arith.addi %get3A_409, %add3A_415 : vector<16xi32>
    %gather3A_417 = tpu.vector_load_idx %arg10[%add3A_416] : memref<10016xf32, #tpu.memory_space<vmem>>[vector<16xi32>], vector<16xf32>,
    %add3A_418 = arith.addf %gather3A_413, %gather3A_417 : vector<16xf32>
    %add3A_419 = arith.addf %add3A_418, %get3A_3 : vector<16xf32>
    %swap3A_420 = arith.constant 96 : index
    %swap3A_421 = tpu.vector_load %arg18[%swap3A_420] {strides = array<i32>} : memref<512xf32, #tpu.memory_space<vmem>>, vector<16xf32>,
    tpu.vector_store %arg18[%swap3A_420], %add3A_419 {strides = array<i32>} : memref<512xf32, #tpu.memory_space<vmem>>, vector<16xf32>,
    %get3A_422 = arith.constant 1 : i32
    %get3A_423 = arith.constant 0 : i32
    %get3A_424 = arith.index_cast %get3A_422 : i32 to index
    %get3A_425 = arith.index_cast %get3A_423 : i32 to index
    %get3A_426 = arith.constant 48 : index
    %get3A_427 = tpu.vector_load %arg12[%get3A_424, %get3A_425, %get3A_426] {strides = array<i32>} : memref<4x1x64xi32, #tpu.memory_space<vmem>>, vector<16xi32>,
    %get3A_428 = arith.constant 1 : i32
    %get3A_429 = arith.constant 0 : i32
    %get3A_430 = arith.index_cast %get3A_428 : i32 to index
    %get3A_431 = arith.index_cast %get3A_429 : i32 to index
    %get3A_432 = arith.constant 48 : index
    %get3A_433 = tpu.vector_load %arg13[%get3A_430, %get3A_431, %get3A_432] {strides = array<i32>} : memref<4x1x64xi32, #tpu.memory_space<vmem>>, vector<16xi32>,
    %add3A_434 = arith.constant 1 : i32
    %add3A_435 = vector.broadcast %add3A_434 : i32 to vector<16xi32>
    %add3A_436 = arith.addi %get3A_427, %add3A_435 : vector<16xi32>
    %gather3A_437 = tpu.vector_load_idx %arg10[%add3A_436] : memref<10016xf32, #tpu.memory_space<vmem>>[vector<16xi32>], vector<16xf32>,
    %add3A_438 = arith.constant 1 : i32
    %add3A_439 = vector.broadcast %add3A_438 : i32 to vector<16xi32>
    %add3A_440 = arith.addi %get3A_433, %add3A_439 : vector<16xi32>
    %gather3A_441 = tpu.vector_load_idx %arg10[%add3A_440] : memref<10016xf32, #tpu.memory_space<vmem>>[vector<16xi32>], vector<16xf32>,
    %add3A_442 = arith.addf %gather3A_437, %gather3A_441 : vector<16xf32>
    %add3A_443 = arith.addf %add3A_442, %get3A_3 : vector<16xf32>
    %swap3A_444 = arith.constant 112 : index
    %swap3A_445 = tpu.vector_load %arg18[%swap3A_444] {strides = array<i32>} : memref<512xf32, #tpu.memory_space<vmem>>, vector<16xf32>,
    tpu.vector_store %arg18[%swap3A_444], %add3A_443 {strides = array<i32>} : memref<512xf32, #tpu.memory_space<vmem>>, vector<16xf32>,
    %add3A_446 = arith.constant 64 : i32
    %add3A_447 = arith.addi %mul3A_2, %add3A_446 : i32
    %dma_start3A_448 = arith.constant 0 : i32
    %dma_start3A_449 = tpu.memref_slice %arg7[%add3A_447, %dma_start3A_448] : memref<16384x128xf32, #tpu.memory_space<hbm>> -> memref<64x128xf32, #tpu.memory_space<hbm>>
    %dma_start3A_450 = arith.constant 0 : i32
    %dma_start3A_451 = tpu.memref_slice %arg7[%add3A_447, %dma_start3A_450] : memref<16384x128xf32, #tpu.memory_space<hbm>> -> memref<64x128xf32, #tpu.memory_space<hbm>>
    tpu.enqueue_dma source(%arg15 : memref<64x128xf32, #tpu.memory_space<vmem>>) target(%dma_start3A_451 : memref<64x128xf32, #tpu.memory_space<hbm>>) target_semaphore(%arg26 : memref<!tpu.dma_semaphore, #tpu.memory_space<semaphore_mem>>)
    %dma_start3A_452 = arith.constant 0 : i32
    %dma_start3A_453 = tpu.memref_slice %arg8[%add3A_447, %dma_start3A_452] : memref<16384x128xf32, #tpu.memory_space<hbm>> -> memref<64x128xf32, #tpu.memory_space<hbm>>
    %dma_start3A_454 = arith.constant 0 : i32
    %dma_start3A_455 = tpu.memref_slice %arg8[%add3A_447, %dma_start3A_454] : memref<16384x128xf32, #tpu.memory_space<hbm>> -> memref<64x128xf32, #tpu.memory_space<hbm>>
    tpu.enqueue_dma source(%arg17 : memref<64x128xf32, #tpu.memory_space<vmem>>) target(%dma_start3A_455 : memref<64x128xf32, #tpu.memory_space<hbm>>) target_semaphore(%arg26 : memref<!tpu.dma_semaphore, #tpu.memory_space<semaphore_mem>>)
    %add3A_456 = arith.constant 256 : i32
    %add3A_457 = arith.addi %mul3A_2, %add3A_456 : i32
    %dma_start3A_458 = arith.constant 0 : i32
    %dma_start3A_459 = arith.constant 0 : i32
    %dma_start3A_460 = arith.constant 0 : i32
    %dma_start3A_461 = tpu.memref_slice %arg12[%dma_start3A_458, %dma_start3A_459, %dma_start3A_460] : memref<4x1x64xi32, #tpu.memory_space<vmem>> -> memref<1x1x64xi32, #tpu.memory_space<vmem>>
    %dma_start3A_462 = tpu.memref_squeeze %dma_start3A_461 : memref<1x1x64xi32, #tpu.memory_space<vmem>> -> memref<64xi32, #tpu.memory_space<vmem>>
    %dma_start3A_463 = tpu.memref_slice %arg3[%add3A_457] : memref<16384xi32, #tpu.memory_space<hbm>> -> memref<64xi32, #tpu.memory_space<hbm>>
    %dma_start3A_464 = arith.constant 0 : i32
    %dma_start3A_465 = tpu.memref_slice %arg12[%dma_start3A_458, %dma_start3A_459, %dma_start3A_464] : memref<4x1x64xi32, #tpu.memory_space<vmem>> -> memref<1x1x64xi32, #tpu.memory_space<vmem>>
    %dma_start3A_466 = tpu.memref_squeeze %dma_start3A_465 : memref<1x1x64xi32, #tpu.memory_space<vmem>> -> memref<64xi32, #tpu.memory_space<vmem>>
    %dma_start3A_467 = tpu.memref_slice %arg3[%add3A_457] : memref<16384xi32, #tpu.memory_space<hbm>> -> memref<64xi32, #tpu.memory_space<hbm>>
    tpu.enqueue_dma source(%dma_start3A_467 : memref<64xi32, #tpu.memory_space<hbm>>) target(%dma_start3A_466 : memref<64xi32, #tpu.memory_space<vmem>>) target_semaphore(%arg19 : memref<!tpu.dma_semaphore, #tpu.memory_space<semaphore_mem>>)
    %dma_start3A_468 = arith.constant 0 : i32
    %dma_start3A_469 = arith.constant 0 : i32
    %dma_start3A_470 = arith.constant 0 : i32
    %dma_start3A_471 = tpu.memref_slice %arg13[%dma_start3A_468, %dma_start3A_469, %dma_start3A_470] : memref<4x1x64xi32, #tpu.memory_space<vmem>> -> memref<1x1x64xi32, #tpu.memory_space<vmem>>
    %dma_start3A_472 = tpu.memref_squeeze %dma_start3A_471 : memref<1x1x64xi32, #tpu.memory_space<vmem>> -> memref<64xi32, #tpu.memory_space<vmem>>
    %dma_start3A_473 = tpu.memref_slice %arg4[%add3A_457] : memref<16384xi32, #tpu.memory_space<hbm>> -> memref<64xi32, #tpu.memory_space<hbm>>
    %dma_start3A_474 = arith.constant 0 : i32
    %dma_start3A_475 = tpu.memref_slice %arg13[%dma_start3A_468, %dma_start3A_469, %dma_start3A_474] : memref<4x1x64xi32, #tpu.memory_space<vmem>> -> memref<1x1x64xi32, #tpu.memory_space<vmem>>
    %dma_start3A_476 = tpu.memref_squeeze %dma_start3A_475 : memref<1x1x64xi32, #tpu.memory_space<vmem>> -> memref<64xi32, #tpu.memory_space<vmem>>
    %dma_start3A_477 = tpu.memref_slice %arg4[%add3A_457] : memref<16384xi32, #tpu.memory_space<hbm>> -> memref<64xi32, #tpu.memory_space<hbm>>
    tpu.enqueue_dma source(%dma_start3A_477 : memref<64xi32, #tpu.memory_space<hbm>>) target(%dma_start3A_476 : memref<64xi32, #tpu.memory_space<vmem>>) target_semaphore(%arg19 : memref<!tpu.dma_semaphore, #tpu.memory_space<semaphore_mem>>)
    %add3A_478 = arith.constant 64 : i32
    %add3A_479 = arith.addi %mul3A_2, %add3A_478 : i32
    %dma_wait3A_480 = arith.constant 0 : i32
    %dma_wait3A_481 = tpu.memref_slice %arg7[%add3A_479, %dma_wait3A_480] : memref<16384x128xf32, #tpu.memory_space<hbm>> -> memref<64x128xf32, #tpu.memory_space<hbm>>
    %dma_wait3A_482 = arith.constant 0 : i32
    %dma_wait3A_483 = tpu.memref_slice %arg7[%add3A_479, %dma_wait3A_482] : memref<16384x128xf32, #tpu.memory_space<hbm>> -> memref<64x128xf32, #tpu.memory_space<hbm>>
    tpu.wait_dma2 semaphore(%arg26 : memref<!tpu.dma_semaphore, #tpu.memory_space<semaphore_mem>>) src(%arg15 : memref<64x128xf32, #tpu.memory_space<vmem>>) dst(%dma_wait3A_483 : memref<64x128xf32, #tpu.memory_space<hbm>>)
    %dma_wait3A_484 = arith.constant 0 : i32
    %dma_wait3A_485 = tpu.memref_slice %arg8[%add3A_479, %dma_wait3A_484] : memref<16384x128xf32, #tpu.memory_space<hbm>> -> memref<64x128xf32, #tpu.memory_space<hbm>>
    %dma_wait3A_486 = arith.constant 0 : i32
    %dma_wait3A_487 = tpu.memref_slice %arg8[%add3A_479, %dma_wait3A_486] : memref<16384x128xf32, #tpu.memory_space<hbm>> -> memref<64x128xf32, #tpu.memory_space<hbm>>
    tpu.wait_dma2 semaphore(%arg26 : memref<!tpu.dma_semaphore, #tpu.memory_space<semaphore_mem>>) src(%arg17 : memref<64x128xf32, #tpu.memory_space<vmem>>) dst(%dma_wait3A_487 : memref<64x128xf32, #tpu.memory_space<hbm>>)
    %add3A_488 = arith.constant 192 : i32
    %add3A_489 = arith.addi %mul3A_2, %add3A_488 : i32
    %dma_wait3A_490 = arith.constant 3 : i32
    %dma_wait3A_491 = arith.constant 0 : i32
    %dma_wait3A_492 = arith.constant 0 : i32
    %dma_wait3A_493 = tpu.memref_slice %arg12[%dma_wait3A_490, %dma_wait3A_491, %dma_wait3A_492] : memref<4x1x64xi32, #tpu.memory_space<vmem>> -> memref<1x1x64xi32, #tpu.memory_space<vmem>>
    %dma_wait3A_494 = tpu.memref_squeeze %dma_wait3A_493 : memref<1x1x64xi32, #tpu.memory_space<vmem>> -> memref<64xi32, #tpu.memory_space<vmem>>
    %dma_wait3A_495 = tpu.memref_slice %arg3[%add3A_489] : memref<16384xi32, #tpu.memory_space<hbm>> -> memref<64xi32, #tpu.memory_space<hbm>>
    %dma_wait3A_496 = arith.constant 0 : i32
    %dma_wait3A_497 = tpu.memref_slice %arg12[%dma_wait3A_490, %dma_wait3A_491, %dma_wait3A_496] : memref<4x1x64xi32, #tpu.memory_space<vmem>> -> memref<1x1x64xi32, #tpu.memory_space<vmem>>
    %dma_wait3A_498 = tpu.memref_squeeze %dma_wait3A_497 : memref<1x1x64xi32, #tpu.memory_space<vmem>> -> memref<64xi32, #tpu.memory_space<vmem>>
    %dma_wait3A_499 = tpu.memref_slice %arg3[%add3A_489] : memref<16384xi32, #tpu.memory_space<hbm>> -> memref<64xi32, #tpu.memory_space<hbm>>
    tpu.wait_dma2 semaphore(%arg22 : memref<!tpu.dma_semaphore, #tpu.memory_space<semaphore_mem>>) src(%dma_wait3A_499 : memref<64xi32, #tpu.memory_space<hbm>>) dst(%dma_wait3A_498 : memref<64xi32, #tpu.memory_space<vmem>>)
    %dma_wait3A_500 = arith.constant 3 : i32
    %dma_wait3A_501 = arith.constant 0 : i32
    %dma_wait3A_502 = arith.constant 0 : i32
    %dma_wait3A_503 = tpu.memref_slice %arg13[%dma_wait3A_500, %dma_wait3A_501, %dma_wait3A_502] : memref<4x1x64xi32, #tpu.memory_space<vmem>> -> memref<1x1x64xi32, #tpu.memory_space<vmem>>
    %dma_wait3A_504 = tpu.memref_squeeze %dma_wait3A_503 : memref<1x1x64xi32, #tpu.memory_space<vmem>> -> memref<64xi32, #tpu.memory_space<vmem>>
    %dma_wait3A_505 = tpu.memref_slice %arg4[%add3A_489] : memref<16384xi32, #tpu.memory_space<hbm>> -> memref<64xi32, #tpu.memory_space<hbm>>
    %dma_wait3A_506 = arith.constant 0 : i32
    %dma_wait3A_507 = tpu.memref_slice %arg13[%dma_wait3A_500, %dma_wait3A_501, %dma_wait3A_506] : memref<4x1x64xi32, #tpu.memory_space<vmem>> -> memref<1x1x64xi32, #tpu.memory_space<vmem>>
    %dma_wait3A_508 = tpu.memref_squeeze %dma_wait3A_507 : memref<1x1x64xi32, #tpu.memory_space<vmem>> -> memref<64xi32, #tpu.memory_space<vmem>>
    %dma_wait3A_509 = tpu.memref_slice %arg4[%add3A_489] : memref<16384xi32, #tpu.memory_space<hbm>> -> memref<64xi32, #tpu.memory_space<hbm>>
    tpu.wait_dma2 semaphore(%arg22 : memref<!tpu.dma_semaphore, #tpu.memory_space<semaphore_mem>>) src(%dma_wait3A_509 : memref<64xi32, #tpu.memory_space<hbm>>) dst(%dma_wait3A_508 : memref<64xi32, #tpu.memory_space<vmem>>)
    %dma_start3A_510 = arith.constant 3 : i32
    %dma_start3A_511 = arith.constant 0 : i32
    %dma_start3A_512 = arith.constant 0 : i32
    %dma_start3A_513 = tpu.memref_slice %arg12[%dma_start3A_510, %dma_start3A_511, %dma_start3A_512] : memref<4x1x64xi32, #tpu.memory_space<vmem>> -> memref<1x1x64xi32, #tpu.memory_space<vmem>>
    %dma_start3A_514 = tpu.memref_squeeze %dma_start3A_513 : memref<1x1x64xi32, #tpu.memory_space<vmem>> -> memref<64xi32, #tpu.memory_space<vmem>>
    %dma_start3A_515 = arith.constant 0 : i32
    %dma_start3A_516 = arith.constant 0 : i32
    %dma_start3A_517 = tpu.memref_slice %arg2[%dma_start3A_515, %dma_start3A_516] : memref<10000x128xf32, #tpu.memory_space<hbm>> -> memref<10000x128xf32, #tpu.memory_space<hbm>>
    tpu.enqueue_indirect_dma source(%dma_start3A_517 : memref<10000x128xf32, #tpu.memory_space<hbm>>) target(%arg15 : memref<64x128xf32, #tpu.memory_space<vmem>>) offsets(%dma_start3A_514 : memref<64xi32, #tpu.memory_space<vmem>>) semaphore(%arg24 : memref<!tpu.dma_semaphore, #tpu.memory_space<semaphore_mem>>)
    %dma_start3A_518 = arith.constant 3 : i32
    %dma_start3A_519 = arith.constant 0 : i32
    %dma_start3A_520 = arith.constant 0 : i32
    %dma_start3A_521 = tpu.memref_slice %arg13[%dma_start3A_518, %dma_start3A_519, %dma_start3A_520] : memref<4x1x64xi32, #tpu.memory_space<vmem>> -> memref<1x1x64xi32, #tpu.memory_space<vmem>>
    %dma_start3A_522 = tpu.memref_squeeze %dma_start3A_521 : memref<1x1x64xi32, #tpu.memory_space<vmem>> -> memref<64xi32, #tpu.memory_space<vmem>>
    %dma_start3A_523 = arith.constant 0 : i32
    %dma_start3A_524 = arith.constant 0 : i32
    %dma_start3A_525 = tpu.memref_slice %arg2[%dma_start3A_523, %dma_start3A_524] : memref<10000x128xf32, #tpu.memory_space<hbm>> -> memref<10000x128xf32, #tpu.memory_space<hbm>>
    tpu.enqueue_indirect_dma source(%dma_start3A_525 : memref<10000x128xf32, #tpu.memory_space<hbm>>) target(%arg17 : memref<64x128xf32, #tpu.memory_space<vmem>>) offsets(%dma_start3A_522 : memref<64xi32, #tpu.memory_space<vmem>>) semaphore(%arg24 : memref<!tpu.dma_semaphore, #tpu.memory_space<semaphore_mem>>)
    %dma_wait3A_526 = arith.constant 2 : i32
    %dma_wait3A_527 = arith.constant 0 : i32
    %dma_wait3A_528 = arith.constant 0 : i32
    %dma_wait3A_529 = tpu.memref_slice %arg12[%dma_wait3A_526, %dma_wait3A_527, %dma_wait3A_528] : memref<4x1x64xi32, #tpu.memory_space<vmem>> -> memref<1x1x64xi32, #tpu.memory_space<vmem>>
    %dma_wait3A_530 = tpu.memref_squeeze %dma_wait3A_529 : memref<1x1x64xi32, #tpu.memory_space<vmem>> -> memref<64xi32, #tpu.memory_space<vmem>>
    %dma_wait3A_531 = arith.constant 0 : i32
    %dma_wait3A_532 = arith.constant 0 : i32
    %dma_wait3A_533 = tpu.memref_slice %arg2[%dma_wait3A_531, %dma_wait3A_532] : memref<10000x128xf32, #tpu.memory_space<hbm>> -> memref<10000x128xf32, #tpu.memory_space<hbm>>
    tpu.wait_indirect_dma semaphore(%arg23 : memref<!tpu.dma_semaphore, #tpu.memory_space<semaphore_mem>>) src(%dma_wait3A_533 : memref<10000x128xf32, #tpu.memory_space<hbm>>) dst(%arg14 : memref<64x128xf32, #tpu.memory_space<vmem>>)
    %dma_wait3A_534 = arith.constant 2 : i32
    %dma_wait3A_535 = arith.constant 0 : i32
    %dma_wait3A_536 = arith.constant 0 : i32
    %dma_wait3A_537 = tpu.memref_slice %arg13[%dma_wait3A_534, %dma_wait3A_535, %dma_wait3A_536] : memref<4x1x64xi32, #tpu.memory_space<vmem>> -> memref<1x1x64xi32, #tpu.memory_space<vmem>>
    %dma_wait3A_538 = tpu.memref_squeeze %dma_wait3A_537 : memref<1x1x64xi32, #tpu.memory_space<vmem>> -> memref<64xi32, #tpu.memory_space<vmem>>
    %dma_wait3A_539 = arith.constant 0 : i32
    %dma_wait3A_540 = arith.constant 0 : i32
    %dma_wait3A_541 = tpu.memref_slice %arg2[%dma_wait3A_539, %dma_wait3A_540] : memref<10000x128xf32, #tpu.memory_space<hbm>> -> memref<10000x128xf32, #tpu.memory_space<hbm>>
    tpu.wait_indirect_dma semaphore(%arg23 : memref<!tpu.dma_semaphore, #tpu.memory_space<semaphore_mem>>) src(%dma_wait3A_541 : memref<10000x128xf32, #tpu.memory_space<hbm>>) dst(%arg16 : memref<64x128xf32, #tpu.memory_space<vmem>>)
    %get3A_542 = arith.constant 2 : i32
    %get3A_543 = arith.constant 0 : i32
    %get3A_544 = arith.index_cast %get3A_542 : i32 to index
    %get3A_545 = arith.index_cast %get3A_543 : i32 to index
    %get3A_546 = arith.constant 0 : index
    %get3A_547 = tpu.vector_load %arg12[%get3A_544, %get3A_545, %get3A_546] {strides = array<i32>} : memref<4x1x64xi32, #tpu.memory_space<vmem>>, vector<16xi32>,
    %get3A_548 = arith.constant 2 : i32
    %get3A_549 = arith.constant 0 : i32
    %get3A_550 = arith.index_cast %get3A_548 : i32 to index
    %get3A_551 = arith.index_cast %get3A_549 : i32 to index
    %get3A_552 = arith.constant 0 : index
    %get3A_553 = tpu.vector_load %arg13[%get3A_550, %get3A_551, %get3A_552] {strides = array<i32>} : memref<4x1x64xi32, #tpu.memory_space<vmem>>, vector<16xi32>,
    %add3A_554 = arith.constant 1 : i32
    %add3A_555 = vector.broadcast %add3A_554 : i32 to vector<16xi32>
    %add3A_556 = arith.addi %get3A_547, %add3A_555 : vector<16xi32>
    %gather3A_557 = tpu.vector_load_idx %arg10[%add3A_556] : memref<10016xf32, #tpu.memory_space<vmem>>[vector<16xi32>], vector<16xf32>,
    %add3A_558 = arith.constant 1 : i32
    %add3A_559 = vector.broadcast %add3A_558 : i32 to vector<16xi32>
    %add3A_560 = arith.addi %get3A_553, %add3A_559 : vector<16xi32>
    %gather3A_561 = tpu.vector_load_idx %arg10[%add3A_560] : memref<10016xf32, #tpu.memory_space<vmem>>[vector<16xi32>], vector<16xf32>,
    %add3A_562 = arith.addf %gather3A_557, %gather3A_561 : vector<16xf32>
    %add3A_563 = arith.addf %add3A_562, %get3A_3 : vector<16xf32>
    %swap3A_564 = arith.constant 128 : index
    %swap3A_565 = tpu.vector_load %arg18[%swap3A_564] {strides = array<i32>} : memref<512xf32, #tpu.memory_space<vmem>>, vector<16xf32>,
    tpu.vector_store %arg18[%swap3A_564], %add3A_563 {strides = array<i32>} : memref<512xf32, #tpu.memory_space<vmem>>, vector<16xf32>,
    %get3A_566 = arith.constant 2 : i32
    %get3A_567 = arith.constant 0 : i32
    %get3A_568 = arith.index_cast %get3A_566 : i32 to index
    %get3A_569 = arith.index_cast %get3A_567 : i32 to index
    %get3A_570 = arith.constant 16 : index
    %get3A_571 = tpu.vector_load %arg12[%get3A_568, %get3A_569, %get3A_570] {strides = array<i32>} : memref<4x1x64xi32, #tpu.memory_space<vmem>>, vector<16xi32>,
    %get3A_572 = arith.constant 2 : i32
    %get3A_573 = arith.constant 0 : i32
    %get3A_574 = arith.index_cast %get3A_572 : i32 to index
    %get3A_575 = arith.index_cast %get3A_573 : i32 to index
    %get3A_576 = arith.constant 16 : index
    %get3A_577 = tpu.vector_load %arg13[%get3A_574, %get3A_575, %get3A_576] {strides = array<i32>} : memref<4x1x64xi32, #tpu.memory_space<vmem>>, vector<16xi32>,
    %add3A_578 = arith.constant 1 : i32
    %add3A_579 = vector.broadcast %add3A_578 : i32 to vector<16xi32>
    %add3A_580 = arith.addi %get3A_571, %add3A_579 : vector<16xi32>
    %gather3A_581 = tpu.vector_load_idx %arg10[%add3A_580] : memref<10016xf32, #tpu.memory_space<vmem>>[vector<16xi32>], vector<16xf32>,
    %add3A_582 = arith.constant 1 : i32
    %add3A_583 = vector.broadcast %add3A_582 : i32 to vector<16xi32>
    %add3A_584 = arith.addi %get3A_577, %add3A_583 : vector<16xi32>
    %gather3A_585 = tpu.vector_load_idx %arg10[%add3A_584] : memref<10016xf32, #tpu.memory_space<vmem>>[vector<16xi32>], vector<16xf32>,
    %add3A_586 = arith.addf %gather3A_581, %gather3A_585 : vector<16xf32>
    %add3A_587 = arith.addf %add3A_586, %get3A_3 : vector<16xf32>
    %swap3A_588 = arith.constant 144 : index
    %swap3A_589 = tpu.vector_load %arg18[%swap3A_588] {strides = array<i32>} : memref<512xf32, #tpu.memory_space<vmem>>, vector<16xf32>,
    tpu.vector_store %arg18[%swap3A_588], %add3A_587 {strides = array<i32>} : memref<512xf32, #tpu.memory_space<vmem>>, vector<16xf32>,
    %get3A_590 = arith.constant 2 : i32
    %get3A_591 = arith.constant 0 : i32
    %get3A_592 = arith.index_cast %get3A_590 : i32 to index
    %get3A_593 = arith.index_cast %get3A_591 : i32 to index
    %get3A_594 = arith.constant 32 : index
    %get3A_595 = tpu.vector_load %arg12[%get3A_592, %get3A_593, %get3A_594] {strides = array<i32>} : memref<4x1x64xi32, #tpu.memory_space<vmem>>, vector<16xi32>,
    %get3A_596 = arith.constant 2 : i32
    %get3A_597 = arith.constant 0 : i32
    %get3A_598 = arith.index_cast %get3A_596 : i32 to index
    %get3A_599 = arith.index_cast %get3A_597 : i32 to index
    %get3A_600 = arith.constant 32 : index
    %get3A_601 = tpu.vector_load %arg13[%get3A_598, %get3A_599, %get3A_600] {strides = array<i32>} : memref<4x1x64xi32, #tpu.memory_space<vmem>>, vector<16xi32>,
    %add3A_602 = arith.constant 1 : i32
    %add3A_603 = vector.broadcast %add3A_602 : i32 to vector<16xi32>
    %add3A_604 = arith.addi %get3A_595, %add3A_603 : vector<16xi32>
    %gather3A_605 = tpu.vector_load_idx %arg10[%add3A_604] : memref<10016xf32, #tpu.memory_space<vmem>>[vector<16xi32>], vector<16xf32>,
    %add3A_606 = arith.constant 1 : i32
    %add3A_607 = vector.broadcast %add3A_606 : i32 to vector<16xi32>
    %add3A_608 = arith.addi %get3A_601, %add3A_607 : vector<16xi32>
    %gather3A_609 = tpu.vector_load_idx %arg10[%add3A_608] : memref<10016xf32, #tpu.memory_space<vmem>>[vector<16xi32>], vector<16xf32>,
    %add3A_610 = arith.addf %gather3A_605, %gather3A_609 : vector<16xf32>
    %add3A_611 = arith.addf %add3A_610, %get3A_3 : vector<16xf32>
    %swap3A_612 = arith.constant 160 : index
    %swap3A_613 = tpu.vector_load %arg18[%swap3A_612] {strides = array<i32>} : memref<512xf32, #tpu.memory_space<vmem>>, vector<16xf32>,
    tpu.vector_store %arg18[%swap3A_612], %add3A_611 {strides = array<i32>} : memref<512xf32, #tpu.memory_space<vmem>>, vector<16xf32>,
    %get3A_614 = arith.constant 2 : i32
    %get3A_615 = arith.constant 0 : i32
    %get3A_616 = arith.index_cast %get3A_614 : i32 to index
    %get3A_617 = arith.index_cast %get3A_615 : i32 to index
    %get3A_618 = arith.constant 48 : index
    %get3A_619 = tpu.vector_load %arg12[%get3A_616, %get3A_617, %get3A_618] {strides = array<i32>} : memref<4x1x64xi32, #tpu.memory_space<vmem>>, vector<16xi32>,
    %get3A_620 = arith.constant 2 : i32
    %get3A_621 = arith.constant 0 : i32
    %get3A_622 = arith.index_cast %get3A_620 : i32 to index
    %get3A_623 = arith.index_cast %get3A_621 : i32 to index
    %get3A_624 = arith.constant 48 : index
    %get3A_625 = tpu.vector_load %arg13[%get3A_622, %get3A_623, %get3A_624] {strides = array<i32>} : memref<4x1x64xi32, #tpu.memory_space<vmem>>, vector<16xi32>,
    %add3A_626 = arith.constant 1 : i32
    %add3A_627 = vector.broadcast %add3A_626 : i32 to vector<16xi32>
    %add3A_628 = arith.addi %get3A_619, %add3A_627 : vector<16xi32>
    %gather3A_629 = tpu.vector_load_idx %arg10[%add3A_628] : memref<10016xf32, #tpu.memory_space<vmem>>[vector<16xi32>], vector<16xf32>,
    %add3A_630 = arith.constant 1 : i32
    %add3A_631 = vector.broadcast %add3A_630 : i32 to vector<16xi32>
    %add3A_632 = arith.addi %get3A_625, %add3A_631 : vector<16xi32>
    %gather3A_633 = tpu.vector_load_idx %arg10[%add3A_632] : memref<10016xf32, #tpu.memory_space<vmem>>[vector<16xi32>], vector<16xf32>,
    %add3A_634 = arith.addf %gather3A_629, %gather3A_633 : vector<16xf32>
    %add3A_635 = arith.addf %add3A_634, %get3A_3 : vector<16xf32>
    %swap3A_636 = arith.constant 176 : index
    %swap3A_637 = tpu.vector_load %arg18[%swap3A_636] {strides = array<i32>} : memref<512xf32, #tpu.memory_space<vmem>>, vector<16xf32>,
    tpu.vector_store %arg18[%swap3A_636], %add3A_635 {strides = array<i32>} : memref<512xf32, #tpu.memory_space<vmem>>, vector<16xf32>,
    %add3A_638 = arith.constant 128 : i32
    %add3A_639 = arith.addi %mul3A_2, %add3A_638 : i32
    %dma_start3A_640 = arith.constant 0 : i32
    %dma_start3A_641 = tpu.memref_slice %arg7[%add3A_639, %dma_start3A_640] : memref<16384x128xf32, #tpu.memory_space<hbm>> -> memref<64x128xf32, #tpu.memory_space<hbm>>
    %dma_start3A_642 = arith.constant 0 : i32
    %dma_start3A_643 = tpu.memref_slice %arg7[%add3A_639, %dma_start3A_642] : memref<16384x128xf32, #tpu.memory_space<hbm>> -> memref<64x128xf32, #tpu.memory_space<hbm>>
    tpu.enqueue_dma source(%arg14 : memref<64x128xf32, #tpu.memory_space<vmem>>) target(%dma_start3A_643 : memref<64x128xf32, #tpu.memory_space<hbm>>) target_semaphore(%arg25 : memref<!tpu.dma_semaphore, #tpu.memory_space<semaphore_mem>>)
    %dma_start3A_644 = arith.constant 0 : i32
    %dma_start3A_645 = tpu.memref_slice %arg8[%add3A_639, %dma_start3A_644] : memref<16384x128xf32, #tpu.memory_space<hbm>> -> memref<64x128xf32, #tpu.memory_space<hbm>>
    %dma_start3A_646 = arith.constant 0 : i32
    %dma_start3A_647 = tpu.memref_slice %arg8[%add3A_639, %dma_start3A_646] : memref<16384x128xf32, #tpu.memory_space<hbm>> -> memref<64x128xf32, #tpu.memory_space<hbm>>
    tpu.enqueue_dma source(%arg16 : memref<64x128xf32, #tpu.memory_space<vmem>>) target(%dma_start3A_647 : memref<64x128xf32, #tpu.memory_space<hbm>>) target_semaphore(%arg25 : memref<!tpu.dma_semaphore, #tpu.memory_space<semaphore_mem>>)
    %add3A_648 = arith.constant 320 : i32
    %add3A_649 = arith.addi %mul3A_2, %add3A_648 : i32
    %dma_start3A_650 = arith.constant 1 : i32
    %dma_start3A_651 = arith.constant 0 : i32
    %dma_start3A_652 = arith.constant 0 : i32
    %dma_start3A_653 = tpu.memref_slice %arg12[%dma_start3A_650, %dma_start3A_651, %dma_start3A_652] : memref<4x1x64xi32, #tpu.memory_space<vmem>> -> memref<1x1x64xi32, #tpu.memory_space<vmem>>
    %dma_start3A_654 = tpu.memref_squeeze %dma_start3A_653 : memref<1x1x64xi32, #tpu.memory_space<vmem>> -> memref<64xi32, #tpu.memory_space<vmem>>
    %dma_start3A_655 = tpu.memref_slice %arg3[%add3A_649] : memref<16384xi32, #tpu.memory_space<hbm>> -> memref<64xi32, #tpu.memory_space<hbm>>
    %dma_start3A_656 = arith.constant 0 : i32
    %dma_start3A_657 = tpu.memref_slice %arg12[%dma_start3A_650, %dma_start3A_651, %dma_start3A_656] : memref<4x1x64xi32, #tpu.memory_space<vmem>> -> memref<1x1x64xi32, #tpu.memory_space<vmem>>
    %dma_start3A_658 = tpu.memref_squeeze %dma_start3A_657 : memref<1x1x64xi32, #tpu.memory_space<vmem>> -> memref<64xi32, #tpu.memory_space<vmem>>
    %dma_start3A_659 = tpu.memref_slice %arg3[%add3A_649] : memref<16384xi32, #tpu.memory_space<hbm>> -> memref<64xi32, #tpu.memory_space<hbm>>
    tpu.enqueue_dma source(%dma_start3A_659 : memref<64xi32, #tpu.memory_space<hbm>>) target(%dma_start3A_658 : memref<64xi32, #tpu.memory_space<vmem>>) target_semaphore(%arg20 : memref<!tpu.dma_semaphore, #tpu.memory_space<semaphore_mem>>)
    %dma_start3A_660 = arith.constant 1 : i32
    %dma_start3A_661 = arith.constant 0 : i32
    %dma_start3A_662 = arith.constant 0 : i32
    %dma_start3A_663 = tpu.memref_slice %arg13[%dma_start3A_660, %dma_start3A_661, %dma_start3A_662] : memref<4x1x64xi32, #tpu.memory_space<vmem>> -> memref<1x1x64xi32, #tpu.memory_space<vmem>>
    %dma_start3A_664 = tpu.memref_squeeze %dma_start3A_663 : memref<1x1x64xi32, #tpu.memory_space<vmem>> -> memref<64xi32, #tpu.memory_space<vmem>>
    %dma_start3A_665 = tpu.memref_slice %arg4[%add3A_649] : memref<16384xi32, #tpu.memory_space<hbm>> -> memref<64xi32, #tpu.memory_space<hbm>>
    %dma_start3A_666 = arith.constant 0 : i32
    %dma_start3A_667 = tpu.memref_slice %arg13[%dma_start3A_660, %dma_start3A_661, %dma_start3A_666] : memref<4x1x64xi32, #tpu.memory_space<vmem>> -> memref<1x1x64xi32, #tpu.memory_space<vmem>>
    %dma_start3A_668 = tpu.memref_squeeze %dma_start3A_667 : memref<1x1x64xi32, #tpu.memory_space<vmem>> -> memref<64xi32, #tpu.memory_space<vmem>>
    %dma_start3A_669 = tpu.memref_slice %arg4[%add3A_649] : memref<16384xi32, #tpu.memory_space<hbm>> -> memref<64xi32, #tpu.memory_space<hbm>>
    tpu.enqueue_dma source(%dma_start3A_669 : memref<64xi32, #tpu.memory_space<hbm>>) target(%dma_start3A_668 : memref<64xi32, #tpu.memory_space<vmem>>) target_semaphore(%arg20 : memref<!tpu.dma_semaphore, #tpu.memory_space<semaphore_mem>>)
    %add3A_670 = arith.constant 128 : i32
    %add3A_671 = arith.addi %mul3A_2, %add3A_670 : i32
    %dma_wait3A_672 = arith.constant 0 : i32
    %dma_wait3A_673 = tpu.memref_slice %arg7[%add3A_671, %dma_wait3A_672] : memref<16384x128xf32, #tpu.memory_space<hbm>> -> memref<64x128xf32, #tpu.memory_space<hbm>>
    %dma_wait3A_674 = arith.constant 0 : i32
    %dma_wait3A_675 = tpu.memref_slice %arg7[%add3A_671, %dma_wait3A_674] : memref<16384x128xf32, #tpu.memory_space<hbm>> -> memref<64x128xf32, #tpu.memory_space<hbm>>
    tpu.wait_dma2 semaphore(%arg25 : memref<!tpu.dma_semaphore, #tpu.memory_space<semaphore_mem>>) src(%arg14 : memref<64x128xf32, #tpu.memory_space<vmem>>) dst(%dma_wait3A_675 : memref<64x128xf32, #tpu.memory_space<hbm>>)
    %dma_wait3A_676 = arith.constant 0 : i32
    %dma_wait3A_677 = tpu.memref_slice %arg8[%add3A_671, %dma_wait3A_676] : memref<16384x128xf32, #tpu.memory_space<hbm>> -> memref<64x128xf32, #tpu.memory_space<hbm>>
    %dma_wait3A_678 = arith.constant 0 : i32
    %dma_wait3A_679 = tpu.memref_slice %arg8[%add3A_671, %dma_wait3A_678] : memref<16384x128xf32, #tpu.memory_space<hbm>> -> memref<64x128xf32, #tpu.memory_space<hbm>>
    tpu.wait_dma2 semaphore(%arg25 : memref<!tpu.dma_semaphore, #tpu.memory_space<semaphore_mem>>) src(%arg16 : memref<64x128xf32, #tpu.memory_space<vmem>>) dst(%dma_wait3A_679 : memref<64x128xf32, #tpu.memory_space<hbm>>)
    %add3A_680 = arith.constant 256 : i32
    %add3A_681 = arith.addi %mul3A_2, %add3A_680 : i32
    %dma_wait3A_682 = arith.constant 0 : i32
    %dma_wait3A_683 = arith.constant 0 : i32
    %dma_wait3A_684 = arith.constant 0 : i32
    %dma_wait3A_685 = tpu.memref_slice %arg12[%dma_wait3A_682, %dma_wait3A_683, %dma_wait3A_684] : memref<4x1x64xi32, #tpu.memory_space<vmem>> -> memref<1x1x64xi32, #tpu.memory_space<vmem>>
    %dma_wait3A_686 = tpu.memref_squeeze %dma_wait3A_685 : memref<1x1x64xi32, #tpu.memory_space<vmem>> -> memref<64xi32, #tpu.memory_space<vmem>>
    %dma_wait3A_687 = tpu.memref_slice %arg3[%add3A_681] : memref<16384xi32, #tpu.memory_space<hbm>> -> memref<64xi32, #tpu.memory_space<hbm>>
    %dma_wait3A_688 = arith.constant 0 : i32
    %dma_wait3A_689 = tpu.memref_slice %arg12[%dma_wait3A_682, %dma_wait3A_683, %dma_wait3A_688] : memref<4x1x64xi32, #tpu.memory_space<vmem>> -> memref<1x1x64xi32, #tpu.memory_space<vmem>>
    %dma_wait3A_690 = tpu.memref_squeeze %dma_wait3A_689 : memref<1x1x64xi32, #tpu.memory_space<vmem>> -> memref<64xi32, #tpu.memory_space<vmem>>
    %dma_wait3A_691 = tpu.memref_slice %arg3[%add3A_681] : memref<16384xi32, #tpu.memory_space<hbm>> -> memref<64xi32, #tpu.memory_space<hbm>>
    tpu.wait_dma2 semaphore(%arg19 : memref<!tpu.dma_semaphore, #tpu.memory_space<semaphore_mem>>) src(%dma_wait3A_691 : memref<64xi32, #tpu.memory_space<hbm>>) dst(%dma_wait3A_690 : memref<64xi32, #tpu.memory_space<vmem>>)
    %dma_wait3A_692 = arith.constant 0 : i32
    %dma_wait3A_693 = arith.constant 0 : i32
    %dma_wait3A_694 = arith.constant 0 : i32
    %dma_wait3A_695 = tpu.memref_slice %arg13[%dma_wait3A_692, %dma_wait3A_693, %dma_wait3A_694] : memref<4x1x64xi32, #tpu.memory_space<vmem>> -> memref<1x1x64xi32, #tpu.memory_space<vmem>>
    %dma_wait3A_696 = tpu.memref_squeeze %dma_wait3A_695 : memref<1x1x64xi32, #tpu.memory_space<vmem>> -> memref<64xi32, #tpu.memory_space<vmem>>
    %dma_wait3A_697 = tpu.memref_slice %arg4[%add3A_681] : memref<16384xi32, #tpu.memory_space<hbm>> -> memref<64xi32, #tpu.memory_space<hbm>>
    %dma_wait3A_698 = arith.constant 0 : i32
    %dma_wait3A_699 = tpu.memref_slice %arg13[%dma_wait3A_692, %dma_wait3A_693, %dma_wait3A_698] : memref<4x1x64xi32, #tpu.memory_space<vmem>> -> memref<1x1x64xi32, #tpu.memory_space<vmem>>
    %dma_wait3A_700 = tpu.memref_squeeze %dma_wait3A_699 : memref<1x1x64xi32, #tpu.memory_space<vmem>> -> memref<64xi32, #tpu.memory_space<vmem>>
    %dma_wait3A_701 = tpu.memref_slice %arg4[%add3A_681] : memref<16384xi32, #tpu.memory_space<hbm>> -> memref<64xi32, #tpu.memory_space<hbm>>
    tpu.wait_dma2 semaphore(%arg19 : memref<!tpu.dma_semaphore, #tpu.memory_space<semaphore_mem>>) src(%dma_wait3A_701 : memref<64xi32, #tpu.memory_space<hbm>>) dst(%dma_wait3A_700 : memref<64xi32, #tpu.memory_space<vmem>>)
    %dma_start3A_702 = arith.constant 0 : i32
    %dma_start3A_703 = arith.constant 0 : i32
    %dma_start3A_704 = arith.constant 0 : i32
    %dma_start3A_705 = tpu.memref_slice %arg12[%dma_start3A_702, %dma_start3A_703, %dma_start3A_704] : memref<4x1x64xi32, #tpu.memory_space<vmem>> -> memref<1x1x64xi32, #tpu.memory_space<vmem>>
    %dma_start3A_706 = tpu.memref_squeeze %dma_start3A_705 : memref<1x1x64xi32, #tpu.memory_space<vmem>> -> memref<64xi32, #tpu.memory_space<vmem>>
    %dma_start3A_707 = arith.constant 0 : i32
    %dma_start3A_708 = arith.constant 0 : i32
    %dma_start3A_709 = tpu.memref_slice %arg2[%dma_start3A_707, %dma_start3A_708] : memref<10000x128xf32, #tpu.memory_space<hbm>> -> memref<10000x128xf32, #tpu.memory_space<hbm>>
    tpu.enqueue_indirect_dma source(%dma_start3A_709 : memref<10000x128xf32, #tpu.memory_space<hbm>>) target(%arg14 : memref<64x128xf32, #tpu.memory_space<vmem>>) offsets(%dma_start3A_706 : memref<64xi32, #tpu.memory_space<vmem>>) semaphore(%arg23 : memref<!tpu.dma_semaphore, #tpu.memory_space<semaphore_mem>>)
    %dma_start3A_710 = arith.constant 0 : i32
    %dma_start3A_711 = arith.constant 0 : i32
    %dma_start3A_712 = arith.constant 0 : i32
    %dma_start3A_713 = tpu.memref_slice %arg13[%dma_start3A_710, %dma_start3A_711, %dma_start3A_712] : memref<4x1x64xi32, #tpu.memory_space<vmem>> -> memref<1x1x64xi32, #tpu.memory_space<vmem>>
    %dma_start3A_714 = tpu.memref_squeeze %dma_start3A_713 : memref<1x1x64xi32, #tpu.memory_space<vmem>> -> memref<64xi32, #tpu.memory_space<vmem>>
    %dma_start3A_715 = arith.constant 0 : i32
    %dma_start3A_716 = arith.constant 0 : i32
    %dma_start3A_717 = tpu.memref_slice %arg2[%dma_start3A_715, %dma_start3A_716] : memref<10000x128xf32, #tpu.memory_space<hbm>> -> memref<10000x128xf32, #tpu.memory_space<hbm>>
    tpu.enqueue_indirect_dma source(%dma_start3A_717 : memref<10000x128xf32, #tpu.memory_space<hbm>>) target(%arg16 : memref<64x128xf32, #tpu.memory_space<vmem>>) offsets(%dma_start3A_714 : memref<64xi32, #tpu.memory_space<vmem>>) semaphore(%arg23 : memref<!tpu.dma_semaphore, #tpu.memory_space<semaphore_mem>>)
    %dma_wait3A_718 = arith.constant 3 : i32
    %dma_wait3A_719 = arith.constant 0 : i32
    %dma_wait3A_720 = arith.constant 0 : i32
    %dma_wait3A_721 = tpu.memref_slice %arg12[%dma_wait3A_718, %dma_wait3A_719, %dma_wait3A_720] : memref<4x1x64xi32, #tpu.memory_space<vmem>> -> memref<1x1x64xi32, #tpu.memory_space<vmem>>
    %dma_wait3A_722 = tpu.memref_squeeze %dma_wait3A_721 : memref<1x1x64xi32, #tpu.memory_space<vmem>> -> memref<64xi32, #tpu.memory_space<vmem>>
    %dma_wait3A_723 = arith.constant 0 : i32
    %dma_wait3A_724 = arith.constant 0 : i32
    %dma_wait3A_725 = tpu.memref_slice %arg2[%dma_wait3A_723, %dma_wait3A_724] : memref<10000x128xf32, #tpu.memory_space<hbm>> -> memref<10000x128xf32, #tpu.memory_space<hbm>>
    tpu.wait_indirect_dma semaphore(%arg24 : memref<!tpu.dma_semaphore, #tpu.memory_space<semaphore_mem>>) src(%dma_wait3A_725 : memref<10000x128xf32, #tpu.memory_space<hbm>>) dst(%arg15 : memref<64x128xf32, #tpu.memory_space<vmem>>)
    %dma_wait3A_726 = arith.constant 3 : i32
    %dma_wait3A_727 = arith.constant 0 : i32
    %dma_wait3A_728 = arith.constant 0 : i32
    %dma_wait3A_729 = tpu.memref_slice %arg13[%dma_wait3A_726, %dma_wait3A_727, %dma_wait3A_728] : memref<4x1x64xi32, #tpu.memory_space<vmem>> -> memref<1x1x64xi32, #tpu.memory_space<vmem>>
    %dma_wait3A_730 = tpu.memref_squeeze %dma_wait3A_729 : memref<1x1x64xi32, #tpu.memory_space<vmem>> -> memref<64xi32, #tpu.memory_space<vmem>>
    %dma_wait3A_731 = arith.constant 0 : i32
    %dma_wait3A_732 = arith.constant 0 : i32
    %dma_wait3A_733 = tpu.memref_slice %arg2[%dma_wait3A_731, %dma_wait3A_732] : memref<10000x128xf32, #tpu.memory_space<hbm>> -> memref<10000x128xf32, #tpu.memory_space<hbm>>
    tpu.wait_indirect_dma semaphore(%arg24 : memref<!tpu.dma_semaphore, #tpu.memory_space<semaphore_mem>>) src(%dma_wait3A_733 : memref<10000x128xf32, #tpu.memory_space<hbm>>) dst(%arg17 : memref<64x128xf32, #tpu.memory_space<vmem>>)
    %get3A_734 = arith.constant 3 : i32
    %get3A_735 = arith.constant 0 : i32
    %get3A_736 = arith.index_cast %get3A_734 : i32 to index
    %get3A_737 = arith.index_cast %get3A_735 : i32 to index
    %get3A_738 = arith.constant 0 : index
    %get3A_739 = tpu.vector_load %arg12[%get3A_736, %get3A_737, %get3A_738] {strides = array<i32>} : memref<4x1x64xi32, #tpu.memory_space<vmem>>, vector<16xi32>,
    %get3A_740 = arith.constant 3 : i32
    %get3A_741 = arith.constant 0 : i32
    %get3A_742 = arith.index_cast %get3A_740 : i32 to index
    %get3A_743 = arith.index_cast %get3A_741 : i32 to index
    %get3A_744 = arith.constant 0 : index
    %get3A_745 = tpu.vector_load %arg13[%get3A_742, %get3A_743, %get3A_744] {strides = array<i32>} : memref<4x1x64xi32, #tpu.memory_space<vmem>>, vector<16xi32>,
    %add3A_746 = arith.constant 1 : i32
    %add3A_747 = vector.broadcast %add3A_746 : i32 to vector<16xi32>
    %add3A_748 = arith.addi %get3A_739, %add3A_747 : vector<16xi32>
    %gather3A_749 = tpu.vector_load_idx %arg10[%add3A_748] : memref<10016xf32, #tpu.memory_space<vmem>>[vector<16xi32>], vector<16xf32>,
    %add3A_750 = arith.constant 1 : i32
    %add3A_751 = vector.broadcast %add3A_750 : i32 to vector<16xi32>
    %add3A_752 = arith.addi %get3A_745, %add3A_751 : vector<16xi32>
    %gather3A_753 = tpu.vector_load_idx %arg10[%add3A_752] : memref<10016xf32, #tpu.memory_space<vmem>>[vector<16xi32>], vector<16xf32>,
    %add3A_754 = arith.addf %gather3A_749, %gather3A_753 : vector<16xf32>
    %add3A_755 = arith.addf %add3A_754, %get3A_3 : vector<16xf32>
    %swap3A_756 = arith.constant 192 : index
    %swap3A_757 = tpu.vector_load %arg18[%swap3A_756] {strides = array<i32>} : memref<512xf32, #tpu.memory_space<vmem>>, vector<16xf32>,
    tpu.vector_store %arg18[%swap3A_756], %add3A_755 {strides = array<i32>} : memref<512xf32, #tpu.memory_space<vmem>>, vector<16xf32>,
    %get3A_758 = arith.constant 3 : i32
    %get3A_759 = arith.constant 0 : i32
    %get3A_760 = arith.index_cast %get3A_758 : i32 to index
    %get3A_761 = arith.index_cast %get3A_759 : i32 to index
    %get3A_762 = arith.constant 16 : index
    %get3A_763 = tpu.vector_load %arg12[%get3A_760, %get3A_761, %get3A_762] {strides = array<i32>} : memref<4x1x64xi32, #tpu.memory_space<vmem>>, vector<16xi32>,
    %get3A_764 = arith.constant 3 : i32
    %get3A_765 = arith.constant 0 : i32
    %get3A_766 = arith.index_cast %get3A_764 : i32 to index
    %get3A_767 = arith.index_cast %get3A_765 : i32 to index
    %get3A_768 = arith.constant 16 : index
    %get3A_769 = tpu.vector_load %arg13[%get3A_766, %get3A_767, %get3A_768] {strides = array<i32>} : memref<4x1x64xi32, #tpu.memory_space<vmem>>, vector<16xi32>,
    %add3A_770 = arith.constant 1 : i32
    %add3A_771 = vector.broadcast %add3A_770 : i32 to vector<16xi32>
    %add3A_772 = arith.addi %get3A_763, %add3A_771 : vector<16xi32>
    %gather3A_773 = tpu.vector_load_idx %arg10[%add3A_772] : memref<10016xf32, #tpu.memory_space<vmem>>[vector<16xi32>], vector<16xf32>,
    %add3A_774 = arith.constant 1 : i32
    %add3A_775 = vector.broadcast %add3A_774 : i32 to vector<16xi32>
    %add3A_776 = arith.addi %get3A_769, %add3A_775 : vector<16xi32>
    %gather3A_777 = tpu.vector_load_idx %arg10[%add3A_776] : memref<10016xf32, #tpu.memory_space<vmem>>[vector<16xi32>], vector<16xf32>,
    %add3A_778 = arith.addf %gather3A_773, %gather3A_777 : vector<16xf32>
    %add3A_779 = arith.addf %add3A_778, %get3A_3 : vector<16xf32>
    %swap3A_780 = arith.constant 208 : index
    %swap3A_781 = tpu.vector_load %arg18[%swap3A_780] {strides = array<i32>} : memref<512xf32, #tpu.memory_space<vmem>>, vector<16xf32>,
    tpu.vector_store %arg18[%swap3A_780], %add3A_779 {strides = array<i32>} : memref<512xf32, #tpu.memory_space<vmem>>, vector<16xf32>,
    %get3A_782 = arith.constant 3 : i32
    %get3A_783 = arith.constant 0 : i32
    %get3A_784 = arith.index_cast %get3A_782 : i32 to index
    %get3A_785 = arith.index_cast %get3A_783 : i32 to index
    %get3A_786 = arith.constant 32 : index
    %get3A_787 = tpu.vector_load %arg12[%get3A_784, %get3A_785, %get3A_786] {strides = array<i32>} : memref<4x1x64xi32, #tpu.memory_space<vmem>>, vector<16xi32>,
    %get3A_788 = arith.constant 3 : i32
    %get3A_789 = arith.constant 0 : i32
    %get3A_790 = arith.index_cast %get3A_788 : i32 to index
    %get3A_791 = arith.index_cast %get3A_789 : i32 to index
    %get3A_792 = arith.constant 32 : index
    %get3A_793 = tpu.vector_load %arg13[%get3A_790, %get3A_791, %get3A_792] {strides = array<i32>} : memref<4x1x64xi32, #tpu.memory_space<vmem>>, vector<16xi32>,
    %add3A_794 = arith.constant 1 : i32
    %add3A_795 = vector.broadcast %add3A_794 : i32 to vector<16xi32>
    %add3A_796 = arith.addi %get3A_787, %add3A_795 : vector<16xi32>
    %gather3A_797 = tpu.vector_load_idx %arg10[%add3A_796] : memref<10016xf32, #tpu.memory_space<vmem>>[vector<16xi32>], vector<16xf32>,
    %add3A_798 = arith.constant 1 : i32
    %add3A_799 = vector.broadcast %add3A_798 : i32 to vector<16xi32>
    %add3A_800 = arith.addi %get3A_793, %add3A_799 : vector<16xi32>
    %gather3A_801 = tpu.vector_load_idx %arg10[%add3A_800] : memref<10016xf32, #tpu.memory_space<vmem>>[vector<16xi32>], vector<16xf32>,
    %add3A_802 = arith.addf %gather3A_797, %gather3A_801 : vector<16xf32>
    %add3A_803 = arith.addf %add3A_802, %get3A_3 : vector<16xf32>
    %swap3A_804 = arith.constant 224 : index
    %swap3A_805 = tpu.vector_load %arg18[%swap3A_804] {strides = array<i32>} : memref<512xf32, #tpu.memory_space<vmem>>, vector<16xf32>,
    tpu.vector_store %arg18[%swap3A_804], %add3A_803 {strides = array<i32>} : memref<512xf32, #tpu.memory_space<vmem>>, vector<16xf32>,
    %get3A_806 = arith.constant 3 : i32
    %get3A_807 = arith.constant 0 : i32
    %get3A_808 = arith.index_cast %get3A_806 : i32 to index
    %get3A_809 = arith.index_cast %get3A_807 : i32 to index
    %get3A_810 = arith.constant 48 : index
    %get3A_811 = tpu.vector_load %arg12[%get3A_808, %get3A_809, %get3A_810] {strides = array<i32>} : memref<4x1x64xi32, #tpu.memory_space<vmem>>, vector<16xi32>,
    %get3A_812 = arith.constant 3 : i32
    %get3A_813 = arith.constant 0 : i32
    %get3A_814 = arith.index_cast %get3A_812 : i32 to index
    %get3A_815 = arith.index_cast %get3A_813 : i32 to index
    %get3A_816 = arith.constant 48 : index
    %get3A_817 = tpu.vector_load %arg13[%get3A_814, %get3A_815, %get3A_816] {strides = array<i32>} : memref<4x1x64xi32, #tpu.memory_space<vmem>>, vector<16xi32>,
    %add3A_818 = arith.constant 1 : i32
    %add3A_819 = vector.broadcast %add3A_818 : i32 to vector<16xi32>
    %add3A_820 = arith.addi %get3A_811, %add3A_819 : vector<16xi32>
    %gather3A_821 = tpu.vector_load_idx %arg10[%add3A_820] : memref<10016xf32, #tpu.memory_space<vmem>>[vector<16xi32>], vector<16xf32>,
    %add3A_822 = arith.constant 1 : i32
    %add3A_823 = vector.broadcast %add3A_822 : i32 to vector<16xi32>
    %add3A_824 = arith.addi %get3A_817, %add3A_823 : vector<16xi32>
    %gather3A_825 = tpu.vector_load_idx %arg10[%add3A_824] : memref<10016xf32, #tpu.memory_space<vmem>>[vector<16xi32>], vector<16xf32>,
    %add3A_826 = arith.addf %gather3A_821, %gather3A_825 : vector<16xf32>
    %add3A_827 = arith.addf %add3A_826, %get3A_3 : vector<16xf32>
    %swap3A_828 = arith.constant 240 : index
    %swap3A_829 = tpu.vector_load %arg18[%swap3A_828] {strides = array<i32>} : memref<512xf32, #tpu.memory_space<vmem>>, vector<16xf32>,
    tpu.vector_store %arg18[%swap3A_828], %add3A_827 {strides = array<i32>} : memref<512xf32, #tpu.memory_space<vmem>>, vector<16xf32>,
    %add3A_830 = arith.constant 192 : i32
    %add3A_831 = arith.addi %mul3A_2, %add3A_830 : i32
    %dma_start3A_832 = arith.constant 0 : i32
    %dma_start3A_833 = tpu.memref_slice %arg7[%add3A_831, %dma_start3A_832] : memref<16384x128xf32, #tpu.memory_space<hbm>> -> memref<64x128xf32, #tpu.memory_space<hbm>>
    %dma_start3A_834 = arith.constant 0 : i32
    %dma_start3A_835 = tpu.memref_slice %arg7[%add3A_831, %dma_start3A_834] : memref<16384x128xf32, #tpu.memory_space<hbm>> -> memref<64x128xf32, #tpu.memory_space<hbm>>
    tpu.enqueue_dma source(%arg15 : memref<64x128xf32, #tpu.memory_space<vmem>>) target(%dma_start3A_835 : memref<64x128xf32, #tpu.memory_space<hbm>>) target_semaphore(%arg26 : memref<!tpu.dma_semaphore, #tpu.memory_space<semaphore_mem>>)
    %dma_start3A_836 = arith.constant 0 : i32
    %dma_start3A_837 = tpu.memref_slice %arg8[%add3A_831, %dma_start3A_836] : memref<16384x128xf32, #tpu.memory_space<hbm>> -> memref<64x128xf32, #tpu.memory_space<hbm>>
    %dma_start3A_838 = arith.constant 0 : i32
    %dma_start3A_839 = tpu.memref_slice %arg8[%add3A_831, %dma_start3A_838] : memref<16384x128xf32, #tpu.memory_space<hbm>> -> memref<64x128xf32, #tpu.memory_space<hbm>>
    tpu.enqueue_dma source(%arg17 : memref<64x128xf32, #tpu.memory_space<vmem>>) target(%dma_start3A_839 : memref<64x128xf32, #tpu.memory_space<hbm>>) target_semaphore(%arg26 : memref<!tpu.dma_semaphore, #tpu.memory_space<semaphore_mem>>)
    %add3A_840 = arith.constant 384 : i32
    %add3A_841 = arith.addi %mul3A_2, %add3A_840 : i32
    %dma_start3A_842 = arith.constant 2 : i32
    %dma_start3A_843 = arith.constant 0 : i32
    %dma_start3A_844 = arith.constant 0 : i32
    %dma_start3A_845 = tpu.memref_slice %arg12[%dma_start3A_842, %dma_start3A_843, %dma_start3A_844] : memref<4x1x64xi32, #tpu.memory_space<vmem>> -> memref<1x1x64xi32, #tpu.memory_space<vmem>>
    %dma_start3A_846 = tpu.memref_squeeze %dma_start3A_845 : memref<1x1x64xi32, #tpu.memory_space<vmem>> -> memref<64xi32, #tpu.memory_space<vmem>>
    %dma_start3A_847 = tpu.memref_slice %arg3[%add3A_841] : memref<16384xi32, #tpu.memory_space<hbm>> -> memref<64xi32, #tpu.memory_space<hbm>>
    %dma_start3A_848 = arith.constant 0 : i32
    %dma_start3A_849 = tpu.memref_slice %arg12[%dma_start3A_842, %dma_start3A_843, %dma_start3A_848] : memref<4x1x64xi32, #tpu.memory_space<vmem>> -> memref<1x1x64xi32, #tpu.memory_space<vmem>>
    %dma_start3A_850 = tpu.memref_squeeze %dma_start3A_849 : memref<1x1x64xi32, #tpu.memory_space<vmem>> -> memref<64xi32, #tpu.memory_space<vmem>>
    %dma_start3A_851 = tpu.memref_slice %arg3[%add3A_841] : memref<16384xi32, #tpu.memory_space<hbm>> -> memref<64xi32, #tpu.memory_space<hbm>>
    tpu.enqueue_dma source(%dma_start3A_851 : memref<64xi32, #tpu.memory_space<hbm>>) target(%dma_start3A_850 : memref<64xi32, #tpu.memory_space<vmem>>) target_semaphore(%arg21 : memref<!tpu.dma_semaphore, #tpu.memory_space<semaphore_mem>>)
    %dma_start3A_852 = arith.constant 2 : i32
    %dma_start3A_853 = arith.constant 0 : i32
    %dma_start3A_854 = arith.constant 0 : i32
    %dma_start3A_855 = tpu.memref_slice %arg13[%dma_start3A_852, %dma_start3A_853, %dma_start3A_854] : memref<4x1x64xi32, #tpu.memory_space<vmem>> -> memref<1x1x64xi32, #tpu.memory_space<vmem>>
    %dma_start3A_856 = tpu.memref_squeeze %dma_start3A_855 : memref<1x1x64xi32, #tpu.memory_space<vmem>> -> memref<64xi32, #tpu.memory_space<vmem>>
    %dma_start3A_857 = tpu.memref_slice %arg4[%add3A_841] : memref<16384xi32, #tpu.memory_space<hbm>> -> memref<64xi32, #tpu.memory_space<hbm>>
    %dma_start3A_858 = arith.constant 0 : i32
    %dma_start3A_859 = tpu.memref_slice %arg13[%dma_start3A_852, %dma_start3A_853, %dma_start3A_858] : memref<4x1x64xi32, #tpu.memory_space<vmem>> -> memref<1x1x64xi32, #tpu.memory_space<vmem>>
    %dma_start3A_860 = tpu.memref_squeeze %dma_start3A_859 : memref<1x1x64xi32, #tpu.memory_space<vmem>> -> memref<64xi32, #tpu.memory_space<vmem>>
    %dma_start3A_861 = tpu.memref_slice %arg4[%add3A_841] : memref<16384xi32, #tpu.memory_space<hbm>> -> memref<64xi32, #tpu.memory_space<hbm>>
    tpu.enqueue_dma source(%dma_start3A_861 : memref<64xi32, #tpu.memory_space<hbm>>) target(%dma_start3A_860 : memref<64xi32, #tpu.memory_space<vmem>>) target_semaphore(%arg21 : memref<!tpu.dma_semaphore, #tpu.memory_space<semaphore_mem>>)
    %add3A_862 = arith.constant 192 : i32
    %add3A_863 = arith.addi %mul3A_2, %add3A_862 : i32
    %dma_wait3A_864 = arith.constant 0 : i32
    %dma_wait3A_865 = tpu.memref_slice %arg7[%add3A_863, %dma_wait3A_864] : memref<16384x128xf32, #tpu.memory_space<hbm>> -> memref<64x128xf32, #tpu.memory_space<hbm>>
    %dma_wait3A_866 = arith.constant 0 : i32
    %dma_wait3A_867 = tpu.memref_slice %arg7[%add3A_863, %dma_wait3A_866] : memref<16384x128xf32, #tpu.memory_space<hbm>> -> memref<64x128xf32, #tpu.memory_space<hbm>>
    tpu.wait_dma2 semaphore(%arg26 : memref<!tpu.dma_semaphore, #tpu.memory_space<semaphore_mem>>) src(%arg15 : memref<64x128xf32, #tpu.memory_space<vmem>>) dst(%dma_wait3A_867 : memref<64x128xf32, #tpu.memory_space<hbm>>)
    %dma_wait3A_868 = arith.constant 0 : i32
    %dma_wait3A_869 = tpu.memref_slice %arg8[%add3A_863, %dma_wait3A_868] : memref<16384x128xf32, #tpu.memory_space<hbm>> -> memref<64x128xf32, #tpu.memory_space<hbm>>
    %dma_wait3A_870 = arith.constant 0 : i32
    %dma_wait3A_871 = tpu.memref_slice %arg8[%add3A_863, %dma_wait3A_870] : memref<16384x128xf32, #tpu.memory_space<hbm>> -> memref<64x128xf32, #tpu.memory_space<hbm>>
    tpu.wait_dma2 semaphore(%arg26 : memref<!tpu.dma_semaphore, #tpu.memory_space<semaphore_mem>>) src(%arg17 : memref<64x128xf32, #tpu.memory_space<vmem>>) dst(%dma_wait3A_871 : memref<64x128xf32, #tpu.memory_space<hbm>>)
    %add3A_872 = arith.constant 320 : i32
    %add3A_873 = arith.addi %mul3A_2, %add3A_872 : i32
    %dma_wait3A_874 = arith.constant 1 : i32
    %dma_wait3A_875 = arith.constant 0 : i32
    %dma_wait3A_876 = arith.constant 0 : i32
    %dma_wait3A_877 = tpu.memref_slice %arg12[%dma_wait3A_874, %dma_wait3A_875, %dma_wait3A_876] : memref<4x1x64xi32, #tpu.memory_space<vmem>> -> memref<1x1x64xi32, #tpu.memory_space<vmem>>
    %dma_wait3A_878 = tpu.memref_squeeze %dma_wait3A_877 : memref<1x1x64xi32, #tpu.memory_space<vmem>> -> memref<64xi32, #tpu.memory_space<vmem>>
    %dma_wait3A_879 = tpu.memref_slice %arg3[%add3A_873] : memref<16384xi32, #tpu.memory_space<hbm>> -> memref<64xi32, #tpu.memory_space<hbm>>
    %dma_wait3A_880 = arith.constant 0 : i32
    %dma_wait3A_881 = tpu.memref_slice %arg12[%dma_wait3A_874, %dma_wait3A_875, %dma_wait3A_880] : memref<4x1x64xi32, #tpu.memory_space<vmem>> -> memref<1x1x64xi32, #tpu.memory_space<vmem>>
    %dma_wait3A_882 = tpu.memref_squeeze %dma_wait3A_881 : memref<1x1x64xi32, #tpu.memory_space<vmem>> -> memref<64xi32, #tpu.memory_space<vmem>>
    %dma_wait3A_883 = tpu.memref_slice %arg3[%add3A_873] : memref<16384xi32, #tpu.memory_space<hbm>> -> memref<64xi32, #tpu.memory_space<hbm>>
    tpu.wait_dma2 semaphore(%arg20 : memref<!tpu.dma_semaphore, #tpu.memory_space<semaphore_mem>>) src(%dma_wait3A_883 : memref<64xi32, #tpu.memory_space<hbm>>) dst(%dma_wait3A_882 : memref<64xi32, #tpu.memory_space<vmem>>)
    %dma_wait3A_884 = arith.constant 1 : i32
    %dma_wait3A_885 = arith.constant 0 : i32
    %dma_wait3A_886 = arith.constant 0 : i32
    %dma_wait3A_887 = tpu.memref_slice %arg13[%dma_wait3A_884, %dma_wait3A_885, %dma_wait3A_886] : memref<4x1x64xi32, #tpu.memory_space<vmem>> -> memref<1x1x64xi32, #tpu.memory_space<vmem>>
    %dma_wait3A_888 = tpu.memref_squeeze %dma_wait3A_887 : memref<1x1x64xi32, #tpu.memory_space<vmem>> -> memref<64xi32, #tpu.memory_space<vmem>>
    %dma_wait3A_889 = tpu.memref_slice %arg4[%add3A_873] : memref<16384xi32, #tpu.memory_space<hbm>> -> memref<64xi32, #tpu.memory_space<hbm>>
    %dma_wait3A_890 = arith.constant 0 : i32
    %dma_wait3A_891 = tpu.memref_slice %arg13[%dma_wait3A_884, %dma_wait3A_885, %dma_wait3A_890] : memref<4x1x64xi32, #tpu.memory_space<vmem>> -> memref<1x1x64xi32, #tpu.memory_space<vmem>>
    %dma_wait3A_892 = tpu.memref_squeeze %dma_wait3A_891 : memref<1x1x64xi32, #tpu.memory_space<vmem>> -> memref<64xi32, #tpu.memory_space<vmem>>
    %dma_wait3A_893 = tpu.memref_slice %arg4[%add3A_873] : memref<16384xi32, #tpu.memory_space<hbm>> -> memref<64xi32, #tpu.memory_space<hbm>>
    tpu.wait_dma2 semaphore(%arg20 : memref<!tpu.dma_semaphore, #tpu.memory_space<semaphore_mem>>) src(%dma_wait3A_893 : memref<64xi32, #tpu.memory_space<hbm>>) dst(%dma_wait3A_892 : memref<64xi32, #tpu.memory_space<vmem>>)
    %dma_start3A_894 = arith.constant 1 : i32
    %dma_start3A_895 = arith.constant 0 : i32
    %dma_start3A_896 = arith.constant 0 : i32
    %dma_start3A_897 = tpu.memref_slice %arg12[%dma_start3A_894, %dma_start3A_895, %dma_start3A_896] : memref<4x1x64xi32, #tpu.memory_space<vmem>> -> memref<1x1x64xi32, #tpu.memory_space<vmem>>
    %dma_start3A_898 = tpu.memref_squeeze %dma_start3A_897 : memref<1x1x64xi32, #tpu.memory_space<vmem>> -> memref<64xi32, #tpu.memory_space<vmem>>
    %dma_start3A_899 = arith.constant 0 : i32
    %dma_start3A_900 = arith.constant 0 : i32
    %dma_start3A_901 = tpu.memref_slice %arg2[%dma_start3A_899, %dma_start3A_900] : memref<10000x128xf32, #tpu.memory_space<hbm>> -> memref<10000x128xf32, #tpu.memory_space<hbm>>
    tpu.enqueue_indirect_dma source(%dma_start3A_901 : memref<10000x128xf32, #tpu.memory_space<hbm>>) target(%arg15 : memref<64x128xf32, #tpu.memory_space<vmem>>) offsets(%dma_start3A_898 : memref<64xi32, #tpu.memory_space<vmem>>) semaphore(%arg24 : memref<!tpu.dma_semaphore, #tpu.memory_space<semaphore_mem>>)
    %dma_start3A_902 = arith.constant 1 : i32
    %dma_start3A_903 = arith.constant 0 : i32
    %dma_start3A_904 = arith.constant 0 : i32
    %dma_start3A_905 = tpu.memref_slice %arg13[%dma_start3A_902, %dma_start3A_903, %dma_start3A_904] : memref<4x1x64xi32, #tpu.memory_space<vmem>> -> memref<1x1x64xi32, #tpu.memory_space<vmem>>
    %dma_start3A_906 = tpu.memref_squeeze %dma_start3A_905 : memref<1x1x64xi32, #tpu.memory_space<vmem>> -> memref<64xi32, #tpu.memory_space<vmem>>
    %dma_start3A_907 = arith.constant 0 : i32
    %dma_start3A_908 = arith.constant 0 : i32
    %dma_start3A_909 = tpu.memref_slice %arg2[%dma_start3A_907, %dma_start3A_908] : memref<10000x128xf32, #tpu.memory_space<hbm>> -> memref<10000x128xf32, #tpu.memory_space<hbm>>
    tpu.enqueue_indirect_dma source(%dma_start3A_909 : memref<10000x128xf32, #tpu.memory_space<hbm>>) target(%arg17 : memref<64x128xf32, #tpu.memory_space<vmem>>) offsets(%dma_start3A_906 : memref<64xi32, #tpu.memory_space<vmem>>) semaphore(%arg24 : memref<!tpu.dma_semaphore, #tpu.memory_space<semaphore_mem>>)
    %dma_wait3A_910 = arith.constant 0 : i32
    %dma_wait3A_911 = arith.constant 0 : i32
    %dma_wait3A_912 = arith.constant 0 : i32
    %dma_wait3A_913 = tpu.memref_slice %arg12[%dma_wait3A_910, %dma_wait3A_911, %dma_wait3A_912] : memref<4x1x64xi32, #tpu.memory_space<vmem>> -> memref<1x1x64xi32, #tpu.memory_space<vmem>>
    %dma_wait3A_914 = tpu.memref_squeeze %dma_wait3A_913 : memref<1x1x64xi32, #tpu.memory_space<vmem>> -> memref<64xi32, #tpu.memory_space<vmem>>
    %dma_wait3A_915 = arith.constant 0 : i32
    %dma_wait3A_916 = arith.constant 0 : i32
    %dma_wait3A_917 = tpu.memref_slice %arg2[%dma_wait3A_915, %dma_wait3A_916] : memref<10000x128xf32, #tpu.memory_space<hbm>> -> memref<10000x128xf32, #tpu.memory_space<hbm>>
    tpu.wait_indirect_dma semaphore(%arg23 : memref<!tpu.dma_semaphore, #tpu.memory_space<semaphore_mem>>) src(%dma_wait3A_917 : memref<10000x128xf32, #tpu.memory_space<hbm>>) dst(%arg14 : memref<64x128xf32, #tpu.memory_space<vmem>>)
    %dma_wait3A_918 = arith.constant 0 : i32
    %dma_wait3A_919 = arith.constant 0 : i32
    %dma_wait3A_920 = arith.constant 0 : i32
    %dma_wait3A_921 = tpu.memref_slice %arg13[%dma_wait3A_918, %dma_wait3A_919, %dma_wait3A_920] : memref<4x1x64xi32, #tpu.memory_space<vmem>> -> memref<1x1x64xi32, #tpu.memory_space<vmem>>
    %dma_wait3A_922 = tpu.memref_squeeze %dma_wait3A_921 : memref<1x1x64xi32, #tpu.memory_space<vmem>> -> memref<64xi32, #tpu.memory_space<vmem>>
    %dma_wait3A_923 = arith.constant 0 : i32
    %dma_wait3A_924 = arith.constant 0 : i32
    %dma_wait3A_925 = tpu.memref_slice %arg2[%dma_wait3A_923, %dma_wait3A_924] : memref<10000x128xf32, #tpu.memory_space<hbm>> -> memref<10000x128xf32, #tpu.memory_space<hbm>>
    tpu.wait_indirect_dma semaphore(%arg23 : memref<!tpu.dma_semaphore, #tpu.memory_space<semaphore_mem>>) src(%dma_wait3A_925 : memref<10000x128xf32, #tpu.memory_space<hbm>>) dst(%arg16 : memref<64x128xf32, #tpu.memory_space<vmem>>)
    %get3A_926 = arith.constant 0 : i32
    %get3A_927 = arith.constant 0 : i32
    %get3A_928 = arith.index_cast %get3A_926 : i32 to index
    %get3A_929 = arith.index_cast %get3A_927 : i32 to index
    %get3A_930 = arith.constant 0 : index
    %get3A_931 = tpu.vector_load %arg12[%get3A_928, %get3A_929, %get3A_930] {strides = array<i32>} : memref<4x1x64xi32, #tpu.memory_space<vmem>>, vector<16xi32>,
    %get3A_932 = arith.constant 0 : i32
    %get3A_933 = arith.constant 0 : i32
    %get3A_934 = arith.index_cast %get3A_932 : i32 to index
    %get3A_935 = arith.index_cast %get3A_933 : i32 to index
    %get3A_936 = arith.constant 0 : index
    %get3A_937 = tpu.vector_load %arg13[%get3A_934, %get3A_935, %get3A_936] {strides = array<i32>} : memref<4x1x64xi32, #tpu.memory_space<vmem>>, vector<16xi32>,
    %add3A_938 = arith.constant 1 : i32
    %add3A_939 = vector.broadcast %add3A_938 : i32 to vector<16xi32>
    %add3A_940 = arith.addi %get3A_931, %add3A_939 : vector<16xi32>
    %gather3A_941 = tpu.vector_load_idx %arg10[%add3A_940] : memref<10016xf32, #tpu.memory_space<vmem>>[vector<16xi32>], vector<16xf32>,
    %add3A_942 = arith.constant 1 : i32
    %add3A_943 = vector.broadcast %add3A_942 : i32 to vector<16xi32>
    %add3A_944 = arith.addi %get3A_937, %add3A_943 : vector<16xi32>
    %gather3A_945 = tpu.vector_load_idx %arg10[%add3A_944] : memref<10016xf32, #tpu.memory_space<vmem>>[vector<16xi32>], vector<16xf32>,
    %add3A_946 = arith.addf %gather3A_941, %gather3A_945 : vector<16xf32>
    %add3A_947 = arith.addf %add3A_946, %get3A_3 : vector<16xf32>
    %swap3A_948 = arith.constant 256 : index
    %swap3A_949 = tpu.vector_load %arg18[%swap3A_948] {strides = array<i32>} : memref<512xf32, #tpu.memory_space<vmem>>, vector<16xf32>,
    tpu.vector_store %arg18[%swap3A_948], %add3A_947 {strides = array<i32>} : memref<512xf32, #tpu.memory_space<vmem>>, vector<16xf32>,
    %get3A_950 = arith.constant 0 : i32
    %get3A_951 = arith.constant 0 : i32
    %get3A_952 = arith.index_cast %get3A_950 : i32 to index
    %get3A_953 = arith.index_cast %get3A_951 : i32 to index
    %get3A_954 = arith.constant 16 : index
    %get3A_955 = tpu.vector_load %arg12[%get3A_952, %get3A_953, %get3A_954] {strides = array<i32>} : memref<4x1x64xi32, #tpu.memory_space<vmem>>, vector<16xi32>,
    %get3A_956 = arith.constant 0 : i32
    %get3A_957 = arith.constant 0 : i32
    %get3A_958 = arith.index_cast %get3A_956 : i32 to index
    %get3A_959 = arith.index_cast %get3A_957 : i32 to index
    %get3A_960 = arith.constant 16 : index
    %get3A_961 = tpu.vector_load %arg13[%get3A_958, %get3A_959, %get3A_960] {strides = array<i32>} : memref<4x1x64xi32, #tpu.memory_space<vmem>>, vector<16xi32>,
    %add3A_962 = arith.constant 1 : i32
    %add3A_963 = vector.broadcast %add3A_962 : i32 to vector<16xi32>
    %add3A_964 = arith.addi %get3A_955, %add3A_963 : vector<16xi32>
    %gather3A_965 = tpu.vector_load_idx %arg10[%add3A_964] : memref<10016xf32, #tpu.memory_space<vmem>>[vector<16xi32>], vector<16xf32>,
    %add3A_966 = arith.constant 1 : i32
    %add3A_967 = vector.broadcast %add3A_966 : i32 to vector<16xi32>
    %add3A_968 = arith.addi %get3A_961, %add3A_967 : vector<16xi32>
    %gather3A_969 = tpu.vector_load_idx %arg10[%add3A_968] : memref<10016xf32, #tpu.memory_space<vmem>>[vector<16xi32>], vector<16xf32>,
    %add3A_970 = arith.addf %gather3A_965, %gather3A_969 : vector<16xf32>
    %add3A_971 = arith.addf %add3A_970, %get3A_3 : vector<16xf32>
    %swap3A_972 = arith.constant 272 : index
    %swap3A_973 = tpu.vector_load %arg18[%swap3A_972] {strides = array<i32>} : memref<512xf32, #tpu.memory_space<vmem>>, vector<16xf32>,
    tpu.vector_store %arg18[%swap3A_972], %add3A_971 {strides = array<i32>} : memref<512xf32, #tpu.memory_space<vmem>>, vector<16xf32>,
    %get3A_974 = arith.constant 0 : i32
    %get3A_975 = arith.constant 0 : i32
    %get3A_976 = arith.index_cast %get3A_974 : i32 to index
    %get3A_977 = arith.index_cast %get3A_975 : i32 to index
    %get3A_978 = arith.constant 32 : index
    %get3A_979 = tpu.vector_load %arg12[%get3A_976, %get3A_977, %get3A_978] {strides = array<i32>} : memref<4x1x64xi32, #tpu.memory_space<vmem>>, vector<16xi32>,
    %get3A_980 = arith.constant 0 : i32
    %get3A_981 = arith.constant 0 : i32
    %get3A_982 = arith.index_cast %get3A_980 : i32 to index
    %get3A_983 = arith.index_cast %get3A_981 : i32 to index
    %get3A_984 = arith.constant 32 : index
    %get3A_985 = tpu.vector_load %arg13[%get3A_982, %get3A_983, %get3A_984] {strides = array<i32>} : memref<4x1x64xi32, #tpu.memory_space<vmem>>, vector<16xi32>,
    %add3A_986 = arith.constant 1 : i32
    %add3A_987 = vector.broadcast %add3A_986 : i32 to vector<16xi32>
    %add3A_988 = arith.addi %get3A_979, %add3A_987 : vector<16xi32>
    %gather3A_989 = tpu.vector_load_idx %arg10[%add3A_988] : memref<10016xf32, #tpu.memory_space<vmem>>[vector<16xi32>], vector<16xf32>,
    %add3A_990 = arith.constant 1 : i32
    %add3A_991 = vector.broadcast %add3A_990 : i32 to vector<16xi32>
    %add3A_992 = arith.addi %get3A_985, %add3A_991 : vector<16xi32>
    %gather3A_993 = tpu.vector_load_idx %arg10[%add3A_992] : memref<10016xf32, #tpu.memory_space<vmem>>[vector<16xi32>], vector<16xf32>,
    %add3A_994 = arith.addf %gather3A_989, %gather3A_993 : vector<16xf32>
    %add3A_995 = arith.addf %add3A_994, %get3A_3 : vector<16xf32>
    %swap3A_996 = arith.constant 288 : index
    %swap3A_997 = tpu.vector_load %arg18[%swap3A_996] {strides = array<i32>} : memref<512xf32, #tpu.memory_space<vmem>>, vector<16xf32>,
    tpu.vector_store %arg18[%swap3A_996], %add3A_995 {strides = array<i32>} : memref<512xf32, #tpu.memory_space<vmem>>, vector<16xf32>,
    %get3A_998 = arith.constant 0 : i32
    %get3A_999 = arith.constant 0 : i32
    %get3A_1000 = arith.index_cast %get3A_998 : i32 to index
    %get3A_1001 = arith.index_cast %get3A_999 : i32 to index
    %get3A_1002 = arith.constant 48 : index
    %get3A_1003 = tpu.vector_load %arg12[%get3A_1000, %get3A_1001, %get3A_1002] {strides = array<i32>} : memref<4x1x64xi32, #tpu.memory_space<vmem>>, vector<16xi32>,
    %get3A_1004 = arith.constant 0 : i32
    %get3A_1005 = arith.constant 0 : i32
    %get3A_1006 = arith.index_cast %get3A_1004 : i32 to index
    %get3A_1007 = arith.index_cast %get3A_1005 : i32 to index
    %get3A_1008 = arith.constant 48 : index
    %get3A_1009 = tpu.vector_load %arg13[%get3A_1006, %get3A_1007, %get3A_1008] {strides = array<i32>} : memref<4x1x64xi32, #tpu.memory_space<vmem>>, vector<16xi32>,
    %add3A_1010 = arith.constant 1 : i32
    %add3A_1011 = vector.broadcast %add3A_1010 : i32 to vector<16xi32>
    %add3A_1012 = arith.addi %get3A_1003, %add3A_1011 : vector<16xi32>
    %gather3A_1013 = tpu.vector_load_idx %arg10[%add3A_1012] : memref<10016xf32, #tpu.memory_space<vmem>>[vector<16xi32>], vector<16xf32>,
    %add3A_1014 = arith.constant 1 : i32
    %add3A_1015 = vector.broadcast %add3A_1014 : i32 to vector<16xi32>
    %add3A_1016 = arith.addi %get3A_1009, %add3A_1015 : vector<16xi32>
    %gather3A_1017 = tpu.vector_load_idx %arg10[%add3A_1016] : memref<10016xf32, #tpu.memory_space<vmem>>[vector<16xi32>], vector<16xf32>,
    %add3A_1018 = arith.addf %gather3A_1013, %gather3A_1017 : vector<16xf32>
    %add3A_1019 = arith.addf %add3A_1018, %get3A_3 : vector<16xf32>
    %swap3A_1020 = arith.constant 304 : index
    %swap3A_1021 = tpu.vector_load %arg18[%swap3A_1020] {strides = array<i32>} : memref<512xf32, #tpu.memory_space<vmem>>, vector<16xf32>,
    tpu.vector_store %arg18[%swap3A_1020], %add3A_1019 {strides = array<i32>} : memref<512xf32, #tpu.memory_space<vmem>>, vector<16xf32>,
    %add3A_1022 = arith.constant 256 : i32
    %add3A_1023 = arith.addi %mul3A_2, %add3A_1022 : i32
    %dma_start3A_1024 = arith.constant 0 : i32
    %dma_start3A_1025 = tpu.memref_slice %arg7[%add3A_1023, %dma_start3A_1024] : memref<16384x128xf32, #tpu.memory_space<hbm>> -> memref<64x128xf32, #tpu.memory_space<hbm>>
    %dma_start3A_1026 = arith.constant 0 : i32
    %dma_start3A_1027 = tpu.memref_slice %arg7[%add3A_1023, %dma_start3A_1026] : memref<16384x128xf32, #tpu.memory_space<hbm>> -> memref<64x128xf32, #tpu.memory_space<hbm>>
    tpu.enqueue_dma source(%arg14 : memref<64x128xf32, #tpu.memory_space<vmem>>) target(%dma_start3A_1027 : memref<64x128xf32, #tpu.memory_space<hbm>>) target_semaphore(%arg25 : memref<!tpu.dma_semaphore, #tpu.memory_space<semaphore_mem>>)
    %dma_start3A_1028 = arith.constant 0 : i32
    %dma_start3A_1029 = tpu.memref_slice %arg8[%add3A_1023, %dma_start3A_1028] : memref<16384x128xf32, #tpu.memory_space<hbm>> -> memref<64x128xf32, #tpu.memory_space<hbm>>
    %dma_start3A_1030 = arith.constant 0 : i32
    %dma_start3A_1031 = tpu.memref_slice %arg8[%add3A_1023, %dma_start3A_1030] : memref<16384x128xf32, #tpu.memory_space<hbm>> -> memref<64x128xf32, #tpu.memory_space<hbm>>
    tpu.enqueue_dma source(%arg16 : memref<64x128xf32, #tpu.memory_space<vmem>>) target(%dma_start3A_1031 : memref<64x128xf32, #tpu.memory_space<hbm>>) target_semaphore(%arg25 : memref<!tpu.dma_semaphore, #tpu.memory_space<semaphore_mem>>)
    %add3A_1032 = arith.constant 448 : i32
    %add3A_1033 = arith.addi %mul3A_2, %add3A_1032 : i32
    %dma_start3A_1034 = arith.constant 3 : i32
    %dma_start3A_1035 = arith.constant 0 : i32
    %dma_start3A_1036 = arith.constant 0 : i32
    %dma_start3A_1037 = tpu.memref_slice %arg12[%dma_start3A_1034, %dma_start3A_1035, %dma_start3A_1036] : memref<4x1x64xi32, #tpu.memory_space<vmem>> -> memref<1x1x64xi32, #tpu.memory_space<vmem>>
    %dma_start3A_1038 = tpu.memref_squeeze %dma_start3A_1037 : memref<1x1x64xi32, #tpu.memory_space<vmem>> -> memref<64xi32, #tpu.memory_space<vmem>>
    %dma_start3A_1039 = tpu.memref_slice %arg3[%add3A_1033] : memref<16384xi32, #tpu.memory_space<hbm>> -> memref<64xi32, #tpu.memory_space<hbm>>
    %dma_start3A_1040 = arith.constant 0 : i32
    %dma_start3A_1041 = tpu.memref_slice %arg12[%dma_start3A_1034, %dma_start3A_1035, %dma_start3A_1040] : memref<4x1x64xi32, #tpu.memory_space<vmem>> -> memref<1x1x64xi32, #tpu.memory_space<vmem>>
    %dma_start3A_1042 = tpu.memref_squeeze %dma_start3A_1041 : memref<1x1x64xi32, #tpu.memory_space<vmem>> -> memref<64xi32, #tpu.memory_space<vmem>>
    %dma_start3A_1043 = tpu.memref_slice %arg3[%add3A_1033] : memref<16384xi32, #tpu.memory_space<hbm>> -> memref<64xi32, #tpu.memory_space<hbm>>
    tpu.enqueue_dma source(%dma_start3A_1043 : memref<64xi32, #tpu.memory_space<hbm>>) target(%dma_start3A_1042 : memref<64xi32, #tpu.memory_space<vmem>>) target_semaphore(%arg22 : memref<!tpu.dma_semaphore, #tpu.memory_space<semaphore_mem>>)
    %dma_start3A_1044 = arith.constant 3 : i32
    %dma_start3A_1045 = arith.constant 0 : i32
    %dma_start3A_1046 = arith.constant 0 : i32
    %dma_start3A_1047 = tpu.memref_slice %arg13[%dma_start3A_1044, %dma_start3A_1045, %dma_start3A_1046] : memref<4x1x64xi32, #tpu.memory_space<vmem>> -> memref<1x1x64xi32, #tpu.memory_space<vmem>>
    %dma_start3A_1048 = tpu.memref_squeeze %dma_start3A_1047 : memref<1x1x64xi32, #tpu.memory_space<vmem>> -> memref<64xi32, #tpu.memory_space<vmem>>
    %dma_start3A_1049 = tpu.memref_slice %arg4[%add3A_1033] : memref<16384xi32, #tpu.memory_space<hbm>> -> memref<64xi32, #tpu.memory_space<hbm>>
    %dma_start3A_1050 = arith.constant 0 : i32
    %dma_start3A_1051 = tpu.memref_slice %arg13[%dma_start3A_1044, %dma_start3A_1045, %dma_start3A_1050] : memref<4x1x64xi32, #tpu.memory_space<vmem>> -> memref<1x1x64xi32, #tpu.memory_space<vmem>>
    %dma_start3A_1052 = tpu.memref_squeeze %dma_start3A_1051 : memref<1x1x64xi32, #tpu.memory_space<vmem>> -> memref<64xi32, #tpu.memory_space<vmem>>
    %dma_start3A_1053 = tpu.memref_slice %arg4[%add3A_1033] : memref<16384xi32, #tpu.memory_space<hbm>> -> memref<64xi32, #tpu.memory_space<hbm>>
    tpu.enqueue_dma source(%dma_start3A_1053 : memref<64xi32, #tpu.memory_space<hbm>>) target(%dma_start3A_1052 : memref<64xi32, #tpu.memory_space<vmem>>) target_semaphore(%arg22 : memref<!tpu.dma_semaphore, #tpu.memory_space<semaphore_mem>>)
    %add3A_1054 = arith.constant 256 : i32
    %add3A_1055 = arith.addi %mul3A_2, %add3A_1054 : i32
    %dma_wait3A_1056 = arith.constant 0 : i32
    %dma_wait3A_1057 = tpu.memref_slice %arg7[%add3A_1055, %dma_wait3A_1056] : memref<16384x128xf32, #tpu.memory_space<hbm>> -> memref<64x128xf32, #tpu.memory_space<hbm>>
    %dma_wait3A_1058 = arith.constant 0 : i32
    %dma_wait3A_1059 = tpu.memref_slice %arg7[%add3A_1055, %dma_wait3A_1058] : memref<16384x128xf32, #tpu.memory_space<hbm>> -> memref<64x128xf32, #tpu.memory_space<hbm>>
    tpu.wait_dma2 semaphore(%arg25 : memref<!tpu.dma_semaphore, #tpu.memory_space<semaphore_mem>>) src(%arg14 : memref<64x128xf32, #tpu.memory_space<vmem>>) dst(%dma_wait3A_1059 : memref<64x128xf32, #tpu.memory_space<hbm>>)
    %dma_wait3A_1060 = arith.constant 0 : i32
    %dma_wait3A_1061 = tpu.memref_slice %arg8[%add3A_1055, %dma_wait3A_1060] : memref<16384x128xf32, #tpu.memory_space<hbm>> -> memref<64x128xf32, #tpu.memory_space<hbm>>
    %dma_wait3A_1062 = arith.constant 0 : i32
    %dma_wait3A_1063 = tpu.memref_slice %arg8[%add3A_1055, %dma_wait3A_1062] : memref<16384x128xf32, #tpu.memory_space<hbm>> -> memref<64x128xf32, #tpu.memory_space<hbm>>
    tpu.wait_dma2 semaphore(%arg25 : memref<!tpu.dma_semaphore, #tpu.memory_space<semaphore_mem>>) src(%arg16 : memref<64x128xf32, #tpu.memory_space<vmem>>) dst(%dma_wait3A_1063 : memref<64x128xf32, #tpu.memory_space<hbm>>)
    %add3A_1064 = arith.constant 384 : i32
    %add3A_1065 = arith.addi %mul3A_2, %add3A_1064 : i32
    %dma_wait3A_1066 = arith.constant 2 : i32
    %dma_wait3A_1067 = arith.constant 0 : i32
    %dma_wait3A_1068 = arith.constant 0 : i32
    %dma_wait3A_1069 = tpu.memref_slice %arg12[%dma_wait3A_1066, %dma_wait3A_1067, %dma_wait3A_1068] : memref<4x1x64xi32, #tpu.memory_space<vmem>> -> memref<1x1x64xi32, #tpu.memory_space<vmem>>
    %dma_wait3A_1070 = tpu.memref_squeeze %dma_wait3A_1069 : memref<1x1x64xi32, #tpu.memory_space<vmem>> -> memref<64xi32, #tpu.memory_space<vmem>>
    %dma_wait3A_1071 = tpu.memref_slice %arg3[%add3A_1065] : memref<16384xi32, #tpu.memory_space<hbm>> -> memref<64xi32, #tpu.memory_space<hbm>>
    %dma_wait3A_1072 = arith.constant 0 : i32
    %dma_wait3A_1073 = tpu.memref_slice %arg12[%dma_wait3A_1066, %dma_wait3A_1067, %dma_wait3A_1072] : memref<4x1x64xi32, #tpu.memory_space<vmem>> -> memref<1x1x64xi32, #tpu.memory_space<vmem>>
    %dma_wait3A_1074 = tpu.memref_squeeze %dma_wait3A_1073 : memref<1x1x64xi32, #tpu.memory_space<vmem>> -> memref<64xi32, #tpu.memory_space<vmem>>
    %dma_wait3A_1075 = tpu.memref_slice %arg3[%add3A_1065] : memref<16384xi32, #tpu.memory_space<hbm>> -> memref<64xi32, #tpu.memory_space<hbm>>
    tpu.wait_dma2 semaphore(%arg21 : memref<!tpu.dma_semaphore, #tpu.memory_space<semaphore_mem>>) src(%dma_wait3A_1075 : memref<64xi32, #tpu.memory_space<hbm>>) dst(%dma_wait3A_1074 : memref<64xi32, #tpu.memory_space<vmem>>)
    %dma_wait3A_1076 = arith.constant 2 : i32
    %dma_wait3A_1077 = arith.constant 0 : i32
    %dma_wait3A_1078 = arith.constant 0 : i32
    %dma_wait3A_1079 = tpu.memref_slice %arg13[%dma_wait3A_1076, %dma_wait3A_1077, %dma_wait3A_1078] : memref<4x1x64xi32, #tpu.memory_space<vmem>> -> memref<1x1x64xi32, #tpu.memory_space<vmem>>
    %dma_wait3A_1080 = tpu.memref_squeeze %dma_wait3A_1079 : memref<1x1x64xi32, #tpu.memory_space<vmem>> -> memref<64xi32, #tpu.memory_space<vmem>>
    %dma_wait3A_1081 = tpu.memref_slice %arg4[%add3A_1065] : memref<16384xi32, #tpu.memory_space<hbm>> -> memref<64xi32, #tpu.memory_space<hbm>>
    %dma_wait3A_1082 = arith.constant 0 : i32
    %dma_wait3A_1083 = tpu.memref_slice %arg13[%dma_wait3A_1076, %dma_wait3A_1077, %dma_wait3A_1082] : memref<4x1x64xi32, #tpu.memory_space<vmem>> -> memref<1x1x64xi32, #tpu.memory_space<vmem>>
    %dma_wait3A_1084 = tpu.memref_squeeze %dma_wait3A_1083 : memref<1x1x64xi32, #tpu.memory_space<vmem>> -> memref<64xi32, #tpu.memory_space<vmem>>
    %dma_wait3A_1085 = tpu.memref_slice %arg4[%add3A_1065] : memref<16384xi32, #tpu.memory_space<hbm>> -> memref<64xi32, #tpu.memory_space<hbm>>
    tpu.wait_dma2 semaphore(%arg21 : memref<!tpu.dma_semaphore, #tpu.memory_space<semaphore_mem>>) src(%dma_wait3A_1085 : memref<64xi32, #tpu.memory_space<hbm>>) dst(%dma_wait3A_1084 : memref<64xi32, #tpu.memory_space<vmem>>)
    %dma_start3A_1086 = arith.constant 2 : i32
    %dma_start3A_1087 = arith.constant 0 : i32
    %dma_start3A_1088 = arith.constant 0 : i32
    %dma_start3A_1089 = tpu.memref_slice %arg12[%dma_start3A_1086, %dma_start3A_1087, %dma_start3A_1088] : memref<4x1x64xi32, #tpu.memory_space<vmem>> -> memref<1x1x64xi32, #tpu.memory_space<vmem>>
    %dma_start3A_1090 = tpu.memref_squeeze %dma_start3A_1089 : memref<1x1x64xi32, #tpu.memory_space<vmem>> -> memref<64xi32, #tpu.memory_space<vmem>>
    %dma_start3A_1091 = arith.constant 0 : i32
    %dma_start3A_1092 = arith.constant 0 : i32
    %dma_start3A_1093 = tpu.memref_slice %arg2[%dma_start3A_1091, %dma_start3A_1092] : memref<10000x128xf32, #tpu.memory_space<hbm>> -> memref<10000x128xf32, #tpu.memory_space<hbm>>
    tpu.enqueue_indirect_dma source(%dma_start3A_1093 : memref<10000x128xf32, #tpu.memory_space<hbm>>) target(%arg14 : memref<64x128xf32, #tpu.memory_space<vmem>>) offsets(%dma_start3A_1090 : memref<64xi32, #tpu.memory_space<vmem>>) semaphore(%arg23 : memref<!tpu.dma_semaphore, #tpu.memory_space<semaphore_mem>>)
    %dma_start3A_1094 = arith.constant 2 : i32
    %dma_start3A_1095 = arith.constant 0 : i32
    %dma_start3A_1096 = arith.constant 0 : i32
    %dma_start3A_1097 = tpu.memref_slice %arg13[%dma_start3A_1094, %dma_start3A_1095, %dma_start3A_1096] : memref<4x1x64xi32, #tpu.memory_space<vmem>> -> memref<1x1x64xi32, #tpu.memory_space<vmem>>
    %dma_start3A_1098 = tpu.memref_squeeze %dma_start3A_1097 : memref<1x1x64xi32, #tpu.memory_space<vmem>> -> memref<64xi32, #tpu.memory_space<vmem>>
    %dma_start3A_1099 = arith.constant 0 : i32
    %dma_start3A_1100 = arith.constant 0 : i32
    %dma_start3A_1101 = tpu.memref_slice %arg2[%dma_start3A_1099, %dma_start3A_1100] : memref<10000x128xf32, #tpu.memory_space<hbm>> -> memref<10000x128xf32, #tpu.memory_space<hbm>>
    tpu.enqueue_indirect_dma source(%dma_start3A_1101 : memref<10000x128xf32, #tpu.memory_space<hbm>>) target(%arg16 : memref<64x128xf32, #tpu.memory_space<vmem>>) offsets(%dma_start3A_1098 : memref<64xi32, #tpu.memory_space<vmem>>) semaphore(%arg23 : memref<!tpu.dma_semaphore, #tpu.memory_space<semaphore_mem>>)
    %dma_wait3A_1102 = arith.constant 1 : i32
    %dma_wait3A_1103 = arith.constant 0 : i32
    %dma_wait3A_1104 = arith.constant 0 : i32
    %dma_wait3A_1105 = tpu.memref_slice %arg12[%dma_wait3A_1102, %dma_wait3A_1103, %dma_wait3A_1104] : memref<4x1x64xi32, #tpu.memory_space<vmem>> -> memref<1x1x64xi32, #tpu.memory_space<vmem>>
    %dma_wait3A_1106 = tpu.memref_squeeze %dma_wait3A_1105 : memref<1x1x64xi32, #tpu.memory_space<vmem>> -> memref<64xi32, #tpu.memory_space<vmem>>
    %dma_wait3A_1107 = arith.constant 0 : i32
    %dma_wait3A_1108 = arith.constant 0 : i32
    %dma_wait3A_1109 = tpu.memref_slice %arg2[%dma_wait3A_1107, %dma_wait3A_1108] : memref<10000x128xf32, #tpu.memory_space<hbm>> -> memref<10000x128xf32, #tpu.memory_space<hbm>>
    tpu.wait_indirect_dma semaphore(%arg24 : memref<!tpu.dma_semaphore, #tpu.memory_space<semaphore_mem>>) src(%dma_wait3A_1109 : memref<10000x128xf32, #tpu.memory_space<hbm>>) dst(%arg15 : memref<64x128xf32, #tpu.memory_space<vmem>>)
    %dma_wait3A_1110 = arith.constant 1 : i32
    %dma_wait3A_1111 = arith.constant 0 : i32
    %dma_wait3A_1112 = arith.constant 0 : i32
    %dma_wait3A_1113 = tpu.memref_slice %arg13[%dma_wait3A_1110, %dma_wait3A_1111, %dma_wait3A_1112] : memref<4x1x64xi32, #tpu.memory_space<vmem>> -> memref<1x1x64xi32, #tpu.memory_space<vmem>>
    %dma_wait3A_1114 = tpu.memref_squeeze %dma_wait3A_1113 : memref<1x1x64xi32, #tpu.memory_space<vmem>> -> memref<64xi32, #tpu.memory_space<vmem>>
    %dma_wait3A_1115 = arith.constant 0 : i32
    %dma_wait3A_1116 = arith.constant 0 : i32
    %dma_wait3A_1117 = tpu.memref_slice %arg2[%dma_wait3A_1115, %dma_wait3A_1116] : memref<10000x128xf32, #tpu.memory_space<hbm>> -> memref<10000x128xf32, #tpu.memory_space<hbm>>
    tpu.wait_indirect_dma semaphore(%arg24 : memref<!tpu.dma_semaphore, #tpu.memory_space<semaphore_mem>>) src(%dma_wait3A_1117 : memref<10000x128xf32, #tpu.memory_space<hbm>>) dst(%arg17 : memref<64x128xf32, #tpu.memory_space<vmem>>)
    %get3A_1118 = arith.constant 1 : i32
    %get3A_1119 = arith.constant 0 : i32
    %get3A_1120 = arith.index_cast %get3A_1118 : i32 to index
    %get3A_1121 = arith.index_cast %get3A_1119 : i32 to index
    %get3A_1122 = arith.constant 0 : index
    %get3A_1123 = tpu.vector_load %arg12[%get3A_1120, %get3A_1121, %get3A_1122] {strides = array<i32>} : memref<4x1x64xi32, #tpu.memory_space<vmem>>, vector<16xi32>,
    %get3A_1124 = arith.constant 1 : i32
    %get3A_1125 = arith.constant 0 : i32
    %get3A_1126 = arith.index_cast %get3A_1124 : i32 to index
    %get3A_1127 = arith.index_cast %get3A_1125 : i32 to index
    %get3A_1128 = arith.constant 0 : index
    %get3A_1129 = tpu.vector_load %arg13[%get3A_1126, %get3A_1127, %get3A_1128] {strides = array<i32>} : memref<4x1x64xi32, #tpu.memory_space<vmem>>, vector<16xi32>,
    %add3A_1130 = arith.constant 1 : i32
    %add3A_1131 = vector.broadcast %add3A_1130 : i32 to vector<16xi32>
    %add3A_1132 = arith.addi %get3A_1123, %add3A_1131 : vector<16xi32>
    %gather3A_1133 = tpu.vector_load_idx %arg10[%add3A_1132] : memref<10016xf32, #tpu.memory_space<vmem>>[vector<16xi32>], vector<16xf32>,
    %add3A_1134 = arith.constant 1 : i32
    %add3A_1135 = vector.broadcast %add3A_1134 : i32 to vector<16xi32>
    %add3A_1136 = arith.addi %get3A_1129, %add3A_1135 : vector<16xi32>
    %gather3A_1137 = tpu.vector_load_idx %arg10[%add3A_1136] : memref<10016xf32, #tpu.memory_space<vmem>>[vector<16xi32>], vector<16xf32>,
    %add3A_1138 = arith.addf %gather3A_1133, %gather3A_1137 : vector<16xf32>
    %add3A_1139 = arith.addf %add3A_1138, %get3A_3 : vector<16xf32>
    %swap3A_1140 = arith.constant 320 : index
    %swap3A_1141 = tpu.vector_load %arg18[%swap3A_1140] {strides = array<i32>} : memref<512xf32, #tpu.memory_space<vmem>>, vector<16xf32>,
    tpu.vector_store %arg18[%swap3A_1140], %add3A_1139 {strides = array<i32>} : memref<512xf32, #tpu.memory_space<vmem>>, vector<16xf32>,
    %get3A_1142 = arith.constant 1 : i32
    %get3A_1143 = arith.constant 0 : i32
    %get3A_1144 = arith.index_cast %get3A_1142 : i32 to index
    %get3A_1145 = arith.index_cast %get3A_1143 : i32 to index
    %get3A_1146 = arith.constant 16 : index
    %get3A_1147 = tpu.vector_load %arg12[%get3A_1144, %get3A_1145, %get3A_1146] {strides = array<i32>} : memref<4x1x64xi32, #tpu.memory_space<vmem>>, vector<16xi32>,
    %get3A_1148 = arith.constant 1 : i32
    %get3A_1149 = arith.constant 0 : i32
    %get3A_1150 = arith.index_cast %get3A_1148 : i32 to index
    %get3A_1151 = arith.index_cast %get3A_1149 : i32 to index
    %get3A_1152 = arith.constant 16 : index
    %get3A_1153 = tpu.vector_load %arg13[%get3A_1150, %get3A_1151, %get3A_1152] {strides = array<i32>} : memref<4x1x64xi32, #tpu.memory_space<vmem>>, vector<16xi32>,
    %add3A_1154 = arith.constant 1 : i32
    %add3A_1155 = vector.broadcast %add3A_1154 : i32 to vector<16xi32>
    %add3A_1156 = arith.addi %get3A_1147, %add3A_1155 : vector<16xi32>
    %gather3A_1157 = tpu.vector_load_idx %arg10[%add3A_1156] : memref<10016xf32, #tpu.memory_space<vmem>>[vector<16xi32>], vector<16xf32>,
    %add3A_1158 = arith.constant 1 : i32
    %add3A_1159 = vector.broadcast %add3A_1158 : i32 to vector<16xi32>
    %add3A_1160 = arith.addi %get3A_1153, %add3A_1159 : vector<16xi32>
    %gather3A_1161 = tpu.vector_load_idx %arg10[%add3A_1160] : memref<10016xf32, #tpu.memory_space<vmem>>[vector<16xi32>], vector<16xf32>,
    %add3A_1162 = arith.addf %gather3A_1157, %gather3A_1161 : vector<16xf32>
    %add3A_1163 = arith.addf %add3A_1162, %get3A_3 : vector<16xf32>
    %swap3A_1164 = arith.constant 336 : index
    %swap3A_1165 = tpu.vector_load %arg18[%swap3A_1164] {strides = array<i32>} : memref<512xf32, #tpu.memory_space<vmem>>, vector<16xf32>,
    tpu.vector_store %arg18[%swap3A_1164], %add3A_1163 {strides = array<i32>} : memref<512xf32, #tpu.memory_space<vmem>>, vector<16xf32>,
    %get3A_1166 = arith.constant 1 : i32
    %get3A_1167 = arith.constant 0 : i32
    %get3A_1168 = arith.index_cast %get3A_1166 : i32 to index
    %get3A_1169 = arith.index_cast %get3A_1167 : i32 to index
    %get3A_1170 = arith.constant 32 : index
    %get3A_1171 = tpu.vector_load %arg12[%get3A_1168, %get3A_1169, %get3A_1170] {strides = array<i32>} : memref<4x1x64xi32, #tpu.memory_space<vmem>>, vector<16xi32>,
    %get3A_1172 = arith.constant 1 : i32
    %get3A_1173 = arith.constant 0 : i32
    %get3A_1174 = arith.index_cast %get3A_1172 : i32 to index
    %get3A_1175 = arith.index_cast %get3A_1173 : i32 to index
    %get3A_1176 = arith.constant 32 : index
    %get3A_1177 = tpu.vector_load %arg13[%get3A_1174, %get3A_1175, %get3A_1176] {strides = array<i32>} : memref<4x1x64xi32, #tpu.memory_space<vmem>>, vector<16xi32>,
    %add3A_1178 = arith.constant 1 : i32
    %add3A_1179 = vector.broadcast %add3A_1178 : i32 to vector<16xi32>
    %add3A_1180 = arith.addi %get3A_1171, %add3A_1179 : vector<16xi32>
    %gather3A_1181 = tpu.vector_load_idx %arg10[%add3A_1180] : memref<10016xf32, #tpu.memory_space<vmem>>[vector<16xi32>], vector<16xf32>,
    %add3A_1182 = arith.constant 1 : i32
    %add3A_1183 = vector.broadcast %add3A_1182 : i32 to vector<16xi32>
    %add3A_1184 = arith.addi %get3A_1177, %add3A_1183 : vector<16xi32>
    %gather3A_1185 = tpu.vector_load_idx %arg10[%add3A_1184] : memref<10016xf32, #tpu.memory_space<vmem>>[vector<16xi32>], vector<16xf32>,
    %add3A_1186 = arith.addf %gather3A_1181, %gather3A_1185 : vector<16xf32>
    %add3A_1187 = arith.addf %add3A_1186, %get3A_3 : vector<16xf32>
    %swap3A_1188 = arith.constant 352 : index
    %swap3A_1189 = tpu.vector_load %arg18[%swap3A_1188] {strides = array<i32>} : memref<512xf32, #tpu.memory_space<vmem>>, vector<16xf32>,
    tpu.vector_store %arg18[%swap3A_1188], %add3A_1187 {strides = array<i32>} : memref<512xf32, #tpu.memory_space<vmem>>, vector<16xf32>,
    %get3A_1190 = arith.constant 1 : i32
    %get3A_1191 = arith.constant 0 : i32
    %get3A_1192 = arith.index_cast %get3A_1190 : i32 to index
    %get3A_1193 = arith.index_cast %get3A_1191 : i32 to index
    %get3A_1194 = arith.constant 48 : index
    %get3A_1195 = tpu.vector_load %arg12[%get3A_1192, %get3A_1193, %get3A_1194] {strides = array<i32>} : memref<4x1x64xi32, #tpu.memory_space<vmem>>, vector<16xi32>,
    %get3A_1196 = arith.constant 1 : i32
    %get3A_1197 = arith.constant 0 : i32
    %get3A_1198 = arith.index_cast %get3A_1196 : i32 to index
    %get3A_1199 = arith.index_cast %get3A_1197 : i32 to index
    %get3A_1200 = arith.constant 48 : index
    %get3A_1201 = tpu.vector_load %arg13[%get3A_1198, %get3A_1199, %get3A_1200] {strides = array<i32>} : memref<4x1x64xi32, #tpu.memory_space<vmem>>, vector<16xi32>,
    %add3A_1202 = arith.constant 1 : i32
    %add3A_1203 = vector.broadcast %add3A_1202 : i32 to vector<16xi32>
    %add3A_1204 = arith.addi %get3A_1195, %add3A_1203 : vector<16xi32>
    %gather3A_1205 = tpu.vector_load_idx %arg10[%add3A_1204] : memref<10016xf32, #tpu.memory_space<vmem>>[vector<16xi32>], vector<16xf32>,
    %add3A_1206 = arith.constant 1 : i32
    %add3A_1207 = vector.broadcast %add3A_1206 : i32 to vector<16xi32>
    %add3A_1208 = arith.addi %get3A_1201, %add3A_1207 : vector<16xi32>
    %gather3A_1209 = tpu.vector_load_idx %arg10[%add3A_1208] : memref<10016xf32, #tpu.memory_space<vmem>>[vector<16xi32>], vector<16xf32>,
    %add3A_1210 = arith.addf %gather3A_1205, %gather3A_1209 : vector<16xf32>
    %add3A_1211 = arith.addf %add3A_1210, %get3A_3 : vector<16xf32>
    %swap3A_1212 = arith.constant 368 : index
    %swap3A_1213 = tpu.vector_load %arg18[%swap3A_1212] {strides = array<i32>} : memref<512xf32, #tpu.memory_space<vmem>>, vector<16xf32>,
    tpu.vector_store %arg18[%swap3A_1212], %add3A_1211 {strides = array<i32>} : memref<512xf32, #tpu.memory_space<vmem>>, vector<16xf32>,
    %add3A_1214 = arith.constant 320 : i32
    %add3A_1215 = arith.addi %mul3A_2, %add3A_1214 : i32
    %dma_start3A_1216 = arith.constant 0 : i32
    %dma_start3A_1217 = tpu.memref_slice %arg7[%add3A_1215, %dma_start3A_1216] : memref<16384x128xf32, #tpu.memory_space<hbm>> -> memref<64x128xf32, #tpu.memory_space<hbm>>
    %dma_start3A_1218 = arith.constant 0 : i32
    %dma_start3A_1219 = tpu.memref_slice %arg7[%add3A_1215, %dma_start3A_1218] : memref<16384x128xf32, #tpu.memory_space<hbm>> -> memref<64x128xf32, #tpu.memory_space<hbm>>
    tpu.enqueue_dma source(%arg15 : memref<64x128xf32, #tpu.memory_space<vmem>>) target(%dma_start3A_1219 : memref<64x128xf32, #tpu.memory_space<hbm>>) target_semaphore(%arg26 : memref<!tpu.dma_semaphore, #tpu.memory_space<semaphore_mem>>)
    %dma_start3A_1220 = arith.constant 0 : i32
    %dma_start3A_1221 = tpu.memref_slice %arg8[%add3A_1215, %dma_start3A_1220] : memref<16384x128xf32, #tpu.memory_space<hbm>> -> memref<64x128xf32, #tpu.memory_space<hbm>>
    %dma_start3A_1222 = arith.constant 0 : i32
    %dma_start3A_1223 = tpu.memref_slice %arg8[%add3A_1215, %dma_start3A_1222] : memref<16384x128xf32, #tpu.memory_space<hbm>> -> memref<64x128xf32, #tpu.memory_space<hbm>>
    tpu.enqueue_dma source(%arg17 : memref<64x128xf32, #tpu.memory_space<vmem>>) target(%dma_start3A_1223 : memref<64x128xf32, #tpu.memory_space<hbm>>) target_semaphore(%arg26 : memref<!tpu.dma_semaphore, #tpu.memory_space<semaphore_mem>>)
    %add3A_1224 = arith.constant 320 : i32
    %add3A_1225 = arith.addi %mul3A_2, %add3A_1224 : i32
    %dma_wait3A_1226 = arith.constant 0 : i32
    %dma_wait3A_1227 = tpu.memref_slice %arg7[%add3A_1225, %dma_wait3A_1226] : memref<16384x128xf32, #tpu.memory_space<hbm>> -> memref<64x128xf32, #tpu.memory_space<hbm>>
    %dma_wait3A_1228 = arith.constant 0 : i32
    %dma_wait3A_1229 = tpu.memref_slice %arg7[%add3A_1225, %dma_wait3A_1228] : memref<16384x128xf32, #tpu.memory_space<hbm>> -> memref<64x128xf32, #tpu.memory_space<hbm>>
    tpu.wait_dma2 semaphore(%arg26 : memref<!tpu.dma_semaphore, #tpu.memory_space<semaphore_mem>>) src(%arg15 : memref<64x128xf32, #tpu.memory_space<vmem>>) dst(%dma_wait3A_1229 : memref<64x128xf32, #tpu.memory_space<hbm>>)
    %dma_wait3A_1230 = arith.constant 0 : i32
    %dma_wait3A_1231 = tpu.memref_slice %arg8[%add3A_1225, %dma_wait3A_1230] : memref<16384x128xf32, #tpu.memory_space<hbm>> -> memref<64x128xf32, #tpu.memory_space<hbm>>
    %dma_wait3A_1232 = arith.constant 0 : i32
    %dma_wait3A_1233 = tpu.memref_slice %arg8[%add3A_1225, %dma_wait3A_1232] : memref<16384x128xf32, #tpu.memory_space<hbm>> -> memref<64x128xf32, #tpu.memory_space<hbm>>
    tpu.wait_dma2 semaphore(%arg26 : memref<!tpu.dma_semaphore, #tpu.memory_space<semaphore_mem>>) src(%arg17 : memref<64x128xf32, #tpu.memory_space<vmem>>) dst(%dma_wait3A_1233 : memref<64x128xf32, #tpu.memory_space<hbm>>)
    %add3A_1234 = arith.constant 448 : i32
    %add3A_1235 = arith.addi %mul3A_2, %add3A_1234 : i32
    %dma_wait3A_1236 = arith.constant 3 : i32
    %dma_wait3A_1237 = arith.constant 0 : i32
    %dma_wait3A_1238 = arith.constant 0 : i32
    %dma_wait3A_1239 = tpu.memref_slice %arg12[%dma_wait3A_1236, %dma_wait3A_1237, %dma_wait3A_1238] : memref<4x1x64xi32, #tpu.memory_space<vmem>> -> memref<1x1x64xi32, #tpu.memory_space<vmem>>
    %dma_wait3A_1240 = tpu.memref_squeeze %dma_wait3A_1239 : memref<1x1x64xi32, #tpu.memory_space<vmem>> -> memref<64xi32, #tpu.memory_space<vmem>>
    %dma_wait3A_1241 = tpu.memref_slice %arg3[%add3A_1235] : memref<16384xi32, #tpu.memory_space<hbm>> -> memref<64xi32, #tpu.memory_space<hbm>>
    %dma_wait3A_1242 = arith.constant 0 : i32
    %dma_wait3A_1243 = tpu.memref_slice %arg12[%dma_wait3A_1236, %dma_wait3A_1237, %dma_wait3A_1242] : memref<4x1x64xi32, #tpu.memory_space<vmem>> -> memref<1x1x64xi32, #tpu.memory_space<vmem>>
    %dma_wait3A_1244 = tpu.memref_squeeze %dma_wait3A_1243 : memref<1x1x64xi32, #tpu.memory_space<vmem>> -> memref<64xi32, #tpu.memory_space<vmem>>
    %dma_wait3A_1245 = tpu.memref_slice %arg3[%add3A_1235] : memref<16384xi32, #tpu.memory_space<hbm>> -> memref<64xi32, #tpu.memory_space<hbm>>
    tpu.wait_dma2 semaphore(%arg22 : memref<!tpu.dma_semaphore, #tpu.memory_space<semaphore_mem>>) src(%dma_wait3A_1245 : memref<64xi32, #tpu.memory_space<hbm>>) dst(%dma_wait3A_1244 : memref<64xi32, #tpu.memory_space<vmem>>)
    %dma_wait3A_1246 = arith.constant 3 : i32
    %dma_wait3A_1247 = arith.constant 0 : i32
    %dma_wait3A_1248 = arith.constant 0 : i32
    %dma_wait3A_1249 = tpu.memref_slice %arg13[%dma_wait3A_1246, %dma_wait3A_1247, %dma_wait3A_1248] : memref<4x1x64xi32, #tpu.memory_space<vmem>> -> memref<1x1x64xi32, #tpu.memory_space<vmem>>
    %dma_wait3A_1250 = tpu.memref_squeeze %dma_wait3A_1249 : memref<1x1x64xi32, #tpu.memory_space<vmem>> -> memref<64xi32, #tpu.memory_space<vmem>>
    %dma_wait3A_1251 = tpu.memref_slice %arg4[%add3A_1235] : memref<16384xi32, #tpu.memory_space<hbm>> -> memref<64xi32, #tpu.memory_space<hbm>>
    %dma_wait3A_1252 = arith.constant 0 : i32
    %dma_wait3A_1253 = tpu.memref_slice %arg13[%dma_wait3A_1246, %dma_wait3A_1247, %dma_wait3A_1252] : memref<4x1x64xi32, #tpu.memory_space<vmem>> -> memref<1x1x64xi32, #tpu.memory_space<vmem>>
    %dma_wait3A_1254 = tpu.memref_squeeze %dma_wait3A_1253 : memref<1x1x64xi32, #tpu.memory_space<vmem>> -> memref<64xi32, #tpu.memory_space<vmem>>
    %dma_wait3A_1255 = tpu.memref_slice %arg4[%add3A_1235] : memref<16384xi32, #tpu.memory_space<hbm>> -> memref<64xi32, #tpu.memory_space<hbm>>
    tpu.wait_dma2 semaphore(%arg22 : memref<!tpu.dma_semaphore, #tpu.memory_space<semaphore_mem>>) src(%dma_wait3A_1255 : memref<64xi32, #tpu.memory_space<hbm>>) dst(%dma_wait3A_1254 : memref<64xi32, #tpu.memory_space<vmem>>)
    %dma_start3A_1256 = arith.constant 3 : i32
    %dma_start3A_1257 = arith.constant 0 : i32
    %dma_start3A_1258 = arith.constant 0 : i32
    %dma_start3A_1259 = tpu.memref_slice %arg12[%dma_start3A_1256, %dma_start3A_1257, %dma_start3A_1258] : memref<4x1x64xi32, #tpu.memory_space<vmem>> -> memref<1x1x64xi32, #tpu.memory_space<vmem>>
    %dma_start3A_1260 = tpu.memref_squeeze %dma_start3A_1259 : memref<1x1x64xi32, #tpu.memory_space<vmem>> -> memref<64xi32, #tpu.memory_space<vmem>>
    %dma_start3A_1261 = arith.constant 0 : i32
    %dma_start3A_1262 = arith.constant 0 : i32
    %dma_start3A_1263 = tpu.memref_slice %arg2[%dma_start3A_1261, %dma_start3A_1262] : memref<10000x128xf32, #tpu.memory_space<hbm>> -> memref<10000x128xf32, #tpu.memory_space<hbm>>
    tpu.enqueue_indirect_dma source(%dma_start3A_1263 : memref<10000x128xf32, #tpu.memory_space<hbm>>) target(%arg15 : memref<64x128xf32, #tpu.memory_space<vmem>>) offsets(%dma_start3A_1260 : memref<64xi32, #tpu.memory_space<vmem>>) semaphore(%arg24 : memref<!tpu.dma_semaphore, #tpu.memory_space<semaphore_mem>>)
    %dma_start3A_1264 = arith.constant 3 : i32
    %dma_start3A_1265 = arith.constant 0 : i32
    %dma_start3A_1266 = arith.constant 0 : i32
    %dma_start3A_1267 = tpu.memref_slice %arg13[%dma_start3A_1264, %dma_start3A_1265, %dma_start3A_1266] : memref<4x1x64xi32, #tpu.memory_space<vmem>> -> memref<1x1x64xi32, #tpu.memory_space<vmem>>
    %dma_start3A_1268 = tpu.memref_squeeze %dma_start3A_1267 : memref<1x1x64xi32, #tpu.memory_space<vmem>> -> memref<64xi32, #tpu.memory_space<vmem>>
    %dma_start3A_1269 = arith.constant 0 : i32
    %dma_start3A_1270 = arith.constant 0 : i32
    %dma_start3A_1271 = tpu.memref_slice %arg2[%dma_start3A_1269, %dma_start3A_1270] : memref<10000x128xf32, #tpu.memory_space<hbm>> -> memref<10000x128xf32, #tpu.memory_space<hbm>>
    tpu.enqueue_indirect_dma source(%dma_start3A_1271 : memref<10000x128xf32, #tpu.memory_space<hbm>>) target(%arg17 : memref<64x128xf32, #tpu.memory_space<vmem>>) offsets(%dma_start3A_1268 : memref<64xi32, #tpu.memory_space<vmem>>) semaphore(%arg24 : memref<!tpu.dma_semaphore, #tpu.memory_space<semaphore_mem>>)
    %dma_wait3A_1272 = arith.constant 2 : i32
    %dma_wait3A_1273 = arith.constant 0 : i32
    %dma_wait3A_1274 = arith.constant 0 : i32
    %dma_wait3A_1275 = tpu.memref_slice %arg12[%dma_wait3A_1272, %dma_wait3A_1273, %dma_wait3A_1274] : memref<4x1x64xi32, #tpu.memory_space<vmem>> -> memref<1x1x64xi32, #tpu.memory_space<vmem>>
    %dma_wait3A_1276 = tpu.memref_squeeze %dma_wait3A_1275 : memref<1x1x64xi32, #tpu.memory_space<vmem>> -> memref<64xi32, #tpu.memory_space<vmem>>
    %dma_wait3A_1277 = arith.constant 0 : i32
    %dma_wait3A_1278 = arith.constant 0 : i32
    %dma_wait3A_1279 = tpu.memref_slice %arg2[%dma_wait3A_1277, %dma_wait3A_1278] : memref<10000x128xf32, #tpu.memory_space<hbm>> -> memref<10000x128xf32, #tpu.memory_space<hbm>>
    tpu.wait_indirect_dma semaphore(%arg23 : memref<!tpu.dma_semaphore, #tpu.memory_space<semaphore_mem>>) src(%dma_wait3A_1279 : memref<10000x128xf32, #tpu.memory_space<hbm>>) dst(%arg14 : memref<64x128xf32, #tpu.memory_space<vmem>>)
    %dma_wait3A_1280 = arith.constant 2 : i32
    %dma_wait3A_1281 = arith.constant 0 : i32
    %dma_wait3A_1282 = arith.constant 0 : i32
    %dma_wait3A_1283 = tpu.memref_slice %arg13[%dma_wait3A_1280, %dma_wait3A_1281, %dma_wait3A_1282] : memref<4x1x64xi32, #tpu.memory_space<vmem>> -> memref<1x1x64xi32, #tpu.memory_space<vmem>>
    %dma_wait3A_1284 = tpu.memref_squeeze %dma_wait3A_1283 : memref<1x1x64xi32, #tpu.memory_space<vmem>> -> memref<64xi32, #tpu.memory_space<vmem>>
    %dma_wait3A_1285 = arith.constant 0 : i32
    %dma_wait3A_1286 = arith.constant 0 : i32
    %dma_wait3A_1287 = tpu.memref_slice %arg2[%dma_wait3A_1285, %dma_wait3A_1286] : memref<10000x128xf32, #tpu.memory_space<hbm>> -> memref<10000x128xf32, #tpu.memory_space<hbm>>
    tpu.wait_indirect_dma semaphore(%arg23 : memref<!tpu.dma_semaphore, #tpu.memory_space<semaphore_mem>>) src(%dma_wait3A_1287 : memref<10000x128xf32, #tpu.memory_space<hbm>>) dst(%arg16 : memref<64x128xf32, #tpu.memory_space<vmem>>)
    %get3A_1288 = arith.constant 2 : i32
    %get3A_1289 = arith.constant 0 : i32
    %get3A_1290 = arith.index_cast %get3A_1288 : i32 to index
    %get3A_1291 = arith.index_cast %get3A_1289 : i32 to index
    %get3A_1292 = arith.constant 0 : index
    %get3A_1293 = tpu.vector_load %arg12[%get3A_1290, %get3A_1291, %get3A_1292] {strides = array<i32>} : memref<4x1x64xi32, #tpu.memory_space<vmem>>, vector<16xi32>,
    %get3A_1294 = arith.constant 2 : i32
    %get3A_1295 = arith.constant 0 : i32
    %get3A_1296 = arith.index_cast %get3A_1294 : i32 to index
    %get3A_1297 = arith.index_cast %get3A_1295 : i32 to index
    %get3A_1298 = arith.constant 0 : index
    %get3A_1299 = tpu.vector_load %arg13[%get3A_1296, %get3A_1297, %get3A_1298] {strides = array<i32>} : memref<4x1x64xi32, #tpu.memory_space<vmem>>, vector<16xi32>,
    %add3A_1300 = arith.constant 1 : i32
    %add3A_1301 = vector.broadcast %add3A_1300 : i32 to vector<16xi32>
    %add3A_1302 = arith.addi %get3A_1293, %add3A_1301 : vector<16xi32>
    %gather3A_1303 = tpu.vector_load_idx %arg10[%add3A_1302] : memref<10016xf32, #tpu.memory_space<vmem>>[vector<16xi32>], vector<16xf32>,
    %add3A_1304 = arith.constant 1 : i32
    %add3A_1305 = vector.broadcast %add3A_1304 : i32 to vector<16xi32>
    %add3A_1306 = arith.addi %get3A_1299, %add3A_1305 : vector<16xi32>
    %gather3A_1307 = tpu.vector_load_idx %arg10[%add3A_1306] : memref<10016xf32, #tpu.memory_space<vmem>>[vector<16xi32>], vector<16xf32>,
    %add3A_1308 = arith.addf %gather3A_1303, %gather3A_1307 : vector<16xf32>
    %add3A_1309 = arith.addf %add3A_1308, %get3A_3 : vector<16xf32>
    %swap3A_1310 = arith.constant 384 : index
    %swap3A_1311 = tpu.vector_load %arg18[%swap3A_1310] {strides = array<i32>} : memref<512xf32, #tpu.memory_space<vmem>>, vector<16xf32>,
    tpu.vector_store %arg18[%swap3A_1310], %add3A_1309 {strides = array<i32>} : memref<512xf32, #tpu.memory_space<vmem>>, vector<16xf32>,
    %get3A_1312 = arith.constant 2 : i32
    %get3A_1313 = arith.constant 0 : i32
    %get3A_1314 = arith.index_cast %get3A_1312 : i32 to index
    %get3A_1315 = arith.index_cast %get3A_1313 : i32 to index
    %get3A_1316 = arith.constant 16 : index
    %get3A_1317 = tpu.vector_load %arg12[%get3A_1314, %get3A_1315, %get3A_1316] {strides = array<i32>} : memref<4x1x64xi32, #tpu.memory_space<vmem>>, vector<16xi32>,
    %get3A_1318 = arith.constant 2 : i32
    %get3A_1319 = arith.constant 0 : i32
    %get3A_1320 = arith.index_cast %get3A_1318 : i32 to index
    %get3A_1321 = arith.index_cast %get3A_1319 : i32 to index
    %get3A_1322 = arith.constant 16 : index
    %get3A_1323 = tpu.vector_load %arg13[%get3A_1320, %get3A_1321, %get3A_1322] {strides = array<i32>} : memref<4x1x64xi32, #tpu.memory_space<vmem>>, vector<16xi32>,
    %add3A_1324 = arith.constant 1 : i32
    %add3A_1325 = vector.broadcast %add3A_1324 : i32 to vector<16xi32>
    %add3A_1326 = arith.addi %get3A_1317, %add3A_1325 : vector<16xi32>
    %gather3A_1327 = tpu.vector_load_idx %arg10[%add3A_1326] : memref<10016xf32, #tpu.memory_space<vmem>>[vector<16xi32>], vector<16xf32>,
    %add3A_1328 = arith.constant 1 : i32
    %add3A_1329 = vector.broadcast %add3A_1328 : i32 to vector<16xi32>
    %add3A_1330 = arith.addi %get3A_1323, %add3A_1329 : vector<16xi32>
    %gather3A_1331 = tpu.vector_load_idx %arg10[%add3A_1330] : memref<10016xf32, #tpu.memory_space<vmem>>[vector<16xi32>], vector<16xf32>,
    %add3A_1332 = arith.addf %gather3A_1327, %gather3A_1331 : vector<16xf32>
    %add3A_1333 = arith.addf %add3A_1332, %get3A_3 : vector<16xf32>
    %swap3A_1334 = arith.constant 400 : index
    %swap3A_1335 = tpu.vector_load %arg18[%swap3A_1334] {strides = array<i32>} : memref<512xf32, #tpu.memory_space<vmem>>, vector<16xf32>,
    tpu.vector_store %arg18[%swap3A_1334], %add3A_1333 {strides = array<i32>} : memref<512xf32, #tpu.memory_space<vmem>>, vector<16xf32>,
    %get3A_1336 = arith.constant 2 : i32
    %get3A_1337 = arith.constant 0 : i32
    %get3A_1338 = arith.index_cast %get3A_1336 : i32 to index
    %get3A_1339 = arith.index_cast %get3A_1337 : i32 to index
    %get3A_1340 = arith.constant 32 : index
    %get3A_1341 = tpu.vector_load %arg12[%get3A_1338, %get3A_1339, %get3A_1340] {strides = array<i32>} : memref<4x1x64xi32, #tpu.memory_space<vmem>>, vector<16xi32>,
    %get3A_1342 = arith.constant 2 : i32
    %get3A_1343 = arith.constant 0 : i32
    %get3A_1344 = arith.index_cast %get3A_1342 : i32 to index
    %get3A_1345 = arith.index_cast %get3A_1343 : i32 to index
    %get3A_1346 = arith.constant 32 : index
    %get3A_1347 = tpu.vector_load %arg13[%get3A_1344, %get3A_1345, %get3A_1346] {strides = array<i32>} : memref<4x1x64xi32, #tpu.memory_space<vmem>>, vector<16xi32>,
    %add3A_1348 = arith.constant 1 : i32
    %add3A_1349 = vector.broadcast %add3A_1348 : i32 to vector<16xi32>
    %add3A_1350 = arith.addi %get3A_1341, %add3A_1349 : vector<16xi32>
    %gather3A_1351 = tpu.vector_load_idx %arg10[%add3A_1350] : memref<10016xf32, #tpu.memory_space<vmem>>[vector<16xi32>], vector<16xf32>,
    %add3A_1352 = arith.constant 1 : i32
    %add3A_1353 = vector.broadcast %add3A_1352 : i32 to vector<16xi32>
    %add3A_1354 = arith.addi %get3A_1347, %add3A_1353 : vector<16xi32>
    %gather3A_1355 = tpu.vector_load_idx %arg10[%add3A_1354] : memref<10016xf32, #tpu.memory_space<vmem>>[vector<16xi32>], vector<16xf32>,
    %add3A_1356 = arith.addf %gather3A_1351, %gather3A_1355 : vector<16xf32>
    %add3A_1357 = arith.addf %add3A_1356, %get3A_3 : vector<16xf32>
    %swap3A_1358 = arith.constant 416 : index
    %swap3A_1359 = tpu.vector_load %arg18[%swap3A_1358] {strides = array<i32>} : memref<512xf32, #tpu.memory_space<vmem>>, vector<16xf32>,
    tpu.vector_store %arg18[%swap3A_1358], %add3A_1357 {strides = array<i32>} : memref<512xf32, #tpu.memory_space<vmem>>, vector<16xf32>,
    %get3A_1360 = arith.constant 2 : i32
    %get3A_1361 = arith.constant 0 : i32
    %get3A_1362 = arith.index_cast %get3A_1360 : i32 to index
    %get3A_1363 = arith.index_cast %get3A_1361 : i32 to index
    %get3A_1364 = arith.constant 48 : index
    %get3A_1365 = tpu.vector_load %arg12[%get3A_1362, %get3A_1363, %get3A_1364] {strides = array<i32>} : memref<4x1x64xi32, #tpu.memory_space<vmem>>, vector<16xi32>,
    %get3A_1366 = arith.constant 2 : i32
    %get3A_1367 = arith.constant 0 : i32
    %get3A_1368 = arith.index_cast %get3A_1366 : i32 to index
    %get3A_1369 = arith.index_cast %get3A_1367 : i32 to index
    %get3A_1370 = arith.constant 48 : index
    %get3A_1371 = tpu.vector_load %arg13[%get3A_1368, %get3A_1369, %get3A_1370] {strides = array<i32>} : memref<4x1x64xi32, #tpu.memory_space<vmem>>, vector<16xi32>,
    %add3A_1372 = arith.constant 1 : i32
    %add3A_1373 = vector.broadcast %add3A_1372 : i32 to vector<16xi32>
    %add3A_1374 = arith.addi %get3A_1365, %add3A_1373 : vector<16xi32>
    %gather3A_1375 = tpu.vector_load_idx %arg10[%add3A_1374] : memref<10016xf32, #tpu.memory_space<vmem>>[vector<16xi32>], vector<16xf32>,
    %add3A_1376 = arith.constant 1 : i32
    %add3A_1377 = vector.broadcast %add3A_1376 : i32 to vector<16xi32>
    %add3A_1378 = arith.addi %get3A_1371, %add3A_1377 : vector<16xi32>
    %gather3A_1379 = tpu.vector_load_idx %arg10[%add3A_1378] : memref<10016xf32, #tpu.memory_space<vmem>>[vector<16xi32>], vector<16xf32>,
    %add3A_1380 = arith.addf %gather3A_1375, %gather3A_1379 : vector<16xf32>
    %add3A_1381 = arith.addf %add3A_1380, %get3A_3 : vector<16xf32>
    %swap3A_1382 = arith.constant 432 : index
    %swap3A_1383 = tpu.vector_load %arg18[%swap3A_1382] {strides = array<i32>} : memref<512xf32, #tpu.memory_space<vmem>>, vector<16xf32>,
    tpu.vector_store %arg18[%swap3A_1382], %add3A_1381 {strides = array<i32>} : memref<512xf32, #tpu.memory_space<vmem>>, vector<16xf32>,
    %add3A_1384 = arith.constant 384 : i32
    %add3A_1385 = arith.addi %mul3A_2, %add3A_1384 : i32
    %dma_start3A_1386 = arith.constant 0 : i32
    %dma_start3A_1387 = tpu.memref_slice %arg7[%add3A_1385, %dma_start3A_1386] : memref<16384x128xf32, #tpu.memory_space<hbm>> -> memref<64x128xf32, #tpu.memory_space<hbm>>
    %dma_start3A_1388 = arith.constant 0 : i32
    %dma_start3A_1389 = tpu.memref_slice %arg7[%add3A_1385, %dma_start3A_1388] : memref<16384x128xf32, #tpu.memory_space<hbm>> -> memref<64x128xf32, #tpu.memory_space<hbm>>
    tpu.enqueue_dma source(%arg14 : memref<64x128xf32, #tpu.memory_space<vmem>>) target(%dma_start3A_1389 : memref<64x128xf32, #tpu.memory_space<hbm>>) target_semaphore(%arg25 : memref<!tpu.dma_semaphore, #tpu.memory_space<semaphore_mem>>)
    %dma_start3A_1390 = arith.constant 0 : i32
    %dma_start3A_1391 = tpu.memref_slice %arg8[%add3A_1385, %dma_start3A_1390] : memref<16384x128xf32, #tpu.memory_space<hbm>> -> memref<64x128xf32, #tpu.memory_space<hbm>>
    %dma_start3A_1392 = arith.constant 0 : i32
    %dma_start3A_1393 = tpu.memref_slice %arg8[%add3A_1385, %dma_start3A_1392] : memref<16384x128xf32, #tpu.memory_space<hbm>> -> memref<64x128xf32, #tpu.memory_space<hbm>>
    tpu.enqueue_dma source(%arg16 : memref<64x128xf32, #tpu.memory_space<vmem>>) target(%dma_start3A_1393 : memref<64x128xf32, #tpu.memory_space<hbm>>) target_semaphore(%arg25 : memref<!tpu.dma_semaphore, #tpu.memory_space<semaphore_mem>>)
    %add3A_1394 = arith.constant 384 : i32
    %add3A_1395 = arith.addi %mul3A_2, %add3A_1394 : i32
    %dma_wait3A_1396 = arith.constant 0 : i32
    %dma_wait3A_1397 = tpu.memref_slice %arg7[%add3A_1395, %dma_wait3A_1396] : memref<16384x128xf32, #tpu.memory_space<hbm>> -> memref<64x128xf32, #tpu.memory_space<hbm>>
    %dma_wait3A_1398 = arith.constant 0 : i32
    %dma_wait3A_1399 = tpu.memref_slice %arg7[%add3A_1395, %dma_wait3A_1398] : memref<16384x128xf32, #tpu.memory_space<hbm>> -> memref<64x128xf32, #tpu.memory_space<hbm>>
    tpu.wait_dma2 semaphore(%arg25 : memref<!tpu.dma_semaphore, #tpu.memory_space<semaphore_mem>>) src(%arg14 : memref<64x128xf32, #tpu.memory_space<vmem>>) dst(%dma_wait3A_1399 : memref<64x128xf32, #tpu.memory_space<hbm>>)
    %dma_wait3A_1400 = arith.constant 0 : i32
    %dma_wait3A_1401 = tpu.memref_slice %arg8[%add3A_1395, %dma_wait3A_1400] : memref<16384x128xf32, #tpu.memory_space<hbm>> -> memref<64x128xf32, #tpu.memory_space<hbm>>
    %dma_wait3A_1402 = arith.constant 0 : i32
    %dma_wait3A_1403 = tpu.memref_slice %arg8[%add3A_1395, %dma_wait3A_1402] : memref<16384x128xf32, #tpu.memory_space<hbm>> -> memref<64x128xf32, #tpu.memory_space<hbm>>
    tpu.wait_dma2 semaphore(%arg25 : memref<!tpu.dma_semaphore, #tpu.memory_space<semaphore_mem>>) src(%arg16 : memref<64x128xf32, #tpu.memory_space<vmem>>) dst(%dma_wait3A_1403 : memref<64x128xf32, #tpu.memory_space<hbm>>)
    %dma_wait3A_1404 = arith.constant 3 : i32
    %dma_wait3A_1405 = arith.constant 0 : i32
    %dma_wait3A_1406 = arith.constant 0 : i32
    %dma_wait3A_1407 = tpu.memref_slice %arg12[%dma_wait3A_1404, %dma_wait3A_1405, %dma_wait3A_1406] : memref<4x1x64xi32, #tpu.memory_space<vmem>> -> memref<1x1x64xi32, #tpu.memory_space<vmem>>
    %dma_wait3A_1408 = tpu.memref_squeeze %dma_wait3A_1407 : memref<1x1x64xi32, #tpu.memory_space<vmem>> -> memref<64xi32, #tpu.memory_space<vmem>>
    %dma_wait3A_1409 = arith.constant 0 : i32
    %dma_wait3A_1410 = arith.constant 0 : i32
    %dma_wait3A_1411 = tpu.memref_slice %arg2[%dma_wait3A_1409, %dma_wait3A_1410] : memref<10000x128xf32, #tpu.memory_space<hbm>> -> memref<10000x128xf32, #tpu.memory_space<hbm>>
    tpu.wait_indirect_dma semaphore(%arg24 : memref<!tpu.dma_semaphore, #tpu.memory_space<semaphore_mem>>) src(%dma_wait3A_1411 : memref<10000x128xf32, #tpu.memory_space<hbm>>) dst(%arg15 : memref<64x128xf32, #tpu.memory_space<vmem>>)
    %dma_wait3A_1412 = arith.constant 3 : i32
    %dma_wait3A_1413 = arith.constant 0 : i32
    %dma_wait3A_1414 = arith.constant 0 : i32
    %dma_wait3A_1415 = tpu.memref_slice %arg13[%dma_wait3A_1412, %dma_wait3A_1413, %dma_wait3A_1414] : memref<4x1x64xi32, #tpu.memory_space<vmem>> -> memref<1x1x64xi32, #tpu.memory_space<vmem>>
    %dma_wait3A_1416 = tpu.memref_squeeze %dma_wait3A_1415 : memref<1x1x64xi32, #tpu.memory_space<vmem>> -> memref<64xi32, #tpu.memory_space<vmem>>
    %dma_wait3A_1417 = arith.constant 0 : i32
    %dma_wait3A_1418 = arith.constant 0 : i32
    %dma_wait3A_1419 = tpu.memref_slice %arg2[%dma_wait3A_1417, %dma_wait3A_1418] : memref<10000x128xf32, #tpu.memory_space<hbm>> -> memref<10000x128xf32, #tpu.memory_space<hbm>>
    tpu.wait_indirect_dma semaphore(%arg24 : memref<!tpu.dma_semaphore, #tpu.memory_space<semaphore_mem>>) src(%dma_wait3A_1419 : memref<10000x128xf32, #tpu.memory_space<hbm>>) dst(%arg17 : memref<64x128xf32, #tpu.memory_space<vmem>>)
    %get3A_1420 = arith.constant 3 : i32
    %get3A_1421 = arith.constant 0 : i32
    %get3A_1422 = arith.index_cast %get3A_1420 : i32 to index
    %get3A_1423 = arith.index_cast %get3A_1421 : i32 to index
    %get3A_1424 = arith.constant 0 : index
    %get3A_1425 = tpu.vector_load %arg12[%get3A_1422, %get3A_1423, %get3A_1424] {strides = array<i32>} : memref<4x1x64xi32, #tpu.memory_space<vmem>>, vector<16xi32>,
    %get3A_1426 = arith.constant 3 : i32
    %get3A_1427 = arith.constant 0 : i32
    %get3A_1428 = arith.index_cast %get3A_1426 : i32 to index
    %get3A_1429 = arith.index_cast %get3A_1427 : i32 to index
    %get3A_1430 = arith.constant 0 : index
    %get3A_1431 = tpu.vector_load %arg13[%get3A_1428, %get3A_1429, %get3A_1430] {strides = array<i32>} : memref<4x1x64xi32, #tpu.memory_space<vmem>>, vector<16xi32>,
    %add3A_1432 = arith.constant 1 : i32
    %add3A_1433 = vector.broadcast %add3A_1432 : i32 to vector<16xi32>
    %add3A_1434 = arith.addi %get3A_1425, %add3A_1433 : vector<16xi32>
    %gather3A_1435 = tpu.vector_load_idx %arg10[%add3A_1434] : memref<10016xf32, #tpu.memory_space<vmem>>[vector<16xi32>], vector<16xf32>,
    %add3A_1436 = arith.constant 1 : i32
    %add3A_1437 = vector.broadcast %add3A_1436 : i32 to vector<16xi32>
    %add3A_1438 = arith.addi %get3A_1431, %add3A_1437 : vector<16xi32>
    %gather3A_1439 = tpu.vector_load_idx %arg10[%add3A_1438] : memref<10016xf32, #tpu.memory_space<vmem>>[vector<16xi32>], vector<16xf32>,
    %add3A_1440 = arith.addf %gather3A_1435, %gather3A_1439 : vector<16xf32>
    %add3A_1441 = arith.addf %add3A_1440, %get3A_3 : vector<16xf32>
    %swap3A_1442 = arith.constant 448 : index
    %swap3A_1443 = tpu.vector_load %arg18[%swap3A_1442] {strides = array<i32>} : memref<512xf32, #tpu.memory_space<vmem>>, vector<16xf32>,
    tpu.vector_store %arg18[%swap3A_1442], %add3A_1441 {strides = array<i32>} : memref<512xf32, #tpu.memory_space<vmem>>, vector<16xf32>,
    %get3A_1444 = arith.constant 3 : i32
    %get3A_1445 = arith.constant 0 : i32
    %get3A_1446 = arith.index_cast %get3A_1444 : i32 to index
    %get3A_1447 = arith.index_cast %get3A_1445 : i32 to index
    %get3A_1448 = arith.constant 16 : index
    %get3A_1449 = tpu.vector_load %arg12[%get3A_1446, %get3A_1447, %get3A_1448] {strides = array<i32>} : memref<4x1x64xi32, #tpu.memory_space<vmem>>, vector<16xi32>,
    %get3A_1450 = arith.constant 3 : i32
    %get3A_1451 = arith.constant 0 : i32
    %get3A_1452 = arith.index_cast %get3A_1450 : i32 to index
    %get3A_1453 = arith.index_cast %get3A_1451 : i32 to index
    %get3A_1454 = arith.constant 16 : index
    %get3A_1455 = tpu.vector_load %arg13[%get3A_1452, %get3A_1453, %get3A_1454] {strides = array<i32>} : memref<4x1x64xi32, #tpu.memory_space<vmem>>, vector<16xi32>,
    %add3A_1456 = arith.constant 1 : i32
    %add3A_1457 = vector.broadcast %add3A_1456 : i32 to vector<16xi32>
    %add3A_1458 = arith.addi %get3A_1449, %add3A_1457 : vector<16xi32>
    %gather3A_1459 = tpu.vector_load_idx %arg10[%add3A_1458] : memref<10016xf32, #tpu.memory_space<vmem>>[vector<16xi32>], vector<16xf32>,
    %add3A_1460 = arith.constant 1 : i32
    %add3A_1461 = vector.broadcast %add3A_1460 : i32 to vector<16xi32>
    %add3A_1462 = arith.addi %get3A_1455, %add3A_1461 : vector<16xi32>
    %gather3A_1463 = tpu.vector_load_idx %arg10[%add3A_1462] : memref<10016xf32, #tpu.memory_space<vmem>>[vector<16xi32>], vector<16xf32>,
    %add3A_1464 = arith.addf %gather3A_1459, %gather3A_1463 : vector<16xf32>
    %add3A_1465 = arith.addf %add3A_1464, %get3A_3 : vector<16xf32>
    %swap3A_1466 = arith.constant 464 : index
    %swap3A_1467 = tpu.vector_load %arg18[%swap3A_1466] {strides = array<i32>} : memref<512xf32, #tpu.memory_space<vmem>>, vector<16xf32>,
    tpu.vector_store %arg18[%swap3A_1466], %add3A_1465 {strides = array<i32>} : memref<512xf32, #tpu.memory_space<vmem>>, vector<16xf32>,
    %get3A_1468 = arith.constant 3 : i32
    %get3A_1469 = arith.constant 0 : i32
    %get3A_1470 = arith.index_cast %get3A_1468 : i32 to index
    %get3A_1471 = arith.index_cast %get3A_1469 : i32 to index
    %get3A_1472 = arith.constant 32 : index
    %get3A_1473 = tpu.vector_load %arg12[%get3A_1470, %get3A_1471, %get3A_1472] {strides = array<i32>} : memref<4x1x64xi32, #tpu.memory_space<vmem>>, vector<16xi32>,
    %get3A_1474 = arith.constant 3 : i32
    %get3A_1475 = arith.constant 0 : i32
    %get3A_1476 = arith.index_cast %get3A_1474 : i32 to index
    %get3A_1477 = arith.index_cast %get3A_1475 : i32 to index
    %get3A_1478 = arith.constant 32 : index
    %get3A_1479 = tpu.vector_load %arg13[%get3A_1476, %get3A_1477, %get3A_1478] {strides = array<i32>} : memref<4x1x64xi32, #tpu.memory_space<vmem>>, vector<16xi32>,
    %add3A_1480 = arith.constant 1 : i32
    %add3A_1481 = vector.broadcast %add3A_1480 : i32 to vector<16xi32>
    %add3A_1482 = arith.addi %get3A_1473, %add3A_1481 : vector<16xi32>
    %gather3A_1483 = tpu.vector_load_idx %arg10[%add3A_1482] : memref<10016xf32, #tpu.memory_space<vmem>>[vector<16xi32>], vector<16xf32>,
    %add3A_1484 = arith.constant 1 : i32
    %add3A_1485 = vector.broadcast %add3A_1484 : i32 to vector<16xi32>
    %add3A_1486 = arith.addi %get3A_1479, %add3A_1485 : vector<16xi32>
    %gather3A_1487 = tpu.vector_load_idx %arg10[%add3A_1486] : memref<10016xf32, #tpu.memory_space<vmem>>[vector<16xi32>], vector<16xf32>,
    %add3A_1488 = arith.addf %gather3A_1483, %gather3A_1487 : vector<16xf32>
    %add3A_1489 = arith.addf %add3A_1488, %get3A_3 : vector<16xf32>
    %swap3A_1490 = arith.constant 480 : index
    %swap3A_1491 = tpu.vector_load %arg18[%swap3A_1490] {strides = array<i32>} : memref<512xf32, #tpu.memory_space<vmem>>, vector<16xf32>,
    tpu.vector_store %arg18[%swap3A_1490], %add3A_1489 {strides = array<i32>} : memref<512xf32, #tpu.memory_space<vmem>>, vector<16xf32>,
    %get3A_1492 = arith.constant 3 : i32
    %get3A_1493 = arith.constant 0 : i32
    %get3A_1494 = arith.index_cast %get3A_1492 : i32 to index
    %get3A_1495 = arith.index_cast %get3A_1493 : i32 to index
    %get3A_1496 = arith.constant 48 : index
    %get3A_1497 = tpu.vector_load %arg12[%get3A_1494, %get3A_1495, %get3A_1496] {strides = array<i32>} : memref<4x1x64xi32, #tpu.memory_space<vmem>>, vector<16xi32>,
    %get3A_1498 = arith.constant 3 : i32
    %get3A_1499 = arith.constant 0 : i32
    %get3A_1500 = arith.index_cast %get3A_1498 : i32 to index
    %get3A_1501 = arith.index_cast %get3A_1499 : i32 to index
    %get3A_1502 = arith.constant 48 : index
    %get3A_1503 = tpu.vector_load %arg13[%get3A_1500, %get3A_1501, %get3A_1502] {strides = array<i32>} : memref<4x1x64xi32, #tpu.memory_space<vmem>>, vector<16xi32>,
    %add3A_1504 = arith.constant 1 : i32
    %add3A_1505 = vector.broadcast %add3A_1504 : i32 to vector<16xi32>
    %add3A_1506 = arith.addi %get3A_1497, %add3A_1505 : vector<16xi32>
    %gather3A_1507 = tpu.vector_load_idx %arg10[%add3A_1506] : memref<10016xf32, #tpu.memory_space<vmem>>[vector<16xi32>], vector<16xf32>,
    %add3A_1508 = arith.constant 1 : i32
    %add3A_1509 = vector.broadcast %add3A_1508 : i32 to vector<16xi32>
    %add3A_1510 = arith.addi %get3A_1503, %add3A_1509 : vector<16xi32>
    %gather3A_1511 = tpu.vector_load_idx %arg10[%add3A_1510] : memref<10016xf32, #tpu.memory_space<vmem>>[vector<16xi32>], vector<16xf32>,
    %add3A_1512 = arith.addf %gather3A_1507, %gather3A_1511 : vector<16xf32>
    %add3A_1513 = arith.addf %add3A_1512, %get3A_3 : vector<16xf32>
    %swap3A_1514 = arith.constant 496 : index
    %swap3A_1515 = tpu.vector_load %arg18[%swap3A_1514] {strides = array<i32>} : memref<512xf32, #tpu.memory_space<vmem>>, vector<16xf32>,
    tpu.vector_store %arg18[%swap3A_1514], %add3A_1513 {strides = array<i32>} : memref<512xf32, #tpu.memory_space<vmem>>, vector<16xf32>,
    %add3A_1516 = arith.constant 448 : i32
    %add3A_1517 = arith.addi %mul3A_2, %add3A_1516 : i32
    %dma_start3A_1518 = arith.constant 0 : i32
    %dma_start3A_1519 = tpu.memref_slice %arg7[%add3A_1517, %dma_start3A_1518] : memref<16384x128xf32, #tpu.memory_space<hbm>> -> memref<64x128xf32, #tpu.memory_space<hbm>>
    %dma_start3A_1520 = arith.constant 0 : i32
    %dma_start3A_1521 = tpu.memref_slice %arg7[%add3A_1517, %dma_start3A_1520] : memref<16384x128xf32, #tpu.memory_space<hbm>> -> memref<64x128xf32, #tpu.memory_space<hbm>>
    tpu.enqueue_dma source(%arg15 : memref<64x128xf32, #tpu.memory_space<vmem>>) target(%dma_start3A_1521 : memref<64x128xf32, #tpu.memory_space<hbm>>) target_semaphore(%arg26 : memref<!tpu.dma_semaphore, #tpu.memory_space<semaphore_mem>>)
    %dma_start3A_1522 = arith.constant 0 : i32
    %dma_start3A_1523 = tpu.memref_slice %arg8[%add3A_1517, %dma_start3A_1522] : memref<16384x128xf32, #tpu.memory_space<hbm>> -> memref<64x128xf32, #tpu.memory_space<hbm>>
    %dma_start3A_1524 = arith.constant 0 : i32
    %dma_start3A_1525 = tpu.memref_slice %arg8[%add3A_1517, %dma_start3A_1524] : memref<16384x128xf32, #tpu.memory_space<hbm>> -> memref<64x128xf32, #tpu.memory_space<hbm>>
    tpu.enqueue_dma source(%arg17 : memref<64x128xf32, #tpu.memory_space<vmem>>) target(%dma_start3A_1525 : memref<64x128xf32, #tpu.memory_space<hbm>>) target_semaphore(%arg26 : memref<!tpu.dma_semaphore, #tpu.memory_space<semaphore_mem>>)
    %add3A_1526 = arith.constant 448 : i32
    %add3A_1527 = arith.addi %mul3A_2, %add3A_1526 : i32
    %dma_wait3A_1528 = arith.constant 0 : i32
    %dma_wait3A_1529 = tpu.memref_slice %arg7[%add3A_1527, %dma_wait3A_1528] : memref<16384x128xf32, #tpu.memory_space<hbm>> -> memref<64x128xf32, #tpu.memory_space<hbm>>
    %dma_wait3A_1530 = arith.constant 0 : i32
    %dma_wait3A_1531 = tpu.memref_slice %arg7[%add3A_1527, %dma_wait3A_1530] : memref<16384x128xf32, #tpu.memory_space<hbm>> -> memref<64x128xf32, #tpu.memory_space<hbm>>
    tpu.wait_dma2 semaphore(%arg26 : memref<!tpu.dma_semaphore, #tpu.memory_space<semaphore_mem>>) src(%arg15 : memref<64x128xf32, #tpu.memory_space<vmem>>) dst(%dma_wait3A_1531 : memref<64x128xf32, #tpu.memory_space<hbm>>)
    %dma_wait3A_1532 = arith.constant 0 : i32
    %dma_wait3A_1533 = tpu.memref_slice %arg8[%add3A_1527, %dma_wait3A_1532] : memref<16384x128xf32, #tpu.memory_space<hbm>> -> memref<64x128xf32, #tpu.memory_space<hbm>>
    %dma_wait3A_1534 = arith.constant 0 : i32
    %dma_wait3A_1535 = tpu.memref_slice %arg8[%add3A_1527, %dma_wait3A_1534] : memref<16384x128xf32, #tpu.memory_space<hbm>> -> memref<64x128xf32, #tpu.memory_space<hbm>>
    tpu.wait_dma2 semaphore(%arg26 : memref<!tpu.dma_semaphore, #tpu.memory_space<semaphore_mem>>) src(%arg17 : memref<64x128xf32, #tpu.memory_space<vmem>>) dst(%dma_wait3A_1535 : memref<64x128xf32, #tpu.memory_space<hbm>>)
    "tpu.region"() ({
      %run_scoped3A = tpu.sem_alloc : memref<!tpu.dma_semaphore, #tpu.memory_space<semaphore_mem>>
      %dma_start3A_1536 = tpu.memref_slice %arg9[%mul3A_2] : memref<16384xf32, #tpu.memory_space<hbm>> -> memref<512xf32, #tpu.memory_space<hbm>>
      %dma_start3A_1537 = tpu.memref_slice %arg9[%mul3A_2] : memref<16384xf32, #tpu.memory_space<hbm>> -> memref<512xf32, #tpu.memory_space<hbm>>
      tpu.enqueue_dma source(%arg18 : memref<512xf32, #tpu.memory_space<vmem>>) target(%dma_start3A_1537 : memref<512xf32, #tpu.memory_space<hbm>>) target_semaphore(%run_scoped3A : memref<!tpu.dma_semaphore, #tpu.memory_space<semaphore_mem>>)
      %dma_wait3A_1538 = tpu.memref_slice %arg9[%mul3A_2] : memref<16384xf32, #tpu.memory_space<hbm>> -> memref<512xf32, #tpu.memory_space<hbm>>
      %dma_wait3A_1539 = tpu.memref_slice %arg9[%mul3A_2] : memref<16384xf32, #tpu.memory_space<hbm>> -> memref<512xf32, #tpu.memory_space<hbm>>
      tpu.wait_dma2 semaphore(%run_scoped3A : memref<!tpu.dma_semaphore, #tpu.memory_space<semaphore_mem>>) src(%arg18 : memref<512xf32, #tpu.memory_space<vmem>>) dst(%dma_wait3A_1539 : memref<512xf32, #tpu.memory_space<hbm>>)
      tpu.yield
    }) : () -> ()
    return
  }
}

#map = affine_map<(d0, d1) -> (0, 0)>
#map1 = affine_map<(d0, d1) -> (0)>
#map2 = affine_map<(d0, d1) -> (0, 0, 0)>
module attributes {stable_mosaic.version = 14 : i64} {
  func.func @_agg_kernel(%arg0: i32, %arg1: i32, %arg2: memref<10000x128xf32, #tpu.memory_space<hbm>>, %arg3: memref<320000xi32, #tpu.memory_space<hbm>>, %arg4: memref<320000xi32, #tpu.memory_space<hbm>>, %arg5: memref<10240x128xf32, #tpu.memory_space<hbm>>, %arg6: memref<2x10240x128xf32, #tpu.memory_space<hbm>>, %arg7: memref<327680xf32, #tpu.memory_space<hbm>>, %arg8: memref<10240x128xf32, #tpu.memory_space<vmem_shared>>, %arg9: memref<4x1x112xi32, #tpu.memory_space<vmem>>, %arg10: memref<4x1x112xi32, #tpu.memory_space<vmem>>, %arg11: memref<112x128xf32, #tpu.memory_space<vmem>>, %arg12: memref<112x128xf32, #tpu.memory_space<vmem>>, %arg13: memref<10240xf32, #tpu.memory_space<vmem>>, %arg14: memref<32xi32, #tpu.memory_space<vmem>>, %arg15: memref<32xi32, #tpu.memory_space<vmem>>, %arg16: memref<!tpu.dma_semaphore, #tpu.memory_space<semaphore_mem>>, %arg17: memref<!tpu.dma_semaphore, #tpu.memory_space<semaphore_mem>>, %arg18: memref<!tpu.dma_semaphore, #tpu.memory_space<semaphore_mem>>, %arg19: memref<!tpu.dma_semaphore, #tpu.memory_space<semaphore_mem>>, %arg20: memref<!tpu.dma_semaphore, #tpu.memory_space<semaphore_mem>>, %arg21: memref<!tpu.dma_semaphore, #tpu.memory_space<semaphore_mem>>, %arg22: memref<!tpu.dma_semaphore, #tpu.memory_space<semaphore_mem>>, %arg23: memref<!tpu.dma_semaphore, #tpu.memory_space<semaphore_mem>>) attributes {dimension_semantics = [#tpu.dimension_semantics<core_parallel>, #tpu.dimension_semantics<subcore_parallel>], iteration_bounds = array<i64: 2, 16>, scalar_prefetch = 0 : i64, scratch_operands = 16 : i64, tpu.core_type = #tpu.core_type<sc_vector_subcore>, window_params = [{transform_indices = #map}, {transform_indices = #map1}, {transform_indices = #map1}, {transform_indices = #map}, {transform_indices = #map2}, {transform_indices = #map1}]} {
    %mul3A = arith.constant 2 : i32
    %mul3A_0 = arith.muli %arg1, %mul3A : i32
    %add3A = arith.addi %mul3A_0, %arg0 : i32
    %mul3A_1 = arith.constant 640 : i32
    %mul3A_2 = arith.muli %arg1, %mul3A_1 : i32
    "tpu.region"() ({
      %run_scoped3A = tpu.sem_alloc : memref<!tpu.dma_semaphore, #tpu.memory_space<semaphore_mem>>
      %dma_start3A_219 = arith.constant 0 : i32
      %dma_start3A_220 = arith.constant 0 : i32
      %dma_start3A_221 = tpu.memref_slice %arg5[%dma_start3A_219, %dma_start3A_220] : memref<10240x128xf32, #tpu.memory_space<hbm>> -> memref<112x128xf32, #tpu.memory_space<hbm>>
      %dma_start3A_222 = arith.constant 0 : i32
      %dma_start3A_223 = arith.constant 0 : i32
      %dma_start3A_224 = tpu.memref_slice %arg5[%dma_start3A_222, %dma_start3A_223] : memref<10240x128xf32, #tpu.memory_space<hbm>> -> memref<112x128xf32, #tpu.memory_space<hbm>>
      tpu.enqueue_dma source(%dma_start3A_224 : memref<112x128xf32, #tpu.memory_space<hbm>>) target(%arg11 : memref<112x128xf32, #tpu.memory_space<vmem>>) target_semaphore(%run_scoped3A : memref<!tpu.dma_semaphore, #tpu.memory_space<semaphore_mem>>)
      %dma_wait3A_225 = arith.constant 0 : i32
      %dma_wait3A_226 = arith.constant 0 : i32
      %dma_wait3A_227 = tpu.memref_slice %arg5[%dma_wait3A_225, %dma_wait3A_226] : memref<10240x128xf32, #tpu.memory_space<hbm>> -> memref<112x128xf32, #tpu.memory_space<hbm>>
      %dma_wait3A_228 = arith.constant 0 : i32
      %dma_wait3A_229 = arith.constant 0 : i32
      %dma_wait3A_230 = tpu.memref_slice %arg5[%dma_wait3A_228, %dma_wait3A_229] : memref<10240x128xf32, #tpu.memory_space<hbm>> -> memref<112x128xf32, #tpu.memory_space<hbm>>
      tpu.wait_dma2 semaphore(%run_scoped3A : memref<!tpu.dma_semaphore, #tpu.memory_space<semaphore_mem>>) src(%dma_wait3A_230 : memref<112x128xf32, #tpu.memory_space<hbm>>) dst(%arg11 : memref<112x128xf32, #tpu.memory_space<vmem>>)
      tpu.yield
    }) : () -> ()
    %add3A_3 = arith.constant 0 : i32
    %add3A_4 = arith.addi %mul3A_2, %add3A_3 : i32
    "tpu.region"() ({
      %run_scoped3A = tpu.sem_alloc : memref<!tpu.dma_semaphore, #tpu.memory_space<semaphore_mem>>
      %dma_start3A_219 = arith.constant 0 : i32
      %dma_start3A_220 = arith.constant 0 : i32
      %dma_start3A_221 = tpu.memref_slice %arg11[%dma_start3A_219, %dma_start3A_220] : memref<112x128xf32, #tpu.memory_space<vmem>> -> memref<112x128xf32, #tpu.memory_space<vmem>>
      %dma_start3A_222 = arith.constant 0 : i32
      %dma_start3A_223 = tpu.memref_slice %arg8[%add3A_4, %dma_start3A_222] : memref<10240x128xf32, #tpu.memory_space<vmem_shared>> -> memref<112x128xf32, #tpu.memory_space<vmem_shared>>
      %dma_start3A_224 = arith.constant 0 : i32
      %dma_start3A_225 = tpu.memref_slice %arg8[%add3A_4, %dma_start3A_224] : memref<10240x128xf32, #tpu.memory_space<vmem_shared>> -> memref<112x128xf32, #tpu.memory_space<vmem_shared>>
      %dma_start3A_226 = arith.constant 0 : i32
      %dma_start3A_227 = arith.constant 0 : i32
      %dma_start3A_228 = tpu.memref_slice %arg11[%dma_start3A_226, %dma_start3A_227] : memref<112x128xf32, #tpu.memory_space<vmem>> -> memref<112x128xf32, #tpu.memory_space<vmem>>
      tpu.enqueue_dma source(%dma_start3A_228 : memref<112x128xf32, #tpu.memory_space<vmem>>) target(%dma_start3A_225 : memref<112x128xf32, #tpu.memory_space<vmem_shared>>) target_semaphore(%run_scoped3A : memref<!tpu.dma_semaphore, #tpu.memory_space<semaphore_mem>>)
      %dma_wait3A_229 = arith.constant 0 : i32
      %dma_wait3A_230 = arith.constant 0 : i32
      %dma_wait3A_231 = tpu.memref_slice %arg11[%dma_wait3A_229, %dma_wait3A_230] : memref<112x128xf32, #tpu.memory_space<vmem>> -> memref<112x128xf32, #tpu.memory_space<vmem>>
      %dma_wait3A_232 = arith.constant 0 : i32
      %dma_wait3A_233 = tpu.memref_slice %arg8[%add3A_4, %dma_wait3A_232] : memref<10240x128xf32, #tpu.memory_space<vmem_shared>> -> memref<112x128xf32, #tpu.memory_space<vmem_shared>>
      %dma_wait3A_234 = arith.constant 0 : i32
      %dma_wait3A_235 = tpu.memref_slice %arg8[%add3A_4, %dma_wait3A_234] : memref<10240x128xf32, #tpu.memory_space<vmem_shared>> -> memref<112x128xf32, #tpu.memory_space<vmem_shared>>
      %dma_wait3A_236 = arith.constant 0 : i32
      %dma_wait3A_237 = arith.constant 0 : i32
      %dma_wait3A_238 = tpu.memref_slice %arg11[%dma_wait3A_236, %dma_wait3A_237] : memref<112x128xf32, #tpu.memory_space<vmem>> -> memref<112x128xf32, #tpu.memory_space<vmem>>
      tpu.wait_dma2 semaphore(%run_scoped3A : memref<!tpu.dma_semaphore, #tpu.memory_space<semaphore_mem>>) src(%dma_wait3A_238 : memref<112x128xf32, #tpu.memory_space<vmem>>) dst(%dma_wait3A_235 : memref<112x128xf32, #tpu.memory_space<vmem_shared>>)
      tpu.yield
    }) : () -> ()
    %add3A_5 = arith.constant 112 : i32
    %add3A_6 = arith.addi %mul3A_2, %add3A_5 : i32
    "tpu.region"() ({
      %run_scoped3A = tpu.sem_alloc : memref<!tpu.dma_semaphore, #tpu.memory_space<semaphore_mem>>
      %dma_start3A_219 = arith.constant 0 : i32
      %dma_start3A_220 = arith.constant 0 : i32
      %dma_start3A_221 = tpu.memref_slice %arg11[%dma_start3A_219, %dma_start3A_220] : memref<112x128xf32, #tpu.memory_space<vmem>> -> memref<112x128xf32, #tpu.memory_space<vmem>>
      %dma_start3A_222 = arith.constant 0 : i32
      %dma_start3A_223 = tpu.memref_slice %arg8[%add3A_6, %dma_start3A_222] : memref<10240x128xf32, #tpu.memory_space<vmem_shared>> -> memref<112x128xf32, #tpu.memory_space<vmem_shared>>
      %dma_start3A_224 = arith.constant 0 : i32
      %dma_start3A_225 = tpu.memref_slice %arg8[%add3A_6, %dma_start3A_224] : memref<10240x128xf32, #tpu.memory_space<vmem_shared>> -> memref<112x128xf32, #tpu.memory_space<vmem_shared>>
      %dma_start3A_226 = arith.constant 0 : i32
      %dma_start3A_227 = arith.constant 0 : i32
      %dma_start3A_228 = tpu.memref_slice %arg11[%dma_start3A_226, %dma_start3A_227] : memref<112x128xf32, #tpu.memory_space<vmem>> -> memref<112x128xf32, #tpu.memory_space<vmem>>
      tpu.enqueue_dma source(%dma_start3A_228 : memref<112x128xf32, #tpu.memory_space<vmem>>) target(%dma_start3A_225 : memref<112x128xf32, #tpu.memory_space<vmem_shared>>) target_semaphore(%run_scoped3A : memref<!tpu.dma_semaphore, #tpu.memory_space<semaphore_mem>>)
      %dma_wait3A_229 = arith.constant 0 : i32
      %dma_wait3A_230 = arith.constant 0 : i32
      %dma_wait3A_231 = tpu.memref_slice %arg11[%dma_wait3A_229, %dma_wait3A_230] : memref<112x128xf32, #tpu.memory_space<vmem>> -> memref<112x128xf32, #tpu.memory_space<vmem>>
      %dma_wait3A_232 = arith.constant 0 : i32
      %dma_wait3A_233 = tpu.memref_slice %arg8[%add3A_6, %dma_wait3A_232] : memref<10240x128xf32, #tpu.memory_space<vmem_shared>> -> memref<112x128xf32, #tpu.memory_space<vmem_shared>>
      %dma_wait3A_234 = arith.constant 0 : i32
      %dma_wait3A_235 = tpu.memref_slice %arg8[%add3A_6, %dma_wait3A_234] : memref<10240x128xf32, #tpu.memory_space<vmem_shared>> -> memref<112x128xf32, #tpu.memory_space<vmem_shared>>
      %dma_wait3A_236 = arith.constant 0 : i32
      %dma_wait3A_237 = arith.constant 0 : i32
      %dma_wait3A_238 = tpu.memref_slice %arg11[%dma_wait3A_236, %dma_wait3A_237] : memref<112x128xf32, #tpu.memory_space<vmem>> -> memref<112x128xf32, #tpu.memory_space<vmem>>
      tpu.wait_dma2 semaphore(%run_scoped3A : memref<!tpu.dma_semaphore, #tpu.memory_space<semaphore_mem>>) src(%dma_wait3A_238 : memref<112x128xf32, #tpu.memory_space<vmem>>) dst(%dma_wait3A_235 : memref<112x128xf32, #tpu.memory_space<vmem_shared>>)
      tpu.yield
    }) : () -> ()
    %add3A_7 = arith.constant 224 : i32
    %add3A_8 = arith.addi %mul3A_2, %add3A_7 : i32
    "tpu.region"() ({
      %run_scoped3A = tpu.sem_alloc : memref<!tpu.dma_semaphore, #tpu.memory_space<semaphore_mem>>
      %dma_start3A_219 = arith.constant 0 : i32
      %dma_start3A_220 = arith.constant 0 : i32
      %dma_start3A_221 = tpu.memref_slice %arg11[%dma_start3A_219, %dma_start3A_220] : memref<112x128xf32, #tpu.memory_space<vmem>> -> memref<112x128xf32, #tpu.memory_space<vmem>>
      %dma_start3A_222 = arith.constant 0 : i32
      %dma_start3A_223 = tpu.memref_slice %arg8[%add3A_8, %dma_start3A_222] : memref<10240x128xf32, #tpu.memory_space<vmem_shared>> -> memref<112x128xf32, #tpu.memory_space<vmem_shared>>
      %dma_start3A_224 = arith.constant 0 : i32
      %dma_start3A_225 = tpu.memref_slice %arg8[%add3A_8, %dma_start3A_224] : memref<10240x128xf32, #tpu.memory_space<vmem_shared>> -> memref<112x128xf32, #tpu.memory_space<vmem_shared>>
      %dma_start3A_226 = arith.constant 0 : i32
      %dma_start3A_227 = arith.constant 0 : i32
      %dma_start3A_228 = tpu.memref_slice %arg11[%dma_start3A_226, %dma_start3A_227] : memref<112x128xf32, #tpu.memory_space<vmem>> -> memref<112x128xf32, #tpu.memory_space<vmem>>
      tpu.enqueue_dma source(%dma_start3A_228 : memref<112x128xf32, #tpu.memory_space<vmem>>) target(%dma_start3A_225 : memref<112x128xf32, #tpu.memory_space<vmem_shared>>) target_semaphore(%run_scoped3A : memref<!tpu.dma_semaphore, #tpu.memory_space<semaphore_mem>>)
      %dma_wait3A_229 = arith.constant 0 : i32
      %dma_wait3A_230 = arith.constant 0 : i32
      %dma_wait3A_231 = tpu.memref_slice %arg11[%dma_wait3A_229, %dma_wait3A_230] : memref<112x128xf32, #tpu.memory_space<vmem>> -> memref<112x128xf32, #tpu.memory_space<vmem>>
      %dma_wait3A_232 = arith.constant 0 : i32
      %dma_wait3A_233 = tpu.memref_slice %arg8[%add3A_8, %dma_wait3A_232] : memref<10240x128xf32, #tpu.memory_space<vmem_shared>> -> memref<112x128xf32, #tpu.memory_space<vmem_shared>>
      %dma_wait3A_234 = arith.constant 0 : i32
      %dma_wait3A_235 = tpu.memref_slice %arg8[%add3A_8, %dma_wait3A_234] : memref<10240x128xf32, #tpu.memory_space<vmem_shared>> -> memref<112x128xf32, #tpu.memory_space<vmem_shared>>
      %dma_wait3A_236 = arith.constant 0 : i32
      %dma_wait3A_237 = arith.constant 0 : i32
      %dma_wait3A_238 = tpu.memref_slice %arg11[%dma_wait3A_236, %dma_wait3A_237] : memref<112x128xf32, #tpu.memory_space<vmem>> -> memref<112x128xf32, #tpu.memory_space<vmem>>
      tpu.wait_dma2 semaphore(%run_scoped3A : memref<!tpu.dma_semaphore, #tpu.memory_space<semaphore_mem>>) src(%dma_wait3A_238 : memref<112x128xf32, #tpu.memory_space<vmem>>) dst(%dma_wait3A_235 : memref<112x128xf32, #tpu.memory_space<vmem_shared>>)
      tpu.yield
    }) : () -> ()
    %add3A_9 = arith.constant 336 : i32
    %add3A_10 = arith.addi %mul3A_2, %add3A_9 : i32
    "tpu.region"() ({
      %run_scoped3A = tpu.sem_alloc : memref<!tpu.dma_semaphore, #tpu.memory_space<semaphore_mem>>
      %dma_start3A_219 = arith.constant 0 : i32
      %dma_start3A_220 = arith.constant 0 : i32
      %dma_start3A_221 = tpu.memref_slice %arg11[%dma_start3A_219, %dma_start3A_220] : memref<112x128xf32, #tpu.memory_space<vmem>> -> memref<112x128xf32, #tpu.memory_space<vmem>>
      %dma_start3A_222 = arith.constant 0 : i32
      %dma_start3A_223 = tpu.memref_slice %arg8[%add3A_10, %dma_start3A_222] : memref<10240x128xf32, #tpu.memory_space<vmem_shared>> -> memref<112x128xf32, #tpu.memory_space<vmem_shared>>
      %dma_start3A_224 = arith.constant 0 : i32
      %dma_start3A_225 = tpu.memref_slice %arg8[%add3A_10, %dma_start3A_224] : memref<10240x128xf32, #tpu.memory_space<vmem_shared>> -> memref<112x128xf32, #tpu.memory_space<vmem_shared>>
      %dma_start3A_226 = arith.constant 0 : i32
      %dma_start3A_227 = arith.constant 0 : i32
      %dma_start3A_228 = tpu.memref_slice %arg11[%dma_start3A_226, %dma_start3A_227] : memref<112x128xf32, #tpu.memory_space<vmem>> -> memref<112x128xf32, #tpu.memory_space<vmem>>
      tpu.enqueue_dma source(%dma_start3A_228 : memref<112x128xf32, #tpu.memory_space<vmem>>) target(%dma_start3A_225 : memref<112x128xf32, #tpu.memory_space<vmem_shared>>) target_semaphore(%run_scoped3A : memref<!tpu.dma_semaphore, #tpu.memory_space<semaphore_mem>>)
      %dma_wait3A_229 = arith.constant 0 : i32
      %dma_wait3A_230 = arith.constant 0 : i32
      %dma_wait3A_231 = tpu.memref_slice %arg11[%dma_wait3A_229, %dma_wait3A_230] : memref<112x128xf32, #tpu.memory_space<vmem>> -> memref<112x128xf32, #tpu.memory_space<vmem>>
      %dma_wait3A_232 = arith.constant 0 : i32
      %dma_wait3A_233 = tpu.memref_slice %arg8[%add3A_10, %dma_wait3A_232] : memref<10240x128xf32, #tpu.memory_space<vmem_shared>> -> memref<112x128xf32, #tpu.memory_space<vmem_shared>>
      %dma_wait3A_234 = arith.constant 0 : i32
      %dma_wait3A_235 = tpu.memref_slice %arg8[%add3A_10, %dma_wait3A_234] : memref<10240x128xf32, #tpu.memory_space<vmem_shared>> -> memref<112x128xf32, #tpu.memory_space<vmem_shared>>
      %dma_wait3A_236 = arith.constant 0 : i32
      %dma_wait3A_237 = arith.constant 0 : i32
      %dma_wait3A_238 = tpu.memref_slice %arg11[%dma_wait3A_236, %dma_wait3A_237] : memref<112x128xf32, #tpu.memory_space<vmem>> -> memref<112x128xf32, #tpu.memory_space<vmem>>
      tpu.wait_dma2 semaphore(%run_scoped3A : memref<!tpu.dma_semaphore, #tpu.memory_space<semaphore_mem>>) src(%dma_wait3A_238 : memref<112x128xf32, #tpu.memory_space<vmem>>) dst(%dma_wait3A_235 : memref<112x128xf32, #tpu.memory_space<vmem_shared>>)
      tpu.yield
    }) : () -> ()
    %add3A_11 = arith.constant 448 : i32
    %add3A_12 = arith.addi %mul3A_2, %add3A_11 : i32
    "tpu.region"() ({
      %run_scoped3A = tpu.sem_alloc : memref<!tpu.dma_semaphore, #tpu.memory_space<semaphore_mem>>
      %dma_start3A_219 = arith.constant 0 : i32
      %dma_start3A_220 = arith.constant 0 : i32
      %dma_start3A_221 = tpu.memref_slice %arg11[%dma_start3A_219, %dma_start3A_220] : memref<112x128xf32, #tpu.memory_space<vmem>> -> memref<112x128xf32, #tpu.memory_space<vmem>>
      %dma_start3A_222 = arith.constant 0 : i32
      %dma_start3A_223 = tpu.memref_slice %arg8[%add3A_12, %dma_start3A_222] : memref<10240x128xf32, #tpu.memory_space<vmem_shared>> -> memref<112x128xf32, #tpu.memory_space<vmem_shared>>
      %dma_start3A_224 = arith.constant 0 : i32
      %dma_start3A_225 = tpu.memref_slice %arg8[%add3A_12, %dma_start3A_224] : memref<10240x128xf32, #tpu.memory_space<vmem_shared>> -> memref<112x128xf32, #tpu.memory_space<vmem_shared>>
      %dma_start3A_226 = arith.constant 0 : i32
      %dma_start3A_227 = arith.constant 0 : i32
      %dma_start3A_228 = tpu.memref_slice %arg11[%dma_start3A_226, %dma_start3A_227] : memref<112x128xf32, #tpu.memory_space<vmem>> -> memref<112x128xf32, #tpu.memory_space<vmem>>
      tpu.enqueue_dma source(%dma_start3A_228 : memref<112x128xf32, #tpu.memory_space<vmem>>) target(%dma_start3A_225 : memref<112x128xf32, #tpu.memory_space<vmem_shared>>) target_semaphore(%run_scoped3A : memref<!tpu.dma_semaphore, #tpu.memory_space<semaphore_mem>>)
      %dma_wait3A_229 = arith.constant 0 : i32
      %dma_wait3A_230 = arith.constant 0 : i32
      %dma_wait3A_231 = tpu.memref_slice %arg11[%dma_wait3A_229, %dma_wait3A_230] : memref<112x128xf32, #tpu.memory_space<vmem>> -> memref<112x128xf32, #tpu.memory_space<vmem>>
      %dma_wait3A_232 = arith.constant 0 : i32
      %dma_wait3A_233 = tpu.memref_slice %arg8[%add3A_12, %dma_wait3A_232] : memref<10240x128xf32, #tpu.memory_space<vmem_shared>> -> memref<112x128xf32, #tpu.memory_space<vmem_shared>>
      %dma_wait3A_234 = arith.constant 0 : i32
      %dma_wait3A_235 = tpu.memref_slice %arg8[%add3A_12, %dma_wait3A_234] : memref<10240x128xf32, #tpu.memory_space<vmem_shared>> -> memref<112x128xf32, #tpu.memory_space<vmem_shared>>
      %dma_wait3A_236 = arith.constant 0 : i32
      %dma_wait3A_237 = arith.constant 0 : i32
      %dma_wait3A_238 = tpu.memref_slice %arg11[%dma_wait3A_236, %dma_wait3A_237] : memref<112x128xf32, #tpu.memory_space<vmem>> -> memref<112x128xf32, #tpu.memory_space<vmem>>
      tpu.wait_dma2 semaphore(%run_scoped3A : memref<!tpu.dma_semaphore, #tpu.memory_space<semaphore_mem>>) src(%dma_wait3A_238 : memref<112x128xf32, #tpu.memory_space<vmem>>) dst(%dma_wait3A_235 : memref<112x128xf32, #tpu.memory_space<vmem_shared>>)
      tpu.yield
    }) : () -> ()
    %add3A_13 = arith.constant 560 : i32
    %add3A_14 = arith.addi %mul3A_2, %add3A_13 : i32
    "tpu.region"() ({
      %run_scoped3A = tpu.sem_alloc : memref<!tpu.dma_semaphore, #tpu.memory_space<semaphore_mem>>
      %dma_start3A_219 = arith.constant 0 : i32
      %dma_start3A_220 = arith.constant 0 : i32
      %dma_start3A_221 = tpu.memref_slice %arg11[%dma_start3A_219, %dma_start3A_220] : memref<112x128xf32, #tpu.memory_space<vmem>> -> memref<80x128xf32, #tpu.memory_space<vmem>>
      %dma_start3A_222 = arith.constant 0 : i32
      %dma_start3A_223 = tpu.memref_slice %arg8[%add3A_14, %dma_start3A_222] : memref<10240x128xf32, #tpu.memory_space<vmem_shared>> -> memref<80x128xf32, #tpu.memory_space<vmem_shared>>
      %dma_start3A_224 = arith.constant 0 : i32
      %dma_start3A_225 = tpu.memref_slice %arg8[%add3A_14, %dma_start3A_224] : memref<10240x128xf32, #tpu.memory_space<vmem_shared>> -> memref<80x128xf32, #tpu.memory_space<vmem_shared>>
      %dma_start3A_226 = arith.constant 0 : i32
      %dma_start3A_227 = arith.constant 0 : i32
      %dma_start3A_228 = tpu.memref_slice %arg11[%dma_start3A_226, %dma_start3A_227] : memref<112x128xf32, #tpu.memory_space<vmem>> -> memref<80x128xf32, #tpu.memory_space<vmem>>
      tpu.enqueue_dma source(%dma_start3A_228 : memref<80x128xf32, #tpu.memory_space<vmem>>) target(%dma_start3A_225 : memref<80x128xf32, #tpu.memory_space<vmem_shared>>) target_semaphore(%run_scoped3A : memref<!tpu.dma_semaphore, #tpu.memory_space<semaphore_mem>>)
      %dma_wait3A_229 = arith.constant 0 : i32
      %dma_wait3A_230 = arith.constant 0 : i32
      %dma_wait3A_231 = tpu.memref_slice %arg11[%dma_wait3A_229, %dma_wait3A_230] : memref<112x128xf32, #tpu.memory_space<vmem>> -> memref<80x128xf32, #tpu.memory_space<vmem>>
      %dma_wait3A_232 = arith.constant 0 : i32
      %dma_wait3A_233 = tpu.memref_slice %arg8[%add3A_14, %dma_wait3A_232] : memref<10240x128xf32, #tpu.memory_space<vmem_shared>> -> memref<80x128xf32, #tpu.memory_space<vmem_shared>>
      %dma_wait3A_234 = arith.constant 0 : i32
      %dma_wait3A_235 = tpu.memref_slice %arg8[%add3A_14, %dma_wait3A_234] : memref<10240x128xf32, #tpu.memory_space<vmem_shared>> -> memref<80x128xf32, #tpu.memory_space<vmem_shared>>
      %dma_wait3A_236 = arith.constant 0 : i32
      %dma_wait3A_237 = arith.constant 0 : i32
      %dma_wait3A_238 = tpu.memref_slice %arg11[%dma_wait3A_236, %dma_wait3A_237] : memref<112x128xf32, #tpu.memory_space<vmem>> -> memref<80x128xf32, #tpu.memory_space<vmem>>
      tpu.wait_dma2 semaphore(%run_scoped3A : memref<!tpu.dma_semaphore, #tpu.memory_space<semaphore_mem>>) src(%dma_wait3A_238 : memref<80x128xf32, #tpu.memory_space<vmem>>) dst(%dma_wait3A_235 : memref<80x128xf32, #tpu.memory_space<vmem_shared>>)
      tpu.yield
    }) : () -> ()
    %broadcast_in_dim3A = arith.constant 0.000000e+00 : f32
    %broadcast_in_dim3A_15 = vector.broadcast %broadcast_in_dim3A : f32 to vector<16xf32>
    %scan3A = arith.constant 0 : i32
    %scan3A_16 = arith.constant 0 : i32
    %scan3A_17 = arith.constant 640 : i32
    %scan3A_18 = arith.addi %scan3A_16, %scan3A_17 : i32
    %scan3A_19 = arith.constant 1 : i32
    scf.for %scan3A_219 = %scan3A_16 to %scan3A_18 step %scan3A_19  : i32 {
      %mul3A_220 = arith.constant 16 : i32
      %mul3A_221 = arith.muli %scan3A_219, %mul3A_220 : i32
      %swap3A = arith.index_cast %mul3A_221 : i32 to index
      %swap3A_222 = tpu.vector_load %arg13[%swap3A] {strides = array<i32>} : memref<10240xf32, #tpu.memory_space<vmem>>, vector<16xf32>,
      tpu.vector_store %arg13[%swap3A], %broadcast_in_dim3A_15 {strides = array<i32>} : memref<10240xf32, #tpu.memory_space<vmem>>, vector<16xf32>,
    }
    %scan3A_20 = arith.constant 640 : i32
    %barrier3A = arith.constant 0 : index
    tpu.barrier barrier_id(%barrier3A)
    %mul3A_21 = arith.constant 10000 : i32
    %mul3A_22 = arith.muli %add3A, %mul3A_21 : i32
    %broadcast_in_dim3A_23 = arith.constant 1.000000e+00 : f32
    %broadcast_in_dim3A_24 = vector.broadcast %broadcast_in_dim3A_23 : f32 to vector<16xf32>
    %add3A_25 = arith.constant 0 : i32
    %add3A_26 = arith.addi %mul3A_22, %add3A_25 : i32
    %dma_start3A = arith.constant 0 : i32
    %dma_start3A_27 = arith.constant 0 : i32
    %dma_start3A_28 = arith.constant 0 : i32
    %dma_start3A_29 = tpu.memref_slice %arg9[%dma_start3A, %dma_start3A_27, %dma_start3A_28] : memref<4x1x112xi32, #tpu.memory_space<vmem>> -> memref<1x1x112xi32, #tpu.memory_space<vmem>>
    %dma_start3A_30 = tpu.memref_squeeze %dma_start3A_29 : memref<1x1x112xi32, #tpu.memory_space<vmem>> -> memref<112xi32, #tpu.memory_space<vmem>>
    %dma_start3A_31 = tpu.memref_slice %arg3[%add3A_26] : memref<320000xi32, #tpu.memory_space<hbm>> -> memref<112xi32, #tpu.memory_space<hbm>>
    %dma_start3A_32 = arith.constant 0 : i32
    %dma_start3A_33 = tpu.memref_slice %arg9[%dma_start3A, %dma_start3A_27, %dma_start3A_32] : memref<4x1x112xi32, #tpu.memory_space<vmem>> -> memref<1x1x112xi32, #tpu.memory_space<vmem>>
    %dma_start3A_34 = tpu.memref_squeeze %dma_start3A_33 : memref<1x1x112xi32, #tpu.memory_space<vmem>> -> memref<112xi32, #tpu.memory_space<vmem>>
    %dma_start3A_35 = tpu.memref_slice %arg3[%add3A_26] : memref<320000xi32, #tpu.memory_space<hbm>> -> memref<112xi32, #tpu.memory_space<hbm>>
    tpu.enqueue_dma source(%dma_start3A_35 : memref<112xi32, #tpu.memory_space<hbm>>) target(%dma_start3A_34 : memref<112xi32, #tpu.memory_space<vmem>>) target_semaphore(%arg16 : memref<!tpu.dma_semaphore, #tpu.memory_space<semaphore_mem>>)
    %dma_start3A_36 = arith.constant 0 : i32
    %dma_start3A_37 = arith.constant 0 : i32
    %dma_start3A_38 = arith.constant 0 : i32
    %dma_start3A_39 = tpu.memref_slice %arg10[%dma_start3A_36, %dma_start3A_37, %dma_start3A_38] : memref<4x1x112xi32, #tpu.memory_space<vmem>> -> memref<1x1x112xi32, #tpu.memory_space<vmem>>
    %dma_start3A_40 = tpu.memref_squeeze %dma_start3A_39 : memref<1x1x112xi32, #tpu.memory_space<vmem>> -> memref<112xi32, #tpu.memory_space<vmem>>
    %dma_start3A_41 = tpu.memref_slice %arg4[%add3A_26] : memref<320000xi32, #tpu.memory_space<hbm>> -> memref<112xi32, #tpu.memory_space<hbm>>
    %dma_start3A_42 = arith.constant 0 : i32
    %dma_start3A_43 = tpu.memref_slice %arg10[%dma_start3A_36, %dma_start3A_37, %dma_start3A_42] : memref<4x1x112xi32, #tpu.memory_space<vmem>> -> memref<1x1x112xi32, #tpu.memory_space<vmem>>
    %dma_start3A_44 = tpu.memref_squeeze %dma_start3A_43 : memref<1x1x112xi32, #tpu.memory_space<vmem>> -> memref<112xi32, #tpu.memory_space<vmem>>
    %dma_start3A_45 = tpu.memref_slice %arg4[%add3A_26] : memref<320000xi32, #tpu.memory_space<hbm>> -> memref<112xi32, #tpu.memory_space<hbm>>
    tpu.enqueue_dma source(%dma_start3A_45 : memref<112xi32, #tpu.memory_space<hbm>>) target(%dma_start3A_44 : memref<112xi32, #tpu.memory_space<vmem>>) target_semaphore(%arg16 : memref<!tpu.dma_semaphore, #tpu.memory_space<semaphore_mem>>)
    %add3A_46 = arith.constant 112 : i32
    %add3A_47 = arith.addi %mul3A_22, %add3A_46 : i32
    %dma_start3A_48 = arith.constant 1 : i32
    %dma_start3A_49 = arith.constant 0 : i32
    %dma_start3A_50 = arith.constant 0 : i32
    %dma_start3A_51 = tpu.memref_slice %arg9[%dma_start3A_48, %dma_start3A_49, %dma_start3A_50] : memref<4x1x112xi32, #tpu.memory_space<vmem>> -> memref<1x1x112xi32, #tpu.memory_space<vmem>>
    %dma_start3A_52 = tpu.memref_squeeze %dma_start3A_51 : memref<1x1x112xi32, #tpu.memory_space<vmem>> -> memref<112xi32, #tpu.memory_space<vmem>>
    %dma_start3A_53 = tpu.memref_slice %arg3[%add3A_47] : memref<320000xi32, #tpu.memory_space<hbm>> -> memref<112xi32, #tpu.memory_space<hbm>>
    %dma_start3A_54 = arith.constant 0 : i32
    %dma_start3A_55 = tpu.memref_slice %arg9[%dma_start3A_48, %dma_start3A_49, %dma_start3A_54] : memref<4x1x112xi32, #tpu.memory_space<vmem>> -> memref<1x1x112xi32, #tpu.memory_space<vmem>>
    %dma_start3A_56 = tpu.memref_squeeze %dma_start3A_55 : memref<1x1x112xi32, #tpu.memory_space<vmem>> -> memref<112xi32, #tpu.memory_space<vmem>>
    %dma_start3A_57 = tpu.memref_slice %arg3[%add3A_47] : memref<320000xi32, #tpu.memory_space<hbm>> -> memref<112xi32, #tpu.memory_space<hbm>>
    tpu.enqueue_dma source(%dma_start3A_57 : memref<112xi32, #tpu.memory_space<hbm>>) target(%dma_start3A_56 : memref<112xi32, #tpu.memory_space<vmem>>) target_semaphore(%arg17 : memref<!tpu.dma_semaphore, #tpu.memory_space<semaphore_mem>>)
    %dma_start3A_58 = arith.constant 1 : i32
    %dma_start3A_59 = arith.constant 0 : i32
    %dma_start3A_60 = arith.constant 0 : i32
    %dma_start3A_61 = tpu.memref_slice %arg10[%dma_start3A_58, %dma_start3A_59, %dma_start3A_60] : memref<4x1x112xi32, #tpu.memory_space<vmem>> -> memref<1x1x112xi32, #tpu.memory_space<vmem>>
    %dma_start3A_62 = tpu.memref_squeeze %dma_start3A_61 : memref<1x1x112xi32, #tpu.memory_space<vmem>> -> memref<112xi32, #tpu.memory_space<vmem>>
    %dma_start3A_63 = tpu.memref_slice %arg4[%add3A_47] : memref<320000xi32, #tpu.memory_space<hbm>> -> memref<112xi32, #tpu.memory_space<hbm>>
    %dma_start3A_64 = arith.constant 0 : i32
    %dma_start3A_65 = tpu.memref_slice %arg10[%dma_start3A_58, %dma_start3A_59, %dma_start3A_64] : memref<4x1x112xi32, #tpu.memory_space<vmem>> -> memref<1x1x112xi32, #tpu.memory_space<vmem>>
    %dma_start3A_66 = tpu.memref_squeeze %dma_start3A_65 : memref<1x1x112xi32, #tpu.memory_space<vmem>> -> memref<112xi32, #tpu.memory_space<vmem>>
    %dma_start3A_67 = tpu.memref_slice %arg4[%add3A_47] : memref<320000xi32, #tpu.memory_space<hbm>> -> memref<112xi32, #tpu.memory_space<hbm>>
    tpu.enqueue_dma source(%dma_start3A_67 : memref<112xi32, #tpu.memory_space<hbm>>) target(%dma_start3A_66 : memref<112xi32, #tpu.memory_space<vmem>>) target_semaphore(%arg17 : memref<!tpu.dma_semaphore, #tpu.memory_space<semaphore_mem>>)
    %add3A_68 = arith.constant 224 : i32
    %add3A_69 = arith.addi %mul3A_22, %add3A_68 : i32
    %dma_start3A_70 = arith.constant 2 : i32
    %dma_start3A_71 = arith.constant 0 : i32
    %dma_start3A_72 = arith.constant 0 : i32
    %dma_start3A_73 = tpu.memref_slice %arg9[%dma_start3A_70, %dma_start3A_71, %dma_start3A_72] : memref<4x1x112xi32, #tpu.memory_space<vmem>> -> memref<1x1x112xi32, #tpu.memory_space<vmem>>
    %dma_start3A_74 = tpu.memref_squeeze %dma_start3A_73 : memref<1x1x112xi32, #tpu.memory_space<vmem>> -> memref<112xi32, #tpu.memory_space<vmem>>
    %dma_start3A_75 = tpu.memref_slice %arg3[%add3A_69] : memref<320000xi32, #tpu.memory_space<hbm>> -> memref<112xi32, #tpu.memory_space<hbm>>
    %dma_start3A_76 = arith.constant 0 : i32
    %dma_start3A_77 = tpu.memref_slice %arg9[%dma_start3A_70, %dma_start3A_71, %dma_start3A_76] : memref<4x1x112xi32, #tpu.memory_space<vmem>> -> memref<1x1x112xi32, #tpu.memory_space<vmem>>
    %dma_start3A_78 = tpu.memref_squeeze %dma_start3A_77 : memref<1x1x112xi32, #tpu.memory_space<vmem>> -> memref<112xi32, #tpu.memory_space<vmem>>
    %dma_start3A_79 = tpu.memref_slice %arg3[%add3A_69] : memref<320000xi32, #tpu.memory_space<hbm>> -> memref<112xi32, #tpu.memory_space<hbm>>
    tpu.enqueue_dma source(%dma_start3A_79 : memref<112xi32, #tpu.memory_space<hbm>>) target(%dma_start3A_78 : memref<112xi32, #tpu.memory_space<vmem>>) target_semaphore(%arg18 : memref<!tpu.dma_semaphore, #tpu.memory_space<semaphore_mem>>)
    %dma_start3A_80 = arith.constant 2 : i32
    %dma_start3A_81 = arith.constant 0 : i32
    %dma_start3A_82 = arith.constant 0 : i32
    %dma_start3A_83 = tpu.memref_slice %arg10[%dma_start3A_80, %dma_start3A_81, %dma_start3A_82] : memref<4x1x112xi32, #tpu.memory_space<vmem>> -> memref<1x1x112xi32, #tpu.memory_space<vmem>>
    %dma_start3A_84 = tpu.memref_squeeze %dma_start3A_83 : memref<1x1x112xi32, #tpu.memory_space<vmem>> -> memref<112xi32, #tpu.memory_space<vmem>>
    %dma_start3A_85 = tpu.memref_slice %arg4[%add3A_69] : memref<320000xi32, #tpu.memory_space<hbm>> -> memref<112xi32, #tpu.memory_space<hbm>>
    %dma_start3A_86 = arith.constant 0 : i32
    %dma_start3A_87 = tpu.memref_slice %arg10[%dma_start3A_80, %dma_start3A_81, %dma_start3A_86] : memref<4x1x112xi32, #tpu.memory_space<vmem>> -> memref<1x1x112xi32, #tpu.memory_space<vmem>>
    %dma_start3A_88 = tpu.memref_squeeze %dma_start3A_87 : memref<1x1x112xi32, #tpu.memory_space<vmem>> -> memref<112xi32, #tpu.memory_space<vmem>>
    %dma_start3A_89 = tpu.memref_slice %arg4[%add3A_69] : memref<320000xi32, #tpu.memory_space<hbm>> -> memref<112xi32, #tpu.memory_space<hbm>>
    tpu.enqueue_dma source(%dma_start3A_89 : memref<112xi32, #tpu.memory_space<hbm>>) target(%dma_start3A_88 : memref<112xi32, #tpu.memory_space<vmem>>) target_semaphore(%arg18 : memref<!tpu.dma_semaphore, #tpu.memory_space<semaphore_mem>>)
    %add3A_90 = arith.constant 0 : i32
    %add3A_91 = arith.addi %mul3A_22, %add3A_90 : i32
    %dma_wait3A = arith.constant 0 : i32
    %dma_wait3A_92 = arith.constant 0 : i32
    %dma_wait3A_93 = arith.constant 0 : i32
    %dma_wait3A_94 = tpu.memref_slice %arg9[%dma_wait3A, %dma_wait3A_92, %dma_wait3A_93] : memref<4x1x112xi32, #tpu.memory_space<vmem>> -> memref<1x1x112xi32, #tpu.memory_space<vmem>>
    %dma_wait3A_95 = tpu.memref_squeeze %dma_wait3A_94 : memref<1x1x112xi32, #tpu.memory_space<vmem>> -> memref<112xi32, #tpu.memory_space<vmem>>
    %dma_wait3A_96 = tpu.memref_slice %arg3[%add3A_91] : memref<320000xi32, #tpu.memory_space<hbm>> -> memref<112xi32, #tpu.memory_space<hbm>>
    %dma_wait3A_97 = arith.constant 0 : i32
    %dma_wait3A_98 = tpu.memref_slice %arg9[%dma_wait3A, %dma_wait3A_92, %dma_wait3A_97] : memref<4x1x112xi32, #tpu.memory_space<vmem>> -> memref<1x1x112xi32, #tpu.memory_space<vmem>>
    %dma_wait3A_99 = tpu.memref_squeeze %dma_wait3A_98 : memref<1x1x112xi32, #tpu.memory_space<vmem>> -> memref<112xi32, #tpu.memory_space<vmem>>
    %dma_wait3A_100 = tpu.memref_slice %arg3[%add3A_91] : memref<320000xi32, #tpu.memory_space<hbm>> -> memref<112xi32, #tpu.memory_space<hbm>>
    tpu.wait_dma2 semaphore(%arg16 : memref<!tpu.dma_semaphore, #tpu.memory_space<semaphore_mem>>) src(%dma_wait3A_100 : memref<112xi32, #tpu.memory_space<hbm>>) dst(%dma_wait3A_99 : memref<112xi32, #tpu.memory_space<vmem>>)
    %dma_wait3A_101 = arith.constant 0 : i32
    %dma_wait3A_102 = arith.constant 0 : i32
    %dma_wait3A_103 = arith.constant 0 : i32
    %dma_wait3A_104 = tpu.memref_slice %arg10[%dma_wait3A_101, %dma_wait3A_102, %dma_wait3A_103] : memref<4x1x112xi32, #tpu.memory_space<vmem>> -> memref<1x1x112xi32, #tpu.memory_space<vmem>>
    %dma_wait3A_105 = tpu.memref_squeeze %dma_wait3A_104 : memref<1x1x112xi32, #tpu.memory_space<vmem>> -> memref<112xi32, #tpu.memory_space<vmem>>
    %dma_wait3A_106 = tpu.memref_slice %arg4[%add3A_91] : memref<320000xi32, #tpu.memory_space<hbm>> -> memref<112xi32, #tpu.memory_space<hbm>>
    %dma_wait3A_107 = arith.constant 0 : i32
    %dma_wait3A_108 = tpu.memref_slice %arg10[%dma_wait3A_101, %dma_wait3A_102, %dma_wait3A_107] : memref<4x1x112xi32, #tpu.memory_space<vmem>> -> memref<1x1x112xi32, #tpu.memory_space<vmem>>
    %dma_wait3A_109 = tpu.memref_squeeze %dma_wait3A_108 : memref<1x1x112xi32, #tpu.memory_space<vmem>> -> memref<112xi32, #tpu.memory_space<vmem>>
    %dma_wait3A_110 = tpu.memref_slice %arg4[%add3A_91] : memref<320000xi32, #tpu.memory_space<hbm>> -> memref<112xi32, #tpu.memory_space<hbm>>
    tpu.wait_dma2 semaphore(%arg16 : memref<!tpu.dma_semaphore, #tpu.memory_space<semaphore_mem>>) src(%dma_wait3A_110 : memref<112xi32, #tpu.memory_space<hbm>>) dst(%dma_wait3A_109 : memref<112xi32, #tpu.memory_space<vmem>>)
    %dma_start3A_111 = arith.constant 0 : i32
    %dma_start3A_112 = arith.constant 0 : i32
    %dma_start3A_113 = arith.constant 0 : i32
    %dma_start3A_114 = tpu.memref_slice %arg9[%dma_start3A_111, %dma_start3A_112, %dma_start3A_113] : memref<4x1x112xi32, #tpu.memory_space<vmem>> -> memref<1x1x112xi32, #tpu.memory_space<vmem>>
    %dma_start3A_115 = tpu.memref_squeeze %dma_start3A_114 : memref<1x1x112xi32, #tpu.memory_space<vmem>> -> memref<112xi32, #tpu.memory_space<vmem>>
    %dma_start3A_116 = arith.constant 0 : i32
    %dma_start3A_117 = arith.constant 0 : i32
    %dma_start3A_118 = tpu.memref_slice %arg2[%dma_start3A_116, %dma_start3A_117] : memref<10000x128xf32, #tpu.memory_space<hbm>> -> memref<10000x128xf32, #tpu.memory_space<hbm>>
    tpu.enqueue_indirect_dma source(%dma_start3A_118 : memref<10000x128xf32, #tpu.memory_space<hbm>>) target(%arg11 : memref<112x128xf32, #tpu.memory_space<vmem>>) offsets(%dma_start3A_115 : memref<112xi32, #tpu.memory_space<vmem>>) semaphore(%arg20 : memref<!tpu.dma_semaphore, #tpu.memory_space<semaphore_mem>>)
    %scan3A_119 = arith.constant 0 : i32
    %scan3A_120 = arith.constant 0 : i32
    %scan3A_121 = arith.constant 22 : i32
    %scan3A_122 = arith.addi %scan3A_120, %scan3A_121 : i32
    %scan3A_123 = arith.constant 1 : i32
    scf.for %scan3A_219 = %scan3A_120 to %scan3A_122 step %scan3A_123  : i32 {
      %mul3A_220 = arith.constant 4 : i32
      %mul3A_221 = arith.muli %mul3A_220, %scan3A_219 : i32
      %add3A_222 = arith.constant 0 : i32
      %add3A_223 = arith.addi %mul3A_221, %add3A_222 : i32
      %gt3A = arith.constant 0 : i32
      %gt3A_224 = arith.cmpi sgt, %add3A_223, %gt3A : i32
      %convert_element_type3A = arith.extui %gt3A_224 : i1 to i32
      %cond3A = arith.constant 0 : i32
      %cond3A_225 = arith.cmpi ne, %convert_element_type3A, %cond3A : i32
      scf.if %cond3A_225 {
        %sub3A = arith.constant 1 : i32
        %sub3A_540 = arith.subi %add3A_223, %sub3A : i32
        %dma_wait3A_541 = arith.constant 3 : i32
        %dma_wait3A_542 = arith.constant 0 : i32
        %dma_wait3A_543 = arith.constant 0 : i32
        %dma_wait3A_544 = tpu.memref_slice %arg10[%dma_wait3A_541, %dma_wait3A_542, %dma_wait3A_543] : memref<4x1x112xi32, #tpu.memory_space<vmem>> -> memref<1x1x112xi32, #tpu.memory_space<vmem>>
        %dma_wait3A_545 = tpu.memref_squeeze %dma_wait3A_544 : memref<1x1x112xi32, #tpu.memory_space<vmem>> -> memref<112xi32, #tpu.memory_space<vmem>>
        %dma_wait3A_546 = arith.constant 0 : i32
        %dma_wait3A_547 = arith.constant 0 : i32
        %dma_wait3A_548 = tpu.memref_slice %arg8[%dma_wait3A_546, %dma_wait3A_547] : memref<10240x128xf32, #tpu.memory_space<vmem_shared>> -> memref<10240x128xf32, #tpu.memory_space<vmem_shared>>
        tpu.wait_indirect_dma semaphore(%arg23 : memref<!tpu.dma_semaphore, #tpu.memory_space<semaphore_mem>>) src(%arg12 : memref<112x128xf32, #tpu.memory_space<vmem>>) dst(%dma_wait3A_548 : memref<10240x128xf32, #tpu.memory_space<vmem_shared>>)
      } else {
      }
      %add3A_226 = arith.constant 1 : i32
      %add3A_227 = arith.addi %add3A_223, %add3A_226 : i32
      %lt3A = arith.constant 89 : i32
      %lt3A_228 = arith.cmpi slt, %add3A_227, %lt3A : i32
      %convert_element_type3A_229 = arith.extui %lt3A_228 : i1 to i32
      %cond3A_230 = arith.constant 0 : i32
      %cond3A_231 = arith.cmpi ne, %convert_element_type3A_229, %cond3A_230 : i32
      scf.if %cond3A_231 {
        %add3A_540 = arith.constant 1 : i32
        %add3A_541 = arith.addi %add3A_223, %add3A_540 : i32
        %mul3A_542 = arith.constant 112 : i32
        %mul3A_543 = arith.muli %add3A_541, %mul3A_542 : i32
        %add3A_544 = arith.addi %mul3A_22, %mul3A_543 : i32
        %dma_wait3A_545 = arith.constant 1 : i32
        %dma_wait3A_546 = arith.constant 0 : i32
        %dma_wait3A_547 = arith.constant 0 : i32
        %dma_wait3A_548 = tpu.memref_slice %arg9[%dma_wait3A_545, %dma_wait3A_546, %dma_wait3A_547] : memref<4x1x112xi32, #tpu.memory_space<vmem>> -> memref<1x1x112xi32, #tpu.memory_space<vmem>>
        %dma_wait3A_549 = tpu.memref_squeeze %dma_wait3A_548 : memref<1x1x112xi32, #tpu.memory_space<vmem>> -> memref<112xi32, #tpu.memory_space<vmem>>
        %dma_wait3A_550 = tpu.memref_slice %arg3[%add3A_544] : memref<320000xi32, #tpu.memory_space<hbm>> -> memref<112xi32, #tpu.memory_space<hbm>>
        %dma_wait3A_551 = arith.constant 0 : i32
        %dma_wait3A_552 = tpu.memref_slice %arg9[%dma_wait3A_545, %dma_wait3A_546, %dma_wait3A_551] : memref<4x1x112xi32, #tpu.memory_space<vmem>> -> memref<1x1x112xi32, #tpu.memory_space<vmem>>
        %dma_wait3A_553 = tpu.memref_squeeze %dma_wait3A_552 : memref<1x1x112xi32, #tpu.memory_space<vmem>> -> memref<112xi32, #tpu.memory_space<vmem>>
        %dma_wait3A_554 = tpu.memref_slice %arg3[%add3A_544] : memref<320000xi32, #tpu.memory_space<hbm>> -> memref<112xi32, #tpu.memory_space<hbm>>
        tpu.wait_dma2 semaphore(%arg17 : memref<!tpu.dma_semaphore, #tpu.memory_space<semaphore_mem>>) src(%dma_wait3A_554 : memref<112xi32, #tpu.memory_space<hbm>>) dst(%dma_wait3A_553 : memref<112xi32, #tpu.memory_space<vmem>>)
        %dma_wait3A_555 = arith.constant 1 : i32
        %dma_wait3A_556 = arith.constant 0 : i32
        %dma_wait3A_557 = arith.constant 0 : i32
        %dma_wait3A_558 = tpu.memref_slice %arg10[%dma_wait3A_555, %dma_wait3A_556, %dma_wait3A_557] : memref<4x1x112xi32, #tpu.memory_space<vmem>> -> memref<1x1x112xi32, #tpu.memory_space<vmem>>
        %dma_wait3A_559 = tpu.memref_squeeze %dma_wait3A_558 : memref<1x1x112xi32, #tpu.memory_space<vmem>> -> memref<112xi32, #tpu.memory_space<vmem>>
        %dma_wait3A_560 = tpu.memref_slice %arg4[%add3A_544] : memref<320000xi32, #tpu.memory_space<hbm>> -> memref<112xi32, #tpu.memory_space<hbm>>
        %dma_wait3A_561 = arith.constant 0 : i32
        %dma_wait3A_562 = tpu.memref_slice %arg10[%dma_wait3A_555, %dma_wait3A_556, %dma_wait3A_561] : memref<4x1x112xi32, #tpu.memory_space<vmem>> -> memref<1x1x112xi32, #tpu.memory_space<vmem>>
        %dma_wait3A_563 = tpu.memref_squeeze %dma_wait3A_562 : memref<1x1x112xi32, #tpu.memory_space<vmem>> -> memref<112xi32, #tpu.memory_space<vmem>>
        %dma_wait3A_564 = tpu.memref_slice %arg4[%add3A_544] : memref<320000xi32, #tpu.memory_space<hbm>> -> memref<112xi32, #tpu.memory_space<hbm>>
        tpu.wait_dma2 semaphore(%arg17 : memref<!tpu.dma_semaphore, #tpu.memory_space<semaphore_mem>>) src(%dma_wait3A_564 : memref<112xi32, #tpu.memory_space<hbm>>) dst(%dma_wait3A_563 : memref<112xi32, #tpu.memory_space<vmem>>)
        %dma_start3A_565 = arith.constant 1 : i32
        %dma_start3A_566 = arith.constant 0 : i32
        %dma_start3A_567 = arith.constant 0 : i32
        %dma_start3A_568 = tpu.memref_slice %arg9[%dma_start3A_565, %dma_start3A_566, %dma_start3A_567] : memref<4x1x112xi32, #tpu.memory_space<vmem>> -> memref<1x1x112xi32, #tpu.memory_space<vmem>>
        %dma_start3A_569 = tpu.memref_squeeze %dma_start3A_568 : memref<1x1x112xi32, #tpu.memory_space<vmem>> -> memref<112xi32, #tpu.memory_space<vmem>>
        %dma_start3A_570 = arith.constant 0 : i32
        %dma_start3A_571 = arith.constant 0 : i32
        %dma_start3A_572 = tpu.memref_slice %arg2[%dma_start3A_570, %dma_start3A_571] : memref<10000x128xf32, #tpu.memory_space<hbm>> -> memref<10000x128xf32, #tpu.memory_space<hbm>>
        tpu.enqueue_indirect_dma source(%dma_start3A_572 : memref<10000x128xf32, #tpu.memory_space<hbm>>) target(%arg12 : memref<112x128xf32, #tpu.memory_space<vmem>>) offsets(%dma_start3A_569 : memref<112xi32, #tpu.memory_space<vmem>>) semaphore(%arg21 : memref<!tpu.dma_semaphore, #tpu.memory_space<semaphore_mem>>)
      } else {
      }
      %dma_wait3A_232 = arith.constant 0 : i32
      %dma_wait3A_233 = arith.constant 0 : i32
      %dma_wait3A_234 = arith.constant 0 : i32
      %dma_wait3A_235 = tpu.memref_slice %arg9[%dma_wait3A_232, %dma_wait3A_233, %dma_wait3A_234] : memref<4x1x112xi32, #tpu.memory_space<vmem>> -> memref<1x1x112xi32, #tpu.memory_space<vmem>>
      %dma_wait3A_236 = tpu.memref_squeeze %dma_wait3A_235 : memref<1x1x112xi32, #tpu.memory_space<vmem>> -> memref<112xi32, #tpu.memory_space<vmem>>
      %dma_wait3A_237 = arith.constant 0 : i32
      %dma_wait3A_238 = arith.constant 0 : i32
      %dma_wait3A_239 = tpu.memref_slice %arg2[%dma_wait3A_237, %dma_wait3A_238] : memref<10000x128xf32, #tpu.memory_space<hbm>> -> memref<10000x128xf32, #tpu.memory_space<hbm>>
      tpu.wait_indirect_dma semaphore(%arg20 : memref<!tpu.dma_semaphore, #tpu.memory_space<semaphore_mem>>) src(%dma_wait3A_239 : memref<10000x128xf32, #tpu.memory_space<hbm>>) dst(%arg11 : memref<112x128xf32, #tpu.memory_space<vmem>>)
      %get3A_240 = arith.constant 0 : i32
      %get3A_241 = arith.constant 0 : i32
      %get3A_242 = arith.index_cast %get3A_240 : i32 to index
      %get3A_243 = arith.index_cast %get3A_241 : i32 to index
      %get3A_244 = arith.constant 0 : index
      %get3A_245 = tpu.vector_load %arg10[%get3A_242, %get3A_243, %get3A_244] {strides = array<i32>} : memref<4x1x112xi32, #tpu.memory_space<vmem>>, vector<16xi32>,
      tpu.vector_store_idx %arg13[%get3A_245], %broadcast_in_dim3A_24 {add = true} : memref<10240xf32, #tpu.memory_space<vmem>>[vector<16xi32>], vector<16xf32>,
      %get3A_246 = arith.constant 0 : i32
      %get3A_247 = arith.constant 0 : i32
      %get3A_248 = arith.index_cast %get3A_246 : i32 to index
      %get3A_249 = arith.index_cast %get3A_247 : i32 to index
      %get3A_250 = arith.constant 16 : index
      %get3A_251 = tpu.vector_load %arg10[%get3A_248, %get3A_249, %get3A_250] {strides = array<i32>} : memref<4x1x112xi32, #tpu.memory_space<vmem>>, vector<16xi32>,
      tpu.vector_store_idx %arg13[%get3A_251], %broadcast_in_dim3A_24 {add = true} : memref<10240xf32, #tpu.memory_space<vmem>>[vector<16xi32>], vector<16xf32>,
      %get3A_252 = arith.constant 0 : i32
      %get3A_253 = arith.constant 0 : i32
      %get3A_254 = arith.index_cast %get3A_252 : i32 to index
      %get3A_255 = arith.index_cast %get3A_253 : i32 to index
      %get3A_256 = arith.constant 32 : index
      %get3A_257 = tpu.vector_load %arg10[%get3A_254, %get3A_255, %get3A_256] {strides = array<i32>} : memref<4x1x112xi32, #tpu.memory_space<vmem>>, vector<16xi32>,
      tpu.vector_store_idx %arg13[%get3A_257], %broadcast_in_dim3A_24 {add = true} : memref<10240xf32, #tpu.memory_space<vmem>>[vector<16xi32>], vector<16xf32>,
      %get3A_258 = arith.constant 0 : i32
      %get3A_259 = arith.constant 0 : i32
      %get3A_260 = arith.index_cast %get3A_258 : i32 to index
      %get3A_261 = arith.index_cast %get3A_259 : i32 to index
      %get3A_262 = arith.constant 48 : index
      %get3A_263 = tpu.vector_load %arg10[%get3A_260, %get3A_261, %get3A_262] {strides = array<i32>} : memref<4x1x112xi32, #tpu.memory_space<vmem>>, vector<16xi32>,
      tpu.vector_store_idx %arg13[%get3A_263], %broadcast_in_dim3A_24 {add = true} : memref<10240xf32, #tpu.memory_space<vmem>>[vector<16xi32>], vector<16xf32>,
      %get3A_264 = arith.constant 0 : i32
      %get3A_265 = arith.constant 0 : i32
      %get3A_266 = arith.index_cast %get3A_264 : i32 to index
      %get3A_267 = arith.index_cast %get3A_265 : i32 to index
      %get3A_268 = arith.constant 64 : index
      %get3A_269 = tpu.vector_load %arg10[%get3A_266, %get3A_267, %get3A_268] {strides = array<i32>} : memref<4x1x112xi32, #tpu.memory_space<vmem>>, vector<16xi32>,
      tpu.vector_store_idx %arg13[%get3A_269], %broadcast_in_dim3A_24 {add = true} : memref<10240xf32, #tpu.memory_space<vmem>>[vector<16xi32>], vector<16xf32>,
      %get3A_270 = arith.constant 0 : i32
      %get3A_271 = arith.constant 0 : i32
      %get3A_272 = arith.index_cast %get3A_270 : i32 to index
      %get3A_273 = arith.index_cast %get3A_271 : i32 to index
      %get3A_274 = arith.constant 80 : index
      %get3A_275 = tpu.vector_load %arg10[%get3A_272, %get3A_273, %get3A_274] {strides = array<i32>} : memref<4x1x112xi32, #tpu.memory_space<vmem>>, vector<16xi32>,
      tpu.vector_store_idx %arg13[%get3A_275], %broadcast_in_dim3A_24 {add = true} : memref<10240xf32, #tpu.memory_space<vmem>>[vector<16xi32>], vector<16xf32>,
      %get3A_276 = arith.constant 0 : i32
      %get3A_277 = arith.constant 0 : i32
      %get3A_278 = arith.index_cast %get3A_276 : i32 to index
      %get3A_279 = arith.index_cast %get3A_277 : i32 to index
      %get3A_280 = arith.constant 96 : index
      %get3A_281 = tpu.vector_load %arg10[%get3A_278, %get3A_279, %get3A_280] {strides = array<i32>} : memref<4x1x112xi32, #tpu.memory_space<vmem>>, vector<16xi32>,
      tpu.vector_store_idx %arg13[%get3A_281], %broadcast_in_dim3A_24 {add = true} : memref<10240xf32, #tpu.memory_space<vmem>>[vector<16xi32>], vector<16xf32>,
      %dma_start3A_282 = arith.constant 0 : i32
      %dma_start3A_283 = arith.constant 0 : i32
      %dma_start3A_284 = arith.constant 0 : i32
      %dma_start3A_285 = tpu.memref_slice %arg10[%dma_start3A_282, %dma_start3A_283, %dma_start3A_284] : memref<4x1x112xi32, #tpu.memory_space<vmem>> -> memref<1x1x112xi32, #tpu.memory_space<vmem>>
      %dma_start3A_286 = tpu.memref_squeeze %dma_start3A_285 : memref<1x1x112xi32, #tpu.memory_space<vmem>> -> memref<112xi32, #tpu.memory_space<vmem>>
      %dma_start3A_287 = arith.constant 0 : i32
      %dma_start3A_288 = arith.constant 0 : i32
      %dma_start3A_289 = tpu.memref_slice %arg8[%dma_start3A_287, %dma_start3A_288] : memref<10240x128xf32, #tpu.memory_space<vmem_shared>> -> memref<10240x128xf32, #tpu.memory_space<vmem_shared>>
      tpu.enqueue_indirect_dma source(%arg11 : memref<112x128xf32, #tpu.memory_space<vmem>>) target(%dma_start3A_289 : memref<10240x128xf32, #tpu.memory_space<vmem_shared>>) offsets(%dma_start3A_286 : memref<112xi32, #tpu.memory_space<vmem>>) semaphore(%arg22 : memref<!tpu.dma_semaphore, #tpu.memory_space<semaphore_mem>>) {add = true}
      %add3A_290 = arith.constant 3 : i32
      %add3A_291 = arith.addi %add3A_223, %add3A_290 : i32
      %lt3A_292 = arith.constant 89 : i32
      %lt3A_293 = arith.cmpi slt, %add3A_291, %lt3A_292 : i32
      %convert_element_type3A_294 = arith.extui %lt3A_293 : i1 to i32
      %cond3A_295 = arith.constant 0 : i32
      %cond3A_296 = arith.cmpi ne, %convert_element_type3A_294, %cond3A_295 : i32
      scf.if %cond3A_296 {
        %add3A_540 = arith.constant 3 : i32
        %add3A_541 = arith.addi %add3A_223, %add3A_540 : i32
        %mul3A_542 = arith.constant 112 : i32
        %mul3A_543 = arith.muli %add3A_541, %mul3A_542 : i32
        %add3A_544 = arith.addi %mul3A_22, %mul3A_543 : i32
        %dma_start3A_545 = arith.constant 3 : i32
        %dma_start3A_546 = arith.constant 0 : i32
        %dma_start3A_547 = arith.constant 0 : i32
        %dma_start3A_548 = tpu.memref_slice %arg9[%dma_start3A_545, %dma_start3A_546, %dma_start3A_547] : memref<4x1x112xi32, #tpu.memory_space<vmem>> -> memref<1x1x112xi32, #tpu.memory_space<vmem>>
        %dma_start3A_549 = tpu.memref_squeeze %dma_start3A_548 : memref<1x1x112xi32, #tpu.memory_space<vmem>> -> memref<112xi32, #tpu.memory_space<vmem>>
        %dma_start3A_550 = tpu.memref_slice %arg3[%add3A_544] : memref<320000xi32, #tpu.memory_space<hbm>> -> memref<112xi32, #tpu.memory_space<hbm>>
        %dma_start3A_551 = arith.constant 0 : i32
        %dma_start3A_552 = tpu.memref_slice %arg9[%dma_start3A_545, %dma_start3A_546, %dma_start3A_551] : memref<4x1x112xi32, #tpu.memory_space<vmem>> -> memref<1x1x112xi32, #tpu.memory_space<vmem>>
        %dma_start3A_553 = tpu.memref_squeeze %dma_start3A_552 : memref<1x1x112xi32, #tpu.memory_space<vmem>> -> memref<112xi32, #tpu.memory_space<vmem>>
        %dma_start3A_554 = tpu.memref_slice %arg3[%add3A_544] : memref<320000xi32, #tpu.memory_space<hbm>> -> memref<112xi32, #tpu.memory_space<hbm>>
        tpu.enqueue_dma source(%dma_start3A_554 : memref<112xi32, #tpu.memory_space<hbm>>) target(%dma_start3A_553 : memref<112xi32, #tpu.memory_space<vmem>>) target_semaphore(%arg19 : memref<!tpu.dma_semaphore, #tpu.memory_space<semaphore_mem>>)
        %dma_start3A_555 = arith.constant 3 : i32
        %dma_start3A_556 = arith.constant 0 : i32
        %dma_start3A_557 = arith.constant 0 : i32
        %dma_start3A_558 = tpu.memref_slice %arg10[%dma_start3A_555, %dma_start3A_556, %dma_start3A_557] : memref<4x1x112xi32, #tpu.memory_space<vmem>> -> memref<1x1x112xi32, #tpu.memory_space<vmem>>
        %dma_start3A_559 = tpu.memref_squeeze %dma_start3A_558 : memref<1x1x112xi32, #tpu.memory_space<vmem>> -> memref<112xi32, #tpu.memory_space<vmem>>
        %dma_start3A_560 = tpu.memref_slice %arg4[%add3A_544] : memref<320000xi32, #tpu.memory_space<hbm>> -> memref<112xi32, #tpu.memory_space<hbm>>
        %dma_start3A_561 = arith.constant 0 : i32
        %dma_start3A_562 = tpu.memref_slice %arg10[%dma_start3A_555, %dma_start3A_556, %dma_start3A_561] : memref<4x1x112xi32, #tpu.memory_space<vmem>> -> memref<1x1x112xi32, #tpu.memory_space<vmem>>
        %dma_start3A_563 = tpu.memref_squeeze %dma_start3A_562 : memref<1x1x112xi32, #tpu.memory_space<vmem>> -> memref<112xi32, #tpu.memory_space<vmem>>
        %dma_start3A_564 = tpu.memref_slice %arg4[%add3A_544] : memref<320000xi32, #tpu.memory_space<hbm>> -> memref<112xi32, #tpu.memory_space<hbm>>
        tpu.enqueue_dma source(%dma_start3A_564 : memref<112xi32, #tpu.memory_space<hbm>>) target(%dma_start3A_563 : memref<112xi32, #tpu.memory_space<vmem>>) target_semaphore(%arg19 : memref<!tpu.dma_semaphore, #tpu.memory_space<semaphore_mem>>)
      } else {
      }
      %mul3A_297 = arith.constant 4 : i32
      %mul3A_298 = arith.muli %mul3A_297, %scan3A_219 : i32
      %add3A_299 = arith.constant 1 : i32
      %add3A_300 = arith.addi %mul3A_298, %add3A_299 : i32
      %gt3A_301 = arith.constant 0 : i32
      %gt3A_302 = arith.cmpi sgt, %add3A_300, %gt3A_301 : i32
      %convert_element_type3A_303 = arith.extui %gt3A_302 : i1 to i32
      %cond3A_304 = arith.constant 0 : i32
      %cond3A_305 = arith.cmpi ne, %convert_element_type3A_303, %cond3A_304 : i32
      scf.if %cond3A_305 {
        %sub3A = arith.constant 1 : i32
        %sub3A_540 = arith.subi %add3A_300, %sub3A : i32
        %dma_wait3A_541 = arith.constant 0 : i32
        %dma_wait3A_542 = arith.constant 0 : i32
        %dma_wait3A_543 = arith.constant 0 : i32
        %dma_wait3A_544 = tpu.memref_slice %arg10[%dma_wait3A_541, %dma_wait3A_542, %dma_wait3A_543] : memref<4x1x112xi32, #tpu.memory_space<vmem>> -> memref<1x1x112xi32, #tpu.memory_space<vmem>>
        %dma_wait3A_545 = tpu.memref_squeeze %dma_wait3A_544 : memref<1x1x112xi32, #tpu.memory_space<vmem>> -> memref<112xi32, #tpu.memory_space<vmem>>
        %dma_wait3A_546 = arith.constant 0 : i32
        %dma_wait3A_547 = arith.constant 0 : i32
        %dma_wait3A_548 = tpu.memref_slice %arg8[%dma_wait3A_546, %dma_wait3A_547] : memref<10240x128xf32, #tpu.memory_space<vmem_shared>> -> memref<10240x128xf32, #tpu.memory_space<vmem_shared>>
        tpu.wait_indirect_dma semaphore(%arg22 : memref<!tpu.dma_semaphore, #tpu.memory_space<semaphore_mem>>) src(%arg11 : memref<112x128xf32, #tpu.memory_space<vmem>>) dst(%dma_wait3A_548 : memref<10240x128xf32, #tpu.memory_space<vmem_shared>>)
      } else {
      }
      %add3A_306 = arith.constant 1 : i32
      %add3A_307 = arith.addi %add3A_300, %add3A_306 : i32
      %lt3A_308 = arith.constant 89 : i32
      %lt3A_309 = arith.cmpi slt, %add3A_307, %lt3A_308 : i32
      %convert_element_type3A_310 = arith.extui %lt3A_309 : i1 to i32
      %cond3A_311 = arith.constant 0 : i32
      %cond3A_312 = arith.cmpi ne, %convert_element_type3A_310, %cond3A_311 : i32
      scf.if %cond3A_312 {
        %add3A_540 = arith.constant 1 : i32
        %add3A_541 = arith.addi %add3A_300, %add3A_540 : i32
        %mul3A_542 = arith.constant 112 : i32
        %mul3A_543 = arith.muli %add3A_541, %mul3A_542 : i32
        %add3A_544 = arith.addi %mul3A_22, %mul3A_543 : i32
        %dma_wait3A_545 = arith.constant 2 : i32
        %dma_wait3A_546 = arith.constant 0 : i32
        %dma_wait3A_547 = arith.constant 0 : i32
        %dma_wait3A_548 = tpu.memref_slice %arg9[%dma_wait3A_545, %dma_wait3A_546, %dma_wait3A_547] : memref<4x1x112xi32, #tpu.memory_space<vmem>> -> memref<1x1x112xi32, #tpu.memory_space<vmem>>
        %dma_wait3A_549 = tpu.memref_squeeze %dma_wait3A_548 : memref<1x1x112xi32, #tpu.memory_space<vmem>> -> memref<112xi32, #tpu.memory_space<vmem>>
        %dma_wait3A_550 = tpu.memref_slice %arg3[%add3A_544] : memref<320000xi32, #tpu.memory_space<hbm>> -> memref<112xi32, #tpu.memory_space<hbm>>
        %dma_wait3A_551 = arith.constant 0 : i32
        %dma_wait3A_552 = tpu.memref_slice %arg9[%dma_wait3A_545, %dma_wait3A_546, %dma_wait3A_551] : memref<4x1x112xi32, #tpu.memory_space<vmem>> -> memref<1x1x112xi32, #tpu.memory_space<vmem>>
        %dma_wait3A_553 = tpu.memref_squeeze %dma_wait3A_552 : memref<1x1x112xi32, #tpu.memory_space<vmem>> -> memref<112xi32, #tpu.memory_space<vmem>>
        %dma_wait3A_554 = tpu.memref_slice %arg3[%add3A_544] : memref<320000xi32, #tpu.memory_space<hbm>> -> memref<112xi32, #tpu.memory_space<hbm>>
        tpu.wait_dma2 semaphore(%arg18 : memref<!tpu.dma_semaphore, #tpu.memory_space<semaphore_mem>>) src(%dma_wait3A_554 : memref<112xi32, #tpu.memory_space<hbm>>) dst(%dma_wait3A_553 : memref<112xi32, #tpu.memory_space<vmem>>)
        %dma_wait3A_555 = arith.constant 2 : i32
        %dma_wait3A_556 = arith.constant 0 : i32
        %dma_wait3A_557 = arith.constant 0 : i32
        %dma_wait3A_558 = tpu.memref_slice %arg10[%dma_wait3A_555, %dma_wait3A_556, %dma_wait3A_557] : memref<4x1x112xi32, #tpu.memory_space<vmem>> -> memref<1x1x112xi32, #tpu.memory_space<vmem>>
        %dma_wait3A_559 = tpu.memref_squeeze %dma_wait3A_558 : memref<1x1x112xi32, #tpu.memory_space<vmem>> -> memref<112xi32, #tpu.memory_space<vmem>>
        %dma_wait3A_560 = tpu.memref_slice %arg4[%add3A_544] : memref<320000xi32, #tpu.memory_space<hbm>> -> memref<112xi32, #tpu.memory_space<hbm>>
        %dma_wait3A_561 = arith.constant 0 : i32
        %dma_wait3A_562 = tpu.memref_slice %arg10[%dma_wait3A_555, %dma_wait3A_556, %dma_wait3A_561] : memref<4x1x112xi32, #tpu.memory_space<vmem>> -> memref<1x1x112xi32, #tpu.memory_space<vmem>>
        %dma_wait3A_563 = tpu.memref_squeeze %dma_wait3A_562 : memref<1x1x112xi32, #tpu.memory_space<vmem>> -> memref<112xi32, #tpu.memory_space<vmem>>
        %dma_wait3A_564 = tpu.memref_slice %arg4[%add3A_544] : memref<320000xi32, #tpu.memory_space<hbm>> -> memref<112xi32, #tpu.memory_space<hbm>>
        tpu.wait_dma2 semaphore(%arg18 : memref<!tpu.dma_semaphore, #tpu.memory_space<semaphore_mem>>) src(%dma_wait3A_564 : memref<112xi32, #tpu.memory_space<hbm>>) dst(%dma_wait3A_563 : memref<112xi32, #tpu.memory_space<vmem>>)
        %dma_start3A_565 = arith.constant 2 : i32
        %dma_start3A_566 = arith.constant 0 : i32
        %dma_start3A_567 = arith.constant 0 : i32
        %dma_start3A_568 = tpu.memref_slice %arg9[%dma_start3A_565, %dma_start3A_566, %dma_start3A_567] : memref<4x1x112xi32, #tpu.memory_space<vmem>> -> memref<1x1x112xi32, #tpu.memory_space<vmem>>
        %dma_start3A_569 = tpu.memref_squeeze %dma_start3A_568 : memref<1x1x112xi32, #tpu.memory_space<vmem>> -> memref<112xi32, #tpu.memory_space<vmem>>
        %dma_start3A_570 = arith.constant 0 : i32
        %dma_start3A_571 = arith.constant 0 : i32
        %dma_start3A_572 = tpu.memref_slice %arg2[%dma_start3A_570, %dma_start3A_571] : memref<10000x128xf32, #tpu.memory_space<hbm>> -> memref<10000x128xf32, #tpu.memory_space<hbm>>
        tpu.enqueue_indirect_dma source(%dma_start3A_572 : memref<10000x128xf32, #tpu.memory_space<hbm>>) target(%arg11 : memref<112x128xf32, #tpu.memory_space<vmem>>) offsets(%dma_start3A_569 : memref<112xi32, #tpu.memory_space<vmem>>) semaphore(%arg20 : memref<!tpu.dma_semaphore, #tpu.memory_space<semaphore_mem>>)
      } else {
      }
      %dma_wait3A_313 = arith.constant 1 : i32
      %dma_wait3A_314 = arith.constant 0 : i32
      %dma_wait3A_315 = arith.constant 0 : i32
      %dma_wait3A_316 = tpu.memref_slice %arg9[%dma_wait3A_313, %dma_wait3A_314, %dma_wait3A_315] : memref<4x1x112xi32, #tpu.memory_space<vmem>> -> memref<1x1x112xi32, #tpu.memory_space<vmem>>
      %dma_wait3A_317 = tpu.memref_squeeze %dma_wait3A_316 : memref<1x1x112xi32, #tpu.memory_space<vmem>> -> memref<112xi32, #tpu.memory_space<vmem>>
      %dma_wait3A_318 = arith.constant 0 : i32
      %dma_wait3A_319 = arith.constant 0 : i32
      %dma_wait3A_320 = tpu.memref_slice %arg2[%dma_wait3A_318, %dma_wait3A_319] : memref<10000x128xf32, #tpu.memory_space<hbm>> -> memref<10000x128xf32, #tpu.memory_space<hbm>>
      tpu.wait_indirect_dma semaphore(%arg21 : memref<!tpu.dma_semaphore, #tpu.memory_space<semaphore_mem>>) src(%dma_wait3A_320 : memref<10000x128xf32, #tpu.memory_space<hbm>>) dst(%arg12 : memref<112x128xf32, #tpu.memory_space<vmem>>)
      %get3A_321 = arith.constant 1 : i32
      %get3A_322 = arith.constant 0 : i32
      %get3A_323 = arith.index_cast %get3A_321 : i32 to index
      %get3A_324 = arith.index_cast %get3A_322 : i32 to index
      %get3A_325 = arith.constant 0 : index
      %get3A_326 = tpu.vector_load %arg10[%get3A_323, %get3A_324, %get3A_325] {strides = array<i32>} : memref<4x1x112xi32, #tpu.memory_space<vmem>>, vector<16xi32>,
      tpu.vector_store_idx %arg13[%get3A_326], %broadcast_in_dim3A_24 {add = true} : memref<10240xf32, #tpu.memory_space<vmem>>[vector<16xi32>], vector<16xf32>,
      %get3A_327 = arith.constant 1 : i32
      %get3A_328 = arith.constant 0 : i32
      %get3A_329 = arith.index_cast %get3A_327 : i32 to index
      %get3A_330 = arith.index_cast %get3A_328 : i32 to index
      %get3A_331 = arith.constant 16 : index
      %get3A_332 = tpu.vector_load %arg10[%get3A_329, %get3A_330, %get3A_331] {strides = array<i32>} : memref<4x1x112xi32, #tpu.memory_space<vmem>>, vector<16xi32>,
      tpu.vector_store_idx %arg13[%get3A_332], %broadcast_in_dim3A_24 {add = true} : memref<10240xf32, #tpu.memory_space<vmem>>[vector<16xi32>], vector<16xf32>,
      %get3A_333 = arith.constant 1 : i32
      %get3A_334 = arith.constant 0 : i32
      %get3A_335 = arith.index_cast %get3A_333 : i32 to index
      %get3A_336 = arith.index_cast %get3A_334 : i32 to index
      %get3A_337 = arith.constant 32 : index
      %get3A_338 = tpu.vector_load %arg10[%get3A_335, %get3A_336, %get3A_337] {strides = array<i32>} : memref<4x1x112xi32, #tpu.memory_space<vmem>>, vector<16xi32>,
      tpu.vector_store_idx %arg13[%get3A_338], %broadcast_in_dim3A_24 {add = true} : memref<10240xf32, #tpu.memory_space<vmem>>[vector<16xi32>], vector<16xf32>,
      %get3A_339 = arith.constant 1 : i32
      %get3A_340 = arith.constant 0 : i32
      %get3A_341 = arith.index_cast %get3A_339 : i32 to index
      %get3A_342 = arith.index_cast %get3A_340 : i32 to index
      %get3A_343 = arith.constant 48 : index
      %get3A_344 = tpu.vector_load %arg10[%get3A_341, %get3A_342, %get3A_343] {strides = array<i32>} : memref<4x1x112xi32, #tpu.memory_space<vmem>>, vector<16xi32>,
      tpu.vector_store_idx %arg13[%get3A_344], %broadcast_in_dim3A_24 {add = true} : memref<10240xf32, #tpu.memory_space<vmem>>[vector<16xi32>], vector<16xf32>,
      %get3A_345 = arith.constant 1 : i32
      %get3A_346 = arith.constant 0 : i32
      %get3A_347 = arith.index_cast %get3A_345 : i32 to index
      %get3A_348 = arith.index_cast %get3A_346 : i32 to index
      %get3A_349 = arith.constant 64 : index
      %get3A_350 = tpu.vector_load %arg10[%get3A_347, %get3A_348, %get3A_349] {strides = array<i32>} : memref<4x1x112xi32, #tpu.memory_space<vmem>>, vector<16xi32>,
      tpu.vector_store_idx %arg13[%get3A_350], %broadcast_in_dim3A_24 {add = true} : memref<10240xf32, #tpu.memory_space<vmem>>[vector<16xi32>], vector<16xf32>,
      %get3A_351 = arith.constant 1 : i32
      %get3A_352 = arith.constant 0 : i32
      %get3A_353 = arith.index_cast %get3A_351 : i32 to index
      %get3A_354 = arith.index_cast %get3A_352 : i32 to index
      %get3A_355 = arith.constant 80 : index
      %get3A_356 = tpu.vector_load %arg10[%get3A_353, %get3A_354, %get3A_355] {strides = array<i32>} : memref<4x1x112xi32, #tpu.memory_space<vmem>>, vector<16xi32>,
      tpu.vector_store_idx %arg13[%get3A_356], %broadcast_in_dim3A_24 {add = true} : memref<10240xf32, #tpu.memory_space<vmem>>[vector<16xi32>], vector<16xf32>,
      %get3A_357 = arith.constant 1 : i32
      %get3A_358 = arith.constant 0 : i32
      %get3A_359 = arith.index_cast %get3A_357 : i32 to index
      %get3A_360 = arith.index_cast %get3A_358 : i32 to index
      %get3A_361 = arith.constant 96 : index
      %get3A_362 = tpu.vector_load %arg10[%get3A_359, %get3A_360, %get3A_361] {strides = array<i32>} : memref<4x1x112xi32, #tpu.memory_space<vmem>>, vector<16xi32>,
      tpu.vector_store_idx %arg13[%get3A_362], %broadcast_in_dim3A_24 {add = true} : memref<10240xf32, #tpu.memory_space<vmem>>[vector<16xi32>], vector<16xf32>,
      %dma_start3A_363 = arith.constant 1 : i32
      %dma_start3A_364 = arith.constant 0 : i32
      %dma_start3A_365 = arith.constant 0 : i32
      %dma_start3A_366 = tpu.memref_slice %arg10[%dma_start3A_363, %dma_start3A_364, %dma_start3A_365] : memref<4x1x112xi32, #tpu.memory_space<vmem>> -> memref<1x1x112xi32, #tpu.memory_space<vmem>>
      %dma_start3A_367 = tpu.memref_squeeze %dma_start3A_366 : memref<1x1x112xi32, #tpu.memory_space<vmem>> -> memref<112xi32, #tpu.memory_space<vmem>>
      %dma_start3A_368 = arith.constant 0 : i32
      %dma_start3A_369 = arith.constant 0 : i32
      %dma_start3A_370 = tpu.memref_slice %arg8[%dma_start3A_368, %dma_start3A_369] : memref<10240x128xf32, #tpu.memory_space<vmem_shared>> -> memref<10240x128xf32, #tpu.memory_space<vmem_shared>>
      tpu.enqueue_indirect_dma source(%arg12 : memref<112x128xf32, #tpu.memory_space<vmem>>) target(%dma_start3A_370 : memref<10240x128xf32, #tpu.memory_space<vmem_shared>>) offsets(%dma_start3A_367 : memref<112xi32, #tpu.memory_space<vmem>>) semaphore(%arg23 : memref<!tpu.dma_semaphore, #tpu.memory_space<semaphore_mem>>) {add = true}
      %add3A_371 = arith.constant 3 : i32
      %add3A_372 = arith.addi %add3A_300, %add3A_371 : i32
      %lt3A_373 = arith.constant 89 : i32
      %lt3A_374 = arith.cmpi slt, %add3A_372, %lt3A_373 : i32
      %convert_element_type3A_375 = arith.extui %lt3A_374 : i1 to i32
      %cond3A_376 = arith.constant 0 : i32
      %cond3A_377 = arith.cmpi ne, %convert_element_type3A_375, %cond3A_376 : i32
      scf.if %cond3A_377 {
        %add3A_540 = arith.constant 3 : i32
        %add3A_541 = arith.addi %add3A_300, %add3A_540 : i32
        %mul3A_542 = arith.constant 112 : i32
        %mul3A_543 = arith.muli %add3A_541, %mul3A_542 : i32
        %add3A_544 = arith.addi %mul3A_22, %mul3A_543 : i32
        %dma_start3A_545 = arith.constant 0 : i32
        %dma_start3A_546 = arith.constant 0 : i32
        %dma_start3A_547 = arith.constant 0 : i32
        %dma_start3A_548 = tpu.memref_slice %arg9[%dma_start3A_545, %dma_start3A_546, %dma_start3A_547] : memref<4x1x112xi32, #tpu.memory_space<vmem>> -> memref<1x1x112xi32, #tpu.memory_space<vmem>>
        %dma_start3A_549 = tpu.memref_squeeze %dma_start3A_548 : memref<1x1x112xi32, #tpu.memory_space<vmem>> -> memref<112xi32, #tpu.memory_space<vmem>>
        %dma_start3A_550 = tpu.memref_slice %arg3[%add3A_544] : memref<320000xi32, #tpu.memory_space<hbm>> -> memref<112xi32, #tpu.memory_space<hbm>>
        %dma_start3A_551 = arith.constant 0 : i32
        %dma_start3A_552 = tpu.memref_slice %arg9[%dma_start3A_545, %dma_start3A_546, %dma_start3A_551] : memref<4x1x112xi32, #tpu.memory_space<vmem>> -> memref<1x1x112xi32, #tpu.memory_space<vmem>>
        %dma_start3A_553 = tpu.memref_squeeze %dma_start3A_552 : memref<1x1x112xi32, #tpu.memory_space<vmem>> -> memref<112xi32, #tpu.memory_space<vmem>>
        %dma_start3A_554 = tpu.memref_slice %arg3[%add3A_544] : memref<320000xi32, #tpu.memory_space<hbm>> -> memref<112xi32, #tpu.memory_space<hbm>>
        tpu.enqueue_dma source(%dma_start3A_554 : memref<112xi32, #tpu.memory_space<hbm>>) target(%dma_start3A_553 : memref<112xi32, #tpu.memory_space<vmem>>) target_semaphore(%arg16 : memref<!tpu.dma_semaphore, #tpu.memory_space<semaphore_mem>>)
        %dma_start3A_555 = arith.constant 0 : i32
        %dma_start3A_556 = arith.constant 0 : i32
        %dma_start3A_557 = arith.constant 0 : i32
        %dma_start3A_558 = tpu.memref_slice %arg10[%dma_start3A_555, %dma_start3A_556, %dma_start3A_557] : memref<4x1x112xi32, #tpu.memory_space<vmem>> -> memref<1x1x112xi32, #tpu.memory_space<vmem>>
        %dma_start3A_559 = tpu.memref_squeeze %dma_start3A_558 : memref<1x1x112xi32, #tpu.memory_space<vmem>> -> memref<112xi32, #tpu.memory_space<vmem>>
        %dma_start3A_560 = tpu.memref_slice %arg4[%add3A_544] : memref<320000xi32, #tpu.memory_space<hbm>> -> memref<112xi32, #tpu.memory_space<hbm>>
        %dma_start3A_561 = arith.constant 0 : i32
        %dma_start3A_562 = tpu.memref_slice %arg10[%dma_start3A_555, %dma_start3A_556, %dma_start3A_561] : memref<4x1x112xi32, #tpu.memory_space<vmem>> -> memref<1x1x112xi32, #tpu.memory_space<vmem>>
        %dma_start3A_563 = tpu.memref_squeeze %dma_start3A_562 : memref<1x1x112xi32, #tpu.memory_space<vmem>> -> memref<112xi32, #tpu.memory_space<vmem>>
        %dma_start3A_564 = tpu.memref_slice %arg4[%add3A_544] : memref<320000xi32, #tpu.memory_space<hbm>> -> memref<112xi32, #tpu.memory_space<hbm>>
        tpu.enqueue_dma source(%dma_start3A_564 : memref<112xi32, #tpu.memory_space<hbm>>) target(%dma_start3A_563 : memref<112xi32, #tpu.memory_space<vmem>>) target_semaphore(%arg16 : memref<!tpu.dma_semaphore, #tpu.memory_space<semaphore_mem>>)
      } else {
      }
      %mul3A_378 = arith.constant 4 : i32
      %mul3A_379 = arith.muli %mul3A_378, %scan3A_219 : i32
      %add3A_380 = arith.constant 2 : i32
      %add3A_381 = arith.addi %mul3A_379, %add3A_380 : i32
      %gt3A_382 = arith.constant 0 : i32
      %gt3A_383 = arith.cmpi sgt, %add3A_381, %gt3A_382 : i32
      %convert_element_type3A_384 = arith.extui %gt3A_383 : i1 to i32
      %cond3A_385 = arith.constant 0 : i32
      %cond3A_386 = arith.cmpi ne, %convert_element_type3A_384, %cond3A_385 : i32
      scf.if %cond3A_386 {
        %sub3A = arith.constant 1 : i32
        %sub3A_540 = arith.subi %add3A_381, %sub3A : i32
        %dma_wait3A_541 = arith.constant 1 : i32
        %dma_wait3A_542 = arith.constant 0 : i32
        %dma_wait3A_543 = arith.constant 0 : i32
        %dma_wait3A_544 = tpu.memref_slice %arg10[%dma_wait3A_541, %dma_wait3A_542, %dma_wait3A_543] : memref<4x1x112xi32, #tpu.memory_space<vmem>> -> memref<1x1x112xi32, #tpu.memory_space<vmem>>
        %dma_wait3A_545 = tpu.memref_squeeze %dma_wait3A_544 : memref<1x1x112xi32, #tpu.memory_space<vmem>> -> memref<112xi32, #tpu.memory_space<vmem>>
        %dma_wait3A_546 = arith.constant 0 : i32
        %dma_wait3A_547 = arith.constant 0 : i32
        %dma_wait3A_548 = tpu.memref_slice %arg8[%dma_wait3A_546, %dma_wait3A_547] : memref<10240x128xf32, #tpu.memory_space<vmem_shared>> -> memref<10240x128xf32, #tpu.memory_space<vmem_shared>>
        tpu.wait_indirect_dma semaphore(%arg23 : memref<!tpu.dma_semaphore, #tpu.memory_space<semaphore_mem>>) src(%arg12 : memref<112x128xf32, #tpu.memory_space<vmem>>) dst(%dma_wait3A_548 : memref<10240x128xf32, #tpu.memory_space<vmem_shared>>)
      } else {
      }
      %add3A_387 = arith.constant 1 : i32
      %add3A_388 = arith.addi %add3A_381, %add3A_387 : i32
      %lt3A_389 = arith.constant 89 : i32
      %lt3A_390 = arith.cmpi slt, %add3A_388, %lt3A_389 : i32
      %convert_element_type3A_391 = arith.extui %lt3A_390 : i1 to i32
      %cond3A_392 = arith.constant 0 : i32
      %cond3A_393 = arith.cmpi ne, %convert_element_type3A_391, %cond3A_392 : i32
      scf.if %cond3A_393 {
        %add3A_540 = arith.constant 1 : i32
        %add3A_541 = arith.addi %add3A_381, %add3A_540 : i32
        %mul3A_542 = arith.constant 112 : i32
        %mul3A_543 = arith.muli %add3A_541, %mul3A_542 : i32
        %add3A_544 = arith.addi %mul3A_22, %mul3A_543 : i32
        %dma_wait3A_545 = arith.constant 3 : i32
        %dma_wait3A_546 = arith.constant 0 : i32
        %dma_wait3A_547 = arith.constant 0 : i32
        %dma_wait3A_548 = tpu.memref_slice %arg9[%dma_wait3A_545, %dma_wait3A_546, %dma_wait3A_547] : memref<4x1x112xi32, #tpu.memory_space<vmem>> -> memref<1x1x112xi32, #tpu.memory_space<vmem>>
        %dma_wait3A_549 = tpu.memref_squeeze %dma_wait3A_548 : memref<1x1x112xi32, #tpu.memory_space<vmem>> -> memref<112xi32, #tpu.memory_space<vmem>>
        %dma_wait3A_550 = tpu.memref_slice %arg3[%add3A_544] : memref<320000xi32, #tpu.memory_space<hbm>> -> memref<112xi32, #tpu.memory_space<hbm>>
        %dma_wait3A_551 = arith.constant 0 : i32
        %dma_wait3A_552 = tpu.memref_slice %arg9[%dma_wait3A_545, %dma_wait3A_546, %dma_wait3A_551] : memref<4x1x112xi32, #tpu.memory_space<vmem>> -> memref<1x1x112xi32, #tpu.memory_space<vmem>>
        %dma_wait3A_553 = tpu.memref_squeeze %dma_wait3A_552 : memref<1x1x112xi32, #tpu.memory_space<vmem>> -> memref<112xi32, #tpu.memory_space<vmem>>
        %dma_wait3A_554 = tpu.memref_slice %arg3[%add3A_544] : memref<320000xi32, #tpu.memory_space<hbm>> -> memref<112xi32, #tpu.memory_space<hbm>>
        tpu.wait_dma2 semaphore(%arg19 : memref<!tpu.dma_semaphore, #tpu.memory_space<semaphore_mem>>) src(%dma_wait3A_554 : memref<112xi32, #tpu.memory_space<hbm>>) dst(%dma_wait3A_553 : memref<112xi32, #tpu.memory_space<vmem>>)
        %dma_wait3A_555 = arith.constant 3 : i32
        %dma_wait3A_556 = arith.constant 0 : i32
        %dma_wait3A_557 = arith.constant 0 : i32
        %dma_wait3A_558 = tpu.memref_slice %arg10[%dma_wait3A_555, %dma_wait3A_556, %dma_wait3A_557] : memref<4x1x112xi32, #tpu.memory_space<vmem>> -> memref<1x1x112xi32, #tpu.memory_space<vmem>>
        %dma_wait3A_559 = tpu.memref_squeeze %dma_wait3A_558 : memref<1x1x112xi32, #tpu.memory_space<vmem>> -> memref<112xi32, #tpu.memory_space<vmem>>
        %dma_wait3A_560 = tpu.memref_slice %arg4[%add3A_544] : memref<320000xi32, #tpu.memory_space<hbm>> -> memref<112xi32, #tpu.memory_space<hbm>>
        %dma_wait3A_561 = arith.constant 0 : i32
        %dma_wait3A_562 = tpu.memref_slice %arg10[%dma_wait3A_555, %dma_wait3A_556, %dma_wait3A_561] : memref<4x1x112xi32, #tpu.memory_space<vmem>> -> memref<1x1x112xi32, #tpu.memory_space<vmem>>
        %dma_wait3A_563 = tpu.memref_squeeze %dma_wait3A_562 : memref<1x1x112xi32, #tpu.memory_space<vmem>> -> memref<112xi32, #tpu.memory_space<vmem>>
        %dma_wait3A_564 = tpu.memref_slice %arg4[%add3A_544] : memref<320000xi32, #tpu.memory_space<hbm>> -> memref<112xi32, #tpu.memory_space<hbm>>
        tpu.wait_dma2 semaphore(%arg19 : memref<!tpu.dma_semaphore, #tpu.memory_space<semaphore_mem>>) src(%dma_wait3A_564 : memref<112xi32, #tpu.memory_space<hbm>>) dst(%dma_wait3A_563 : memref<112xi32, #tpu.memory_space<vmem>>)
        %dma_start3A_565 = arith.constant 3 : i32
        %dma_start3A_566 = arith.constant 0 : i32
        %dma_start3A_567 = arith.constant 0 : i32
        %dma_start3A_568 = tpu.memref_slice %arg9[%dma_start3A_565, %dma_start3A_566, %dma_start3A_567] : memref<4x1x112xi32, #tpu.memory_space<vmem>> -> memref<1x1x112xi32, #tpu.memory_space<vmem>>
        %dma_start3A_569 = tpu.memref_squeeze %dma_start3A_568 : memref<1x1x112xi32, #tpu.memory_space<vmem>> -> memref<112xi32, #tpu.memory_space<vmem>>
        %dma_start3A_570 = arith.constant 0 : i32
        %dma_start3A_571 = arith.constant 0 : i32
        %dma_start3A_572 = tpu.memref_slice %arg2[%dma_start3A_570, %dma_start3A_571] : memref<10000x128xf32, #tpu.memory_space<hbm>> -> memref<10000x128xf32, #tpu.memory_space<hbm>>
        tpu.enqueue_indirect_dma source(%dma_start3A_572 : memref<10000x128xf32, #tpu.memory_space<hbm>>) target(%arg12 : memref<112x128xf32, #tpu.memory_space<vmem>>) offsets(%dma_start3A_569 : memref<112xi32, #tpu.memory_space<vmem>>) semaphore(%arg21 : memref<!tpu.dma_semaphore, #tpu.memory_space<semaphore_mem>>)
      } else {
      }
      %dma_wait3A_394 = arith.constant 2 : i32
      %dma_wait3A_395 = arith.constant 0 : i32
      %dma_wait3A_396 = arith.constant 0 : i32
      %dma_wait3A_397 = tpu.memref_slice %arg9[%dma_wait3A_394, %dma_wait3A_395, %dma_wait3A_396] : memref<4x1x112xi32, #tpu.memory_space<vmem>> -> memref<1x1x112xi32, #tpu.memory_space<vmem>>
      %dma_wait3A_398 = tpu.memref_squeeze %dma_wait3A_397 : memref<1x1x112xi32, #tpu.memory_space<vmem>> -> memref<112xi32, #tpu.memory_space<vmem>>
      %dma_wait3A_399 = arith.constant 0 : i32
      %dma_wait3A_400 = arith.constant 0 : i32
      %dma_wait3A_401 = tpu.memref_slice %arg2[%dma_wait3A_399, %dma_wait3A_400] : memref<10000x128xf32, #tpu.memory_space<hbm>> -> memref<10000x128xf32, #tpu.memory_space<hbm>>
      tpu.wait_indirect_dma semaphore(%arg20 : memref<!tpu.dma_semaphore, #tpu.memory_space<semaphore_mem>>) src(%dma_wait3A_401 : memref<10000x128xf32, #tpu.memory_space<hbm>>) dst(%arg11 : memref<112x128xf32, #tpu.memory_space<vmem>>)
      %get3A_402 = arith.constant 2 : i32
      %get3A_403 = arith.constant 0 : i32
      %get3A_404 = arith.index_cast %get3A_402 : i32 to index
      %get3A_405 = arith.index_cast %get3A_403 : i32 to index
      %get3A_406 = arith.constant 0 : index
      %get3A_407 = tpu.vector_load %arg10[%get3A_404, %get3A_405, %get3A_406] {strides = array<i32>} : memref<4x1x112xi32, #tpu.memory_space<vmem>>, vector<16xi32>,
      tpu.vector_store_idx %arg13[%get3A_407], %broadcast_in_dim3A_24 {add = true} : memref<10240xf32, #tpu.memory_space<vmem>>[vector<16xi32>], vector<16xf32>,
      %get3A_408 = arith.constant 2 : i32
      %get3A_409 = arith.constant 0 : i32
      %get3A_410 = arith.index_cast %get3A_408 : i32 to index
      %get3A_411 = arith.index_cast %get3A_409 : i32 to index
      %get3A_412 = arith.constant 16 : index
      %get3A_413 = tpu.vector_load %arg10[%get3A_410, %get3A_411, %get3A_412] {strides = array<i32>} : memref<4x1x112xi32, #tpu.memory_space<vmem>>, vector<16xi32>,
      tpu.vector_store_idx %arg13[%get3A_413], %broadcast_in_dim3A_24 {add = true} : memref<10240xf32, #tpu.memory_space<vmem>>[vector<16xi32>], vector<16xf32>,
      %get3A_414 = arith.constant 2 : i32
      %get3A_415 = arith.constant 0 : i32
      %get3A_416 = arith.index_cast %get3A_414 : i32 to index
      %get3A_417 = arith.index_cast %get3A_415 : i32 to index
      %get3A_418 = arith.constant 32 : index
      %get3A_419 = tpu.vector_load %arg10[%get3A_416, %get3A_417, %get3A_418] {strides = array<i32>} : memref<4x1x112xi32, #tpu.memory_space<vmem>>, vector<16xi32>,
      tpu.vector_store_idx %arg13[%get3A_419], %broadcast_in_dim3A_24 {add = true} : memref<10240xf32, #tpu.memory_space<vmem>>[vector<16xi32>], vector<16xf32>,
      %get3A_420 = arith.constant 2 : i32
      %get3A_421 = arith.constant 0 : i32
      %get3A_422 = arith.index_cast %get3A_420 : i32 to index
      %get3A_423 = arith.index_cast %get3A_421 : i32 to index
      %get3A_424 = arith.constant 48 : index
      %get3A_425 = tpu.vector_load %arg10[%get3A_422, %get3A_423, %get3A_424] {strides = array<i32>} : memref<4x1x112xi32, #tpu.memory_space<vmem>>, vector<16xi32>,
      tpu.vector_store_idx %arg13[%get3A_425], %broadcast_in_dim3A_24 {add = true} : memref<10240xf32, #tpu.memory_space<vmem>>[vector<16xi32>], vector<16xf32>,
      %get3A_426 = arith.constant 2 : i32
      %get3A_427 = arith.constant 0 : i32
      %get3A_428 = arith.index_cast %get3A_426 : i32 to index
      %get3A_429 = arith.index_cast %get3A_427 : i32 to index
      %get3A_430 = arith.constant 64 : index
      %get3A_431 = tpu.vector_load %arg10[%get3A_428, %get3A_429, %get3A_430] {strides = array<i32>} : memref<4x1x112xi32, #tpu.memory_space<vmem>>, vector<16xi32>,
      tpu.vector_store_idx %arg13[%get3A_431], %broadcast_in_dim3A_24 {add = true} : memref<10240xf32, #tpu.memory_space<vmem>>[vector<16xi32>], vector<16xf32>,
      %get3A_432 = arith.constant 2 : i32
      %get3A_433 = arith.constant 0 : i32
      %get3A_434 = arith.index_cast %get3A_432 : i32 to index
      %get3A_435 = arith.index_cast %get3A_433 : i32 to index
      %get3A_436 = arith.constant 80 : index
      %get3A_437 = tpu.vector_load %arg10[%get3A_434, %get3A_435, %get3A_436] {strides = array<i32>} : memref<4x1x112xi32, #tpu.memory_space<vmem>>, vector<16xi32>,
      tpu.vector_store_idx %arg13[%get3A_437], %broadcast_in_dim3A_24 {add = true} : memref<10240xf32, #tpu.memory_space<vmem>>[vector<16xi32>], vector<16xf32>,
      %get3A_438 = arith.constant 2 : i32
      %get3A_439 = arith.constant 0 : i32
      %get3A_440 = arith.index_cast %get3A_438 : i32 to index
      %get3A_441 = arith.index_cast %get3A_439 : i32 to index
      %get3A_442 = arith.constant 96 : index
      %get3A_443 = tpu.vector_load %arg10[%get3A_440, %get3A_441, %get3A_442] {strides = array<i32>} : memref<4x1x112xi32, #tpu.memory_space<vmem>>, vector<16xi32>,
      tpu.vector_store_idx %arg13[%get3A_443], %broadcast_in_dim3A_24 {add = true} : memref<10240xf32, #tpu.memory_space<vmem>>[vector<16xi32>], vector<16xf32>,
      %dma_start3A_444 = arith.constant 2 : i32
      %dma_start3A_445 = arith.constant 0 : i32
      %dma_start3A_446 = arith.constant 0 : i32
      %dma_start3A_447 = tpu.memref_slice %arg10[%dma_start3A_444, %dma_start3A_445, %dma_start3A_446] : memref<4x1x112xi32, #tpu.memory_space<vmem>> -> memref<1x1x112xi32, #tpu.memory_space<vmem>>
      %dma_start3A_448 = tpu.memref_squeeze %dma_start3A_447 : memref<1x1x112xi32, #tpu.memory_space<vmem>> -> memref<112xi32, #tpu.memory_space<vmem>>
      %dma_start3A_449 = arith.constant 0 : i32
      %dma_start3A_450 = arith.constant 0 : i32
      %dma_start3A_451 = tpu.memref_slice %arg8[%dma_start3A_449, %dma_start3A_450] : memref<10240x128xf32, #tpu.memory_space<vmem_shared>> -> memref<10240x128xf32, #tpu.memory_space<vmem_shared>>
      tpu.enqueue_indirect_dma source(%arg11 : memref<112x128xf32, #tpu.memory_space<vmem>>) target(%dma_start3A_451 : memref<10240x128xf32, #tpu.memory_space<vmem_shared>>) offsets(%dma_start3A_448 : memref<112xi32, #tpu.memory_space<vmem>>) semaphore(%arg22 : memref<!tpu.dma_semaphore, #tpu.memory_space<semaphore_mem>>) {add = true}
      %add3A_452 = arith.constant 3 : i32
      %add3A_453 = arith.addi %add3A_381, %add3A_452 : i32
      %lt3A_454 = arith.constant 89 : i32
      %lt3A_455 = arith.cmpi slt, %add3A_453, %lt3A_454 : i32
      %convert_element_type3A_456 = arith.extui %lt3A_455 : i1 to i32
      %cond3A_457 = arith.constant 0 : i32
      %cond3A_458 = arith.cmpi ne, %convert_element_type3A_456, %cond3A_457 : i32
      scf.if %cond3A_458 {
        %add3A_540 = arith.constant 3 : i32
        %add3A_541 = arith.addi %add3A_381, %add3A_540 : i32
        %mul3A_542 = arith.constant 112 : i32
        %mul3A_543 = arith.muli %add3A_541, %mul3A_542 : i32
        %add3A_544 = arith.addi %mul3A_22, %mul3A_543 : i32
        %dma_start3A_545 = arith.constant 1 : i32
        %dma_start3A_546 = arith.constant 0 : i32
        %dma_start3A_547 = arith.constant 0 : i32
        %dma_start3A_548 = tpu.memref_slice %arg9[%dma_start3A_545, %dma_start3A_546, %dma_start3A_547] : memref<4x1x112xi32, #tpu.memory_space<vmem>> -> memref<1x1x112xi32, #tpu.memory_space<vmem>>
        %dma_start3A_549 = tpu.memref_squeeze %dma_start3A_548 : memref<1x1x112xi32, #tpu.memory_space<vmem>> -> memref<112xi32, #tpu.memory_space<vmem>>
        %dma_start3A_550 = tpu.memref_slice %arg3[%add3A_544] : memref<320000xi32, #tpu.memory_space<hbm>> -> memref<112xi32, #tpu.memory_space<hbm>>
        %dma_start3A_551 = arith.constant 0 : i32
        %dma_start3A_552 = tpu.memref_slice %arg9[%dma_start3A_545, %dma_start3A_546, %dma_start3A_551] : memref<4x1x112xi32, #tpu.memory_space<vmem>> -> memref<1x1x112xi32, #tpu.memory_space<vmem>>
        %dma_start3A_553 = tpu.memref_squeeze %dma_start3A_552 : memref<1x1x112xi32, #tpu.memory_space<vmem>> -> memref<112xi32, #tpu.memory_space<vmem>>
        %dma_start3A_554 = tpu.memref_slice %arg3[%add3A_544] : memref<320000xi32, #tpu.memory_space<hbm>> -> memref<112xi32, #tpu.memory_space<hbm>>
        tpu.enqueue_dma source(%dma_start3A_554 : memref<112xi32, #tpu.memory_space<hbm>>) target(%dma_start3A_553 : memref<112xi32, #tpu.memory_space<vmem>>) target_semaphore(%arg17 : memref<!tpu.dma_semaphore, #tpu.memory_space<semaphore_mem>>)
        %dma_start3A_555 = arith.constant 1 : i32
        %dma_start3A_556 = arith.constant 0 : i32
        %dma_start3A_557 = arith.constant 0 : i32
        %dma_start3A_558 = tpu.memref_slice %arg10[%dma_start3A_555, %dma_start3A_556, %dma_start3A_557] : memref<4x1x112xi32, #tpu.memory_space<vmem>> -> memref<1x1x112xi32, #tpu.memory_space<vmem>>
        %dma_start3A_559 = tpu.memref_squeeze %dma_start3A_558 : memref<1x1x112xi32, #tpu.memory_space<vmem>> -> memref<112xi32, #tpu.memory_space<vmem>>
        %dma_start3A_560 = tpu.memref_slice %arg4[%add3A_544] : memref<320000xi32, #tpu.memory_space<hbm>> -> memref<112xi32, #tpu.memory_space<hbm>>
        %dma_start3A_561 = arith.constant 0 : i32
        %dma_start3A_562 = tpu.memref_slice %arg10[%dma_start3A_555, %dma_start3A_556, %dma_start3A_561] : memref<4x1x112xi32, #tpu.memory_space<vmem>> -> memref<1x1x112xi32, #tpu.memory_space<vmem>>
        %dma_start3A_563 = tpu.memref_squeeze %dma_start3A_562 : memref<1x1x112xi32, #tpu.memory_space<vmem>> -> memref<112xi32, #tpu.memory_space<vmem>>
        %dma_start3A_564 = tpu.memref_slice %arg4[%add3A_544] : memref<320000xi32, #tpu.memory_space<hbm>> -> memref<112xi32, #tpu.memory_space<hbm>>
        tpu.enqueue_dma source(%dma_start3A_564 : memref<112xi32, #tpu.memory_space<hbm>>) target(%dma_start3A_563 : memref<112xi32, #tpu.memory_space<vmem>>) target_semaphore(%arg17 : memref<!tpu.dma_semaphore, #tpu.memory_space<semaphore_mem>>)
      } else {
      }
      %mul3A_459 = arith.constant 4 : i32
      %mul3A_460 = arith.muli %mul3A_459, %scan3A_219 : i32
      %add3A_461 = arith.constant 3 : i32
      %add3A_462 = arith.addi %mul3A_460, %add3A_461 : i32
      %gt3A_463 = arith.constant 0 : i32
      %gt3A_464 = arith.cmpi sgt, %add3A_462, %gt3A_463 : i32
      %convert_element_type3A_465 = arith.extui %gt3A_464 : i1 to i32
      %cond3A_466 = arith.constant 0 : i32
      %cond3A_467 = arith.cmpi ne, %convert_element_type3A_465, %cond3A_466 : i32
      scf.if %cond3A_467 {
        %sub3A = arith.constant 1 : i32
        %sub3A_540 = arith.subi %add3A_462, %sub3A : i32
        %dma_wait3A_541 = arith.constant 2 : i32
        %dma_wait3A_542 = arith.constant 0 : i32
        %dma_wait3A_543 = arith.constant 0 : i32
        %dma_wait3A_544 = tpu.memref_slice %arg10[%dma_wait3A_541, %dma_wait3A_542, %dma_wait3A_543] : memref<4x1x112xi32, #tpu.memory_space<vmem>> -> memref<1x1x112xi32, #tpu.memory_space<vmem>>
        %dma_wait3A_545 = tpu.memref_squeeze %dma_wait3A_544 : memref<1x1x112xi32, #tpu.memory_space<vmem>> -> memref<112xi32, #tpu.memory_space<vmem>>
        %dma_wait3A_546 = arith.constant 0 : i32
        %dma_wait3A_547 = arith.constant 0 : i32
        %dma_wait3A_548 = tpu.memref_slice %arg8[%dma_wait3A_546, %dma_wait3A_547] : memref<10240x128xf32, #tpu.memory_space<vmem_shared>> -> memref<10240x128xf32, #tpu.memory_space<vmem_shared>>
        tpu.wait_indirect_dma semaphore(%arg22 : memref<!tpu.dma_semaphore, #tpu.memory_space<semaphore_mem>>) src(%arg11 : memref<112x128xf32, #tpu.memory_space<vmem>>) dst(%dma_wait3A_548 : memref<10240x128xf32, #tpu.memory_space<vmem_shared>>)
      } else {
      }
      %add3A_468 = arith.constant 1 : i32
      %add3A_469 = arith.addi %add3A_462, %add3A_468 : i32
      %lt3A_470 = arith.constant 89 : i32
      %lt3A_471 = arith.cmpi slt, %add3A_469, %lt3A_470 : i32
      %convert_element_type3A_472 = arith.extui %lt3A_471 : i1 to i32
      %cond3A_473 = arith.constant 0 : i32
      %cond3A_474 = arith.cmpi ne, %convert_element_type3A_472, %cond3A_473 : i32
      scf.if %cond3A_474 {
        %add3A_540 = arith.constant 1 : i32
        %add3A_541 = arith.addi %add3A_462, %add3A_540 : i32
        %mul3A_542 = arith.constant 112 : i32
        %mul3A_543 = arith.muli %add3A_541, %mul3A_542 : i32
        %add3A_544 = arith.addi %mul3A_22, %mul3A_543 : i32
        %dma_wait3A_545 = arith.constant 0 : i32
        %dma_wait3A_546 = arith.constant 0 : i32
        %dma_wait3A_547 = arith.constant 0 : i32
        %dma_wait3A_548 = tpu.memref_slice %arg9[%dma_wait3A_545, %dma_wait3A_546, %dma_wait3A_547] : memref<4x1x112xi32, #tpu.memory_space<vmem>> -> memref<1x1x112xi32, #tpu.memory_space<vmem>>
        %dma_wait3A_549 = tpu.memref_squeeze %dma_wait3A_548 : memref<1x1x112xi32, #tpu.memory_space<vmem>> -> memref<112xi32, #tpu.memory_space<vmem>>
        %dma_wait3A_550 = tpu.memref_slice %arg3[%add3A_544] : memref<320000xi32, #tpu.memory_space<hbm>> -> memref<112xi32, #tpu.memory_space<hbm>>
        %dma_wait3A_551 = arith.constant 0 : i32
        %dma_wait3A_552 = tpu.memref_slice %arg9[%dma_wait3A_545, %dma_wait3A_546, %dma_wait3A_551] : memref<4x1x112xi32, #tpu.memory_space<vmem>> -> memref<1x1x112xi32, #tpu.memory_space<vmem>>
        %dma_wait3A_553 = tpu.memref_squeeze %dma_wait3A_552 : memref<1x1x112xi32, #tpu.memory_space<vmem>> -> memref<112xi32, #tpu.memory_space<vmem>>
        %dma_wait3A_554 = tpu.memref_slice %arg3[%add3A_544] : memref<320000xi32, #tpu.memory_space<hbm>> -> memref<112xi32, #tpu.memory_space<hbm>>
        tpu.wait_dma2 semaphore(%arg16 : memref<!tpu.dma_semaphore, #tpu.memory_space<semaphore_mem>>) src(%dma_wait3A_554 : memref<112xi32, #tpu.memory_space<hbm>>) dst(%dma_wait3A_553 : memref<112xi32, #tpu.memory_space<vmem>>)
        %dma_wait3A_555 = arith.constant 0 : i32
        %dma_wait3A_556 = arith.constant 0 : i32
        %dma_wait3A_557 = arith.constant 0 : i32
        %dma_wait3A_558 = tpu.memref_slice %arg10[%dma_wait3A_555, %dma_wait3A_556, %dma_wait3A_557] : memref<4x1x112xi32, #tpu.memory_space<vmem>> -> memref<1x1x112xi32, #tpu.memory_space<vmem>>
        %dma_wait3A_559 = tpu.memref_squeeze %dma_wait3A_558 : memref<1x1x112xi32, #tpu.memory_space<vmem>> -> memref<112xi32, #tpu.memory_space<vmem>>
        %dma_wait3A_560 = tpu.memref_slice %arg4[%add3A_544] : memref<320000xi32, #tpu.memory_space<hbm>> -> memref<112xi32, #tpu.memory_space<hbm>>
        %dma_wait3A_561 = arith.constant 0 : i32
        %dma_wait3A_562 = tpu.memref_slice %arg10[%dma_wait3A_555, %dma_wait3A_556, %dma_wait3A_561] : memref<4x1x112xi32, #tpu.memory_space<vmem>> -> memref<1x1x112xi32, #tpu.memory_space<vmem>>
        %dma_wait3A_563 = tpu.memref_squeeze %dma_wait3A_562 : memref<1x1x112xi32, #tpu.memory_space<vmem>> -> memref<112xi32, #tpu.memory_space<vmem>>
        %dma_wait3A_564 = tpu.memref_slice %arg4[%add3A_544] : memref<320000xi32, #tpu.memory_space<hbm>> -> memref<112xi32, #tpu.memory_space<hbm>>
        tpu.wait_dma2 semaphore(%arg16 : memref<!tpu.dma_semaphore, #tpu.memory_space<semaphore_mem>>) src(%dma_wait3A_564 : memref<112xi32, #tpu.memory_space<hbm>>) dst(%dma_wait3A_563 : memref<112xi32, #tpu.memory_space<vmem>>)
        %dma_start3A_565 = arith.constant 0 : i32
        %dma_start3A_566 = arith.constant 0 : i32
        %dma_start3A_567 = arith.constant 0 : i32
        %dma_start3A_568 = tpu.memref_slice %arg9[%dma_start3A_565, %dma_start3A_566, %dma_start3A_567] : memref<4x1x112xi32, #tpu.memory_space<vmem>> -> memref<1x1x112xi32, #tpu.memory_space<vmem>>
        %dma_start3A_569 = tpu.memref_squeeze %dma_start3A_568 : memref<1x1x112xi32, #tpu.memory_space<vmem>> -> memref<112xi32, #tpu.memory_space<vmem>>
        %dma_start3A_570 = arith.constant 0 : i32
        %dma_start3A_571 = arith.constant 0 : i32
        %dma_start3A_572 = tpu.memref_slice %arg2[%dma_start3A_570, %dma_start3A_571] : memref<10000x128xf32, #tpu.memory_space<hbm>> -> memref<10000x128xf32, #tpu.memory_space<hbm>>
        tpu.enqueue_indirect_dma source(%dma_start3A_572 : memref<10000x128xf32, #tpu.memory_space<hbm>>) target(%arg11 : memref<112x128xf32, #tpu.memory_space<vmem>>) offsets(%dma_start3A_569 : memref<112xi32, #tpu.memory_space<vmem>>) semaphore(%arg20 : memref<!tpu.dma_semaphore, #tpu.memory_space<semaphore_mem>>)
      } else {
      }
      %dma_wait3A_475 = arith.constant 3 : i32
      %dma_wait3A_476 = arith.constant 0 : i32
      %dma_wait3A_477 = arith.constant 0 : i32
      %dma_wait3A_478 = tpu.memref_slice %arg9[%dma_wait3A_475, %dma_wait3A_476, %dma_wait3A_477] : memref<4x1x112xi32, #tpu.memory_space<vmem>> -> memref<1x1x112xi32, #tpu.memory_space<vmem>>
      %dma_wait3A_479 = tpu.memref_squeeze %dma_wait3A_478 : memref<1x1x112xi32, #tpu.memory_space<vmem>> -> memref<112xi32, #tpu.memory_space<vmem>>
      %dma_wait3A_480 = arith.constant 0 : i32
      %dma_wait3A_481 = arith.constant 0 : i32
      %dma_wait3A_482 = tpu.memref_slice %arg2[%dma_wait3A_480, %dma_wait3A_481] : memref<10000x128xf32, #tpu.memory_space<hbm>> -> memref<10000x128xf32, #tpu.memory_space<hbm>>
      tpu.wait_indirect_dma semaphore(%arg21 : memref<!tpu.dma_semaphore, #tpu.memory_space<semaphore_mem>>) src(%dma_wait3A_482 : memref<10000x128xf32, #tpu.memory_space<hbm>>) dst(%arg12 : memref<112x128xf32, #tpu.memory_space<vmem>>)
      %get3A_483 = arith.constant 3 : i32
      %get3A_484 = arith.constant 0 : i32
      %get3A_485 = arith.index_cast %get3A_483 : i32 to index
      %get3A_486 = arith.index_cast %get3A_484 : i32 to index
      %get3A_487 = arith.constant 0 : index
      %get3A_488 = tpu.vector_load %arg10[%get3A_485, %get3A_486, %get3A_487] {strides = array<i32>} : memref<4x1x112xi32, #tpu.memory_space<vmem>>, vector<16xi32>,
      tpu.vector_store_idx %arg13[%get3A_488], %broadcast_in_dim3A_24 {add = true} : memref<10240xf32, #tpu.memory_space<vmem>>[vector<16xi32>], vector<16xf32>,
      %get3A_489 = arith.constant 3 : i32
      %get3A_490 = arith.constant 0 : i32
      %get3A_491 = arith.index_cast %get3A_489 : i32 to index
      %get3A_492 = arith.index_cast %get3A_490 : i32 to index
      %get3A_493 = arith.constant 16 : index
      %get3A_494 = tpu.vector_load %arg10[%get3A_491, %get3A_492, %get3A_493] {strides = array<i32>} : memref<4x1x112xi32, #tpu.memory_space<vmem>>, vector<16xi32>,
      tpu.vector_store_idx %arg13[%get3A_494], %broadcast_in_dim3A_24 {add = true} : memref<10240xf32, #tpu.memory_space<vmem>>[vector<16xi32>], vector<16xf32>,
      %get3A_495 = arith.constant 3 : i32
      %get3A_496 = arith.constant 0 : i32
      %get3A_497 = arith.index_cast %get3A_495 : i32 to index
      %get3A_498 = arith.index_cast %get3A_496 : i32 to index
      %get3A_499 = arith.constant 32 : index
      %get3A_500 = tpu.vector_load %arg10[%get3A_497, %get3A_498, %get3A_499] {strides = array<i32>} : memref<4x1x112xi32, #tpu.memory_space<vmem>>, vector<16xi32>,
      tpu.vector_store_idx %arg13[%get3A_500], %broadcast_in_dim3A_24 {add = true} : memref<10240xf32, #tpu.memory_space<vmem>>[vector<16xi32>], vector<16xf32>,
      %get3A_501 = arith.constant 3 : i32
      %get3A_502 = arith.constant 0 : i32
      %get3A_503 = arith.index_cast %get3A_501 : i32 to index
      %get3A_504 = arith.index_cast %get3A_502 : i32 to index
      %get3A_505 = arith.constant 48 : index
      %get3A_506 = tpu.vector_load %arg10[%get3A_503, %get3A_504, %get3A_505] {strides = array<i32>} : memref<4x1x112xi32, #tpu.memory_space<vmem>>, vector<16xi32>,
      tpu.vector_store_idx %arg13[%get3A_506], %broadcast_in_dim3A_24 {add = true} : memref<10240xf32, #tpu.memory_space<vmem>>[vector<16xi32>], vector<16xf32>,
      %get3A_507 = arith.constant 3 : i32
      %get3A_508 = arith.constant 0 : i32
      %get3A_509 = arith.index_cast %get3A_507 : i32 to index
      %get3A_510 = arith.index_cast %get3A_508 : i32 to index
      %get3A_511 = arith.constant 64 : index
      %get3A_512 = tpu.vector_load %arg10[%get3A_509, %get3A_510, %get3A_511] {strides = array<i32>} : memref<4x1x112xi32, #tpu.memory_space<vmem>>, vector<16xi32>,
      tpu.vector_store_idx %arg13[%get3A_512], %broadcast_in_dim3A_24 {add = true} : memref<10240xf32, #tpu.memory_space<vmem>>[vector<16xi32>], vector<16xf32>,
      %get3A_513 = arith.constant 3 : i32
      %get3A_514 = arith.constant 0 : i32
      %get3A_515 = arith.index_cast %get3A_513 : i32 to index
      %get3A_516 = arith.index_cast %get3A_514 : i32 to index
      %get3A_517 = arith.constant 80 : index
      %get3A_518 = tpu.vector_load %arg10[%get3A_515, %get3A_516, %get3A_517] {strides = array<i32>} : memref<4x1x112xi32, #tpu.memory_space<vmem>>, vector<16xi32>,
      tpu.vector_store_idx %arg13[%get3A_518], %broadcast_in_dim3A_24 {add = true} : memref<10240xf32, #tpu.memory_space<vmem>>[vector<16xi32>], vector<16xf32>,
      %get3A_519 = arith.constant 3 : i32
      %get3A_520 = arith.constant 0 : i32
      %get3A_521 = arith.index_cast %get3A_519 : i32 to index
      %get3A_522 = arith.index_cast %get3A_520 : i32 to index
      %get3A_523 = arith.constant 96 : index
      %get3A_524 = tpu.vector_load %arg10[%get3A_521, %get3A_522, %get3A_523] {strides = array<i32>} : memref<4x1x112xi32, #tpu.memory_space<vmem>>, vector<16xi32>,
      tpu.vector_store_idx %arg13[%get3A_524], %broadcast_in_dim3A_24 {add = true} : memref<10240xf32, #tpu.memory_space<vmem>>[vector<16xi32>], vector<16xf32>,
      %dma_start3A_525 = arith.constant 3 : i32
      %dma_start3A_526 = arith.constant 0 : i32
      %dma_start3A_527 = arith.constant 0 : i32
      %dma_start3A_528 = tpu.memref_slice %arg10[%dma_start3A_525, %dma_start3A_526, %dma_start3A_527] : memref<4x1x112xi32, #tpu.memory_space<vmem>> -> memref<1x1x112xi32, #tpu.memory_space<vmem>>
      %dma_start3A_529 = tpu.memref_squeeze %dma_start3A_528 : memref<1x1x112xi32, #tpu.memory_space<vmem>> -> memref<112xi32, #tpu.memory_space<vmem>>
      %dma_start3A_530 = arith.constant 0 : i32
      %dma_start3A_531 = arith.constant 0 : i32
      %dma_start3A_532 = tpu.memref_slice %arg8[%dma_start3A_530, %dma_start3A_531] : memref<10240x128xf32, #tpu.memory_space<vmem_shared>> -> memref<10240x128xf32, #tpu.memory_space<vmem_shared>>
      tpu.enqueue_indirect_dma source(%arg12 : memref<112x128xf32, #tpu.memory_space<vmem>>) target(%dma_start3A_532 : memref<10240x128xf32, #tpu.memory_space<vmem_shared>>) offsets(%dma_start3A_529 : memref<112xi32, #tpu.memory_space<vmem>>) semaphore(%arg23 : memref<!tpu.dma_semaphore, #tpu.memory_space<semaphore_mem>>) {add = true}
      %add3A_533 = arith.constant 3 : i32
      %add3A_534 = arith.addi %add3A_462, %add3A_533 : i32
      %lt3A_535 = arith.constant 89 : i32
      %lt3A_536 = arith.cmpi slt, %add3A_534, %lt3A_535 : i32
      %convert_element_type3A_537 = arith.extui %lt3A_536 : i1 to i32
      %cond3A_538 = arith.constant 0 : i32
      %cond3A_539 = arith.cmpi ne, %convert_element_type3A_537, %cond3A_538 : i32
      scf.if %cond3A_539 {
        %add3A_540 = arith.constant 3 : i32
        %add3A_541 = arith.addi %add3A_462, %add3A_540 : i32
        %mul3A_542 = arith.constant 112 : i32
        %mul3A_543 = arith.muli %add3A_541, %mul3A_542 : i32
        %add3A_544 = arith.addi %mul3A_22, %mul3A_543 : i32
        %dma_start3A_545 = arith.constant 2 : i32
        %dma_start3A_546 = arith.constant 0 : i32
        %dma_start3A_547 = arith.constant 0 : i32
        %dma_start3A_548 = tpu.memref_slice %arg9[%dma_start3A_545, %dma_start3A_546, %dma_start3A_547] : memref<4x1x112xi32, #tpu.memory_space<vmem>> -> memref<1x1x112xi32, #tpu.memory_space<vmem>>
        %dma_start3A_549 = tpu.memref_squeeze %dma_start3A_548 : memref<1x1x112xi32, #tpu.memory_space<vmem>> -> memref<112xi32, #tpu.memory_space<vmem>>
        %dma_start3A_550 = tpu.memref_slice %arg3[%add3A_544] : memref<320000xi32, #tpu.memory_space<hbm>> -> memref<112xi32, #tpu.memory_space<hbm>>
        %dma_start3A_551 = arith.constant 0 : i32
        %dma_start3A_552 = tpu.memref_slice %arg9[%dma_start3A_545, %dma_start3A_546, %dma_start3A_551] : memref<4x1x112xi32, #tpu.memory_space<vmem>> -> memref<1x1x112xi32, #tpu.memory_space<vmem>>
        %dma_start3A_553 = tpu.memref_squeeze %dma_start3A_552 : memref<1x1x112xi32, #tpu.memory_space<vmem>> -> memref<112xi32, #tpu.memory_space<vmem>>
        %dma_start3A_554 = tpu.memref_slice %arg3[%add3A_544] : memref<320000xi32, #tpu.memory_space<hbm>> -> memref<112xi32, #tpu.memory_space<hbm>>
        tpu.enqueue_dma source(%dma_start3A_554 : memref<112xi32, #tpu.memory_space<hbm>>) target(%dma_start3A_553 : memref<112xi32, #tpu.memory_space<vmem>>) target_semaphore(%arg18 : memref<!tpu.dma_semaphore, #tpu.memory_space<semaphore_mem>>)
        %dma_start3A_555 = arith.constant 2 : i32
        %dma_start3A_556 = arith.constant 0 : i32
        %dma_start3A_557 = arith.constant 0 : i32
        %dma_start3A_558 = tpu.memref_slice %arg10[%dma_start3A_555, %dma_start3A_556, %dma_start3A_557] : memref<4x1x112xi32, #tpu.memory_space<vmem>> -> memref<1x1x112xi32, #tpu.memory_space<vmem>>
        %dma_start3A_559 = tpu.memref_squeeze %dma_start3A_558 : memref<1x1x112xi32, #tpu.memory_space<vmem>> -> memref<112xi32, #tpu.memory_space<vmem>>
        %dma_start3A_560 = tpu.memref_slice %arg4[%add3A_544] : memref<320000xi32, #tpu.memory_space<hbm>> -> memref<112xi32, #tpu.memory_space<hbm>>
        %dma_start3A_561 = arith.constant 0 : i32
        %dma_start3A_562 = tpu.memref_slice %arg10[%dma_start3A_555, %dma_start3A_556, %dma_start3A_561] : memref<4x1x112xi32, #tpu.memory_space<vmem>> -> memref<1x1x112xi32, #tpu.memory_space<vmem>>
        %dma_start3A_563 = tpu.memref_squeeze %dma_start3A_562 : memref<1x1x112xi32, #tpu.memory_space<vmem>> -> memref<112xi32, #tpu.memory_space<vmem>>
        %dma_start3A_564 = tpu.memref_slice %arg4[%add3A_544] : memref<320000xi32, #tpu.memory_space<hbm>> -> memref<112xi32, #tpu.memory_space<hbm>>
        tpu.enqueue_dma source(%dma_start3A_564 : memref<112xi32, #tpu.memory_space<hbm>>) target(%dma_start3A_563 : memref<112xi32, #tpu.memory_space<vmem>>) target_semaphore(%arg18 : memref<!tpu.dma_semaphore, #tpu.memory_space<semaphore_mem>>)
      } else {
      }
    }
    %scan3A_124 = arith.constant 22 : i32
    %dma_wait3A_125 = arith.constant 3 : i32
    %dma_wait3A_126 = arith.constant 0 : i32
    %dma_wait3A_127 = arith.constant 0 : i32
    %dma_wait3A_128 = tpu.memref_slice %arg10[%dma_wait3A_125, %dma_wait3A_126, %dma_wait3A_127] : memref<4x1x112xi32, #tpu.memory_space<vmem>> -> memref<1x1x112xi32, #tpu.memory_space<vmem>>
    %dma_wait3A_129 = tpu.memref_squeeze %dma_wait3A_128 : memref<1x1x112xi32, #tpu.memory_space<vmem>> -> memref<112xi32, #tpu.memory_space<vmem>>
    %dma_wait3A_130 = arith.constant 0 : i32
    %dma_wait3A_131 = arith.constant 0 : i32
    %dma_wait3A_132 = tpu.memref_slice %arg8[%dma_wait3A_130, %dma_wait3A_131] : memref<10240x128xf32, #tpu.memory_space<vmem_shared>> -> memref<10240x128xf32, #tpu.memory_space<vmem_shared>>
    tpu.wait_indirect_dma semaphore(%arg23 : memref<!tpu.dma_semaphore, #tpu.memory_space<semaphore_mem>>) src(%arg12 : memref<112x128xf32, #tpu.memory_space<vmem>>) dst(%dma_wait3A_132 : memref<10240x128xf32, #tpu.memory_space<vmem_shared>>)
    %dma_wait3A_133 = arith.constant 0 : i32
    %dma_wait3A_134 = arith.constant 0 : i32
    %dma_wait3A_135 = arith.constant 0 : i32
    %dma_wait3A_136 = tpu.memref_slice %arg9[%dma_wait3A_133, %dma_wait3A_134, %dma_wait3A_135] : memref<4x1x112xi32, #tpu.memory_space<vmem>> -> memref<1x1x112xi32, #tpu.memory_space<vmem>>
    %dma_wait3A_137 = tpu.memref_squeeze %dma_wait3A_136 : memref<1x1x112xi32, #tpu.memory_space<vmem>> -> memref<112xi32, #tpu.memory_space<vmem>>
    %dma_wait3A_138 = arith.constant 0 : i32
    %dma_wait3A_139 = arith.constant 0 : i32
    %dma_wait3A_140 = tpu.memref_slice %arg2[%dma_wait3A_138, %dma_wait3A_139] : memref<10000x128xf32, #tpu.memory_space<hbm>> -> memref<10000x128xf32, #tpu.memory_space<hbm>>
    tpu.wait_indirect_dma semaphore(%arg20 : memref<!tpu.dma_semaphore, #tpu.memory_space<semaphore_mem>>) src(%dma_wait3A_140 : memref<10000x128xf32, #tpu.memory_space<hbm>>) dst(%arg11 : memref<112x128xf32, #tpu.memory_space<vmem>>)
    %get3A = arith.constant 0 : i32
    %get3A_141 = arith.constant 0 : i32
    %get3A_142 = arith.index_cast %get3A : i32 to index
    %get3A_143 = arith.index_cast %get3A_141 : i32 to index
    %get3A_144 = arith.constant 0 : index
    %get3A_145 = tpu.vector_load %arg10[%get3A_142, %get3A_143, %get3A_144] {strides = array<i32>} : memref<4x1x112xi32, #tpu.memory_space<vmem>>, vector<16xi32>,
    tpu.vector_store_idx %arg13[%get3A_145], %broadcast_in_dim3A_24 {add = true} : memref<10240xf32, #tpu.memory_space<vmem>>[vector<16xi32>], vector<16xf32>,
    %get3A_146 = arith.constant 0 : i32
    %get3A_147 = arith.constant 0 : i32
    %get3A_148 = arith.index_cast %get3A_146 : i32 to index
    %get3A_149 = arith.index_cast %get3A_147 : i32 to index
    %get3A_150 = arith.constant 16 : index
    %get3A_151 = tpu.vector_load %arg10[%get3A_148, %get3A_149, %get3A_150] {strides = array<i32>} : memref<4x1x112xi32, #tpu.memory_space<vmem>>, vector<16xi32>,
    tpu.vector_store_idx %arg13[%get3A_151], %broadcast_in_dim3A_24 {add = true} : memref<10240xf32, #tpu.memory_space<vmem>>[vector<16xi32>], vector<16xf32>,
    %get3A_152 = arith.constant 0 : i32
    %get3A_153 = arith.constant 0 : i32
    %get3A_154 = arith.index_cast %get3A_152 : i32 to index
    %get3A_155 = arith.index_cast %get3A_153 : i32 to index
    %get3A_156 = arith.constant 32 : index
    %get3A_157 = tpu.vector_load %arg10[%get3A_154, %get3A_155, %get3A_156] {strides = array<i32>} : memref<4x1x112xi32, #tpu.memory_space<vmem>>, vector<16xi32>,
    tpu.vector_store_idx %arg13[%get3A_157], %broadcast_in_dim3A_24 {add = true} : memref<10240xf32, #tpu.memory_space<vmem>>[vector<16xi32>], vector<16xf32>,
    %get3A_158 = arith.constant 0 : i32
    %get3A_159 = arith.constant 0 : i32
    %get3A_160 = arith.index_cast %get3A_158 : i32 to index
    %get3A_161 = arith.index_cast %get3A_159 : i32 to index
    %get3A_162 = arith.constant 48 : index
    %get3A_163 = tpu.vector_load %arg10[%get3A_160, %get3A_161, %get3A_162] {strides = array<i32>} : memref<4x1x112xi32, #tpu.memory_space<vmem>>, vector<16xi32>,
    tpu.vector_store_idx %arg13[%get3A_163], %broadcast_in_dim3A_24 {add = true} : memref<10240xf32, #tpu.memory_space<vmem>>[vector<16xi32>], vector<16xf32>,
    %get3A_164 = arith.constant 0 : i32
    %get3A_165 = arith.constant 0 : i32
    %get3A_166 = arith.index_cast %get3A_164 : i32 to index
    %get3A_167 = arith.index_cast %get3A_165 : i32 to index
    %get3A_168 = arith.constant 64 : index
    %get3A_169 = tpu.vector_load %arg10[%get3A_166, %get3A_167, %get3A_168] {strides = array<i32>} : memref<4x1x112xi32, #tpu.memory_space<vmem>>, vector<16xi32>,
    tpu.vector_store_idx %arg13[%get3A_169], %broadcast_in_dim3A_24 {add = true} : memref<10240xf32, #tpu.memory_space<vmem>>[vector<16xi32>], vector<16xf32>,
    %get3A_170 = arith.constant 0 : i32
    %get3A_171 = arith.constant 0 : i32
    %get3A_172 = arith.index_cast %get3A_170 : i32 to index
    %get3A_173 = arith.index_cast %get3A_171 : i32 to index
    %get3A_174 = arith.constant 80 : index
    %get3A_175 = tpu.vector_load %arg10[%get3A_172, %get3A_173, %get3A_174] {strides = array<i32>} : memref<4x1x112xi32, #tpu.memory_space<vmem>>, vector<16xi32>,
    tpu.vector_store_idx %arg13[%get3A_175], %broadcast_in_dim3A_24 {add = true} : memref<10240xf32, #tpu.memory_space<vmem>>[vector<16xi32>], vector<16xf32>,
    %get3A_176 = arith.constant 0 : i32
    %get3A_177 = arith.constant 0 : i32
    %get3A_178 = arith.index_cast %get3A_176 : i32 to index
    %get3A_179 = arith.index_cast %get3A_177 : i32 to index
    %get3A_180 = arith.constant 96 : index
    %get3A_181 = tpu.vector_load %arg10[%get3A_178, %get3A_179, %get3A_180] {strides = array<i32>} : memref<4x1x112xi32, #tpu.memory_space<vmem>>, vector<16xi32>,
    tpu.vector_store_idx %arg13[%get3A_181], %broadcast_in_dim3A_24 {add = true} : memref<10240xf32, #tpu.memory_space<vmem>>[vector<16xi32>], vector<16xf32>,
    %dma_start3A_182 = arith.constant 0 : i32
    %dma_start3A_183 = arith.constant 0 : i32
    %dma_start3A_184 = arith.constant 0 : i32
    %dma_start3A_185 = tpu.memref_slice %arg10[%dma_start3A_182, %dma_start3A_183, %dma_start3A_184] : memref<4x1x112xi32, #tpu.memory_space<vmem>> -> memref<1x1x112xi32, #tpu.memory_space<vmem>>
    %dma_start3A_186 = tpu.memref_squeeze %dma_start3A_185 : memref<1x1x112xi32, #tpu.memory_space<vmem>> -> memref<112xi32, #tpu.memory_space<vmem>>
    %dma_start3A_187 = arith.constant 0 : i32
    %dma_start3A_188 = arith.constant 0 : i32
    %dma_start3A_189 = tpu.memref_slice %arg8[%dma_start3A_187, %dma_start3A_188] : memref<10240x128xf32, #tpu.memory_space<vmem_shared>> -> memref<10240x128xf32, #tpu.memory_space<vmem_shared>>
    tpu.enqueue_indirect_dma source(%arg11 : memref<112x128xf32, #tpu.memory_space<vmem>>) target(%dma_start3A_189 : memref<10240x128xf32, #tpu.memory_space<vmem_shared>>) offsets(%dma_start3A_186 : memref<112xi32, #tpu.memory_space<vmem>>) semaphore(%arg22 : memref<!tpu.dma_semaphore, #tpu.memory_space<semaphore_mem>>) {add = true}
    %dma_wait3A_190 = arith.constant 0 : i32
    %dma_wait3A_191 = arith.constant 0 : i32
    %dma_wait3A_192 = arith.constant 0 : i32
    %dma_wait3A_193 = tpu.memref_slice %arg10[%dma_wait3A_190, %dma_wait3A_191, %dma_wait3A_192] : memref<4x1x112xi32, #tpu.memory_space<vmem>> -> memref<1x1x112xi32, #tpu.memory_space<vmem>>
    %dma_wait3A_194 = tpu.memref_squeeze %dma_wait3A_193 : memref<1x1x112xi32, #tpu.memory_space<vmem>> -> memref<112xi32, #tpu.memory_space<vmem>>
    %dma_wait3A_195 = arith.constant 0 : i32
    %dma_wait3A_196 = arith.constant 0 : i32
    %dma_wait3A_197 = tpu.memref_slice %arg8[%dma_wait3A_195, %dma_wait3A_196] : memref<10240x128xf32, #tpu.memory_space<vmem_shared>> -> memref<10240x128xf32, #tpu.memory_space<vmem_shared>>
    tpu.wait_indirect_dma semaphore(%arg22 : memref<!tpu.dma_semaphore, #tpu.memory_space<semaphore_mem>>) src(%arg11 : memref<112x128xf32, #tpu.memory_space<vmem>>) dst(%dma_wait3A_197 : memref<10240x128xf32, #tpu.memory_space<vmem_shared>>)
    %add3A_198 = arith.constant 9968 : i32
    %add3A_199 = arith.addi %mul3A_22, %add3A_198 : i32
    "tpu.region"() ({
      %run_scoped3A = tpu.sem_alloc : memref<!tpu.dma_semaphore, #tpu.memory_space<semaphore_mem>>
      %dma_start3A_219 = tpu.memref_slice %arg3[%add3A_199] : memref<320000xi32, #tpu.memory_space<hbm>> -> memref<32xi32, #tpu.memory_space<hbm>>
      %dma_start3A_220 = tpu.memref_slice %arg3[%add3A_199] : memref<320000xi32, #tpu.memory_space<hbm>> -> memref<32xi32, #tpu.memory_space<hbm>>
      tpu.enqueue_dma source(%dma_start3A_220 : memref<32xi32, #tpu.memory_space<hbm>>) target(%arg14 : memref<32xi32, #tpu.memory_space<vmem>>) target_semaphore(%run_scoped3A : memref<!tpu.dma_semaphore, #tpu.memory_space<semaphore_mem>>)
      %dma_wait3A_221 = tpu.memref_slice %arg3[%add3A_199] : memref<320000xi32, #tpu.memory_space<hbm>> -> memref<32xi32, #tpu.memory_space<hbm>>
      %dma_wait3A_222 = tpu.memref_slice %arg3[%add3A_199] : memref<320000xi32, #tpu.memory_space<hbm>> -> memref<32xi32, #tpu.memory_space<hbm>>
      tpu.wait_dma2 semaphore(%run_scoped3A : memref<!tpu.dma_semaphore, #tpu.memory_space<semaphore_mem>>) src(%dma_wait3A_222 : memref<32xi32, #tpu.memory_space<hbm>>) dst(%arg14 : memref<32xi32, #tpu.memory_space<vmem>>)
      tpu.yield
    }) : () -> ()
    "tpu.region"() ({
      %run_scoped3A = tpu.sem_alloc : memref<!tpu.dma_semaphore, #tpu.memory_space<semaphore_mem>>
      %dma_start3A_219 = tpu.memref_slice %arg4[%add3A_199] : memref<320000xi32, #tpu.memory_space<hbm>> -> memref<32xi32, #tpu.memory_space<hbm>>
      %dma_start3A_220 = tpu.memref_slice %arg4[%add3A_199] : memref<320000xi32, #tpu.memory_space<hbm>> -> memref<32xi32, #tpu.memory_space<hbm>>
      tpu.enqueue_dma source(%dma_start3A_220 : memref<32xi32, #tpu.memory_space<hbm>>) target(%arg15 : memref<32xi32, #tpu.memory_space<vmem>>) target_semaphore(%run_scoped3A : memref<!tpu.dma_semaphore, #tpu.memory_space<semaphore_mem>>)
      %dma_wait3A_221 = tpu.memref_slice %arg4[%add3A_199] : memref<320000xi32, #tpu.memory_space<hbm>> -> memref<32xi32, #tpu.memory_space<hbm>>
      %dma_wait3A_222 = tpu.memref_slice %arg4[%add3A_199] : memref<320000xi32, #tpu.memory_space<hbm>> -> memref<32xi32, #tpu.memory_space<hbm>>
      tpu.wait_dma2 semaphore(%run_scoped3A : memref<!tpu.dma_semaphore, #tpu.memory_space<semaphore_mem>>) src(%dma_wait3A_222 : memref<32xi32, #tpu.memory_space<hbm>>) dst(%arg15 : memref<32xi32, #tpu.memory_space<vmem>>)
      tpu.yield
    }) : () -> ()
    "tpu.region"() ({
      %run_scoped3A = tpu.sem_alloc : memref<!tpu.dma_semaphore, #tpu.memory_space<semaphore_mem>>
      %dma_start3A_219 = arith.constant 0 : i32
      %dma_start3A_220 = arith.constant 0 : i32
      %dma_start3A_221 = tpu.memref_slice %arg11[%dma_start3A_219, %dma_start3A_220] : memref<112x128xf32, #tpu.memory_space<vmem>> -> memref<32x128xf32, #tpu.memory_space<vmem>>
      %dma_start3A_222 = arith.constant 0 : i32
      %dma_start3A_223 = arith.constant 0 : i32
      %dma_start3A_224 = tpu.memref_slice %arg2[%dma_start3A_222, %dma_start3A_223] : memref<10000x128xf32, #tpu.memory_space<hbm>> -> memref<10000x128xf32, #tpu.memory_space<hbm>>
      tpu.enqueue_indirect_dma source(%dma_start3A_224 : memref<10000x128xf32, #tpu.memory_space<hbm>>) target(%dma_start3A_221 : memref<32x128xf32, #tpu.memory_space<vmem>>) offsets(%arg14 : memref<32xi32, #tpu.memory_space<vmem>>) semaphore(%run_scoped3A : memref<!tpu.dma_semaphore, #tpu.memory_space<semaphore_mem>>)
      %dma_wait3A_225 = arith.constant 0 : i32
      %dma_wait3A_226 = arith.constant 0 : i32
      %dma_wait3A_227 = tpu.memref_slice %arg11[%dma_wait3A_225, %dma_wait3A_226] : memref<112x128xf32, #tpu.memory_space<vmem>> -> memref<32x128xf32, #tpu.memory_space<vmem>>
      %dma_wait3A_228 = arith.constant 0 : i32
      %dma_wait3A_229 = arith.constant 0 : i32
      %dma_wait3A_230 = tpu.memref_slice %arg2[%dma_wait3A_228, %dma_wait3A_229] : memref<10000x128xf32, #tpu.memory_space<hbm>> -> memref<10000x128xf32, #tpu.memory_space<hbm>>
      tpu.wait_indirect_dma semaphore(%run_scoped3A : memref<!tpu.dma_semaphore, #tpu.memory_space<semaphore_mem>>) src(%dma_wait3A_230 : memref<10000x128xf32, #tpu.memory_space<hbm>>) dst(%dma_wait3A_227 : memref<32x128xf32, #tpu.memory_space<vmem>>)
      tpu.yield
    }) : () -> ()
    %get3A_200 = arith.constant 0 : index
    %get3A_201 = tpu.vector_load %arg15[%get3A_200] {strides = array<i32>} : memref<32xi32, #tpu.memory_space<vmem>>, vector<16xi32>,
    tpu.vector_store_idx %arg13[%get3A_201], %broadcast_in_dim3A_24 {add = true} : memref<10240xf32, #tpu.memory_space<vmem>>[vector<16xi32>], vector<16xf32>,
    %get3A_202 = arith.constant 16 : index
    %get3A_203 = tpu.vector_load %arg15[%get3A_202] {strides = array<i32>} : memref<32xi32, #tpu.memory_space<vmem>>, vector<16xi32>,
    tpu.vector_store_idx %arg13[%get3A_203], %broadcast_in_dim3A_24 {add = true} : memref<10240xf32, #tpu.memory_space<vmem>>[vector<16xi32>], vector<16xf32>,
    "tpu.region"() ({
      %run_scoped3A = tpu.sem_alloc : memref<!tpu.dma_semaphore, #tpu.memory_space<semaphore_mem>>
      %dma_start3A_219 = arith.constant 0 : i32
      %dma_start3A_220 = arith.constant 0 : i32
      %dma_start3A_221 = tpu.memref_slice %arg11[%dma_start3A_219, %dma_start3A_220] : memref<112x128xf32, #tpu.memory_space<vmem>> -> memref<32x128xf32, #tpu.memory_space<vmem>>
      %dma_start3A_222 = arith.constant 0 : i32
      %dma_start3A_223 = arith.constant 0 : i32
      %dma_start3A_224 = tpu.memref_slice %arg8[%dma_start3A_222, %dma_start3A_223] : memref<10240x128xf32, #tpu.memory_space<vmem_shared>> -> memref<10240x128xf32, #tpu.memory_space<vmem_shared>>
      tpu.enqueue_indirect_dma source(%dma_start3A_221 : memref<32x128xf32, #tpu.memory_space<vmem>>) target(%dma_start3A_224 : memref<10240x128xf32, #tpu.memory_space<vmem_shared>>) offsets(%arg15 : memref<32xi32, #tpu.memory_space<vmem>>) semaphore(%run_scoped3A : memref<!tpu.dma_semaphore, #tpu.memory_space<semaphore_mem>>) {add = true}
      %dma_wait3A_225 = arith.constant 0 : i32
      %dma_wait3A_226 = arith.constant 0 : i32
      %dma_wait3A_227 = tpu.memref_slice %arg11[%dma_wait3A_225, %dma_wait3A_226] : memref<112x128xf32, #tpu.memory_space<vmem>> -> memref<32x128xf32, #tpu.memory_space<vmem>>
      %dma_wait3A_228 = arith.constant 0 : i32
      %dma_wait3A_229 = arith.constant 0 : i32
      %dma_wait3A_230 = tpu.memref_slice %arg8[%dma_wait3A_228, %dma_wait3A_229] : memref<10240x128xf32, #tpu.memory_space<vmem_shared>> -> memref<10240x128xf32, #tpu.memory_space<vmem_shared>>
      tpu.wait_indirect_dma semaphore(%run_scoped3A : memref<!tpu.dma_semaphore, #tpu.memory_space<semaphore_mem>>) src(%dma_wait3A_227 : memref<32x128xf32, #tpu.memory_space<vmem>>) dst(%dma_wait3A_230 : memref<10240x128xf32, #tpu.memory_space<vmem_shared>>)
      tpu.yield
    }) : () -> ()
    %barrier3A_204 = arith.constant 0 : index
    tpu.barrier barrier_id(%barrier3A_204)
    %add3A_205 = arith.constant 0 : i32
    %add3A_206 = arith.addi %mul3A_2, %add3A_205 : i32
    "tpu.region"() ({
      %run_scoped3A = tpu.sem_alloc : memref<!tpu.dma_semaphore, #tpu.memory_space<semaphore_mem>>
      %dma_start3A_219 = arith.constant 0 : i32
      %dma_start3A_220 = arith.constant 0 : i32
      %dma_start3A_221 = tpu.memref_slice %arg11[%dma_start3A_219, %dma_start3A_220] : memref<112x128xf32, #tpu.memory_space<vmem>> -> memref<112x128xf32, #tpu.memory_space<vmem>>
      %dma_start3A_222 = arith.constant 0 : i32
      %dma_start3A_223 = tpu.memref_slice %arg8[%add3A_206, %dma_start3A_222] : memref<10240x128xf32, #tpu.memory_space<vmem_shared>> -> memref<112x128xf32, #tpu.memory_space<vmem_shared>>
      %dma_start3A_224 = arith.constant 0 : i32
      %dma_start3A_225 = arith.constant 0 : i32
      %dma_start3A_226 = tpu.memref_slice %arg11[%dma_start3A_224, %dma_start3A_225] : memref<112x128xf32, #tpu.memory_space<vmem>> -> memref<112x128xf32, #tpu.memory_space<vmem>>
      %dma_start3A_227 = arith.constant 0 : i32
      %dma_start3A_228 = tpu.memref_slice %arg8[%add3A_206, %dma_start3A_227] : memref<10240x128xf32, #tpu.memory_space<vmem_shared>> -> memref<112x128xf32, #tpu.memory_space<vmem_shared>>
      tpu.enqueue_dma source(%dma_start3A_228 : memref<112x128xf32, #tpu.memory_space<vmem_shared>>) target(%dma_start3A_226 : memref<112x128xf32, #tpu.memory_space<vmem>>) target_semaphore(%run_scoped3A : memref<!tpu.dma_semaphore, #tpu.memory_space<semaphore_mem>>)
      %dma_wait3A_229 = arith.constant 0 : i32
      %dma_wait3A_230 = arith.constant 0 : i32
      %dma_wait3A_231 = tpu.memref_slice %arg11[%dma_wait3A_229, %dma_wait3A_230] : memref<112x128xf32, #tpu.memory_space<vmem>> -> memref<112x128xf32, #tpu.memory_space<vmem>>
      %dma_wait3A_232 = arith.constant 0 : i32
      %dma_wait3A_233 = tpu.memref_slice %arg8[%add3A_206, %dma_wait3A_232] : memref<10240x128xf32, #tpu.memory_space<vmem_shared>> -> memref<112x128xf32, #tpu.memory_space<vmem_shared>>
      %dma_wait3A_234 = arith.constant 0 : i32
      %dma_wait3A_235 = arith.constant 0 : i32
      %dma_wait3A_236 = tpu.memref_slice %arg11[%dma_wait3A_234, %dma_wait3A_235] : memref<112x128xf32, #tpu.memory_space<vmem>> -> memref<112x128xf32, #tpu.memory_space<vmem>>
      %dma_wait3A_237 = arith.constant 0 : i32
      %dma_wait3A_238 = tpu.memref_slice %arg8[%add3A_206, %dma_wait3A_237] : memref<10240x128xf32, #tpu.memory_space<vmem_shared>> -> memref<112x128xf32, #tpu.memory_space<vmem_shared>>
      tpu.wait_dma2 semaphore(%run_scoped3A : memref<!tpu.dma_semaphore, #tpu.memory_space<semaphore_mem>>) src(%dma_wait3A_238 : memref<112x128xf32, #tpu.memory_space<vmem_shared>>) dst(%dma_wait3A_236 : memref<112x128xf32, #tpu.memory_space<vmem>>)
      tpu.yield
    }) : () -> ()
    "tpu.region"() ({
      %run_scoped3A = tpu.sem_alloc : memref<!tpu.dma_semaphore, #tpu.memory_space<semaphore_mem>>
      %dma_start3A_219 = arith.constant 0 : i32
      %dma_start3A_220 = arith.constant 0 : i32
      %dma_start3A_221 = tpu.memref_slice %arg11[%dma_start3A_219, %dma_start3A_220] : memref<112x128xf32, #tpu.memory_space<vmem>> -> memref<112x128xf32, #tpu.memory_space<vmem>>
      %dma_start3A_222 = arith.constant 0 : i32
      %dma_start3A_223 = tpu.memref_slice %arg6[%arg0, %add3A_206, %dma_start3A_222] : memref<2x10240x128xf32, #tpu.memory_space<hbm>> -> memref<1x112x128xf32, #tpu.memory_space<hbm>>
      %dma_start3A_224 = tpu.memref_squeeze %dma_start3A_223 : memref<1x112x128xf32, #tpu.memory_space<hbm>> -> memref<112x128xf32, #tpu.memory_space<hbm>>
      %dma_start3A_225 = arith.constant 0 : i32
      %dma_start3A_226 = tpu.memref_slice %arg6[%arg0, %add3A_206, %dma_start3A_225] : memref<2x10240x128xf32, #tpu.memory_space<hbm>> -> memref<1x112x128xf32, #tpu.memory_space<hbm>>
      %dma_start3A_227 = tpu.memref_squeeze %dma_start3A_226 : memref<1x112x128xf32, #tpu.memory_space<hbm>> -> memref<112x128xf32, #tpu.memory_space<hbm>>
      %dma_start3A_228 = arith.constant 0 : i32
      %dma_start3A_229 = arith.constant 0 : i32
      %dma_start3A_230 = tpu.memref_slice %arg11[%dma_start3A_228, %dma_start3A_229] : memref<112x128xf32, #tpu.memory_space<vmem>> -> memref<112x128xf32, #tpu.memory_space<vmem>>
      tpu.enqueue_dma source(%dma_start3A_230 : memref<112x128xf32, #tpu.memory_space<vmem>>) target(%dma_start3A_227 : memref<112x128xf32, #tpu.memory_space<hbm>>) target_semaphore(%run_scoped3A : memref<!tpu.dma_semaphore, #tpu.memory_space<semaphore_mem>>)
      %dma_wait3A_231 = arith.constant 0 : i32
      %dma_wait3A_232 = arith.constant 0 : i32
      %dma_wait3A_233 = tpu.memref_slice %arg11[%dma_wait3A_231, %dma_wait3A_232] : memref<112x128xf32, #tpu.memory_space<vmem>> -> memref<112x128xf32, #tpu.memory_space<vmem>>
      %dma_wait3A_234 = arith.constant 0 : i32
      %dma_wait3A_235 = tpu.memref_slice %arg6[%arg0, %add3A_206, %dma_wait3A_234] : memref<2x10240x128xf32, #tpu.memory_space<hbm>> -> memref<1x112x128xf32, #tpu.memory_space<hbm>>
      %dma_wait3A_236 = tpu.memref_squeeze %dma_wait3A_235 : memref<1x112x128xf32, #tpu.memory_space<hbm>> -> memref<112x128xf32, #tpu.memory_space<hbm>>
      %dma_wait3A_237 = arith.constant 0 : i32
      %dma_wait3A_238 = tpu.memref_slice %arg6[%arg0, %add3A_206, %dma_wait3A_237] : memref<2x10240x128xf32, #tpu.memory_space<hbm>> -> memref<1x112x128xf32, #tpu.memory_space<hbm>>
      %dma_wait3A_239 = tpu.memref_squeeze %dma_wait3A_238 : memref<1x112x128xf32, #tpu.memory_space<hbm>> -> memref<112x128xf32, #tpu.memory_space<hbm>>
      %dma_wait3A_240 = arith.constant 0 : i32
      %dma_wait3A_241 = arith.constant 0 : i32
      %dma_wait3A_242 = tpu.memref_slice %arg11[%dma_wait3A_240, %dma_wait3A_241] : memref<112x128xf32, #tpu.memory_space<vmem>> -> memref<112x128xf32, #tpu.memory_space<vmem>>
      tpu.wait_dma2 semaphore(%run_scoped3A : memref<!tpu.dma_semaphore, #tpu.memory_space<semaphore_mem>>) src(%dma_wait3A_242 : memref<112x128xf32, #tpu.memory_space<vmem>>) dst(%dma_wait3A_239 : memref<112x128xf32, #tpu.memory_space<hbm>>)
      tpu.yield
    }) : () -> ()
    %add3A_207 = arith.constant 112 : i32
    %add3A_208 = arith.addi %mul3A_2, %add3A_207 : i32
    "tpu.region"() ({
      %run_scoped3A = tpu.sem_alloc : memref<!tpu.dma_semaphore, #tpu.memory_space<semaphore_mem>>
      %dma_start3A_219 = arith.constant 0 : i32
      %dma_start3A_220 = arith.constant 0 : i32
      %dma_start3A_221 = tpu.memref_slice %arg11[%dma_start3A_219, %dma_start3A_220] : memref<112x128xf32, #tpu.memory_space<vmem>> -> memref<112x128xf32, #tpu.memory_space<vmem>>
      %dma_start3A_222 = arith.constant 0 : i32
      %dma_start3A_223 = tpu.memref_slice %arg8[%add3A_208, %dma_start3A_222] : memref<10240x128xf32, #tpu.memory_space<vmem_shared>> -> memref<112x128xf32, #tpu.memory_space<vmem_shared>>
      %dma_start3A_224 = arith.constant 0 : i32
      %dma_start3A_225 = arith.constant 0 : i32
      %dma_start3A_226 = tpu.memref_slice %arg11[%dma_start3A_224, %dma_start3A_225] : memref<112x128xf32, #tpu.memory_space<vmem>> -> memref<112x128xf32, #tpu.memory_space<vmem>>
      %dma_start3A_227 = arith.constant 0 : i32
      %dma_start3A_228 = tpu.memref_slice %arg8[%add3A_208, %dma_start3A_227] : memref<10240x128xf32, #tpu.memory_space<vmem_shared>> -> memref<112x128xf32, #tpu.memory_space<vmem_shared>>
      tpu.enqueue_dma source(%dma_start3A_228 : memref<112x128xf32, #tpu.memory_space<vmem_shared>>) target(%dma_start3A_226 : memref<112x128xf32, #tpu.memory_space<vmem>>) target_semaphore(%run_scoped3A : memref<!tpu.dma_semaphore, #tpu.memory_space<semaphore_mem>>)
      %dma_wait3A_229 = arith.constant 0 : i32
      %dma_wait3A_230 = arith.constant 0 : i32
      %dma_wait3A_231 = tpu.memref_slice %arg11[%dma_wait3A_229, %dma_wait3A_230] : memref<112x128xf32, #tpu.memory_space<vmem>> -> memref<112x128xf32, #tpu.memory_space<vmem>>
      %dma_wait3A_232 = arith.constant 0 : i32
      %dma_wait3A_233 = tpu.memref_slice %arg8[%add3A_208, %dma_wait3A_232] : memref<10240x128xf32, #tpu.memory_space<vmem_shared>> -> memref<112x128xf32, #tpu.memory_space<vmem_shared>>
      %dma_wait3A_234 = arith.constant 0 : i32
      %dma_wait3A_235 = arith.constant 0 : i32
      %dma_wait3A_236 = tpu.memref_slice %arg11[%dma_wait3A_234, %dma_wait3A_235] : memref<112x128xf32, #tpu.memory_space<vmem>> -> memref<112x128xf32, #tpu.memory_space<vmem>>
      %dma_wait3A_237 = arith.constant 0 : i32
      %dma_wait3A_238 = tpu.memref_slice %arg8[%add3A_208, %dma_wait3A_237] : memref<10240x128xf32, #tpu.memory_space<vmem_shared>> -> memref<112x128xf32, #tpu.memory_space<vmem_shared>>
      tpu.wait_dma2 semaphore(%run_scoped3A : memref<!tpu.dma_semaphore, #tpu.memory_space<semaphore_mem>>) src(%dma_wait3A_238 : memref<112x128xf32, #tpu.memory_space<vmem_shared>>) dst(%dma_wait3A_236 : memref<112x128xf32, #tpu.memory_space<vmem>>)
      tpu.yield
    }) : () -> ()
    "tpu.region"() ({
      %run_scoped3A = tpu.sem_alloc : memref<!tpu.dma_semaphore, #tpu.memory_space<semaphore_mem>>
      %dma_start3A_219 = arith.constant 0 : i32
      %dma_start3A_220 = arith.constant 0 : i32
      %dma_start3A_221 = tpu.memref_slice %arg11[%dma_start3A_219, %dma_start3A_220] : memref<112x128xf32, #tpu.memory_space<vmem>> -> memref<112x128xf32, #tpu.memory_space<vmem>>
      %dma_start3A_222 = arith.constant 0 : i32
      %dma_start3A_223 = tpu.memref_slice %arg6[%arg0, %add3A_208, %dma_start3A_222] : memref<2x10240x128xf32, #tpu.memory_space<hbm>> -> memref<1x112x128xf32, #tpu.memory_space<hbm>>
      %dma_start3A_224 = tpu.memref_squeeze %dma_start3A_223 : memref<1x112x128xf32, #tpu.memory_space<hbm>> -> memref<112x128xf32, #tpu.memory_space<hbm>>
      %dma_start3A_225 = arith.constant 0 : i32
      %dma_start3A_226 = tpu.memref_slice %arg6[%arg0, %add3A_208, %dma_start3A_225] : memref<2x10240x128xf32, #tpu.memory_space<hbm>> -> memref<1x112x128xf32, #tpu.memory_space<hbm>>
      %dma_start3A_227 = tpu.memref_squeeze %dma_start3A_226 : memref<1x112x128xf32, #tpu.memory_space<hbm>> -> memref<112x128xf32, #tpu.memory_space<hbm>>
      %dma_start3A_228 = arith.constant 0 : i32
      %dma_start3A_229 = arith.constant 0 : i32
      %dma_start3A_230 = tpu.memref_slice %arg11[%dma_start3A_228, %dma_start3A_229] : memref<112x128xf32, #tpu.memory_space<vmem>> -> memref<112x128xf32, #tpu.memory_space<vmem>>
      tpu.enqueue_dma source(%dma_start3A_230 : memref<112x128xf32, #tpu.memory_space<vmem>>) target(%dma_start3A_227 : memref<112x128xf32, #tpu.memory_space<hbm>>) target_semaphore(%run_scoped3A : memref<!tpu.dma_semaphore, #tpu.memory_space<semaphore_mem>>)
      %dma_wait3A_231 = arith.constant 0 : i32
      %dma_wait3A_232 = arith.constant 0 : i32
      %dma_wait3A_233 = tpu.memref_slice %arg11[%dma_wait3A_231, %dma_wait3A_232] : memref<112x128xf32, #tpu.memory_space<vmem>> -> memref<112x128xf32, #tpu.memory_space<vmem>>
      %dma_wait3A_234 = arith.constant 0 : i32
      %dma_wait3A_235 = tpu.memref_slice %arg6[%arg0, %add3A_208, %dma_wait3A_234] : memref<2x10240x128xf32, #tpu.memory_space<hbm>> -> memref<1x112x128xf32, #tpu.memory_space<hbm>>
      %dma_wait3A_236 = tpu.memref_squeeze %dma_wait3A_235 : memref<1x112x128xf32, #tpu.memory_space<hbm>> -> memref<112x128xf32, #tpu.memory_space<hbm>>
      %dma_wait3A_237 = arith.constant 0 : i32
      %dma_wait3A_238 = tpu.memref_slice %arg6[%arg0, %add3A_208, %dma_wait3A_237] : memref<2x10240x128xf32, #tpu.memory_space<hbm>> -> memref<1x112x128xf32, #tpu.memory_space<hbm>>
      %dma_wait3A_239 = tpu.memref_squeeze %dma_wait3A_238 : memref<1x112x128xf32, #tpu.memory_space<hbm>> -> memref<112x128xf32, #tpu.memory_space<hbm>>
      %dma_wait3A_240 = arith.constant 0 : i32
      %dma_wait3A_241 = arith.constant 0 : i32
      %dma_wait3A_242 = tpu.memref_slice %arg11[%dma_wait3A_240, %dma_wait3A_241] : memref<112x128xf32, #tpu.memory_space<vmem>> -> memref<112x128xf32, #tpu.memory_space<vmem>>
      tpu.wait_dma2 semaphore(%run_scoped3A : memref<!tpu.dma_semaphore, #tpu.memory_space<semaphore_mem>>) src(%dma_wait3A_242 : memref<112x128xf32, #tpu.memory_space<vmem>>) dst(%dma_wait3A_239 : memref<112x128xf32, #tpu.memory_space<hbm>>)
      tpu.yield
    }) : () -> ()
    %add3A_209 = arith.constant 224 : i32
    %add3A_210 = arith.addi %mul3A_2, %add3A_209 : i32
    "tpu.region"() ({
      %run_scoped3A = tpu.sem_alloc : memref<!tpu.dma_semaphore, #tpu.memory_space<semaphore_mem>>
      %dma_start3A_219 = arith.constant 0 : i32
      %dma_start3A_220 = arith.constant 0 : i32
      %dma_start3A_221 = tpu.memref_slice %arg11[%dma_start3A_219, %dma_start3A_220] : memref<112x128xf32, #tpu.memory_space<vmem>> -> memref<112x128xf32, #tpu.memory_space<vmem>>
      %dma_start3A_222 = arith.constant 0 : i32
      %dma_start3A_223 = tpu.memref_slice %arg8[%add3A_210, %dma_start3A_222] : memref<10240x128xf32, #tpu.memory_space<vmem_shared>> -> memref<112x128xf32, #tpu.memory_space<vmem_shared>>
      %dma_start3A_224 = arith.constant 0 : i32
      %dma_start3A_225 = arith.constant 0 : i32
      %dma_start3A_226 = tpu.memref_slice %arg11[%dma_start3A_224, %dma_start3A_225] : memref<112x128xf32, #tpu.memory_space<vmem>> -> memref<112x128xf32, #tpu.memory_space<vmem>>
      %dma_start3A_227 = arith.constant 0 : i32
      %dma_start3A_228 = tpu.memref_slice %arg8[%add3A_210, %dma_start3A_227] : memref<10240x128xf32, #tpu.memory_space<vmem_shared>> -> memref<112x128xf32, #tpu.memory_space<vmem_shared>>
      tpu.enqueue_dma source(%dma_start3A_228 : memref<112x128xf32, #tpu.memory_space<vmem_shared>>) target(%dma_start3A_226 : memref<112x128xf32, #tpu.memory_space<vmem>>) target_semaphore(%run_scoped3A : memref<!tpu.dma_semaphore, #tpu.memory_space<semaphore_mem>>)
      %dma_wait3A_229 = arith.constant 0 : i32
      %dma_wait3A_230 = arith.constant 0 : i32
      %dma_wait3A_231 = tpu.memref_slice %arg11[%dma_wait3A_229, %dma_wait3A_230] : memref<112x128xf32, #tpu.memory_space<vmem>> -> memref<112x128xf32, #tpu.memory_space<vmem>>
      %dma_wait3A_232 = arith.constant 0 : i32
      %dma_wait3A_233 = tpu.memref_slice %arg8[%add3A_210, %dma_wait3A_232] : memref<10240x128xf32, #tpu.memory_space<vmem_shared>> -> memref<112x128xf32, #tpu.memory_space<vmem_shared>>
      %dma_wait3A_234 = arith.constant 0 : i32
      %dma_wait3A_235 = arith.constant 0 : i32
      %dma_wait3A_236 = tpu.memref_slice %arg11[%dma_wait3A_234, %dma_wait3A_235] : memref<112x128xf32, #tpu.memory_space<vmem>> -> memref<112x128xf32, #tpu.memory_space<vmem>>
      %dma_wait3A_237 = arith.constant 0 : i32
      %dma_wait3A_238 = tpu.memref_slice %arg8[%add3A_210, %dma_wait3A_237] : memref<10240x128xf32, #tpu.memory_space<vmem_shared>> -> memref<112x128xf32, #tpu.memory_space<vmem_shared>>
      tpu.wait_dma2 semaphore(%run_scoped3A : memref<!tpu.dma_semaphore, #tpu.memory_space<semaphore_mem>>) src(%dma_wait3A_238 : memref<112x128xf32, #tpu.memory_space<vmem_shared>>) dst(%dma_wait3A_236 : memref<112x128xf32, #tpu.memory_space<vmem>>)
      tpu.yield
    }) : () -> ()
    "tpu.region"() ({
      %run_scoped3A = tpu.sem_alloc : memref<!tpu.dma_semaphore, #tpu.memory_space<semaphore_mem>>
      %dma_start3A_219 = arith.constant 0 : i32
      %dma_start3A_220 = arith.constant 0 : i32
      %dma_start3A_221 = tpu.memref_slice %arg11[%dma_start3A_219, %dma_start3A_220] : memref<112x128xf32, #tpu.memory_space<vmem>> -> memref<112x128xf32, #tpu.memory_space<vmem>>
      %dma_start3A_222 = arith.constant 0 : i32
      %dma_start3A_223 = tpu.memref_slice %arg6[%arg0, %add3A_210, %dma_start3A_222] : memref<2x10240x128xf32, #tpu.memory_space<hbm>> -> memref<1x112x128xf32, #tpu.memory_space<hbm>>
      %dma_start3A_224 = tpu.memref_squeeze %dma_start3A_223 : memref<1x112x128xf32, #tpu.memory_space<hbm>> -> memref<112x128xf32, #tpu.memory_space<hbm>>
      %dma_start3A_225 = arith.constant 0 : i32
      %dma_start3A_226 = tpu.memref_slice %arg6[%arg0, %add3A_210, %dma_start3A_225] : memref<2x10240x128xf32, #tpu.memory_space<hbm>> -> memref<1x112x128xf32, #tpu.memory_space<hbm>>
      %dma_start3A_227 = tpu.memref_squeeze %dma_start3A_226 : memref<1x112x128xf32, #tpu.memory_space<hbm>> -> memref<112x128xf32, #tpu.memory_space<hbm>>
      %dma_start3A_228 = arith.constant 0 : i32
      %dma_start3A_229 = arith.constant 0 : i32
      %dma_start3A_230 = tpu.memref_slice %arg11[%dma_start3A_228, %dma_start3A_229] : memref<112x128xf32, #tpu.memory_space<vmem>> -> memref<112x128xf32, #tpu.memory_space<vmem>>
      tpu.enqueue_dma source(%dma_start3A_230 : memref<112x128xf32, #tpu.memory_space<vmem>>) target(%dma_start3A_227 : memref<112x128xf32, #tpu.memory_space<hbm>>) target_semaphore(%run_scoped3A : memref<!tpu.dma_semaphore, #tpu.memory_space<semaphore_mem>>)
      %dma_wait3A_231 = arith.constant 0 : i32
      %dma_wait3A_232 = arith.constant 0 : i32
      %dma_wait3A_233 = tpu.memref_slice %arg11[%dma_wait3A_231, %dma_wait3A_232] : memref<112x128xf32, #tpu.memory_space<vmem>> -> memref<112x128xf32, #tpu.memory_space<vmem>>
      %dma_wait3A_234 = arith.constant 0 : i32
      %dma_wait3A_235 = tpu.memref_slice %arg6[%arg0, %add3A_210, %dma_wait3A_234] : memref<2x10240x128xf32, #tpu.memory_space<hbm>> -> memref<1x112x128xf32, #tpu.memory_space<hbm>>
      %dma_wait3A_236 = tpu.memref_squeeze %dma_wait3A_235 : memref<1x112x128xf32, #tpu.memory_space<hbm>> -> memref<112x128xf32, #tpu.memory_space<hbm>>
      %dma_wait3A_237 = arith.constant 0 : i32
      %dma_wait3A_238 = tpu.memref_slice %arg6[%arg0, %add3A_210, %dma_wait3A_237] : memref<2x10240x128xf32, #tpu.memory_space<hbm>> -> memref<1x112x128xf32, #tpu.memory_space<hbm>>
      %dma_wait3A_239 = tpu.memref_squeeze %dma_wait3A_238 : memref<1x112x128xf32, #tpu.memory_space<hbm>> -> memref<112x128xf32, #tpu.memory_space<hbm>>
      %dma_wait3A_240 = arith.constant 0 : i32
      %dma_wait3A_241 = arith.constant 0 : i32
      %dma_wait3A_242 = tpu.memref_slice %arg11[%dma_wait3A_240, %dma_wait3A_241] : memref<112x128xf32, #tpu.memory_space<vmem>> -> memref<112x128xf32, #tpu.memory_space<vmem>>
      tpu.wait_dma2 semaphore(%run_scoped3A : memref<!tpu.dma_semaphore, #tpu.memory_space<semaphore_mem>>) src(%dma_wait3A_242 : memref<112x128xf32, #tpu.memory_space<vmem>>) dst(%dma_wait3A_239 : memref<112x128xf32, #tpu.memory_space<hbm>>)
      tpu.yield
    }) : () -> ()
    %add3A_211 = arith.constant 336 : i32
    %add3A_212 = arith.addi %mul3A_2, %add3A_211 : i32
    "tpu.region"() ({
      %run_scoped3A = tpu.sem_alloc : memref<!tpu.dma_semaphore, #tpu.memory_space<semaphore_mem>>
      %dma_start3A_219 = arith.constant 0 : i32
      %dma_start3A_220 = arith.constant 0 : i32
      %dma_start3A_221 = tpu.memref_slice %arg11[%dma_start3A_219, %dma_start3A_220] : memref<112x128xf32, #tpu.memory_space<vmem>> -> memref<112x128xf32, #tpu.memory_space<vmem>>
      %dma_start3A_222 = arith.constant 0 : i32
      %dma_start3A_223 = tpu.memref_slice %arg8[%add3A_212, %dma_start3A_222] : memref<10240x128xf32, #tpu.memory_space<vmem_shared>> -> memref<112x128xf32, #tpu.memory_space<vmem_shared>>
      %dma_start3A_224 = arith.constant 0 : i32
      %dma_start3A_225 = arith.constant 0 : i32
      %dma_start3A_226 = tpu.memref_slice %arg11[%dma_start3A_224, %dma_start3A_225] : memref<112x128xf32, #tpu.memory_space<vmem>> -> memref<112x128xf32, #tpu.memory_space<vmem>>
      %dma_start3A_227 = arith.constant 0 : i32
      %dma_start3A_228 = tpu.memref_slice %arg8[%add3A_212, %dma_start3A_227] : memref<10240x128xf32, #tpu.memory_space<vmem_shared>> -> memref<112x128xf32, #tpu.memory_space<vmem_shared>>
      tpu.enqueue_dma source(%dma_start3A_228 : memref<112x128xf32, #tpu.memory_space<vmem_shared>>) target(%dma_start3A_226 : memref<112x128xf32, #tpu.memory_space<vmem>>) target_semaphore(%run_scoped3A : memref<!tpu.dma_semaphore, #tpu.memory_space<semaphore_mem>>)
      %dma_wait3A_229 = arith.constant 0 : i32
      %dma_wait3A_230 = arith.constant 0 : i32
      %dma_wait3A_231 = tpu.memref_slice %arg11[%dma_wait3A_229, %dma_wait3A_230] : memref<112x128xf32, #tpu.memory_space<vmem>> -> memref<112x128xf32, #tpu.memory_space<vmem>>
      %dma_wait3A_232 = arith.constant 0 : i32
      %dma_wait3A_233 = tpu.memref_slice %arg8[%add3A_212, %dma_wait3A_232] : memref<10240x128xf32, #tpu.memory_space<vmem_shared>> -> memref<112x128xf32, #tpu.memory_space<vmem_shared>>
      %dma_wait3A_234 = arith.constant 0 : i32
      %dma_wait3A_235 = arith.constant 0 : i32
      %dma_wait3A_236 = tpu.memref_slice %arg11[%dma_wait3A_234, %dma_wait3A_235] : memref<112x128xf32, #tpu.memory_space<vmem>> -> memref<112x128xf32, #tpu.memory_space<vmem>>
      %dma_wait3A_237 = arith.constant 0 : i32
      %dma_wait3A_238 = tpu.memref_slice %arg8[%add3A_212, %dma_wait3A_237] : memref<10240x128xf32, #tpu.memory_space<vmem_shared>> -> memref<112x128xf32, #tpu.memory_space<vmem_shared>>
      tpu.wait_dma2 semaphore(%run_scoped3A : memref<!tpu.dma_semaphore, #tpu.memory_space<semaphore_mem>>) src(%dma_wait3A_238 : memref<112x128xf32, #tpu.memory_space<vmem_shared>>) dst(%dma_wait3A_236 : memref<112x128xf32, #tpu.memory_space<vmem>>)
      tpu.yield
    }) : () -> ()
    "tpu.region"() ({
      %run_scoped3A = tpu.sem_alloc : memref<!tpu.dma_semaphore, #tpu.memory_space<semaphore_mem>>
      %dma_start3A_219 = arith.constant 0 : i32
      %dma_start3A_220 = arith.constant 0 : i32
      %dma_start3A_221 = tpu.memref_slice %arg11[%dma_start3A_219, %dma_start3A_220] : memref<112x128xf32, #tpu.memory_space<vmem>> -> memref<112x128xf32, #tpu.memory_space<vmem>>
      %dma_start3A_222 = arith.constant 0 : i32
      %dma_start3A_223 = tpu.memref_slice %arg6[%arg0, %add3A_212, %dma_start3A_222] : memref<2x10240x128xf32, #tpu.memory_space<hbm>> -> memref<1x112x128xf32, #tpu.memory_space<hbm>>
      %dma_start3A_224 = tpu.memref_squeeze %dma_start3A_223 : memref<1x112x128xf32, #tpu.memory_space<hbm>> -> memref<112x128xf32, #tpu.memory_space<hbm>>
      %dma_start3A_225 = arith.constant 0 : i32
      %dma_start3A_226 = tpu.memref_slice %arg6[%arg0, %add3A_212, %dma_start3A_225] : memref<2x10240x128xf32, #tpu.memory_space<hbm>> -> memref<1x112x128xf32, #tpu.memory_space<hbm>>
      %dma_start3A_227 = tpu.memref_squeeze %dma_start3A_226 : memref<1x112x128xf32, #tpu.memory_space<hbm>> -> memref<112x128xf32, #tpu.memory_space<hbm>>
      %dma_start3A_228 = arith.constant 0 : i32
      %dma_start3A_229 = arith.constant 0 : i32
      %dma_start3A_230 = tpu.memref_slice %arg11[%dma_start3A_228, %dma_start3A_229] : memref<112x128xf32, #tpu.memory_space<vmem>> -> memref<112x128xf32, #tpu.memory_space<vmem>>
      tpu.enqueue_dma source(%dma_start3A_230 : memref<112x128xf32, #tpu.memory_space<vmem>>) target(%dma_start3A_227 : memref<112x128xf32, #tpu.memory_space<hbm>>) target_semaphore(%run_scoped3A : memref<!tpu.dma_semaphore, #tpu.memory_space<semaphore_mem>>)
      %dma_wait3A_231 = arith.constant 0 : i32
      %dma_wait3A_232 = arith.constant 0 : i32
      %dma_wait3A_233 = tpu.memref_slice %arg11[%dma_wait3A_231, %dma_wait3A_232] : memref<112x128xf32, #tpu.memory_space<vmem>> -> memref<112x128xf32, #tpu.memory_space<vmem>>
      %dma_wait3A_234 = arith.constant 0 : i32
      %dma_wait3A_235 = tpu.memref_slice %arg6[%arg0, %add3A_212, %dma_wait3A_234] : memref<2x10240x128xf32, #tpu.memory_space<hbm>> -> memref<1x112x128xf32, #tpu.memory_space<hbm>>
      %dma_wait3A_236 = tpu.memref_squeeze %dma_wait3A_235 : memref<1x112x128xf32, #tpu.memory_space<hbm>> -> memref<112x128xf32, #tpu.memory_space<hbm>>
      %dma_wait3A_237 = arith.constant 0 : i32
      %dma_wait3A_238 = tpu.memref_slice %arg6[%arg0, %add3A_212, %dma_wait3A_237] : memref<2x10240x128xf32, #tpu.memory_space<hbm>> -> memref<1x112x128xf32, #tpu.memory_space<hbm>>
      %dma_wait3A_239 = tpu.memref_squeeze %dma_wait3A_238 : memref<1x112x128xf32, #tpu.memory_space<hbm>> -> memref<112x128xf32, #tpu.memory_space<hbm>>
      %dma_wait3A_240 = arith.constant 0 : i32
      %dma_wait3A_241 = arith.constant 0 : i32
      %dma_wait3A_242 = tpu.memref_slice %arg11[%dma_wait3A_240, %dma_wait3A_241] : memref<112x128xf32, #tpu.memory_space<vmem>> -> memref<112x128xf32, #tpu.memory_space<vmem>>
      tpu.wait_dma2 semaphore(%run_scoped3A : memref<!tpu.dma_semaphore, #tpu.memory_space<semaphore_mem>>) src(%dma_wait3A_242 : memref<112x128xf32, #tpu.memory_space<vmem>>) dst(%dma_wait3A_239 : memref<112x128xf32, #tpu.memory_space<hbm>>)
      tpu.yield
    }) : () -> ()
    %add3A_213 = arith.constant 448 : i32
    %add3A_214 = arith.addi %mul3A_2, %add3A_213 : i32
    "tpu.region"() ({
      %run_scoped3A = tpu.sem_alloc : memref<!tpu.dma_semaphore, #tpu.memory_space<semaphore_mem>>
      %dma_start3A_219 = arith.constant 0 : i32
      %dma_start3A_220 = arith.constant 0 : i32
      %dma_start3A_221 = tpu.memref_slice %arg11[%dma_start3A_219, %dma_start3A_220] : memref<112x128xf32, #tpu.memory_space<vmem>> -> memref<112x128xf32, #tpu.memory_space<vmem>>
      %dma_start3A_222 = arith.constant 0 : i32
      %dma_start3A_223 = tpu.memref_slice %arg8[%add3A_214, %dma_start3A_222] : memref<10240x128xf32, #tpu.memory_space<vmem_shared>> -> memref<112x128xf32, #tpu.memory_space<vmem_shared>>
      %dma_start3A_224 = arith.constant 0 : i32
      %dma_start3A_225 = arith.constant 0 : i32
      %dma_start3A_226 = tpu.memref_slice %arg11[%dma_start3A_224, %dma_start3A_225] : memref<112x128xf32, #tpu.memory_space<vmem>> -> memref<112x128xf32, #tpu.memory_space<vmem>>
      %dma_start3A_227 = arith.constant 0 : i32
      %dma_start3A_228 = tpu.memref_slice %arg8[%add3A_214, %dma_start3A_227] : memref<10240x128xf32, #tpu.memory_space<vmem_shared>> -> memref<112x128xf32, #tpu.memory_space<vmem_shared>>
      tpu.enqueue_dma source(%dma_start3A_228 : memref<112x128xf32, #tpu.memory_space<vmem_shared>>) target(%dma_start3A_226 : memref<112x128xf32, #tpu.memory_space<vmem>>) target_semaphore(%run_scoped3A : memref<!tpu.dma_semaphore, #tpu.memory_space<semaphore_mem>>)
      %dma_wait3A_229 = arith.constant 0 : i32
      %dma_wait3A_230 = arith.constant 0 : i32
      %dma_wait3A_231 = tpu.memref_slice %arg11[%dma_wait3A_229, %dma_wait3A_230] : memref<112x128xf32, #tpu.memory_space<vmem>> -> memref<112x128xf32, #tpu.memory_space<vmem>>
      %dma_wait3A_232 = arith.constant 0 : i32
      %dma_wait3A_233 = tpu.memref_slice %arg8[%add3A_214, %dma_wait3A_232] : memref<10240x128xf32, #tpu.memory_space<vmem_shared>> -> memref<112x128xf32, #tpu.memory_space<vmem_shared>>
      %dma_wait3A_234 = arith.constant 0 : i32
      %dma_wait3A_235 = arith.constant 0 : i32
      %dma_wait3A_236 = tpu.memref_slice %arg11[%dma_wait3A_234, %dma_wait3A_235] : memref<112x128xf32, #tpu.memory_space<vmem>> -> memref<112x128xf32, #tpu.memory_space<vmem>>
      %dma_wait3A_237 = arith.constant 0 : i32
      %dma_wait3A_238 = tpu.memref_slice %arg8[%add3A_214, %dma_wait3A_237] : memref<10240x128xf32, #tpu.memory_space<vmem_shared>> -> memref<112x128xf32, #tpu.memory_space<vmem_shared>>
      tpu.wait_dma2 semaphore(%run_scoped3A : memref<!tpu.dma_semaphore, #tpu.memory_space<semaphore_mem>>) src(%dma_wait3A_238 : memref<112x128xf32, #tpu.memory_space<vmem_shared>>) dst(%dma_wait3A_236 : memref<112x128xf32, #tpu.memory_space<vmem>>)
      tpu.yield
    }) : () -> ()
    "tpu.region"() ({
      %run_scoped3A = tpu.sem_alloc : memref<!tpu.dma_semaphore, #tpu.memory_space<semaphore_mem>>
      %dma_start3A_219 = arith.constant 0 : i32
      %dma_start3A_220 = arith.constant 0 : i32
      %dma_start3A_221 = tpu.memref_slice %arg11[%dma_start3A_219, %dma_start3A_220] : memref<112x128xf32, #tpu.memory_space<vmem>> -> memref<112x128xf32, #tpu.memory_space<vmem>>
      %dma_start3A_222 = arith.constant 0 : i32
      %dma_start3A_223 = tpu.memref_slice %arg6[%arg0, %add3A_214, %dma_start3A_222] : memref<2x10240x128xf32, #tpu.memory_space<hbm>> -> memref<1x112x128xf32, #tpu.memory_space<hbm>>
      %dma_start3A_224 = tpu.memref_squeeze %dma_start3A_223 : memref<1x112x128xf32, #tpu.memory_space<hbm>> -> memref<112x128xf32, #tpu.memory_space<hbm>>
      %dma_start3A_225 = arith.constant 0 : i32
      %dma_start3A_226 = tpu.memref_slice %arg6[%arg0, %add3A_214, %dma_start3A_225] : memref<2x10240x128xf32, #tpu.memory_space<hbm>> -> memref<1x112x128xf32, #tpu.memory_space<hbm>>
      %dma_start3A_227 = tpu.memref_squeeze %dma_start3A_226 : memref<1x112x128xf32, #tpu.memory_space<hbm>> -> memref<112x128xf32, #tpu.memory_space<hbm>>
      %dma_start3A_228 = arith.constant 0 : i32
      %dma_start3A_229 = arith.constant 0 : i32
      %dma_start3A_230 = tpu.memref_slice %arg11[%dma_start3A_228, %dma_start3A_229] : memref<112x128xf32, #tpu.memory_space<vmem>> -> memref<112x128xf32, #tpu.memory_space<vmem>>
      tpu.enqueue_dma source(%dma_start3A_230 : memref<112x128xf32, #tpu.memory_space<vmem>>) target(%dma_start3A_227 : memref<112x128xf32, #tpu.memory_space<hbm>>) target_semaphore(%run_scoped3A : memref<!tpu.dma_semaphore, #tpu.memory_space<semaphore_mem>>)
      %dma_wait3A_231 = arith.constant 0 : i32
      %dma_wait3A_232 = arith.constant 0 : i32
      %dma_wait3A_233 = tpu.memref_slice %arg11[%dma_wait3A_231, %dma_wait3A_232] : memref<112x128xf32, #tpu.memory_space<vmem>> -> memref<112x128xf32, #tpu.memory_space<vmem>>
      %dma_wait3A_234 = arith.constant 0 : i32
      %dma_wait3A_235 = tpu.memref_slice %arg6[%arg0, %add3A_214, %dma_wait3A_234] : memref<2x10240x128xf32, #tpu.memory_space<hbm>> -> memref<1x112x128xf32, #tpu.memory_space<hbm>>
      %dma_wait3A_236 = tpu.memref_squeeze %dma_wait3A_235 : memref<1x112x128xf32, #tpu.memory_space<hbm>> -> memref<112x128xf32, #tpu.memory_space<hbm>>
      %dma_wait3A_237 = arith.constant 0 : i32
      %dma_wait3A_238 = tpu.memref_slice %arg6[%arg0, %add3A_214, %dma_wait3A_237] : memref<2x10240x128xf32, #tpu.memory_space<hbm>> -> memref<1x112x128xf32, #tpu.memory_space<hbm>>
      %dma_wait3A_239 = tpu.memref_squeeze %dma_wait3A_238 : memref<1x112x128xf32, #tpu.memory_space<hbm>> -> memref<112x128xf32, #tpu.memory_space<hbm>>
      %dma_wait3A_240 = arith.constant 0 : i32
      %dma_wait3A_241 = arith.constant 0 : i32
      %dma_wait3A_242 = tpu.memref_slice %arg11[%dma_wait3A_240, %dma_wait3A_241] : memref<112x128xf32, #tpu.memory_space<vmem>> -> memref<112x128xf32, #tpu.memory_space<vmem>>
      tpu.wait_dma2 semaphore(%run_scoped3A : memref<!tpu.dma_semaphore, #tpu.memory_space<semaphore_mem>>) src(%dma_wait3A_242 : memref<112x128xf32, #tpu.memory_space<vmem>>) dst(%dma_wait3A_239 : memref<112x128xf32, #tpu.memory_space<hbm>>)
      tpu.yield
    }) : () -> ()
    %add3A_215 = arith.constant 560 : i32
    %add3A_216 = arith.addi %mul3A_2, %add3A_215 : i32
    "tpu.region"() ({
      %run_scoped3A = tpu.sem_alloc : memref<!tpu.dma_semaphore, #tpu.memory_space<semaphore_mem>>
      %dma_start3A_219 = arith.constant 0 : i32
      %dma_start3A_220 = arith.constant 0 : i32
      %dma_start3A_221 = tpu.memref_slice %arg11[%dma_start3A_219, %dma_start3A_220] : memref<112x128xf32, #tpu.memory_space<vmem>> -> memref<80x128xf32, #tpu.memory_space<vmem>>
      %dma_start3A_222 = arith.constant 0 : i32
      %dma_start3A_223 = tpu.memref_slice %arg8[%add3A_216, %dma_start3A_222] : memref<10240x128xf32, #tpu.memory_space<vmem_shared>> -> memref<80x128xf32, #tpu.memory_space<vmem_shared>>
      %dma_start3A_224 = arith.constant 0 : i32
      %dma_start3A_225 = arith.constant 0 : i32
      %dma_start3A_226 = tpu.memref_slice %arg11[%dma_start3A_224, %dma_start3A_225] : memref<112x128xf32, #tpu.memory_space<vmem>> -> memref<80x128xf32, #tpu.memory_space<vmem>>
      %dma_start3A_227 = arith.constant 0 : i32
      %dma_start3A_228 = tpu.memref_slice %arg8[%add3A_216, %dma_start3A_227] : memref<10240x128xf32, #tpu.memory_space<vmem_shared>> -> memref<80x128xf32, #tpu.memory_space<vmem_shared>>
      tpu.enqueue_dma source(%dma_start3A_228 : memref<80x128xf32, #tpu.memory_space<vmem_shared>>) target(%dma_start3A_226 : memref<80x128xf32, #tpu.memory_space<vmem>>) target_semaphore(%run_scoped3A : memref<!tpu.dma_semaphore, #tpu.memory_space<semaphore_mem>>)
      %dma_wait3A_229 = arith.constant 0 : i32
      %dma_wait3A_230 = arith.constant 0 : i32
      %dma_wait3A_231 = tpu.memref_slice %arg11[%dma_wait3A_229, %dma_wait3A_230] : memref<112x128xf32, #tpu.memory_space<vmem>> -> memref<80x128xf32, #tpu.memory_space<vmem>>
      %dma_wait3A_232 = arith.constant 0 : i32
      %dma_wait3A_233 = tpu.memref_slice %arg8[%add3A_216, %dma_wait3A_232] : memref<10240x128xf32, #tpu.memory_space<vmem_shared>> -> memref<80x128xf32, #tpu.memory_space<vmem_shared>>
      %dma_wait3A_234 = arith.constant 0 : i32
      %dma_wait3A_235 = arith.constant 0 : i32
      %dma_wait3A_236 = tpu.memref_slice %arg11[%dma_wait3A_234, %dma_wait3A_235] : memref<112x128xf32, #tpu.memory_space<vmem>> -> memref<80x128xf32, #tpu.memory_space<vmem>>
      %dma_wait3A_237 = arith.constant 0 : i32
      %dma_wait3A_238 = tpu.memref_slice %arg8[%add3A_216, %dma_wait3A_237] : memref<10240x128xf32, #tpu.memory_space<vmem_shared>> -> memref<80x128xf32, #tpu.memory_space<vmem_shared>>
      tpu.wait_dma2 semaphore(%run_scoped3A : memref<!tpu.dma_semaphore, #tpu.memory_space<semaphore_mem>>) src(%dma_wait3A_238 : memref<80x128xf32, #tpu.memory_space<vmem_shared>>) dst(%dma_wait3A_236 : memref<80x128xf32, #tpu.memory_space<vmem>>)
      tpu.yield
    }) : () -> ()
    "tpu.region"() ({
      %run_scoped3A = tpu.sem_alloc : memref<!tpu.dma_semaphore, #tpu.memory_space<semaphore_mem>>
      %dma_start3A_219 = arith.constant 0 : i32
      %dma_start3A_220 = arith.constant 0 : i32
      %dma_start3A_221 = tpu.memref_slice %arg11[%dma_start3A_219, %dma_start3A_220] : memref<112x128xf32, #tpu.memory_space<vmem>> -> memref<80x128xf32, #tpu.memory_space<vmem>>
      %dma_start3A_222 = arith.constant 0 : i32
      %dma_start3A_223 = tpu.memref_slice %arg6[%arg0, %add3A_216, %dma_start3A_222] : memref<2x10240x128xf32, #tpu.memory_space<hbm>> -> memref<1x80x128xf32, #tpu.memory_space<hbm>>
      %dma_start3A_224 = tpu.memref_squeeze %dma_start3A_223 : memref<1x80x128xf32, #tpu.memory_space<hbm>> -> memref<80x128xf32, #tpu.memory_space<hbm>>
      %dma_start3A_225 = arith.constant 0 : i32
      %dma_start3A_226 = tpu.memref_slice %arg6[%arg0, %add3A_216, %dma_start3A_225] : memref<2x10240x128xf32, #tpu.memory_space<hbm>> -> memref<1x80x128xf32, #tpu.memory_space<hbm>>
      %dma_start3A_227 = tpu.memref_squeeze %dma_start3A_226 : memref<1x80x128xf32, #tpu.memory_space<hbm>> -> memref<80x128xf32, #tpu.memory_space<hbm>>
      %dma_start3A_228 = arith.constant 0 : i32
      %dma_start3A_229 = arith.constant 0 : i32
      %dma_start3A_230 = tpu.memref_slice %arg11[%dma_start3A_228, %dma_start3A_229] : memref<112x128xf32, #tpu.memory_space<vmem>> -> memref<80x128xf32, #tpu.memory_space<vmem>>
      tpu.enqueue_dma source(%dma_start3A_230 : memref<80x128xf32, #tpu.memory_space<vmem>>) target(%dma_start3A_227 : memref<80x128xf32, #tpu.memory_space<hbm>>) target_semaphore(%run_scoped3A : memref<!tpu.dma_semaphore, #tpu.memory_space<semaphore_mem>>)
      %dma_wait3A_231 = arith.constant 0 : i32
      %dma_wait3A_232 = arith.constant 0 : i32
      %dma_wait3A_233 = tpu.memref_slice %arg11[%dma_wait3A_231, %dma_wait3A_232] : memref<112x128xf32, #tpu.memory_space<vmem>> -> memref<80x128xf32, #tpu.memory_space<vmem>>
      %dma_wait3A_234 = arith.constant 0 : i32
      %dma_wait3A_235 = tpu.memref_slice %arg6[%arg0, %add3A_216, %dma_wait3A_234] : memref<2x10240x128xf32, #tpu.memory_space<hbm>> -> memref<1x80x128xf32, #tpu.memory_space<hbm>>
      %dma_wait3A_236 = tpu.memref_squeeze %dma_wait3A_235 : memref<1x80x128xf32, #tpu.memory_space<hbm>> -> memref<80x128xf32, #tpu.memory_space<hbm>>
      %dma_wait3A_237 = arith.constant 0 : i32
      %dma_wait3A_238 = tpu.memref_slice %arg6[%arg0, %add3A_216, %dma_wait3A_237] : memref<2x10240x128xf32, #tpu.memory_space<hbm>> -> memref<1x80x128xf32, #tpu.memory_space<hbm>>
      %dma_wait3A_239 = tpu.memref_squeeze %dma_wait3A_238 : memref<1x80x128xf32, #tpu.memory_space<hbm>> -> memref<80x128xf32, #tpu.memory_space<hbm>>
      %dma_wait3A_240 = arith.constant 0 : i32
      %dma_wait3A_241 = arith.constant 0 : i32
      %dma_wait3A_242 = tpu.memref_slice %arg11[%dma_wait3A_240, %dma_wait3A_241] : memref<112x128xf32, #tpu.memory_space<vmem>> -> memref<80x128xf32, #tpu.memory_space<vmem>>
      tpu.wait_dma2 semaphore(%run_scoped3A : memref<!tpu.dma_semaphore, #tpu.memory_space<semaphore_mem>>) src(%dma_wait3A_242 : memref<80x128xf32, #tpu.memory_space<vmem>>) dst(%dma_wait3A_239 : memref<80x128xf32, #tpu.memory_space<hbm>>)
      tpu.yield
    }) : () -> ()
    %mul3A_217 = arith.constant 10240 : i32
    %mul3A_218 = arith.muli %add3A, %mul3A_217 : i32
    "tpu.region"() ({
      %run_scoped3A = tpu.sem_alloc : memref<!tpu.dma_semaphore, #tpu.memory_space<semaphore_mem>>
      %dma_start3A_219 = tpu.memref_slice %arg7[%mul3A_218] : memref<327680xf32, #tpu.memory_space<hbm>> -> memref<10240xf32, #tpu.memory_space<hbm>>
      %dma_start3A_220 = tpu.memref_slice %arg7[%mul3A_218] : memref<327680xf32, #tpu.memory_space<hbm>> -> memref<10240xf32, #tpu.memory_space<hbm>>
      tpu.enqueue_dma source(%arg13 : memref<10240xf32, #tpu.memory_space<vmem>>) target(%dma_start3A_220 : memref<10240xf32, #tpu.memory_space<hbm>>) target_semaphore(%run_scoped3A : memref<!tpu.dma_semaphore, #tpu.memory_space<semaphore_mem>>)
      %dma_wait3A_221 = tpu.memref_slice %arg7[%mul3A_218] : memref<327680xf32, #tpu.memory_space<hbm>> -> memref<10240xf32, #tpu.memory_space<hbm>>
      %dma_wait3A_222 = tpu.memref_slice %arg7[%mul3A_218] : memref<327680xf32, #tpu.memory_space<hbm>> -> memref<10240xf32, #tpu.memory_space<hbm>>
      tpu.wait_dma2 semaphore(%run_scoped3A : memref<!tpu.dma_semaphore, #tpu.memory_space<semaphore_mem>>) src(%arg13 : memref<10240xf32, #tpu.memory_space<vmem>>) dst(%dma_wait3A_222 : memref<10240xf32, #tpu.memory_space<hbm>>)
      tpu.yield
    }) : () -> ()
    return
  }
}

module attributes {stable_mosaic.version = 14 : i64} {
  func.func @_dense_body(%arg0: i32, %arg1: memref<1024x128xf32, #tpu.memory_space<vmem>>, %arg2: memref<2x1024x128xf32, #tpu.memory_space<vmem>>, %arg3: memref<32x1024xf32, #tpu.memory_space<vmem>>, %arg4: memref<128x128xf32, #tpu.memory_space<vmem>>, %arg5: memref<128x128xf32, #tpu.memory_space<vmem>>, %arg6: memref<1024x128xf32, #tpu.memory_space<vmem>>) attributes {dimension_semantics = [#tpu.dimension_semantics<arbitrary>], iteration_bounds = array<i64: 10>, scalar_prefetch = 0 : i64, scratch_operands = 0 : i64, tpu.core_type = #tpu.core_type<tc>, window_params = [{transform_indices = @transform_0, window_bounds = array<i64: 1024, 128>}, {transform_indices = @transform_1, window_bounds = array<i64: 2, 1024, 128>}, {transform_indices = @transform_2, window_bounds = array<i64: 32, 1024>}, {pipeline_mode = #tpu.pipeline_mode<synchronous>, transform_indices = @transform_3, window_bounds = array<i64: 128, 128>}, {pipeline_mode = #tpu.pipeline_mode<synchronous>, transform_indices = @transform_4, window_bounds = array<i64: 128, 128>}, {transform_indices = @transform_5, window_bounds = array<i64: 1024, 128>}]} {
    %get3A = arith.constant 0 : index
    %get3A_0 = arith.constant 0 : index
    %get3A_1 = arith.constant 0 : index
    %get3A_2 = vector.load %arg2[%get3A, %get3A_0, %get3A_1] : memref<2x1024x128xf32, #tpu.memory_space<vmem>>, vector<1x1024x128xf32>
    %get3A_3 = vector.shape_cast %get3A_2 : vector<1x1024x128xf32> to vector<1024x128xf32>
    %get3A_4 = arith.constant 1 : index
    %get3A_5 = arith.constant 0 : index
    %get3A_6 = arith.constant 0 : index
    %get3A_7 = vector.load %arg2[%get3A_4, %get3A_5, %get3A_6] : memref<2x1024x128xf32, #tpu.memory_space<vmem>>, vector<1x1024x128xf32>
    %get3A_8 = vector.shape_cast %get3A_7 : vector<1x1024x128xf32> to vector<1024x128xf32>
    %add3A = arith.addf %get3A_3, %get3A_8 : vector<1024x128xf32>
    %get3A_9 = arith.constant 0 : index
    %get3A_10 = arith.constant 0 : index
    %get3A_11 = vector.load %arg3[%get3A_9, %get3A_10] : memref<32x1024xf32, #tpu.memory_space<vmem>>, vector<32x1024xf32>
    %reduce_sum3A = arith.constant dense<0.000000e+00> : vector<1024xf32>
    %reduce_sum3A_12 = vector.multi_reduction <add>, %get3A_11, %reduce_sum3A [0] : vector<32x1024xf32> to vector<1024xf32>
    %broadcast_in_dim3A = vector.shape_cast %reduce_sum3A_12 : vector<1024xf32> to vector<1024x1xf32>
    %jit3A = arith.constant 1.000000e+00 : f32
    %max3A = vector.broadcast %jit3A : f32 to vector<1024x1xf32>
    %max3A_13 = arith.maximumf %max3A, %broadcast_in_dim3A : vector<1024x1xf32>
    %div3A = vector.broadcast %max3A_13 : vector<1024x1xf32> to vector<1024x128xf32>
    %div3A_14 = arith.divf %add3A, %div3A : vector<1024x128xf32>
    %get3A_15 = arith.constant 0 : index
    %get3A_16 = arith.constant 0 : index
    %get3A_17 = vector.load %arg1[%get3A_15, %get3A_16] : memref<1024x128xf32, #tpu.memory_space<vmem>>, vector<1024x128xf32>
    %get3A_18 = arith.constant 0 : index
    %get3A_19 = arith.constant 0 : index
    %get3A_20 = vector.load %arg4[%get3A_18, %get3A_19] : memref<128x128xf32, #tpu.memory_space<vmem>>, vector<128x128xf32>
    %dot_general3A = arith.constant dense<0.000000e+00> : vector<1024x128xf32>
    %dot_general3A_21 = tpu.matmul %get3A_17, %get3A_20, %dot_general3A {dimension_numbers = #tpu.dot_dimension_numbers<[1], [0], [0], [1], [0, 0, 1, 1], [], []>, transpose_lhs_hint = false} : vector<1024x128xf32>, vector<128x128xf32>, vector<1024x128xf32> -> vector<1024x128xf32>
    %get3A_22 = arith.constant 0 : index
    %get3A_23 = arith.constant 0 : index
    %get3A_24 = vector.load %arg5[%get3A_22, %get3A_23] : memref<128x128xf32, #tpu.memory_space<vmem>>, vector<128x128xf32>
    %dot_general3A_25 = arith.constant dense<0.000000e+00> : vector<1024x128xf32>
    %dot_general3A_26 = tpu.matmul %div3A_14, %get3A_24, %dot_general3A_25 {dimension_numbers = #tpu.dot_dimension_numbers<[1], [0], [0], [1], [0, 0, 1, 1], [], []>, transpose_lhs_hint = false} : vector<1024x128xf32>, vector<128x128xf32>, vector<1024x128xf32> -> vector<1024x128xf32>
    %add3A_27 = arith.addf %dot_general3A_21, %dot_general3A_26 : vector<1024x128xf32>
    %max3A_28 = arith.constant 0.000000e+00 : f32
    %max3A_29 = vector.broadcast %max3A_28 : f32 to vector<1024x128xf32>
    %max3A_30 = arith.maximumf %add3A_27, %max3A_29 : vector<1024x128xf32>
    %swap3A = arith.constant 0 : index
    %swap3A_31 = arith.constant 0 : index
    %swap3A_32 = vector.load %arg6[%swap3A, %swap3A_31] : memref<1024x128xf32, #tpu.memory_space<vmem>>, vector<1024x128xf32>
    tpu.vector_store %arg6[%swap3A, %swap3A_31], %max3A_30 {strides = array<i32>} : memref<1024x128xf32, #tpu.memory_space<vmem>>, vector<1024x128xf32>,
    return
  }
  func.func @transform_0(%arg0: i32) -> (i32, i32) {
    %c0_i32 = arith.constant 0 : i32
    %c0_i32_0 = arith.constant 0 : i32
    return %arg0, %c0_i32 : i32, i32
  }
  func.func @transform_1(%arg0: i32) -> (i32, i32, i32) {
    %c0_i32 = arith.constant 0 : i32
    %c0_i32_0 = arith.constant 0 : i32
    %c0_i32_1 = arith.constant 0 : i32
    return %c0_i32, %arg0, %c0_i32_0 : i32, i32, i32
  }
  func.func @transform_2(%arg0: i32) -> (i32, i32) {
    %c0_i32 = arith.constant 0 : i32
    %c0_i32_0 = arith.constant 0 : i32
    return %c0_i32, %arg0 : i32, i32
  }
  func.func @transform_3(%arg0: i32) -> (i32, i32) {
    %c0_i32 = arith.constant 0 : i32
    %c0_i32_0 = arith.constant 0 : i32
    %c0_i32_1 = arith.constant 0 : i32
    return %c0_i32, %c0_i32_0 : i32, i32
  }
  func.func @transform_4(%arg0: i32) -> (i32, i32) {
    %c0_i32 = arith.constant 0 : i32
    %c0_i32_0 = arith.constant 0 : i32
    %c0_i32_1 = arith.constant 0 : i32
    return %c0_i32, %c0_i32_0 : i32, i32
  }
  func.func @transform_5(%arg0: i32) -> (i32, i32) {
    %c0_i32 = arith.constant 0 : i32
    %c0_i32_0 = arith.constant 0 : i32
    return %arg0, %c0_i32 : i32, i32
  }
}

module attributes {stable_mosaic.version = 14 : i64} {
  func.func @_score_body(%arg0: i32, %arg1: memref<4096x128xf32, #tpu.memory_space<vmem>>, %arg2: memref<4096x128xf32, #tpu.memory_space<vmem>>, %arg3: memref<4096xf32, #tpu.memory_space<vmem>>, %arg4: memref<4096xf32, #tpu.memory_space<vmem>>) attributes {dimension_semantics = [#tpu.dimension_semantics<arbitrary>], iteration_bounds = array<i64: 4>, scalar_prefetch = 0 : i64, scratch_operands = 0 : i64, tpu.core_type = #tpu.core_type<tc>, window_params = [{transform_indices = @transform_0, window_bounds = array<i64: 4096, 128>}, {transform_indices = @transform_1, window_bounds = array<i64: 4096, 128>}, {transform_indices = @transform_2, window_bounds = array<i64: 4096>}, {transform_indices = @transform_3, window_bounds = array<i64: 4096>}]} {
    %get3A = arith.constant 0 : index
    %get3A_0 = arith.constant 0 : index
    %get3A_1 = vector.load %arg1[%get3A, %get3A_0] : memref<4096x128xf32, #tpu.memory_space<vmem>>, vector<4096x128xf32>
    %get3A_2 = arith.constant 0 : index
    %get3A_3 = arith.constant 0 : index
    %get3A_4 = vector.load %arg2[%get3A_2, %get3A_3] : memref<4096x128xf32, #tpu.memory_space<vmem>>, vector<4096x128xf32>
    %mul3A = arith.mulf %get3A_1, %get3A_4 : vector<4096x128xf32>
    %reduce_sum3A = arith.constant dense<0.000000e+00> : vector<4096xf32>
    %reduce_sum3A_5 = vector.multi_reduction <add>, %mul3A, %reduce_sum3A [1] : vector<4096x128xf32> to vector<4096xf32>
    %get3A_6 = arith.constant 0 : index
    %get3A_7 = vector.load %arg3[%get3A_6] : memref<4096xf32, #tpu.memory_space<vmem>>, vector<4096xf32>
    %add3A = arith.addf %reduce_sum3A_5, %get3A_7 : vector<4096xf32>
    %swap3A = arith.constant 0 : index
    %swap3A_8 = vector.load %arg4[%swap3A] : memref<4096xf32, #tpu.memory_space<vmem>>, vector<4096xf32>
    tpu.vector_store %arg4[%swap3A], %add3A {strides = array<i32>} : memref<4096xf32, #tpu.memory_space<vmem>>, vector<4096xf32>,
    return
  }
  func.func @transform_0(%arg0: i32) -> (i32, i32) {
    %c0_i32 = arith.constant 0 : i32
    %c0_i32_0 = arith.constant 0 : i32
    return %arg0, %c0_i32 : i32, i32
  }
  func.func @transform_1(%arg0: i32) -> (i32, i32) {
    %c0_i32 = arith.constant 0 : i32
    %c0_i32_0 = arith.constant 0 : i32
    return %arg0, %c0_i32 : i32, i32
  }
  func.func @transform_2(%arg0: i32) -> i32 {
    %c0_i32 = arith.constant 0 : i32
    return %arg0 : i32
  }
  func.func @transform_3(%arg0: i32) -> i32 {
    %c0_i32 = arith.constant 0 : i32
    return %arg0 : i32
  }
}

</mosaic_0001>

<sc_bundles>
// kernel: kernel.6.cloned.1.call-start
scs
__scs_entry_jumppad:
0x0: {  	(pc) =	sbr.rel $0x88, $3  }
0x1: {  	(tag) =	ssettag $0x0;
	lr =	simm.s32 $0x1  }
0x2: {  	[smem:$0x3F99] =	sst lr;
	_ =	strace $0xD0000000  }
0x3: {  	_ = 	snop  }
0x4: {  	_ = 	snop  }
0x5: {  	_ = 	snop  }
0x6: {  	_ = 	snop  }
0x7: {  	_ = 	snop  }
__scs_overlays_trampoline_lowered:
0x8: {  	[smem:$0x3FA8] =	sst s0  }
0x9: {  	[smem:$0x3FA9] =	sst s1  }
0xa: {  	[smem:$0x3FAA] =	sst s2  }
0xb: {  	[smem:$0x3FAB] =	sst s3  }
0xc: {  	[smem:$0x3FAC] =	sst s4  }
0xd: {  	[smem:$0x3FAD] =	sst s5  }
0xe: {  	[smem:$0x3FAE] =	sst s6  }
0xf: {  	[smem:$0x3FAF] =	sst s7  }
0x10: {  	[smem:$0x3FB0] =	sst s8  }
0x11: {  	[smem:$0x3FB1] =	sst s9;
	s0 =	simm.s32 @!p0 $0x0  }
0x12: {  	s1 =	sld [smem:$0x3F97];
	s0 =	simm.s32 @p0 $0x1  }
0x13: {  	[smem:$0x3FB2] =	sst s0;
	s0 =	simm.s32 @!p1 $0x0  }
0x14: {  	s2 =	sld [smem:$0x3F96];
	s0 =	simm.s32 @p1 $0x1  }
0x15: {  	[smem:$0x3FB3] =	sst s0;
	s0 =	simm.s32 @!p2 $0x0  }
0x16: {  	s3 =	sld [smem:$0x3FDB];
	s0 =	simm.s32 @p2 $0x1  }
0x17: {  	s4 =	simm.s32 $0x1BF5;
	[smem:$0x3FB5] =	sst s0  }
0x18: {  	s0 =	sld [smem:$0x3F98];
	_ =	swait.ge [sflag:s4], $0x0  }
0x19: {  	s7 =	sld [smem:$0x3F99]  }
0x1a: {  	s8 =	sadd.s32 $0xFFFFE003, lr  }
0x1b: {  	s9 =	sadd.s32 $0xFFFFFEF7, lr;
	s5 =	simm.s32 $0xFFFFFFFF;
	p2 =	slt.u32 s8, $0xFFFFF086  }
0x1c: {  	p1 =	slt.u32 s9, $0xF7A;
	s5 =	simm.s32 @!p2 $0x0  }
0x1d: {  	s5 =	simm.s32 @p1 $0x1;
	p0 =	seq.s32 s7, s2  }
0x1e: {  	s7 =	smul.u32 @!p0 $0xF7A, s2;
	p2 =	seq.s32 @!p0 s5, $0x0  }
0x1f: {  	s9 =	smul.u32 $0xF7A, s1;
	s8 =	simm.s32 @!p0 $0x1BF5;
	p2 =	por !p2, p0  }
0x20: {  	[sflag:s8] =	ssyncset.s32 @!p0 $0xFFFFF086;
	s6 =	sadd.s32 @!p0 s3, s7;
	s7 =	simm.s32 @!p0 $0x108  }
0x21: {  	s3 =	sadd.s32 s3, s9;
	s6 =	sadd.s32 @!p0 $0x88, s6;
	s7 =	simm.s32 @p2 $0x1082  }
0x22: {  	[simem:s7], [sflag:s8] =	dma.local @!p0 [hbm:s6], $0xF7A  }
0x23: {  	s9 =	sor.u32 $0xD0000000, s2;
	s6 =	simm.s32 $0x108;
	_ =	swait.ge @!p0 [sflag:s8], $0x0  }
0x24: {  	s3 =	sadd.s32 $0x88, s3;
	s6 =	simm.s32 @!p1 $0x1082;
	[sflag:s4] =	ssyncset.s32 $0xFFFFF086  }
0x25: {  	[simem:s6], [sflag:s4] =	dma.local [hbm:s3], $0xF7A  }
0x26: {  	[smem:$0x3F99] =	sst s1;
	(tag) =	ssettag s2;
	_ =	strace s9  }
0x27: {  	s1 =	sld [smem:$0x3FA9]  }
0x28: {  	s2 =	sld [smem:$0x3FAA]  }
0x29: {  	s4 =	sld [smem:$0x3FAC]  }
0x2a: {  	p0 =	seq.s32 s5, $0x0;
	s5 =	sld [smem:$0x3FAD]  }
0x2b: {  	s6 =	sld [smem:$0x3FAE]  }
0x2c: {  	s7 =	sld [smem:$0x3FAF]  }
0x2d: {  	s3 =	simm.s32 $0x108;
	s8 =	sld [smem:$0x3FB0]  }
0x2e: {  	s3 =	simm.s32 @!p0 $0x1082;
	s9 =	sld [smem:$0x3FB1]  }
0x2f: {  	lr =	sadd.s32 s0, s3;
	s0 =	sld [smem:$0x3FA8]  }
0x30: {  	s3 =	sld [smem:$0x3FAB]  }
0x31: {  	[smem:$0x3FB4] =	sst s10  }
0x32: {  	s10 =	sld [smem:$0x3FB2];
	_ =	sdelay $0x3  }
0x33: {  	p0 =	seq.s32 s10, $0x1;
	s10 =	sld [smem:$0x3FB4];
	_ =	sdelay $0x3  }
0x34: {  	[smem:$0x3FB4] =	sst s10  }
0x35: {  	s10 =	sld [smem:$0x3FB3];
	_ =	sdelay $0x3  }
0x36: {  	p1 =	seq.s32 s10, $0x1;
	s10 =	sld [smem:$0x3FB4];
	_ =	sdelay $0x3  }
0x37: {  	[smem:$0x3FB4] =	sst s10  }
0x38: {  	s10 =	sld [smem:$0x3FB5]  }
0x39: {  	_ = 	snop;
	(pc) =	sbr.ind lr, $3  }
0x3a: {  	_ = 	snop  }
0x3b: {  	_ = 	snop  }
0x3c: {  	p2 =	seq.s32 s10, $0x1;
	s10 =	sld [smem:$0x3FB4]  }
0x3d: {  	_ =	shalt  }
0x3e: {  	_ =	shalt  }
0x3f: {  	_ =	shalt  }
0x40: {  	_ =	shalt  }
0x41: {  	_ =	shalt  }
0x42: {  	_ =	shalt  }
0x43: {  	_ =	shalt  }
0x44: {  	_ =	shalt  }
0x45: {  	_ =	shalt  }
0x46: {  	_ =	shalt  }
0x47: {  	_ =	shalt  }
0x48: {  	_ =	shalt  }
0x49: {  	_ =	shalt  }
0x4a: {  	_ =	shalt  }
0x4b: {  	_ =	shalt  }
0x4c: {  	_ =	shalt  }
0x4d: {  	_ =	shalt  }
0x4e: {  	_ =	shalt  }
0x4f: {  	_ =	shalt  }
0x50: {  	_ =	shalt  }
0x51: {  	_ =	shalt  }
0x52: {  	_ =	shalt  }
0x53: {  	_ =	shalt  }
0x54: {  	_ =	shalt  }
0x55: {  	_ =	shalt  }
0x56: {  	_ =	shalt  }
0x57: {  	_ =	shalt  }
0x58: {  	_ =	shalt  }
0x59: {  	_ =	shalt  }
0x5a: {  	_ =	shalt  }
0x5b: {  	_ =	shalt  }
0x5c: {  	_ =	shalt  }
0x5d: {  	_ =	shalt  }
0x5e: {  	_ =	shalt  }
0x5f: {  	_ =	shalt  }
0x60: {  	_ =	shalt  }
0x61: {  	_ =	shalt  }
0x62: {  	_ =	shalt  }
0x63: {  	_ =	shalt  }
0x64: {  	_ =	shalt  }
0x65: {  	_ =	shalt  }
0x66: {  	_ =	shalt  }
0x67: {  	_ =	shalt  }
0x68: {  	_ =	shalt  }
0x69: {  	_ =	shalt  }
0x6a: {  	_ =	shalt  }
0x6b: {  	_ =	shalt  }
0x6c: {  	_ =	shalt  }
0x6d: {  	_ =	shalt  }
0x6e: {  	_ =	shalt  }
0x6f: {  	_ =	shalt  }
0x70: {  	_ =	shalt  }
0x71: {  	_ =	shalt  }
0x72: {  	_ =	shalt  }
0x73: {  	_ =	shalt  }
0x74: {  	_ =	shalt  }
0x75: {  	_ =	shalt  }
0x76: {  	_ =	shalt  }
0x77: {  	_ =	shalt  }
0x78: {  	_ =	shalt  }
0x79: {  	_ =	shalt  }
0x7a: {  	_ =	shalt  }
0x7b: {  	_ =	shalt  }
0x7c: {  	_ =	shalt  }
0x7d: {  	_ =	shalt  }
0x7e: {  	_ =	shalt  }
0x7f: {  	_ =	shalt  }
0x80: {  	_ =	shalt  }
0x81: {  	_ =	shalt  }
0x82: {  	_ =	shalt  }
0x83: {  	_ =	shalt  }
0x84: {  	_ =	shalt  }
0x85: {  	_ =	shalt  }
0x86: {  	_ =	shalt  }
0x87: {  	_ =	shalt  }
.Lfunc_end0:
.L_simem_size_0:
called_computation_lowered:
.L_overlay_start_0:
0x88: {  	s2 =	sld [smem:$0x3FD9]  }
0x89: {  	s3 =	sld [smem:$0x3FFE];
	_ =	sdelay $0x1  }
0x8a: {  	s1 =	srdreg.scid  }
0x8b: {  	s0 =	sand.u32 $0x1, s1  }
0x8c: {  	s17 =	sshll.u32 s0, $0xA;
	s2 =	sadd.s32 s3, s2  }
0x8d: {  	s2 =	sadd.s32 s2, s17  }
0x8e: {  	[smem:$0x3FC0] =	sst s2  }
0x8f: {  	_ = 	snop  }
0x90: {  	s2 =	sld [smem:$0x3FC9];
	(tm) =	ssettm $0x1  }
0x91: {  	s18 =	sld [smem:$0x3FFB];
	_ =	sdelay $0x3  }
0x92: {  	_ =	strace s18  }
0x93: {  	s3 =	sld [smem:$0x3FFC];
	_ =	sdelay $0x3  }
0x94: {  	_ =	strace s3  }
0x95: {  	s3 =	sld [smem:$0x3FFD];
	_ =	sdelay $0x3  }
0x96: {  	_ =	strace s3  }
0x97: {  	_ =	strace $0x8FFFFFFF  }
0x98: {  	s19 =	sld [smem:$0x3FDB];
	_ =	sdelay $0x1  }
0x99: {  	s4 =	simm.s32 $_scs_section_size  }
0x9a: {  	s5 =	simm.s32 $_size__tile_overlayer_lowered;
	s6 =	simm.s32 $_tile_overlayer_lowered  }
0x9b: {  	s22 =	simm.s32 $0x1BFF;
	s21 =	sshll.u32 s6, $0x1;
	s3 =	sadd.s32 s4, s19  }
0x9c: {  	s7 =	simm.s32 $0x0;
	s20 =	sshll.u32 s5, $0x1;
	s5 =	sadd.s32 s21, s3  }
0x9d: {  	[timem:s7], [sflag:s22] =	dma.local [hbm:s5], s20  }
0x9e: {  	_ =	swait.ge [sflag:s22], s20  }
0x9f: {  	s4 =	ssub.s32 $0x0, s20;
	[sflag:s22] =	ssyncset.done $0x0  }
0xa0: {  	[sflag:s22] =	ssyncadd.s32 s4;
	_ =	sdelay $0x1  }
0xa1: {  	s23 =	simm.s32 $0x1B8B  }
0xa2: {  	_ =	swait.ge [sflag:s23], $0x1  }
0xa3: {  	[sflag:s23] =	ssyncset.done $0x0  }
0xa4: {  	s25 =	simm.s32 $0x1B8E;
	s24 =	sld [smem:$0x3FFE];
	[sflag:s23] =	ssyncadd.s32 $0xFFFFFFFF  }
0xa5: {  	s26 =	simm.s32 $execute0_lowered;
	[smem:$0x3FD2] =	sst s25  }
0xa6: {  	s5 =	sshll.u32 s26, $0x1;
	_ =	strace $0x80000046;
	[dreg:$0x1] =	wrdreg $0xFFFFFFFF  }
0xa7: {  	s28 =	simm.s32 $_size_execute0_lowered;
	s3 =	sadd.s32 s3, s5;
	[dreg:$0x0] =	wrdreg $0x0  }
0xa8: {  	s5 =	sshll.u32 s28, $0x1;
	[dreg:$0x2] =	wrdreg s3  }
0xa9: {  	[dreg:$0x3] =	wrdreg s5  }
0xaa: {  	[dreg:$0x4] =	wrdreg $0xC0  }
0xab: {  	_ =	task [dreg:s7], $0x5FFFF  }
0xac: {  	[dreg:$0x1] =	wrdreg $0xFFFFFFFF  }
0xad: {  	[dreg:$0x0] =	wrdreg $0x60  }
0xae: {  	[dreg:$0x2] =	wrdreg s2  }
0xaf: {  	[dreg:$0x3] =	wrdreg s24  }
0xb0: {  	[dreg:$0x4] =	wrdreg $0x0  }
0xb1: {  	[dreg:$0x5] =	wrdreg $0x9  }
0xb2: {  	_ =	task.clear_ibuf [dreg:s7], $0x6FFFF;
	_ =	strace $0x90000046  }
0xb3: {  	s29 =	simm.s32 $0x9;
	_ =	strace $0x80000048  }
0xb4: {  	_ =	swait.ge [sflag:s29], $0x1  }
0xb5: {  	[sflag:s29] =	ssyncadd.s32 $0xFFFFFFFF  }
0xb6: {  	_ =	strace $0x90000048  }
0xb7: {  	_ =	sfence  }
0xb8: {  	s30 =	sld [smem:$0x0];
	_ =	sdelay $0x2  }
0xb9: {  	s31 =	sshll.u32 s1, $0xD;
	s1 =	sshrl.u32 s1, $0x2  }
0xba: {  	s3 =	sand.u32 $0x4000, s31;
	s1 =	sadd.s32 s1, s30  }
0xbb: {  	s0 =	sor.u32 s3, s0;
	s1 =	sshll.u32 s1, $0x11  }
0xbc: {  	s0 =	sor.u32 s1, s0  }
0xbd: {  	s0 =	sadd.s32 $0x8F2B, s0  }
0xbe: {  	[sflag:s0] =	ssyncadd.remote.s32 $0x1  }
0xbf: {  	_ =	sfence.sel $0xFFFF  }
0xc0: {  	[dreg:$0x0] =	wrdreg $0xFFFFFFFF;
	(pc) =	sbr.abs _section_cstart, $3  }
0xc1: {  	[dreg:$0x1] =	wrdreg $0xFFFFFFFF  }
0xc2: {  	_ =	task.clear_ibuf [dreg:s7], $0x2FFFF;
	_ =	strace $0x9FFFFFFF  }
0xc3: {  	(tm) =	ssettm $0x7FFFFFFF  }
tec
execute0_lowered:
.L_overlay_start_1:
0x0: {  	(tag) =	ssettag $0x1  }
0x1: {  	s1 =	rddreg [dreg:$0x0]  }
0x2: {  	s0 =	rddreg [dreg:$0x1]  }
0x3: {  	s3 =	rddreg [dreg:$0x2];
	s2 =	srdreg.scid  }
0x4: {  	s6 =	stileid.u32;
	s4 =	simm.s32 $0x0;
	s28 =	simm.s32 $0x2  }
0x5: {  	s29 =	simm.s32 $0x17C00;
	s30 =	simm.s32 $0x5;
	s2 =	sand.u32 $0x1, s2  }
0x6: {  	s5 =	sshll.u32 s6, $0x1;
	[smem:$0x7FF] =	sst s4;
	s16 =	sadd.s32 $0xBE00, s0  }
0x7: {  	s17 =	sadd.s32 $0x2000, s0;
	s8 =	sadd.s32 $0x15C00, s0;
	s23 =	smul.u32 $0x50000, s6  }
0x8: {  	s9 =	sadd.s32 $0x47C00, s0;
	s11 =	smul.u32 $0x14000, s6;
	s5 =	sor.u32 s2, s5  }
0x9: {  	_ =	strace $0x80000047;
	[dreg:$0x4] =	wrdreg s8;
	s13 =	smul.u32 $0x140000, s2  }
0xa: {  	s10 =	ssub.s32 $0x2, s2;
	s2 =	smul.u32 $0x2710, s2;
	s31 =	smov.u32 s16  }
0xb: {  	s7 =	smul.u32 $0x500, s5;
	s24 =	sshrl.u32 s10, $0x1;
	s8 =	sshrl.u32 s23, $0x2  }
0xc: {  	s25 =	sor.u32 $0x3800, s11;
	s26 =	sadd.s32 $0x7000, s11;
	s12 =	sadd.s32 $0xA800, s11  }
0xd: {  	s14 =	sadd.s32 $0xE000, s11;
	s5 =	smul.u32 $0x2710, s5;
	s8 =	sadd.s32 s8, s3  }
0xe: {  	s18 =	sadd.s32 s25, s3;
	s19 =	sadd.s32 s26, s3;
	s20 =	sadd.s32 s12, s3  }
0xf: {  	s15 =	sadd.s32 s11, s13;
	s21 =	sadd.s32 s14, s3;
	s11 =	sadd.s32 $0x11800, s11  }
0x10: {  	s12 =	sadd.s32 s13, s12;
	s0 =	sadd.s32 s7, s0;
	[dreg:$0x5] =	wrdreg s8  }
0x11: {  	s7 =	ssub.s32 s10, s24;
	[dreg:$0x9] =	wrdreg s21;
	s15 =	sshrl.u32 s15, $0x3  }
0x12: {  	s22 =	sadd.s32 s11, s3;
	s5 =	sshrl.u32 s5, $0x3;
	s8 =	sadd.s32 s13, s25  }
0x13: {  	s10 =	sadd.s32 s13, s26;
	s21 =	smul.u32 $0x4E20, s6;
	s6 =	smov.u32 s18  }
0x14: {  	s12 =	sshrl.u32 s12, $0x3;
	s15 =	sadd.s32 s9, s15;
	[dreg:$0x6] =	wrdreg s6  }
0x15: {  	s8 =	sshrl.u32 s8, $0x3;
	s10 =	sshrl.u32 s10, $0x3;
	[dreg:$0xa] =	wrdreg s22  }
0x16: {  	s12 =	sadd.s32 s9, s12;
	s24 =	sadd.s32 $0xE, s5;
	[dreg:$0xb] =	wrdreg s15  }
0x17: {  	s26 =	sadd.s32 $0x1C, s5;
	s0 =	sadd.s32 $0x3DC00, s0;
	[dreg:$0xe] =	wrdreg s12  }
0x18: {  	s8 =	sadd.s32 s9, s8;
	s10 =	sadd.s32 s9, s10;
	[dreg:$0x19] =	wrdreg s0  }
0x19: {  	s15 =	sadd.s32 s13, s14;
	s14 =	smov.u32 s20;
	[dreg:$0xc] =	wrdreg s8  }
0x1a: {  	s20 =	sadd.s32 s13, s11;
	s25 =	sadd.s32 s16, s24;
	[dreg:$0xd] =	wrdreg s10  }
0x1b: {  	s2 =	sadd.s32 s2, s21;
	s11 =	sadd.s32 s17, s26;
	[dreg:$0x11] =	wrdreg s25  }
0x1c: {  	s12 =	sadd.s32 s16, s5;
	s13 =	sadd.s32 s17, s5;
	[dreg:$0x14] =	wrdreg s11  }
0x1d: {  	s5 =	sadd.s32 $0x4DE, s5;
	s8 =	sshrl.u32 s15, $0x3;
	[dreg:$0x15] =	wrdreg s12  }
0x1e: {  	s10 =	sshrl.u32 s20, $0x3;
	[dreg:$0x16] =	wrdreg s13;
	s15 =	sadd.s32 s16, s5  }
0x1f: {  	s5 =	sadd.s32 s17, s5;
	s18 =	sadd.s32 $0x230, s2;
	[dreg:$0x8] =	wrdreg s14  }
0x20: {  	s20 =	smax.u32 s7, $0x1;
	s7 =	smov.u32 s19;
	[dreg:$0x17] =	wrdreg s15  }
0x21: {  	s19 =	simm.s32 $0x14000;
	s11 =	simm.s32 $0x3;
	[dreg:$0x18] =	wrdreg s5  }
0x22: {  	s12 =	simm.s32 $0x6;
	s13 =	simm.s32 $0x8;
	[dreg:$0x1a] =	wrdreg s20  }
0x23: {  	s8 =	sadd.s32 s9, s8;
	s23 =	sadd.s32 s9, s10;
	[dreg:$0x7] =	wrdreg s7  }
0x24: {  	s10 =	sadd.s32 s16, s26;
	s21 =	sshrl.u32 s18, $0x3;
	[dreg:$0xf] =	wrdreg s8  }
0x25: {  	s18 =	simm.s32 $0x9;
	s20 =	simm.s32 $0x14200;
	[dreg:$0x10] =	wrdreg s23  }
0x26: {  	s9 =	simm.s32 $0x14380;
	s8 =	sadd.s32 s17, s24;
	[dreg:$0x13] =	wrdreg s10  }
0x27: {  	s5 =	sadd.s32 s21, s17;
	s0 =	sadd.s32 s21, s16;
	[dreg:$0x12] =	wrdreg s8  }
0x28: {  	s23 =	sadd.s32 $0x2A0, s2;
	s24 =	sadd.s32 $0x1C0, s2;
	[dreg:$0x1b] =	wrdreg s5  }
0x29: {  	s2 =	sadd.s32 $0x150, s2;
	s10 =	simm.s32 $0x7;
	[dreg:$0x1c] =	wrdreg s0  }
0x2a: {  	s21 =	simm.s32 $0x4;
	s5 =	sshrl.u32 s23, $0x3;
	[dreg:$0x1d] =	wrdreg s24  }
0x2b: {  	s2 =	sshrl.u32 s2, $0x3;
	s0 =	smov.u32 s17;
	s23 =	simm.s32 $0x14100  }
.Ltmp0:
0x2c: {  	s24 =	simm.s32 $0x14300;
	s8 =	simm.s32 $0x14180;
	(pc) =	sbr.rel .LBB2_1-.Ltmp0, $4  }
0x2d: {  	s25 =	sadd.s32 s5, s17;
	s26 =	sadd.s32 s5, s16;
	s15 =	sadd.s32 s2, s17  }
0x2e: {  	s16 =	sadd.s32 s2, s16;
	s17 =	simm.s32 $0x14400;
	[dreg:$0x1e] =	wrdreg s25  }
0x2f: {  	s2 =	simm.s32 $0x1B400;
	s5 =	simm.s32 $0x0;
	[dreg:$0x1f] =	wrdreg s26  }
0x30: {  	v0 =	vimm.f32 $0.0e+00;
	v1 =	vimm.f32 $1.000000000e+00;
	s25 =	simm.s32 $0x1;
	s26 =	simm.s32 $0x70;
	[smem:$0x7FD] =	sst s5  }
.LBB2_6:
0x31: {  	_ =	swait.ge [sflag:s13], $0x3800  }
0x32: {  	[sflag:s13] =	ssyncset.done $0x0  }
0x33: {  	[sflag:s13] =	ssyncadd.s32 $0xFFFFC800  }
0x34: {  	_ =	swait.ge [sflag:s30], $0x3800  }
0x35: {  	[sflag:s30] =	ssyncset.done $0x0  }
0x36: {  	[sflag:s30] =	ssyncadd.s32 $0xFFFFC800  }
0x37: {  	v2 =	vld [tilespmem:$0x14200];
	_ =	sdelay $0x7  }
0x38: {  	[tilespmem:v2+s2+$0x0] =	vst.idx.add.f32.msk $0xffff, v1  }
0x39: {  	v2 =	vld [tilespmem:$0x14210];
	_ =	sdelay $0x7  }
0x3a: {  	[tilespmem:v2+s2+$0x0] =	vst.idx.add.f32.msk $0xffff, v1  }
0x3b: {  	v2 =	vld [tilespmem:$0x14220];
	_ =	sdelay $0x7  }
0x3c: {  	[tilespmem:v2+s2+$0x0] =	vst.idx.add.f32.msk $0xffff, v1  }
0x3d: {  	v2 =	vld [tilespmem:$0x14230];
	_ =	sdelay $0x7  }
0x3e: {  	[tilespmem:v2+s2+$0x0] =	vst.idx.add.f32.msk $0xffff, v1  }
0x3f: {  	v2 =	vld [tilespmem:$0x14240];
	_ =	sdelay $0x7  }
0x40: {  	[tilespmem:v2+s2+$0x0] =	vst.idx.add.f32.msk $0xffff, v1  }
0x41: {  	v2 =	vld [tilespmem:$0x14250];
	_ =	sdelay $0x7  }
0x42: {  	[tilespmem:v2+s2+$0x0] =	vst.idx.add.f32.msk $0xffff, v1  }
0x43: {  	v2 =	vld [tilespmem:$0x14260];
	_ =	sdelay $0x7  }
0x44: {  	[tilespmem:v2+s2+$0x0] =	vst.idx.add.f32.msk $0xffff, v1  }
0x45: {  	[spmem:s3] =	stream.indirect.scatter.add.f32 [tilespmem:s17], [sflag:$0x7], $0x80, s20, s26, $0xb8;
	[tilespmem:$0x1DD00] =	vst v63  }
0x46: {  	_ =	swait.ge [sflag:s10], $0x3800  }
0x47: {  	[sflag:s10] =	ssyncset.done $0x0  }
0x48: {  	s6 =	simm.s32 $0x1DC00;
	s5 =	rddreg [dreg:$0x17];
	[sflag:s10] =	ssyncadd.s32 $0xFFFFC800  }
0x49: {  	[tilespmem:s6], [sflag:$0x9] =	stream.linear.gather [hbm4b:s5+s4], $0x20, $0x38;
	[tilespmem:$0x1DD00] =	vst v63  }
0x4a: {  	_ =	swait.ge [sflag:s18], $0x20  }
0x4b: {  	[sflag:s18] =	ssyncset.done $0x0  }
0x4c: {  	s7 =	simm.s32 $0x1DC80;
	s14 =	rddreg [dreg:$0x18];
	[sflag:s18] =	ssyncadd.s32 $0xFFFFFFE0  }
0x4d: {  	[tilespmem:s7], [sflag:$0x9] =	stream.linear.gather [hbm4b:s14+s4], $0x20, $0x38;
	[tilespmem:$0x1DD00] =	vst v63  }
0x4e: {  	_ =	swait.ge [sflag:s18], $0x20  }
0x4f: {  	[sflag:s18] =	ssyncset.done $0x0  }
0x50: {  	s22 =	simm.s32 $0x20;
	[sflag:s18] =	ssyncadd.s32 $0xFFFFFFE0  }
0x51: {  	[tilespmem:s17], [sflag:$0x9] =	stream.indirect.gather [hbm4b:s1+s22], $0x80, s6, s22, $0xb8;
	[tilespmem:$0x1DD00] =	vst v63  }
0x52: {  	_ =	swait.ge [sflag:s18], $0x1000  }
0x53: {  	[sflag:s18] =	ssyncset.done $0x0  }
0x54: {  	[sflag:s18] =	ssyncadd.s32 $0xFFFFF000  }
0x55: {  	v2 =	vld [tilespmem:$0x1DC80];
	_ =	sdelay $0x7  }
0x56: {  	[tilespmem:v2+s2+$0x0] =	vst.idx.add.f32.msk $0xffff, v1  }
0x57: {  	v2 =	vld [tilespmem:$0x1DC90];
	_ =	sdelay $0x7  }
0x58: {  	[tilespmem:v2+s2+$0x0] =	vst.idx.add.f32.msk $0xffff, v1  }
0x59: {  	[spmem:s3] =	stream.indirect.scatter.add.f32 [tilespmem:s17], [sflag:$0x9], $0x80, s7, s22, $0xb8;
	[tilespmem:$0x1DD00] =	vst v63  }
0x5a: {  	_ =	swait.ge [sflag:s18], $0x1000  }
0x5b: {  	[sflag:s18] =	ssyncset.done $0x0  }
0x5c: {  	[sflag:s18] =	ssyncadd.s32 $0xFFFFF000  }
0x5d: {  	[bflag:$0x0] =	sbarrier.arrive $0xFFFF  }
0x5e: {  	s14 =	rddreg [dreg:$0x5]  }
0x5f: {  	[tilespmem:s17], [sflag:$0x9] =	stream.linear.gather [spmem:s14], $0x3800, $0x38;
	[tilespmem:$0x1DD00] =	vst v63  }
0x60: {  	_ =	swait.ge [sflag:s18], $0x3800  }
0x61: {  	[sflag:s18] =	ssyncset.done $0x0  }
0x62: {  	s22 =	rddreg [dreg:$0xb];
	[sflag:s18] =	ssyncadd.s32 $0xFFFFC800  }
0x63: {  	[hbm4b:s22+s4] =	stream.linear.scatter [tilespmem:s17], [sflag:$0x9], $0x3800, $0x38;
	[tilespmem:$0x1DD00] =	vst v63  }
0x64: {  	_ =	swait.ge [sflag:s18], $0x3800  }
0x65: {  	[sflag:s18] =	ssyncset.done $0x0  }
0x66: {  	s6 =	rddreg [dreg:$0x6];
	[sflag:s18] =	ssyncadd.s32 $0xFFFFC800  }
0x67: {  	[tilespmem:s17], [sflag:$0x9] =	stream.linear.gather [spmem:s6], $0x3800, $0x38;
	[tilespmem:$0x1DD00] =	vst v63  }
0x68: {  	_ =	swait.ge [sflag:s18], $0x3800  }
0x69: {  	[sflag:s18] =	ssyncset.done $0x0  }
0x6a: {  	s7 =	rddreg [dreg:$0xc];
	[sflag:s18] =	ssyncadd.s32 $0xFFFFC800  }
0x6b: {  	[hbm4b:s7+s4] =	stream.linear.scatter [tilespmem:s17], [sflag:$0x9], $0x3800, $0x38;
	[tilespmem:$0x1DD00] =	vst v63  }
0x6c: {  	_ =	swait.ge [sflag:s18], $0x3800  }
0x6d: {  	[sflag:s18] =	ssyncset.done $0x0  }
0x6e: {  	s7 =	rddreg [dreg:$0x7];
	[sflag:s18] =	ssyncadd.s32 $0xFFFFC800  }
0x6f: {  	[tilespmem:s17], [sflag:$0x9] =	stream.linear.gather [spmem:s7], $0x3800, $0x38;
	[tilespmem:$0x1DD00] =	vst v63  }
0x70: {  	_ =	swait.ge [sflag:s18], $0x3800  }
0x71: {  	[sflag:s18] =	ssyncset.done $0x0  }
0x72: {  	s14 =	rddreg [dreg:$0xd];
	[sflag:s18] =	ssyncadd.s32 $0xFFFFC800  }
0x73: {  	[hbm4b:s14+s4] =	stream.linear.scatter [tilespmem:s17], [sflag:$0x9], $0x3800, $0x38;
	[tilespmem:$0x1DD00] =	vst v63  }
0x74: {  	_ =	swait.ge [sflag:s18], $0x3800  }
0x75: {  	[sflag:s18] =	ssyncset.done $0x0  }
0x76: {  	s14 =	rddreg [dreg:$0x8];
	[sflag:s18] =	ssyncadd.s32 $0xFFFFC800  }
0x77: {  	[tilespmem:s17], [sflag:$0x9] =	stream.linear.gather [spmem:s14], $0x3800, $0x38;
	[tilespmem:$0x1DD00] =	vst v63  }
0x78: {  	_ =	swait.ge [sflag:s18], $0x3800  }
0x79: {  	[sflag:s18] =	ssyncset.done $0x0  }
0x7a: {  	s22 =	rddreg [dreg:$0xe];
	[sflag:s18] =	ssyncadd.s32 $0xFFFFC800  }
0x7b: {  	[hbm4b:s22+s4] =	stream.linear.scatter [tilespmem:s17], [sflag:$0x9], $0x3800, $0x38;
	[tilespmem:$0x1DD00] =	vst v63  }
0x7c: {  	_ =	swait.ge [sflag:s18], $0x3800  }
0x7d: {  	[sflag:s18] =	ssyncset.done $0x0  }
0x7e: {  	s6 =	rddreg [dreg:$0x9];
	[sflag:s18] =	ssyncadd.s32 $0xFFFFC800  }
0x7f: {  	[tilespmem:s17], [sflag:$0x9] =	stream.linear.gather [spmem:s6], $0x3800, $0x38;
	[tilespmem:$0x1DD00] =	vst v63  }
0x80: {  	_ =	swait.ge [sflag:s18], $0x3800  }
0x81: {  	[sflag:s18] =	ssyncset.done $0x0  }
0x82: {  	s22 =	rddreg [dreg:$0xf];
	[sflag:s18] =	ssyncadd.s32 $0xFFFFC800  }
0x83: {  	[hbm4b:s22+s4] =	stream.linear.scatter [tilespmem:s17], [sflag:$0x9], $0x3800, $0x38;
	[tilespmem:$0x1DD00] =	vst v63  }
0x84: {  	_ =	swait.ge [sflag:s18], $0x3800  }
0x85: {  	[sflag:s18] =	ssyncset.done $0x0  }
0x86: {  	s22 =	rddreg [dreg:$0xa];
	[sflag:s18] =	ssyncadd.s32 $0xFFFFC800  }
0x87: {  	[tilespmem:s17], [sflag:$0x9] =	stream.linear.gather [spmem:s22], $0x2800, $0x38;
	[tilespmem:$0x1DD00] =	vst v63  }
0x88: {  	_ =	swait.ge [sflag:s18], $0x2800  }
0x89: {  	[sflag:s18] =	ssyncset.done $0x0  }
0x8a: {  	s6 =	rddreg [dreg:$0x10];
	[sflag:s18] =	ssyncadd.s32 $0xFFFFD800  }
0x8b: {  	[hbm4b:s6+s4] =	stream.linear.scatter [tilespmem:s17], [sflag:$0x9], $0x2800, $0x38;
	[tilespmem:$0x1DD00] =	vst v63  }
0x8c: {  	_ =	swait.ge [sflag:s18], $0x2800  }
0x8d: {  	[sflag:s18] =	ssyncset.done $0x0  }
0x8e: {  	s6 =	rddreg [dreg:$0x19];
	[sflag:s18] =	ssyncadd.s32 $0xFFFFD800  }
0x8f: {  	[hbm4b:s6+s4] =	stream.linear.scatter [tilespmem:s2], [sflag:$0x9], $0x2800, $0x38;
	[tilespmem:$0x1DD00] =	vst v63  }
0x90: {  	_ =	swait.ge [sflag:s18], $0x2800  }
0x91: {  	s5 =	sld [smem:$0x7FD];
	_ =	sdelay $0x2  }
0x92: {  	s6 =	sadd.s32 $0x1, s5;
	s5 =	rddreg [dreg:$0x1a]  }
0x93: {  	p0 =	sne.s32 s6, s5  }
.Ltmp1:
0x94: {  	_ = 	snop;
	(pc) =	sbr.rel @!p0 .LBB2_7-.Ltmp1, $3  }
0x95: {  	_ =	sdelay $0x1  }
0x96: {  	[sflag:s18] =	ssyncset.done $0x0;
	[smem:$0x7FD] =	sst s6  }
0x97: {  	[sflag:s18] =	ssyncadd.s32 $0xFFFFD800;
	s6 =	rddreg [dreg:$0x6]  }
.LBB2_1:
0x98: {  	s5 =	rddreg [dreg:$0x4]  }
0x99: {  	[tilespmem:s17], [sflag:$0x9] =	stream.linear.gather [hbm4b:s5+s4], $0x3800, $0x38;
	[tilespmem:$0x1DD00] =	vst v63  }
0x9a: {  	_ =	swait.ge [sflag:s18], $0x3800  }
0x9b: {  	[sflag:s18] =	ssyncset.done $0x0  }
0x9c: {  	s5 =	rddreg [dreg:$0x5];
	[sflag:s18] =	ssyncadd.s32 $0xFFFFC800  }
0x9d: {  	[spmem:s5] =	stream.linear.scatter [tilespmem:s17], [sflag:$0x9], $0x3800, $0x38;
	[tilespmem:$0x1DD00] =	vst v63  }
0x9e: {  	_ =	swait.ge [sflag:s18], $0x3800  }
0x9f: {  	[sflag:s18] =	ssyncset.done $0x0  }
0xa0: {  	[sflag:s18] =	ssyncadd.s32 $0xFFFFC800  }
0xa1: {  	[spmem:s6] =	stream.linear.scatter [tilespmem:s17], [sflag:$0x9], $0x3800, $0x38;
	[tilespmem:$0x1DD00] =	vst v63  }
0xa2: {  	_ =	swait.ge [sflag:s18], $0x3800  }
0xa3: {  	[sflag:s18] =	ssyncset.done $0x0  }
0xa4: {  	[sflag:s18] =	ssyncadd.s32 $0xFFFFC800  }
0xa5: {  	[spmem:s7] =	stream.linear.scatter [tilespmem:s17], [sflag:$0x9], $0x3800, $0x38;
	[tilespmem:$0x1DD00] =	vst v63  }
0xa6: {  	_ =	swait.ge [sflag:s18], $0x3800  }
0xa7: {  	[sflag:s18] =	ssyncset.done $0x0  }
0xa8: {  	[sflag:s18] =	ssyncadd.s32 $0xFFFFC800  }
0xa9: {  	[spmem:s14] =	stream.linear.scatter [tilespmem:s17], [sflag:$0x9], $0x3800, $0x38;
	[tilespmem:$0x1DD00] =	vst v63  }
0xaa: {  	_ =	swait.ge [sflag:s18], $0x3800  }
0xab: {  	[sflag:s18] =	ssyncset.done $0x0  }
0xac: {  	s14 =	rddreg [dreg:$0x9];
	[sflag:s18] =	ssyncadd.s32 $0xFFFFC800  }
0xad: {  	[spmem:s14] =	stream.linear.scatter [tilespmem:s17], [sflag:$0x9], $0x3800, $0x38;
	[tilespmem:$0x1DD00] =	vst v63  }
0xae: {  	_ =	swait.ge [sflag:s18], $0x3800  }
0xaf: {  	[sflag:s18] =	ssyncset.done $0x0  }
0xb0: {  	[sflag:s18] =	ssyncadd.s32 $0xFFFFC800  }
0xb1: {  	[spmem:s22] =	stream.linear.scatter [tilespmem:s17], [sflag:$0x9], $0x2800, $0x38;
	[tilespmem:$0x1DD00] =	vst v63  }
0xb2: {  	_ =	swait.ge [sflag:s18], $0x2800  }
0xb3: {  	[sflag:s18] =	ssyncset.done $0x0  }
0xb4: {  	s5 =	simm.s32 $0x40;
	s22 =	simm.s32 $0x0;
	[sflag:s18] =	ssyncadd.s32 $0xFFFFD800  }
.LBB2_2:
0xb5: {  	p0 =	sne.s32 s5, $0x9FC0;
	[tilespmem:s22+$0x1B400] =	vst v0;
	s22 =	smov.u32 s5;
	s5 =	sadd.s32 $0x40, s5  }
.Ltmp2:
0xb6: {  	(pc) =	sbr.rel @p0 .LBB2_2-.Ltmp2, $2  }
0xb7: {  	_ =	sdelay $0x2  }
0xb8: {  	s22 =	sshra.s32 s22, $0x2  }
0xb9: {  	[tilespmem:s22+$0x1B400] =	vst v0  }
0xba: {  	[bflag:$0x0] =	sbarrier.arrive $0xFFFF  }
0xbb: {  	s22 =	simm.s32 $0x0;
	s5 =	rddreg [dreg:$0x15]  }
0xbc: {  	[tilespmem:s19], [sflag:$0x1] =	stream.linear.gather [hbm4b:s5+s22], $0x70, $0x38;
	[tilespmem:$0x1DD00] =	vst v63  }
0xbd: {  	s7 =	rddreg [dreg:$0x16]  }
0xbe: {  	[tilespmem:s20], [sflag:$0x1] =	stream.linear.gather [hbm4b:s7+s22], $0x70, $0x38;
	[tilespmem:$0x1DD00] =	vst v63  }
0xbf: {  	s6 =	simm.s32 $0x14080;
	s14 =	rddreg [dreg:$0x11]  }
0xc0: {  	[tilespmem:s6], [sflag:$0x2] =	stream.linear.gather [hbm4b:s14+s22], $0x70, $0x38;
	[tilespmem:$0x1DD00] =	vst v63  }
0xc1: {  	s7 =	rddreg [dreg:$0x12];
	s14 =	simm.s32 $0x14280  }
0xc2: {  	[tilespmem:s14], [sflag:$0x2] =	stream.linear.gather [hbm4b:s7+s22], $0x70, $0x38;
	[tilespmem:$0x1DD00] =	vst v63  }
0xc3: {  	s7 =	rddreg [dreg:$0x13]  }
0xc4: {  	[tilespmem:s23], [sflag:$0x3] =	stream.linear.gather [hbm4b:s7+s22], $0x70, $0x38;
	[tilespmem:$0x1DD00] =	vst v63  }
0xc5: {  	s14 =	rddreg [dreg:$0x14]  }
0xc6: {  	[tilespmem:s24], [sflag:$0x3] =	stream.linear.gather [hbm4b:s14+s22], $0x70, $0x38;
	[tilespmem:$0x1DD00] =	vst v63  }
0xc7: {  	_ =	swait.ge [sflag:s25], $0x70  }
0xc8: {  	[sflag:s25] =	ssyncset.done $0x0  }
0xc9: {  	[sflag:s25] =	ssyncadd.s32 $0xFFFFFF90  }
0xca: {  	_ =	swait.ge [sflag:s25], $0x70  }
0xcb: {  	[sflag:s25] =	ssyncset.done $0x0  }
0xcc: {  	s5 =	rddreg [dreg:$0x1d];
	[sflag:s25] =	ssyncadd.s32 $0xFFFFFF90  }
0xcd: {  	[tilespmem:s17], [sflag:$0x5] =	stream.indirect.gather [hbm4b:s1+s26], $0x80, s19, s26, $0xb8;
	[tilespmem:$0x1DD00] =	vst v63  }
.LBB2_4:
0xce: {  	p0 =	seq.s32 s22, $0x0  }
0xcf: {  	s6 =	simm.s32 @!p0 $0x8  }
0xd0: {  	_ =	swait.ge @!p0 [sflag:s6], $0x3800  }
0xd1: {  	[sflag:s6] =	ssyncset.done @!p0 $0x0  }
0xd2: {  	[sflag:s6] =	ssyncadd.s32 @!p0 $0xFFFFC800  }
0xd3: {  	_ =	swait.ge [sflag:s28], $0x70  }
0xd4: {  	[sflag:s28] =	ssyncset.done $0x0  }
0xd5: {  	[sflag:s28] =	ssyncadd.s32 $0xFFFFFF90  }
0xd6: {  	_ =	swait.ge [sflag:s28], $0x70  }
0xd7: {  	[sflag:s28] =	ssyncset.done $0x0  }
0xd8: {  	s14 =	simm.s32 $0x14080;
	[sflag:s28] =	ssyncadd.s32 $0xFFFFFF90  }
0xd9: {  	[tilespmem:s29], [sflag:$0x6] =	stream.indirect.gather [hbm4b:s1+s26], $0x80, s14, s26, $0xb8;
	[tilespmem:$0x1DD00] =	vst v63  }
0xda: {  	_ =	swait.ge [sflag:s30], $0x3800  }
0xdb: {  	[sflag:s30] =	ssyncset.done $0x0  }
0xdc: {  	[sflag:s30] =	ssyncadd.s32 $0xFFFFC800  }
0xdd: {  	v2 =	vld [tilespmem:$0x14200];
	_ =	sdelay $0x7  }
0xde: {  	[tilespmem:v2+s2+$0x0] =	vst.idx.add.f32.msk $0xffff, v1  }
0xdf: {  	v2 =	vld [tilespmem:$0x14210];
	_ =	sdelay $0x7  }
0xe0: {  	[tilespmem:v2+s2+$0x0] =	vst.idx.add.f32.msk $0xffff, v1  }
0xe1: {  	v2 =	vld [tilespmem:$0x14220];
	_ =	sdelay $0x7  }
0xe2: {  	[tilespmem:v2+s2+$0x0] =	vst.idx.add.f32.msk $0xffff, v1  }
0xe3: {  	v2 =	vld [tilespmem:$0x14230];
	_ =	sdelay $0x7  }
0xe4: {  	[tilespmem:v2+s2+$0x0] =	vst.idx.add.f32.msk $0xffff, v1  }
0xe5: {  	v2 =	vld [tilespmem:$0x14240];
	_ =	sdelay $0x7  }
0xe6: {  	[tilespmem:v2+s2+$0x0] =	vst.idx.add.f32.msk $0xffff, v1  }
0xe7: {  	v2 =	vld [tilespmem:$0x14250];
	_ =	sdelay $0x7  }
0xe8: {  	[tilespmem:v2+s2+$0x0] =	vst.idx.add.f32.msk $0xffff, v1  }
0xe9: {  	v2 =	vld [tilespmem:$0x14260];
	_ =	sdelay $0x7  }
0xea: {  	[tilespmem:v2+s2+$0x0] =	vst.idx.add.f32.msk $0xffff, v1  }
0xeb: {  	[spmem:s3] =	stream.indirect.scatter.add.f32 [tilespmem:s17], [sflag:$0x7], $0x80, s20, s26, $0xb8;
	[tilespmem:$0x1DD00] =	vst v63  }
0xec: {  	s7 =	sadd.s32 s22, s16  }
0xed: {  	[tilespmem:s8], [sflag:$0x4] =	stream.linear.gather [hbm4b:s7+s4], $0x70, $0x38;
	[tilespmem:$0x1DD00] =	vst v63  }
0xee: {  	s14 =	sadd.s32 s22, s15  }
0xef: {  	[tilespmem:s9], [sflag:$0x4] =	stream.linear.gather [hbm4b:s14+s4], $0x70, $0x38;
	[tilespmem:$0x1DD00] =	vst v63  }
0xf0: {  	_ =	swait.ge [sflag:s10], $0x3800  }
0xf1: {  	[sflag:s10] =	ssyncset.done $0x0  }
0xf2: {  	[sflag:s10] =	ssyncadd.s32 $0xFFFFC800  }
0xf3: {  	_ =	swait.ge [sflag:s11], $0x70  }
0xf4: {  	[sflag:s11] =	ssyncset.done $0x0  }
0xf5: {  	[sflag:s11] =	ssyncadd.s32 $0xFFFFFF90  }
0xf6: {  	_ =	swait.ge [sflag:s11], $0x70  }
0xf7: {  	[sflag:s11] =	ssyncset.done $0x0  }
0xf8: {  	[sflag:s11] =	ssyncadd.s32 $0xFFFFFF90  }
0xf9: {  	[tilespmem:s17], [sflag:$0x5] =	stream.indirect.gather [hbm4b:s1+s26], $0x80, s23, s26, $0xb8;
	[tilespmem:$0x1DD00] =	vst v63  }
0xfa: {  	_ =	swait.ge [sflag:s12], $0x3800  }
0xfb: {  	[sflag:s12] =	ssyncset.done $0x0  }
0xfc: {  	[sflag:s12] =	ssyncadd.s32 $0xFFFFC800  }
0xfd: {  	v2 =	vld [tilespmem:$0x14280];
	_ =	sdelay $0x7  }
0xfe: {  	[tilespmem:v2+s2+$0x0] =	vst.idx.add.f32.msk $0xffff, v1  }
0xff: {  	v2 =	vld [tilespmem:$0x14290];
	_ =	sdelay $0x7  }
0x100: {  	[tilespmem:v2+s2+$0x0] =	vst.idx.add.f32.msk $0xffff, v1  }
0x101: {  	v2 =	vld [tilespmem:$0x142A0];
	_ =	sdelay $0x7  }
0x102: {  	[tilespmem:v2+s2+$0x0] =	vst.idx.add.f32.msk $0xffff, v1  }
0x103: {  	v2 =	vld [tilespmem:$0x142B0];
	_ =	sdelay $0x7  }
0x104: {  	[tilespmem:v2+s2+$0x0] =	vst.idx.add.f32.msk $0xffff, v1  }
0x105: {  	v2 =	vld [tilespmem:$0x142C0];
	_ =	sdelay $0x7  }
0x106: {  	[tilespmem:v2+s2+$0x0] =	vst.idx.add.f32.msk $0xffff, v1  }
0x107: {  	v2 =	vld [tilespmem:$0x142D0];
	_ =	sdelay $0x7  }
0x108: {  	[tilespmem:v2+s2+$0x0] =	vst.idx.add.f32.msk $0xffff, v1  }
0x109: {  	v2 =	vld [tilespmem:$0x142E0];
	_ =	sdelay $0x7  }
0x10a: {  	s7 =	simm.s32 $0x14280;
	s14 =	sshrl.u32 s5, $0x3;
	[tilespmem:v2+s2+$0x0] =	vst.idx.add.f32.msk $0xffff, v1  }
0x10b: {  	[spmem:s3] =	stream.indirect.scatter.add.f32 [tilespmem:s29], [sflag:$0x8], $0x80, s7, s26, $0xb8;
	[tilespmem:$0x1DD00] =	vst v63  }
0x10c: {  	s7 =	sadd.s32 s31, s14  }
0x10d: {  	[tilespmem:s19], [sflag:$0x1] =	stream.linear.gather [hbm4b:s7+s4], $0x70, $0x38;
	[tilespmem:$0x1DD00] =	vst v63  }
0x10e: {  	s6 =	sadd.s32 s0, s14  }
0x10f: {  	[tilespmem:s20], [sflag:$0x1] =	stream.linear.gather [hbm4b:s6+s4], $0x70, $0x38;
	[tilespmem:$0x1DD00] =	vst v63  }
0x110: {  	_ =	swait.ge [sflag:s13], $0x3800  }
0x111: {  	[sflag:s13] =	ssyncset.done $0x0  }
0x112: {  	[sflag:s13] =	ssyncadd.s32 $0xFFFFC800  }
0x113: {  	_ =	swait.ge [sflag:s21], $0x70  }
0x114: {  	[sflag:s21] =	ssyncset.done $0x0  }
0x115: {  	[sflag:s21] =	ssyncadd.s32 $0xFFFFFF90  }
0x116: {  	_ =	swait.ge [sflag:s21], $0x70  }
0x117: {  	[sflag:s21] =	ssyncset.done $0x0  }
0x118: {  	[sflag:s21] =	ssyncadd.s32 $0xFFFFFF90  }
0x119: {  	[tilespmem:s29], [sflag:$0x6] =	stream.indirect.gather [hbm4b:s1+s26], $0x80, s8, s26, $0xb8;
	[tilespmem:$0x1DD00] =	vst v63  }
0x11a: {  	_ =	swait.ge [sflag:s30], $0x3800  }
0x11b: {  	[sflag:s30] =	ssyncset.done $0x0  }
0x11c: {  	[sflag:s30] =	ssyncadd.s32 $0xFFFFC800  }
0x11d: {  	v2 =	vld [tilespmem:$0x14300];
	_ =	sdelay $0x7  }
0x11e: {  	[tilespmem:v2+s2+$0x0] =	vst.idx.add.f32.msk $0xffff, v1  }
0x11f: {  	v2 =	vld [tilespmem:$0x14310];
	_ =	sdelay $0x7  }
0x120: {  	[tilespmem:v2+s2+$0x0] =	vst.idx.add.f32.msk $0xffff, v1  }
0x121: {  	v2 =	vld [tilespmem:$0x14320];
	_ =	sdelay $0x7  }
0x122: {  	[tilespmem:v2+s2+$0x0] =	vst.idx.add.f32.msk $0xffff, v1  }
0x123: {  	v2 =	vld [tilespmem:$0x14330];
	_ =	sdelay $0x7  }
0x124: {  	[tilespmem:v2+s2+$0x0] =	vst.idx.add.f32.msk $0xffff, v1  }
0x125: {  	v2 =	vld [tilespmem:$0x14340];
	_ =	sdelay $0x7  }
0x126: {  	[tilespmem:v2+s2+$0x0] =	vst.idx.add.f32.msk $0xffff, v1  }
0x127: {  	v2 =	vld [tilespmem:$0x14350];
	_ =	sdelay $0x7  }
0x128: {  	[tilespmem:v2+s2+$0x0] =	vst.idx.add.f32.msk $0xffff, v1  }
0x129: {  	v2 =	vld [tilespmem:$0x14360];
	_ =	sdelay $0x7  }
0x12a: {  	p0 =	seq.s32 s22, $0x498;
	s6 =	rddreg [dreg:$0x1c];
	[tilespmem:v2+s2+$0x0] =	vst.idx.add.f32.msk $0xffff, v1  }
0x12b: {  	[spmem:s3] =	stream.indirect.scatter.add.f32 [tilespmem:s17], [sflag:$0x7], $0x80, s24, s26, $0xb8;
	[tilespmem:$0x1DD00] =	vst v63  }
0x12c: {  	s14 =	simm.s32 @!p0 $0x14080;
	s7 =	simm.s32 @!p0 $0x0;
	s6 =	sadd.s32 @!p0 s22, s6  }
0x12d: {  	[tilespmem:s14], [sflag:$0x2] =	stream.linear.gather @!p0 [hbm4b:s6+s7], $0x70, $0x38;
	[tilespmem:$0x1DD00] =	vst v63  }
0x12e: {  	s6 =	rddreg [dreg:$0x1b]  }
0x12f: {  	s14 =	simm.s32 @!p0 $0x14280;
	s6 =	sadd.s32 @!p0 s22, s6  }
0x130: {  	[tilespmem:s14], [sflag:$0x2] =	stream.linear.gather @!p0 [hbm4b:s6+s7], $0x70, $0x38;
	[tilespmem:$0x1DD00] =	vst v63  }
0x131: {  	_ =	swait.ge [sflag:s10], $0x3800  }
0x132: {  	[sflag:s10] =	ssyncset.done $0x0  }
0x133: {  	[sflag:s10] =	ssyncadd.s32 $0xFFFFC800  }
0x134: {  	_ =	swait.ge [sflag:s25], $0x70  }
0x135: {  	[sflag:s25] =	ssyncset.done $0x0  }
0x136: {  	[sflag:s25] =	ssyncadd.s32 $0xFFFFFF90  }
0x137: {  	_ =	swait.ge [sflag:s25], $0x70  }
0x138: {  	[sflag:s25] =	ssyncset.done $0x0  }
0x139: {  	[sflag:s25] =	ssyncadd.s32 $0xFFFFFF90  }
0x13a: {  	[tilespmem:s17], [sflag:$0x5] =	stream.indirect.gather [hbm4b:s1+s26], $0x80, s19, s26, $0xb8;
	[tilespmem:$0x1DD00] =	vst v63  }
0x13b: {  	_ =	swait.ge [sflag:s12], $0x3800  }
0x13c: {  	[sflag:s12] =	ssyncset.done $0x0  }
0x13d: {  	[sflag:s12] =	ssyncadd.s32 $0xFFFFC800  }
0x13e: {  	v2 =	vld [tilespmem:$0x14380];
	_ =	sdelay $0x7  }
0x13f: {  	[tilespmem:v2+s2+$0x0] =	vst.idx.add.f32.msk $0xffff, v1  }
0x140: {  	v2 =	vld [tilespmem:$0x14390];
	_ =	sdelay $0x7  }
0x141: {  	[tilespmem:v2+s2+$0x0] =	vst.idx.add.f32.msk $0xffff, v1  }
0x142: {  	v2 =	vld [tilespmem:$0x143A0];
	_ =	sdelay $0x7  }
0x143: {  	[tilespmem:v2+s2+$0x0] =	vst.idx.add.f32.msk $0xffff, v1  }
0x144: {  	v2 =	vld [tilespmem:$0x143B0];
	_ =	sdelay $0x7  }
0x145: {  	[tilespmem:v2+s2+$0x0] =	vst.idx.add.f32.msk $0xffff, v1  }
0x146: {  	v2 =	vld [tilespmem:$0x143C0];
	_ =	sdelay $0x7  }
0x147: {  	[tilespmem:v2+s2+$0x0] =	vst.idx.add.f32.msk $0xffff, v1  }
0x148: {  	v2 =	vld [tilespmem:$0x143D0];
	_ =	sdelay $0x7  }
0x149: {  	[tilespmem:v2+s2+$0x0] =	vst.idx.add.f32.msk $0xffff, v1  }
0x14a: {  	v2 =	vld [tilespmem:$0x143E0];
	_ =	sdelay $0x4  }
.Ltmp3:
0x14b: {  	_ = 	snop;
	(pc) =	sbr.rel @p0 .LBB2_6-.Ltmp3, $3  }
0x14c: {  	_ =	sdelay $0x1  }
0x14d: {  	[tilespmem:v2+s2+$0x0] =	vst.idx.add.f32.msk $0xffff, v1  }
0x14e: {  	[spmem:s3] =	stream.indirect.scatter.add.f32 [tilespmem:s29], [sflag:$0x8], $0x80, s9, s26, $0xb8;
	[tilespmem:$0x1DD00] =	vst v63  }
.Ltmp4:
0x14f: {  	s6 =	rddreg [dreg:$0x1f];
	(pc) =	sbr.rel .LBB2_4-.Ltmp4, $4  }
0x150: {  	s14 =	rddreg [dreg:$0x1e];
	s6 =	sadd.s32 s22, s6  }
0x151: {  	[tilespmem:s23], [sflag:$0x3] =	stream.linear.gather [hbm4b:s6+s4], $0x70, $0x38;
	[tilespmem:$0x1DD00] =	vst v63  }
0x152: {  	s5 =	sadd.s32 $0x1C0, s5;
	s6 =	sadd.s32 s22, s14;
	s22 =	sadd.s32 $0x38, s22  }
0x153: {  	[tilespmem:s24], [sflag:$0x3] =	stream.linear.gather [hbm4b:s6+s4], $0x70, $0x38;
	[tilespmem:$0x1DD00] =	vst v63  }
.LBB2_7:
0x154: {  	_ =	sfence.sel $0x180000  }
0x155: {  	[bflag:$0x0] =	sbarrier.arrive $0xFFFF  }
0x156: {  	_ =	strace $0x90000047  }
0x157: {  	s0 =	stileid.u32;
	[bflag:$0x2] =	sbarrier.arrive $0xFFFF  }
0x158: {  	p0 =	sne.s32 s0, $0x0;
	s0 =	rddreg [dreg:$0x3]  }
0x159: {  	s0 =	sadd.s32 @!p0 $0x100000, s0  }
0x15a: {  	[sflag:s0] =	ssyncadd.tile.s32 @!p0 $0x1;
	_ =	shalt  }
.Lfunc_end2:
_tile_overlayer_lowered:
.L_overlay_start_2:
0x15b: {  	(tag) =	ssettag $0x2  }
0x15c: {  	s0 =	rddreg [dreg:$0x0];
	s2 =	stileid.u32  }
0x15d: {  	s1 =	rddreg [dreg:$0x1];
	p0 =	sne.s32 s2, $0x0  }
0x15e: {  	s3 =	rddreg [dreg:$0x2];
	[bflag:$0x3] =	sbarrier.arrive $0xFFFF;
	s2 =	simm.s32 @!p0 $0x1C09  }
0x15f: {  	[timem:s3], [sflag:s2] =	dma.local @!p0 [hbm:s0], s1  }
0x160: {  	s0 =	simm.s32 @!p0 $0x9  }
0x161: {  	_ =	swait.ge @!p0 [sflag:s0], s1  }
0x162: {  	s1 =	ssub.s32 @!p0 $0x0, s1;
	[sflag:s0] =	ssyncset.done @!p0 $0x0  }
0x163: {  	[sflag:s0] =	ssyncadd.s32 @!p0 s1  }
0x164: {  	[bflag:$0x3] =	sbarrier.arrive $0xFFFF  }
0x165: {  	_ =	shalt  }

// kernel: kernel.9.cloned.1.call-start
scs
__scs_entry_jumppad:
0x0: {  	(pc) =	sbr.rel $0x88, $3  }
0x1: {  	(tag) =	ssettag $0x0;
	lr =	simm.s32 $0x1  }
0x2: {  	[smem:$0x3F99] =	sst lr;
	_ =	strace $0xD0000000  }
0x3: {  	_ = 	snop  }
0x4: {  	_ = 	snop  }
0x5: {  	_ = 	snop  }
0x6: {  	_ = 	snop  }
0x7: {  	_ = 	snop  }
__scs_overlays_trampoline_lowered:
0x8: {  	[smem:$0x3FA8] =	sst s0  }
0x9: {  	[smem:$0x3FA9] =	sst s1  }
0xa: {  	[smem:$0x3FAA] =	sst s2  }
0xb: {  	[smem:$0x3FAB] =	sst s3  }
0xc: {  	[smem:$0x3FAC] =	sst s4  }
0xd: {  	[smem:$0x3FAD] =	sst s5  }
0xe: {  	[smem:$0x3FAE] =	sst s6  }
0xf: {  	[smem:$0x3FAF] =	sst s7  }
0x10: {  	[smem:$0x3FB0] =	sst s8  }
0x11: {  	[smem:$0x3FB1] =	sst s9;
	s0 =	simm.s32 @!p0 $0x0  }
0x12: {  	s1 =	sld [smem:$0x3F97];
	s0 =	simm.s32 @p0 $0x1  }
0x13: {  	[smem:$0x3FB2] =	sst s0;
	s0 =	simm.s32 @!p1 $0x0  }
0x14: {  	s2 =	sld [smem:$0x3F96];
	s0 =	simm.s32 @p1 $0x1  }
0x15: {  	[smem:$0x3FB3] =	sst s0;
	s0 =	simm.s32 @!p2 $0x0  }
0x16: {  	s3 =	sld [smem:$0x3FDB];
	s0 =	simm.s32 @p2 $0x1  }
0x17: {  	s4 =	simm.s32 $0x1BF5;
	[smem:$0x3FB5] =	sst s0  }
0x18: {  	s0 =	sld [smem:$0x3F98];
	_ =	swait.ge [sflag:s4], $0x0  }
0x19: {  	s7 =	sld [smem:$0x3F99]  }
0x1a: {  	s8 =	sadd.s32 $0xFFFFE003, lr  }
0x1b: {  	s9 =	sadd.s32 $0xFFFFFEF7, lr;
	s5 =	simm.s32 $0xFFFFFFFF;
	p2 =	slt.u32 s8, $0xFFFFF086  }
0x1c: {  	p1 =	slt.u32 s9, $0xF7A;
	s5 =	simm.s32 @!p2 $0x0  }
0x1d: {  	s5 =	simm.s32 @p1 $0x1;
	p0 =	seq.s32 s7, s2  }
0x1e: {  	s7 =	smul.u32 @!p0 $0xF7A, s2;
	p2 =	seq.s32 @!p0 s5, $0x0  }
0x1f: {  	s9 =	smul.u32 $0xF7A, s1;
	s8 =	simm.s32 @!p0 $0x1BF5;
	p2 =	por !p2, p0  }
0x20: {  	[sflag:s8] =	ssyncset.s32 @!p0 $0xFFFFF086;
	s6 =	sadd.s32 @!p0 s3, s7;
	s7 =	simm.s32 @!p0 $0x108  }
0x21: {  	s3 =	sadd.s32 s3, s9;
	s6 =	sadd.s32 @!p0 $0x88, s6;
	s7 =	simm.s32 @p2 $0x1082  }
0x22: {  	[simem:s7], [sflag:s8] =	dma.local @!p0 [hbm:s6], $0xF7A  }
0x23: {  	s9 =	sor.u32 $0xD0000000, s2;
	s6 =	simm.s32 $0x108;
	_ =	swait.ge @!p0 [sflag:s8], $0x0  }
0x24: {  	s3 =	sadd.s32 $0x88, s3;
	s6 =	simm.s32 @!p1 $0x1082;
	[sflag:s4] =	ssyncset.s32 $0xFFFFF086  }
0x25: {  	[simem:s6], [sflag:s4] =	dma.local [hbm:s3], $0xF7A  }
0x26: {  	[smem:$0x3F99] =	sst s1;
	(tag) =	ssettag s2;
	_ =	strace s9  }
0x27: {  	s1 =	sld [smem:$0x3FA9]  }
0x28: {  	s2 =	sld [smem:$0x3FAA]  }
0x29: {  	s4 =	sld [smem:$0x3FAC]  }
0x2a: {  	p0 =	seq.s32 s5, $0x0;
	s5 =	sld [smem:$0x3FAD]  }
0x2b: {  	s6 =	sld [smem:$0x3FAE]  }
0x2c: {  	s7 =	sld [smem:$0x3FAF]  }
0x2d: {  	s3 =	simm.s32 $0x108;
	s8 =	sld [smem:$0x3FB0]  }
0x2e: {  	s3 =	simm.s32 @!p0 $0x1082;
	s9 =	sld [smem:$0x3FB1]  }
0x2f: {  	lr =	sadd.s32 s0, s3;
	s0 =	sld [smem:$0x3FA8]  }
0x30: {  	s3 =	sld [smem:$0x3FAB]  }
0x31: {  	[smem:$0x3FB4] =	sst s10  }
0x32: {  	s10 =	sld [smem:$0x3FB2];
	_ =	sdelay $0x3  }
0x33: {  	p0 =	seq.s32 s10, $0x1;
	s10 =	sld [smem:$0x3FB4];
	_ =	sdelay $0x3  }
0x34: {  	[smem:$0x3FB4] =	sst s10  }
0x35: {  	s10 =	sld [smem:$0x3FB3];
	_ =	sdelay $0x3  }
0x36: {  	p1 =	seq.s32 s10, $0x1;
	s10 =	sld [smem:$0x3FB4];
	_ =	sdelay $0x3  }
0x37: {  	[smem:$0x3FB4] =	sst s10  }
0x38: {  	s10 =	sld [smem:$0x3FB5]  }
0x39: {  	_ = 	snop;
	(pc) =	sbr.ind lr, $3  }
0x3a: {  	_ = 	snop  }
0x3b: {  	_ = 	snop  }
0x3c: {  	p2 =	seq.s32 s10, $0x1;
	s10 =	sld [smem:$0x3FB4]  }
0x3d: {  	_ =	shalt  }
0x3e: {  	_ =	shalt  }
0x3f: {  	_ =	shalt  }
0x40: {  	_ =	shalt  }
0x41: {  	_ =	shalt  }
0x42: {  	_ =	shalt  }
0x43: {  	_ =	shalt  }
0x44: {  	_ =	shalt  }
0x45: {  	_ =	shalt  }
0x46: {  	_ =	shalt  }
0x47: {  	_ =	shalt  }
0x48: {  	_ =	shalt  }
0x49: {  	_ =	shalt  }
0x4a: {  	_ =	shalt  }
0x4b: {  	_ =	shalt  }
0x4c: {  	_ =	shalt  }
0x4d: {  	_ =	shalt  }
0x4e: {  	_ =	shalt  }
0x4f: {  	_ =	shalt  }
0x50: {  	_ =	shalt  }
0x51: {  	_ =	shalt  }
0x52: {  	_ =	shalt  }
0x53: {  	_ =	shalt  }
0x54: {  	_ =	shalt  }
0x55: {  	_ =	shalt  }
0x56: {  	_ =	shalt  }
0x57: {  	_ =	shalt  }
0x58: {  	_ =	shalt  }
0x59: {  	_ =	shalt  }
0x5a: {  	_ =	shalt  }
0x5b: {  	_ =	shalt  }
0x5c: {  	_ =	shalt  }
0x5d: {  	_ =	shalt  }
0x5e: {  	_ =	shalt  }
0x5f: {  	_ =	shalt  }
0x60: {  	_ =	shalt  }
0x61: {  	_ =	shalt  }
0x62: {  	_ =	shalt  }
0x63: {  	_ =	shalt  }
0x64: {  	_ =	shalt  }
0x65: {  	_ =	shalt  }
0x66: {  	_ =	shalt  }
0x67: {  	_ =	shalt  }
0x68: {  	_ =	shalt  }
0x69: {  	_ =	shalt  }
0x6a: {  	_ =	shalt  }
0x6b: {  	_ =	shalt  }
0x6c: {  	_ =	shalt  }
0x6d: {  	_ =	shalt  }
0x6e: {  	_ =	shalt  }
0x6f: {  	_ =	shalt  }
0x70: {  	_ =	shalt  }
0x71: {  	_ =	shalt  }
0x72: {  	_ =	shalt  }
0x73: {  	_ =	shalt  }
0x74: {  	_ =	shalt  }
0x75: {  	_ =	shalt  }
0x76: {  	_ =	shalt  }
0x77: {  	_ =	shalt  }
0x78: {  	_ =	shalt  }
0x79: {  	_ =	shalt  }
0x7a: {  	_ =	shalt  }
0x7b: {  	_ =	shalt  }
0x7c: {  	_ =	shalt  }
0x7d: {  	_ =	shalt  }
0x7e: {  	_ =	shalt  }
0x7f: {  	_ =	shalt  }
0x80: {  	_ =	shalt  }
0x81: {  	_ =	shalt  }
0x82: {  	_ =	shalt  }
0x83: {  	_ =	shalt  }
0x84: {  	_ =	shalt  }
0x85: {  	_ =	shalt  }
0x86: {  	_ =	shalt  }
0x87: {  	_ =	shalt  }
.Lfunc_end0:
.L_simem_size_0:
called_computation.1_lowered:
.L_overlay_start_0:
0x88: {  	s2 =	sld [smem:$0x3FD9]  }
0x89: {  	s3 =	sld [smem:$0x3FFE];
	_ =	sdelay $0x1  }
0x8a: {  	s1 =	srdreg.scid  }
0x8b: {  	s0 =	sand.u32 $0x1, s1  }
0x8c: {  	s17 =	sshll.u32 s0, $0xA;
	s2 =	sadd.s32 s3, s2  }
0x8d: {  	s2 =	sadd.s32 s2, s17  }
0x8e: {  	[smem:$0x3FC0] =	sst s2  }
0x8f: {  	_ = 	snop  }
0x90: {  	s2 =	sld [smem:$0x3FC7]  }
0x91: {  	s18 =	sld [smem:$0x3FC6]  }
0x92: {  	s4 =	sld [smem:$0x3FD0];
	(tm) =	ssettm $0x1  }
0x93: {  	s5 =	sld [smem:$0x3FFB];
	_ =	sdelay $0x3  }
0x94: {  	_ =	strace s5  }
0x95: {  	s5 =	sld [smem:$0x3FFC];
	_ =	sdelay $0x3  }
0x96: {  	_ =	strace s5  }
0x97: {  	s5 =	sld [smem:$0x3FFD];
	_ =	sdelay $0x3  }
0x98: {  	_ =	strace s5  }
0x99: {  	_ =	strace $0x8FFFFFFF  }
0x9a: {  	s19 =	sld [smem:$0x3FDB];
	_ =	sdelay $0x1  }
0x9b: {  	s6 =	simm.s32 $_scs_section_size  }
0x9c: {  	s7 =	simm.s32 $_size__tile_overlayer_lowered;
	s8 =	simm.s32 $_tile_overlayer_lowered  }
0x9d: {  	s22 =	simm.s32 $0x1BFF;
	s21 =	sshll.u32 s8, $0x1;
	s5 =	sadd.s32 s6, s19  }
0x9e: {  	s9 =	simm.s32 $0x0;
	s20 =	sshll.u32 s7, $0x1;
	s7 =	sadd.s32 s21, s5  }
0x9f: {  	[timem:s9], [sflag:s22] =	dma.local [hbm:s7], s20  }
0xa0: {  	_ =	swait.ge [sflag:s22], s20  }
0xa1: {  	s6 =	ssub.s32 $0x0, s20;
	[sflag:s22] =	ssyncset.done $0x0  }
0xa2: {  	[sflag:s22] =	ssyncadd.s32 s6;
	_ =	sdelay $0x1  }
0xa3: {  	s23 =	simm.s32 $0x1B8B  }
0xa4: {  	_ =	swait.ge [sflag:s23], $0x1  }
0xa5: {  	[sflag:s23] =	ssyncset.done $0x0  }
0xa6: {  	s25 =	simm.s32 $0x1B8E;
	s24 =	sld [smem:$0x3FFE];
	[sflag:s23] =	ssyncadd.s32 $0xFFFFFFFF  }
0xa7: {  	s26 =	simm.s32 $execute0_lowered;
	[smem:$0x3FD2] =	sst s25  }
0xa8: {  	s7 =	sshll.u32 s26, $0x1;
	_ =	strace $0x80000049;
	[dreg:$0x1] =	wrdreg $0xFFFFFFFF  }
0xa9: {  	s28 =	simm.s32 $_size_execute0_lowered;
	s5 =	sadd.s32 s5, s7;
	[dreg:$0x0] =	wrdreg $0x0  }
0xaa: {  	s7 =	sshll.u32 s28, $0x1;
	[dreg:$0x2] =	wrdreg s5  }
0xab: {  	[dreg:$0x3] =	wrdreg s7  }
0xac: {  	[dreg:$0x4] =	wrdreg $0xC0  }
0xad: {  	_ =	task [dreg:s9], $0x5FFFF  }
0xae: {  	[dreg:$0x1] =	wrdreg $0xFFFFFFFF  }
0xaf: {  	[dreg:$0x0] =	wrdreg $0x60  }
0xb0: {  	[dreg:$0x2] =	wrdreg s24  }
0xb1: {  	[dreg:$0x3] =	wrdreg s2  }
0xb2: {  	[dreg:$0x4] =	wrdreg s18  }
0xb3: {  	[dreg:$0x5] =	wrdreg s4  }
0xb4: {  	[dreg:$0x6] =	wrdreg $0x9  }
0xb5: {  	_ =	task.clear_ibuf [dreg:s9], $0x7FFFF;
	_ =	strace $0x90000049  }
0xb6: {  	s29 =	simm.s32 $0x9;
	_ =	strace $0x8000004B  }
0xb7: {  	_ =	swait.ge [sflag:s29], $0x1  }
0xb8: {  	[sflag:s29] =	ssyncadd.s32 $0xFFFFFFFF  }
0xb9: {  	_ =	strace $0x9000004B  }
0xba: {  	_ =	sfence  }
0xbb: {  	s30 =	sld [smem:$0x0];
	_ =	sdelay $0x2  }
0xbc: {  	s31 =	sshll.u32 s1, $0xD;
	s1 =	sshrl.u32 s1, $0x2  }
0xbd: {  	s3 =	sand.u32 $0x4000, s31;
	s1 =	sadd.s32 s1, s30  }
0xbe: {  	s0 =	sor.u32 s3, s0;
	s1 =	sshll.u32 s1, $0x11  }
0xbf: {  	s0 =	sor.u32 s1, s0  }
0xc0: {  	s0 =	sadd.s32 $0x8F2B, s0  }
0xc1: {  	[sflag:s0] =	ssyncadd.remote.s32 $0x1  }
0xc2: {  	_ =	sfence.sel $0xFFFF  }
0xc3: {  	[dreg:$0x0] =	wrdreg $0xFFFFFFFF;
	(pc) =	sbr.abs _section_cstart, $3  }
0xc4: {  	[dreg:$0x1] =	wrdreg $0xFFFFFFFF  }
0xc5: {  	_ =	task.clear_ibuf [dreg:s9], $0x2FFFF;
	_ =	strace $0x9FFFFFFF  }
0xc6: {  	(tm) =	ssettm $0x7FFFFFFF  }
0xc7: {  	_ =	shalt  }
tec
execute0_lowered:
.L_overlay_start_1:
0x0: {  	(tag) =	ssettag $0x1  }
0x1: {  	s3 =	rddreg [dreg:$0x0]  }
0x2: {  	s5 =	rddreg [dreg:$0x1]  }
0x3: {  	s4 =	rddreg [dreg:$0x2]  }
0x4: {  	s0 =	rddreg [dreg:$0x3]  }
0x5: {  	s2 =	simm.s32 $0x0;
	s6 =	srdreg.scid;
	s1 =	stileid.u32  }
0x6: {  	s28 =	simm.s32 $0x3;
	s29 =	simm.s32 $0x6;
	s30 =	simm.s32 $0x8  }
0x7: {  	s31 =	simm.s32 $0x4;
	[smem:$0x7FF] =	sst s2;
	s8 =	sand.u32 $0x1, s6  }
0x8: {  	s12 =	sadd.s32 $0x97C00, s3;
	s7 =	sshll.u32 s1, $0xA;
	s13 =	sadd.s32 $0x29200, s3  }
0x9: {  	_ =	strace $0x8000004A;
	s9 =	sshll.u32 s8, $0x9;
	[dreg:$0x5] =	wrdreg s12  }
0xa: {  	[dreg:$0x6] =	wrdreg s13;
	s8 =	ssub.s32 $0x2, s8;
	s10 =	sor.u32 s9, s7  }
0xb: {  	s7 =	sadd.s32 $0x29400, s3;
	s9 =	sadd.s32 $0x98200, s3;
	s3 =	sadd.s32 $0x2000, s3  }
0xc: {  	s6 =	sshrl.u32 s10, $0x3;
	s11 =	sor.u32 $0x40, s10;
	s13 =	sor.u32 $0x80, s10  }
0xd: {  	s19 =	sshll.u32 s10, $0x4;
	s14 =	sadd.s32 s5, s6;
	s15 =	sadd.s32 s4, s6  }
0xe: {  	s12 =	sshrl.u32 s11, $0x3;
	s20 =	sadd.s32 s7, s19;
	[dreg:$0x7] =	wrdreg s14  }
0xf: {  	s21 =	sadd.s32 s9, s19;
	s11 =	sshll.u32 s11, $0x4;
	[dreg:$0x8] =	wrdreg s15  }
0x10: {  	s6 =	sadd.s32 s0, s6;
	s0 =	simm.s32 $0xAC00;
	[dreg:$0xd] =	wrdreg s20  }
0x11: {  	s16 =	sadd.s32 s5, s12;
	s12 =	sadd.s32 s4, s12;
	[dreg:$0xe] =	wrdreg s21  }
0x12: {  	s14 =	sshrl.u32 s13, $0x3;
	s15 =	sor.u32 $0xC0, s10;
	[dreg:$0x9] =	wrdreg s16  }
0x13: {  	s25 =	sadd.s32 s7, s11;
	s11 =	sadd.s32 s9, s11;
	[dreg:$0xa] =	wrdreg s12  }
0x14: {  	s17 =	sadd.s32 s5, s14;
	s18 =	sadd.s32 s4, s14;
	[dreg:$0x11] =	wrdreg s25  }
0x15: {  	s22 =	sshrl.u32 s15, $0x3;
	s14 =	sor.u32 $0x100, s10;
	[dreg:$0x12] =	wrdreg s11  }
0x16: {  	s16 =	sshll.u32 s13, $0x4;
	s13 =	sor.u32 $0x140, s10;
	[dreg:$0xb] =	wrdreg s17  }
0x17: {  	s11 =	simm.s32 $0x2A00;
	[dreg:$0xc] =	wrdreg s18;
	s23 =	sadd.s32 s5, s22  }
0x18: {  	s24 =	sadd.s32 s4, s22;
	s26 =	sshrl.u32 s14, $0x3;
	[dreg:$0xf] =	wrdreg s23  }
0x19: {  	s17 =	sadd.s32 s7, s16;
	s18 =	sadd.s32 s9, s16;
	[dreg:$0x10] =	wrdreg s24  }
0x1a: {  	s19 =	sshrl.u32 s13, $0x3;
	s22 =	sshll.u32 s15, $0x4;
	[dreg:$0x15] =	wrdreg s17  }
0x1b: {  	s14 =	sshll.u32 s14, $0x4;
	s1 =	sadd.s32 s5, s26;
	[dreg:$0x16] =	wrdreg s18  }
0x1c: {  	s15 =	simm.s32 $0x2B00;
	s12 =	sadd.s32 s4, s26;
	[dreg:$0x13] =	wrdreg s1  }
0x1d: {  	s20 =	sadd.s32 s5, s19;
	s21 =	sadd.s32 s4, s19;
	[dreg:$0x14] =	wrdreg s12  }
0x1e: {  	s23 =	sadd.s32 s7, s22;
	s24 =	sor.u32 $0x180, s10;
	[dreg:$0x17] =	wrdreg s20  }
0x1f: {  	s25 =	sadd.s32 s9, s22;
	s16 =	sadd.s32 s7, s14;
	[dreg:$0x18] =	wrdreg s21  }
0x20: {  	s10 =	sor.u32 $0x1C0, s10;
	s17 =	sadd.s32 s9, s14;
	[dreg:$0x19] =	wrdreg s23  }
0x21: {  	s19 =	sshll.u32 s13, $0x4;
	s13 =	simm.s32 $0x2A80;
	[dreg:$0x1a] =	wrdreg s25  }
0x22: {  	s14 =	simm.s32 $0x2900;
	s26 =	sshrl.u32 s24, $0x3;
	[dreg:$0x1d] =	wrdreg s16  }
0x23: {  	s18 =	sshrl.u32 s10, $0x3;
	[dreg:$0x1e] =	wrdreg s17;
	s20 =	sadd.s32 s7, s19  }
0x24: {  	s21 =	sadd.s32 s9, s19;
	s22 =	sshll.u32 s24, $0x4;
	s23 =	sshrl.u32 s8, $0x1  }
0x25: {  	s16 =	simm.s32 $0x1;
	s17 =	simm.s32 $0x40;
	s19 =	simm.s32 $0x6C00  }
0x26: {  	s1 =	sadd.s32 s5, s26;
	s12 =	sadd.s32 s4, s26;
	[smem:$0x7FA] =	sst s20  }
0x27: {  	s5 =	sadd.s32 s5, s18;
	s4 =	sadd.s32 s4, s18;
	[smem:$0x7FB] =	sst s21  }
0x28: {  	s24 =	sadd.s32 s7, s22;
	s25 =	sadd.s32 s9, s22;
	[dreg:$0x1b] =	wrdreg s1  }
0x29: {  	s26 =	sshll.u32 s10, $0x4;
	s8 =	ssub.s32 s8, s23;
	[dreg:$0x1c] =	wrdreg s12  }
0x2a: {  	s10 =	simm.s32 $0x2800;
	s18 =	simm.s32 $0x2C00;
	[dreg:$0x1f] =	wrdreg s5  }
0x2b: {  	s20 =	simm.s32 $0x2;
	s21 =	simm.s32 $0x4C00;
	[smem:$0x7F9] =	sst s4  }
0x2c: {  	s22 =	simm.s32 $0x8C00;
	s23 =	simm.s32 $0x5;
	[smem:$0x7FC] =	sst s24  }
0x2d: {  	[smem:$0x7FD] =	sst s25;
	s4 =	sadd.s32 s7, s26;
	s5 =	sadd.s32 s9, s26  }
0x2e: {  	s7 =	smax.u32 s8, $0x1;
	s8 =	simm.s32 $0x9;
	s12 =	simm.s32 $0x2880  }
0x2f: {  	s24 =	simm.s32 $0x2980;
	s25 =	simm.s32 $0x2B80;
	s26 =	simm.s32 $0x7  }
.LBB2_1:
0x30: {  	s1 =	rddreg [dreg:$0x5]  }
0x31: {  	[tilespmem:s2], [sflag:$0x9] =	stream.linear.gather [hbm4b:s1+s2], $0x2780, $0x38;
	[tilespmem:$0xAE00] =	vst v63  }
0x32: {  	_ =	swait.ge [sflag:s8], $0x2780  }
0x33: {  	[sflag:s8] =	ssyncset.done $0x0  }
0x34: {  	s9 =	simm.s32 $0x2780;
	s1 =	rddreg [dreg:$0x6];
	[sflag:s8] =	ssyncadd.s32 $0xFFFFD880  }
0x35: {  	[tilespmem:s9], [sflag:$0x9] =	stream.linear.gather [hbm4b:s1+s2], $0x80, $0x38;
	[tilespmem:$0xAE00] =	vst v63  }
0x36: {  	_ =	swait.ge [sflag:s8], $0x80  }
0x37: {  	[sflag:s8] =	ssyncset.done $0x0  }
0x38: {  	s1 =	rddreg [dreg:$0x7];
	[sflag:s8] =	ssyncadd.s32 $0xFFFFFF80  }
0x39: {  	v0 =	vld [tilespmem:$0x2780];
	[tilespmem:s10], [sflag:$0x1] =	stream.linear.gather [hbm4b:s1+s2], $0x40, $0x38  }
0x3a: {  	s9 =	rddreg [dreg:$0x8]  }
0x3b: {  	[tilespmem:s11], [sflag:$0x1] =	stream.linear.gather [hbm4b:s9+s2], $0x40, $0x38;
	[tilespmem:$0xAE00] =	vst v63  }
0x3c: {  	s1 =	rddreg [dreg:$0x9]  }
0x3d: {  	[tilespmem:s12], [sflag:$0x2] =	stream.linear.gather [hbm4b:s1+s2], $0x40, $0x38;
	[tilespmem:$0xAE00] =	vst v63  }
0x3e: {  	s9 =	rddreg [dreg:$0xa]  }
0x3f: {  	[tilespmem:s13], [sflag:$0x2] =	stream.linear.gather [hbm4b:s9+s2], $0x40, $0x38;
	[tilespmem:$0xAE00] =	vst v63  }
0x40: {  	s1 =	rddreg [dreg:$0xb]  }
0x41: {  	[tilespmem:s14], [sflag:$0x3] =	stream.linear.gather [hbm4b:s1+s2], $0x40, $0x38;
	[tilespmem:$0xAE00] =	vst v63  }
0x42: {  	s9 =	rddreg [dreg:$0xc]  }
0x43: {  	[tilespmem:s15], [sflag:$0x3] =	stream.linear.gather [hbm4b:s9+s2], $0x40, $0x38;
	[tilespmem:$0xAE00] =	vst v63  }
0x44: {  	_ =	swait.ge [sflag:s16], $0x40  }
0x45: {  	[sflag:s16] =	ssyncset.done $0x0  }
0x46: {  	[sflag:s16] =	ssyncadd.s32 $0xFFFFFFC0  }
0x47: {  	_ =	swait.ge [sflag:s16], $0x40  }
0x48: {  	[sflag:s16] =	ssyncset.done $0x0  }
0x49: {  	[sflag:s16] =	ssyncadd.s32 $0xFFFFFFC0  }
0x4a: {  	[tilespmem:s18], [sflag:$0x5] =	stream.indirect.gather [hbm4b:s3+s17], $0x80, s10, s17, $0xb8;
	[tilespmem:$0xAE00] =	vst v63  }
0x4b: {  	_ = 	snop  }
0x4c: {  	[tilespmem:s19], [sflag:$0x5] =	stream.indirect.gather [hbm4b:s3+s17], $0x80, s11, s17, $0xb8;
	[tilespmem:$0xAE00] =	vst v63  }
0x4d: {  	_ =	swait.ge [sflag:s20], $0x40  }
0x4e: {  	[sflag:s20] =	ssyncset.done $0x0  }
0x4f: {  	[sflag:s20] =	ssyncadd.s32 $0xFFFFFFC0  }
0x50: {  	_ =	swait.ge [sflag:s20], $0x40  }
0x51: {  	[sflag:s20] =	ssyncset.done $0x0  }
0x52: {  	[sflag:s20] =	ssyncadd.s32 $0xFFFFFFC0  }
0x53: {  	[tilespmem:s21], [sflag:$0x6] =	stream.indirect.gather [hbm4b:s3+s17], $0x80, s12, s17, $0xb8;
	[tilespmem:$0xAE00] =	vst v63  }
0x54: {  	_ = 	snop  }
0x55: {  	[tilespmem:s22], [sflag:$0x6] =	stream.indirect.gather [hbm4b:s3+s17], $0x80, s13, s17, $0xb8;
	[tilespmem:$0xAE00] =	vst v63  }
0x56: {  	_ =	swait.ge [sflag:s23], $0x2000  }
0x57: {  	[sflag:s23] =	ssyncset.done $0x0  }
0x58: {  	[sflag:s23] =	ssyncadd.s32 $0xFFFFE000  }
0x59: {  	_ =	swait.ge [sflag:s23], $0x2000  }
0x5a: {  	[sflag:s23] =	ssyncset.done $0x0  }
0x5b: {  	[sflag:s23] =	ssyncadd.s32 $0xFFFFE000  }
0x5c: {  	v1 =	vld [tilespmem:$0x2800]  }
0x5d: {  	v2 =	vld [tilespmem:$0x2A00];
	_ =	sdelay $0x3  }
0x5e: {  	v1 =	vadd.s32 $0x1, v1  }
0x5f: {  	v2 =	vadd.s32 $0x1, v2;
	_ =	sdelay $0x2  }
0x60: {  	v3 =	vld [tilespmem:$0x2810]  }
0x61: {  	v1 =	vld.idx.msk [tilespmem:v1+s2+$0x0], $0xffff  }
0x62: {  	v2 =	vld.idx.msk [tilespmem:v2+s2+$0x0], $0xffff  }
0x63: {  	v4 =	vld [tilespmem:$0x2A10];
	_ =	sdelay $0x3  }
0x64: {  	v44 =	vadd.s32 $0x1, v3;
	v1 =	vadd.f32 v2, v1  }
0x65: {  	v45 =	vadd.s32 $0x1, v4  }
0x66: {  	v1 =	vadd.f32 v1, v0;
	_ =	sdelay $0x1  }
0x67: {  	v47 =	vld [tilespmem:$0x2820];
	[tilespmem:$0xAC00] =	vst v1  }
0x68: {  	v1 =	vld.idx.msk [tilespmem:v44+s2+$0x0], $0xffff  }
0x69: {  	v46 =	vld.idx.msk [tilespmem:v45+s2+$0x0], $0xffff  }
0x6a: {  	v48 =	vld [tilespmem:$0x2A20];
	_ =	sdelay $0x3  }
0x6b: {  	v49 =	vadd.s32 $0x1, v47;
	v1 =	vadd.f32 v46, v1  }
0x6c: {  	v50 =	vadd.s32 $0x1, v48  }
0x6d: {  	v1 =	vadd.f32 v1, v0;
	_ =	sdelay $0x1  }
0x6e: {  	v52 =	vld [tilespmem:$0x2830];
	[tilespmem:$0xAC10] =	vst v1  }
0x6f: {  	v1 =	vld.idx.msk [tilespmem:v49+s2+$0x0], $0xffff  }
0x70: {  	v51 =	vld.idx.msk [tilespmem:v50+s2+$0x0], $0xffff  }
0x71: {  	v53 =	vld [tilespmem:$0x2A30];
	_ =	sdelay $0x3  }
0x72: {  	v54 =	vadd.s32 $0x1, v52;
	v1 =	vadd.f32 v51, v1  }
0x73: {  	v55 =	vadd.s32 $0x1, v53  }
0x74: {  	v1 =	vadd.f32 v1, v0;
	_ =	sdelay $0x1  }
0x75: {  	[tilespmem:$0xAC20] =	vst v1  }
0x76: {  	v1 =	vld.idx.msk [tilespmem:v54+s2+$0x0], $0xffff  }
0x77: {  	v56 =	vld.idx.msk [tilespmem:v55+s2+$0x0], $0xffff;
	_ =	sdelay $0x4  }
0x78: {  	v1 =	vadd.f32 v56, v1;
	_ =	sdelay $0x1  }
0x79: {  	v1 =	vadd.f32 v1, v0;
	_ =	sdelay $0x1  }
0x7a: {  	s1 =	rddreg [dreg:$0xd];
	[tilespmem:$0xAC30] =	vst v1  }
0x7b: {  	[hbm4b:s1+s2] =	stream.linear.scatter [tilespmem:s18], [sflag:$0x7], $0x2000, $0x38;
	[tilespmem:$0xAE00] =	vst v63  }
0x7c: {  	s9 =	rddreg [dreg:$0xe]  }
0x7d: {  	[hbm4b:s9+s2] =	stream.linear.scatter [tilespmem:s19], [sflag:$0x7], $0x2000, $0x38;
	[tilespmem:$0xAE00] =	vst v63  }
0x7e: {  	s1 =	rddreg [dreg:$0xf]  }
0x7f: {  	[tilespmem:s24], [sflag:$0x4] =	stream.linear.gather [hbm4b:s1+s2], $0x40, $0x38;
	[tilespmem:$0xAE00] =	vst v63  }
0x80: {  	s9 =	rddreg [dreg:$0x10]  }
0x81: {  	[tilespmem:s25], [sflag:$0x4] =	stream.linear.gather [hbm4b:s9+s2], $0x40, $0x38;
	[tilespmem:$0xAE00] =	vst v63  }
0x82: {  	_ =	swait.ge [sflag:s26], $0x2000  }
0x83: {  	[sflag:s26] =	ssyncset.done $0x0  }
0x84: {  	[sflag:s26] =	ssyncadd.s32 $0xFFFFE000  }
0x85: {  	_ =	swait.ge [sflag:s26], $0x2000  }
0x86: {  	[sflag:s26] =	ssyncset.done $0x0  }
0x87: {  	[sflag:s26] =	ssyncadd.s32 $0xFFFFE000  }
0x88: {  	_ =	swait.ge [sflag:s28], $0x40  }
0x89: {  	[sflag:s28] =	ssyncset.done $0x0  }
0x8a: {  	[sflag:s28] =	ssyncadd.s32 $0xFFFFFFC0  }
0x8b: {  	_ =	swait.ge [sflag:s28], $0x40  }
0x8c: {  	[sflag:s28] =	ssyncset.done $0x0  }
0x8d: {  	[sflag:s28] =	ssyncadd.s32 $0xFFFFFFC0  }
0x8e: {  	[tilespmem:s18], [sflag:$0x5] =	stream.indirect.gather [hbm4b:s3+s17], $0x80, s14, s17, $0xb8;
	[tilespmem:$0xAE00] =	vst v63  }
0x8f: {  	_ = 	snop  }
0x90: {  	[tilespmem:s19], [sflag:$0x5] =	stream.indirect.gather [hbm4b:s3+s17], $0x80, s15, s17, $0xb8;
	[tilespmem:$0xAE00] =	vst v63  }
0x91: {  	_ =	swait.ge [sflag:s29], $0x2000  }
0x92: {  	[sflag:s29] =	ssyncset.done $0x0  }
0x93: {  	[sflag:s29] =	ssyncadd.s32 $0xFFFFE000  }
0x94: {  	_ =	swait.ge [sflag:s29], $0x2000  }
0x95: {  	[sflag:s29] =	ssyncset.done $0x0  }
0x96: {  	[sflag:s29] =	ssyncadd.s32 $0xFFFFE000  }
0x97: {  	v57 =	vld [tilespmem:$0x2880]  }
0x98: {  	v58 =	vld [tilespmem:$0x2A80];
	_ =	sdelay $0x3  }
0x99: {  	v1 =	vadd.s32 $0x1, v57  }
0x9a: {  	v2 =	vadd.s32 $0x1, v58;
	_ =	sdelay $0x2  }
0x9b: {  	v59 =	vld [tilespmem:$0x2890]  }
0x9c: {  	v1 =	vld.idx.msk [tilespmem:v1+s2+$0x0], $0xffff  }
0x9d: {  	v2 =	vld.idx.msk [tilespmem:v2+s2+$0x0], $0xffff  }
0x9e: {  	v60 =	vld [tilespmem:$0x2A90];
	_ =	sdelay $0x3  }
0x9f: {  	v61 =	vadd.s32 $0x1, v59;
	v1 =	vadd.f32 v2, v1  }
0xa0: {  	v62 =	vadd.s32 $0x1, v60  }
0xa1: {  	v1 =	vadd.f32 v1, v0;
	_ =	sdelay $0x1  }
0xa2: {  	v8 =	vld [tilespmem:$0x28A0];
	[tilespmem:$0xAC40] =	vst v1  }
0xa3: {  	v1 =	vld.idx.msk [tilespmem:v61+s2+$0x0], $0xffff  }
0xa4: {  	v63 =	vld.idx.msk [tilespmem:v62+s2+$0x0], $0xffff  }
0xa5: {  	v9 =	vld [tilespmem:$0x2AA0];
	_ =	sdelay $0x3  }
0xa6: {  	v10 =	vadd.s32 $0x1, v8;
	v1 =	vadd.f32 v63, v1  }
0xa7: {  	v11 =	vadd.s32 $0x1, v9  }
0xa8: {  	v1 =	vadd.f32 v1, v0;
	_ =	sdelay $0x1  }
0xa9: {  	v13 =	vld [tilespmem:$0x28B0];
	[tilespmem:$0xAC50] =	vst v1  }
0xaa: {  	v1 =	vld.idx.msk [tilespmem:v10+s2+$0x0], $0xffff  }
0xab: {  	v12 =	vld.idx.msk [tilespmem:v11+s2+$0x0], $0xffff  }
0xac: {  	v14 =	vld [tilespmem:$0x2AB0];
	_ =	sdelay $0x3  }
0xad: {  	v15 =	vadd.s32 $0x1, v13;
	v1 =	vadd.f32 v12, v1  }
0xae: {  	v16 =	vadd.s32 $0x1, v14  }
0xaf: {  	v1 =	vadd.f32 v1, v0;
	_ =	sdelay $0x1  }
0xb0: {  	[tilespmem:$0xAC60] =	vst v1  }
0xb1: {  	v1 =	vld.idx.msk [tilespmem:v15+s2+$0x0], $0xffff  }
0xb2: {  	v17 =	vld.idx.msk [tilespmem:v16+s2+$0x0], $0xffff;
	_ =	sdelay $0x4  }
0xb3: {  	v1 =	vadd.f32 v17, v1;
	_ =	sdelay $0x1  }
0xb4: {  	v1 =	vadd.f32 v1, v0;
	_ =	sdelay $0x1  }
0xb5: {  	s1 =	rddreg [dreg:$0x11];
	[tilespmem:$0xAC70] =	vst v1  }
0xb6: {  	[hbm4b:s1+s2] =	stream.linear.scatter [tilespmem:s21], [sflag:$0x8], $0x2000, $0x38;
	[tilespmem:$0xAE00] =	vst v63  }
0xb7: {  	s9 =	rddreg [dreg:$0x12]  }
0xb8: {  	[hbm4b:s9+s2] =	stream.linear.scatter [tilespmem:s22], [sflag:$0x8], $0x2000, $0x38;
	[tilespmem:$0xAE00] =	vst v63  }
0xb9: {  	s1 =	rddreg [dreg:$0x13]  }
0xba: {  	[tilespmem:s10], [sflag:$0x1] =	stream.linear.gather [hbm4b:s1+s2], $0x40, $0x38;
	[tilespmem:$0xAE00] =	vst v63  }
0xbb: {  	s9 =	rddreg [dreg:$0x14]  }
0xbc: {  	[tilespmem:s11], [sflag:$0x1] =	stream.linear.gather [hbm4b:s9+s2], $0x40, $0x38;
	[tilespmem:$0xAE00] =	vst v63  }
0xbd: {  	_ =	swait.ge [sflag:s30], $0x2000  }
0xbe: {  	[sflag:s30] =	ssyncset.done $0x0  }
0xbf: {  	[sflag:s30] =	ssyncadd.s32 $0xFFFFE000  }
0xc0: {  	_ =	swait.ge [sflag:s30], $0x2000  }
0xc1: {  	[sflag:s30] =	ssyncset.done $0x0  }
0xc2: {  	[sflag:s30] =	ssyncadd.s32 $0xFFFFE000  }
0xc3: {  	_ =	swait.ge [sflag:s31], $0x40  }
0xc4: {  	[sflag:s31] =	ssyncset.done $0x0  }
0xc5: {  	[sflag:s31] =	ssyncadd.s32 $0xFFFFFFC0  }
0xc6: {  	_ =	swait.ge [sflag:s31], $0x40  }
0xc7: {  	[sflag:s31] =	ssyncset.done $0x0  }
0xc8: {  	[sflag:s31] =	ssyncadd.s32 $0xFFFFFFC0  }
0xc9: {  	[tilespmem:s21], [sflag:$0x6] =	stream.indirect.gather [hbm4b:s3+s17], $0x80, s24, s17, $0xb8;
	[tilespmem:$0xAE00] =	vst v63  }
0xca: {  	_ = 	snop  }
0xcb: {  	[tilespmem:s22], [sflag:$0x6] =	stream.indirect.gather [hbm4b:s3+s17], $0x80, s25, s17, $0xb8;
	[tilespmem:$0xAE00] =	vst v63  }
0xcc: {  	_ =	swait.ge [sflag:s23], $0x2000  }
0xcd: {  	[sflag:s23] =	ssyncset.done $0x0  }
0xce: {  	[sflag:s23] =	ssyncadd.s32 $0xFFFFE000  }
0xcf: {  	_ =	swait.ge [sflag:s23], $0x2000  }
0xd0: {  	[sflag:s23] =	ssyncset.done $0x0  }
0xd1: {  	[sflag:s23] =	ssyncadd.s32 $0xFFFFE000  }
0xd2: {  	v18 =	vld [tilespmem:$0x2900]  }
0xd3: {  	v19 =	vld [tilespmem:$0x2B00];
	_ =	sdelay $0x3  }
0xd4: {  	v1 =	vadd.s32 $0x1, v18  }
0xd5: {  	v2 =	vadd.s32 $0x1, v19;
	_ =	sdelay $0x2  }
0xd6: {  	v20 =	vld [tilespmem:$0x2910]  }
0xd7: {  	v1 =	vld.idx.msk [tilespmem:v1+s2+$0x0], $0xffff  }
0xd8: {  	v2 =	vld.idx.msk [tilespmem:v2+s2+$0x0], $0xffff  }
0xd9: {  	v21 =	vld [tilespmem:$0x2B10];
	_ =	sdelay $0x3  }
0xda: {  	v22 =	vadd.s32 $0x1, v20;
	v1 =	vadd.f32 v2, v1  }
0xdb: {  	v23 =	vadd.s32 $0x1, v21  }
0xdc: {  	v1 =	vadd.f32 v1, v0;
	_ =	sdelay $0x1  }
0xdd: {  	v25 =	vld [tilespmem:$0x2920];
	[tilespmem:$0xAC80] =	vst v1  }
0xde: {  	v1 =	vld.idx.msk [tilespmem:v22+s2+$0x0], $0xffff  }
0xdf: {  	v24 =	vld.idx.msk [tilespmem:v23+s2+$0x0], $0xffff  }
0xe0: {  	v26 =	vld [tilespmem:$0x2B20];
	_ =	sdelay $0x3  }
0xe1: {  	v27 =	vadd.s32 $0x1, v25;
	v1 =	vadd.f32 v24, v1  }
0xe2: {  	v28 =	vadd.s32 $0x1, v26  }
0xe3: {  	v1 =	vadd.f32 v1, v0;
	_ =	sdelay $0x1  }
0xe4: {  	v30 =	vld [tilespmem:$0x2930];
	[tilespmem:$0xAC90] =	vst v1  }
0xe5: {  	v1 =	vld.idx.msk [tilespmem:v27+s2+$0x0], $0xffff  }
0xe6: {  	v29 =	vld.idx.msk [tilespmem:v28+s2+$0x0], $0xffff  }
0xe7: {  	v31 =	vld [tilespmem:$0x2B30];
	_ =	sdelay $0x3  }
0xe8: {  	v32 =	vadd.s32 $0x1, v30;
	v1 =	vadd.f32 v29, v1  }
0xe9: {  	v33 =	vadd.s32 $0x1, v31  }
0xea: {  	v1 =	vadd.f32 v1, v0;
	_ =	sdelay $0x1  }
0xeb: {  	[tilespmem:$0xACA0] =	vst v1  }
0xec: {  	v1 =	vld.idx.msk [tilespmem:v32+s2+$0x0], $0xffff  }
0xed: {  	v34 =	vld.idx.msk [tilespmem:v33+s2+$0x0], $0xffff;
	_ =	sdelay $0x4  }
0xee: {  	v1 =	vadd.f32 v34, v1;
	_ =	sdelay $0x1  }
0xef: {  	v1 =	vadd.f32 v1, v0;
	_ =	sdelay $0x1  }
0xf0: {  	s1 =	rddreg [dreg:$0x15];
	[tilespmem:$0xACB0] =	vst v1  }
0xf1: {  	[hbm4b:s1+s2] =	stream.linear.scatter [tilespmem:s18], [sflag:$0x7], $0x2000, $0x38;
	[tilespmem:$0xAE00] =	vst v63  }
0xf2: {  	s9 =	rddreg [dreg:$0x16]  }
0xf3: {  	[hbm4b:s9+s2] =	stream.linear.scatter [tilespmem:s19], [sflag:$0x7], $0x2000, $0x38;
	[tilespmem:$0xAE00] =	vst v63  }
0xf4: {  	s1 =	rddreg [dreg:$0x17]  }
0xf5: {  	[tilespmem:s12], [sflag:$0x2] =	stream.linear.gather [hbm4b:s1+s2], $0x40, $0x38;
	[tilespmem:$0xAE00] =	vst v63  }
0xf6: {  	s9 =	rddreg [dreg:$0x18]  }
0xf7: {  	[tilespmem:s13], [sflag:$0x2] =	stream.linear.gather [hbm4b:s9+s2], $0x40, $0x38;
	[tilespmem:$0xAE00] =	vst v63  }
0xf8: {  	_ =	swait.ge [sflag:s26], $0x2000  }
0xf9: {  	[sflag:s26] =	ssyncset.done $0x0  }
0xfa: {  	[sflag:s26] =	ssyncadd.s32 $0xFFFFE000  }
0xfb: {  	_ =	swait.ge [sflag:s26], $0x2000  }
0xfc: {  	[sflag:s26] =	ssyncset.done $0x0  }
0xfd: {  	[sflag:s26] =	ssyncadd.s32 $0xFFFFE000  }
0xfe: {  	_ =	swait.ge [sflag:s16], $0x40  }
0xff: {  	[sflag:s16] =	ssyncset.done $0x0  }
0x100: {  	[sflag:s16] =	ssyncadd.s32 $0xFFFFFFC0  }
0x101: {  	_ =	swait.ge [sflag:s16], $0x40  }
0x102: {  	[sflag:s16] =	ssyncset.done $0x0  }
0x103: {  	[sflag:s16] =	ssyncadd.s32 $0xFFFFFFC0  }
0x104: {  	[tilespmem:s18], [sflag:$0x5] =	stream.indirect.gather [hbm4b:s3+s17], $0x80, s10, s17, $0xb8;
	[tilespmem:$0xAE00] =	vst v63  }
0x105: {  	_ = 	snop  }
0x106: {  	[tilespmem:s19], [sflag:$0x5] =	stream.indirect.gather [hbm4b:s3+s17], $0x80, s11, s17, $0xb8;
	[tilespmem:$0xAE00] =	vst v63  }
0x107: {  	_ =	swait.ge [sflag:s29], $0x2000  }
0x108: {  	[sflag:s29] =	ssyncset.done $0x0  }
0x109: {  	[sflag:s29] =	ssyncadd.s32 $0xFFFFE000  }
0x10a: {  	_ =	swait.ge [sflag:s29], $0x2000  }
0x10b: {  	[sflag:s29] =	ssyncset.done $0x0  }
0x10c: {  	[sflag:s29] =	ssyncadd.s32 $0xFFFFE000  }
0x10d: {  	v35 =	vld [tilespmem:$0x2980]  }
0x10e: {  	v36 =	vld [tilespmem:$0x2B80];
	_ =	sdelay $0x3  }
0x10f: {  	v1 =	vadd.s32 $0x1, v35  }
0x110: {  	v2 =	vadd.s32 $0x1, v36;
	_ =	sdelay $0x2  }
0x111: {  	v37 =	vld [tilespmem:$0x2990]  }
0x112: {  	v1 =	vld.idx.msk [tilespmem:v1+s2+$0x0], $0xffff  }
0x113: {  	v2 =	vld.idx.msk [tilespmem:v2+s2+$0x0], $0xffff  }
0x114: {  	v38 =	vld [tilespmem:$0x2B90];
	_ =	sdelay $0x3  }
0x115: {  	v39 =	vadd.s32 $0x1, v37;
	v1 =	vadd.f32 v2, v1  }
0x116: {  	v40 =	vadd.s32 $0x1, v38  }
0x117: {  	v1 =	vadd.f32 v1, v0;
	_ =	sdelay $0x1  }
0x118: {  	v42 =	vld [tilespmem:$0x29A0];
	[tilespmem:$0xACC0] =	vst v1  }
0x119: {  	v1 =	vld.idx.msk [tilespmem:v39+s2+$0x0], $0xffff  }
0x11a: {  	v41 =	vld.idx.msk [tilespmem:v40+s2+$0x0], $0xffff  }
0x11b: {  	v43 =	vld [tilespmem:$0x2BA0];
	_ =	sdelay $0x3  }
0x11c: {  	v44 =	vadd.s32 $0x1, v42;
	v1 =	vadd.f32 v41, v1  }
0x11d: {  	v45 =	vadd.s32 $0x1, v43  }
0x11e: {  	v1 =	vadd.f32 v1, v0;
	_ =	sdelay $0x1  }
0x11f: {  	v47 =	vld [tilespmem:$0x29B0];
	[tilespmem:$0xACD0] =	vst v1  }
0x120: {  	v1 =	vld.idx.msk [tilespmem:v44+s2+$0x0], $0xffff  }
0x121: {  	v46 =	vld.idx.msk [tilespmem:v45+s2+$0x0], $0xffff  }
0x122: {  	v48 =	vld [tilespmem:$0x2BB0];
	_ =	sdelay $0x3  }
0x123: {  	v49 =	vadd.s32 $0x1, v47;
	v1 =	vadd.f32 v46, v1  }
0x124: {  	v50 =	vadd.s32 $0x1, v48  }
0x125: {  	v1 =	vadd.f32 v1, v0;
	_ =	sdelay $0x1  }
0x126: {  	[tilespmem:$0xACE0] =	vst v1  }
0x127: {  	v1 =	vld.idx.msk [tilespmem:v49+s2+$0x0], $0xffff  }
0x128: {  	v51 =	vld.idx.msk [tilespmem:v50+s2+$0x0], $0xffff;
	_ =	sdelay $0x4  }
0x129: {  	v1 =	vadd.f32 v51, v1;
	_ =	sdelay $0x1  }
0x12a: {  	v1 =	vadd.f32 v1, v0;
	_ =	sdelay $0x1  }
0x12b: {  	s1 =	rddreg [dreg:$0x19];
	[tilespmem:$0xACF0] =	vst v1  }
0x12c: {  	[hbm4b:s1+s2] =	stream.linear.scatter [tilespmem:s21], [sflag:$0x8], $0x2000, $0x38;
	[tilespmem:$0xAE00] =	vst v63  }
0x12d: {  	s9 =	rddreg [dreg:$0x1a]  }
0x12e: {  	[hbm4b:s9+s2] =	stream.linear.scatter [tilespmem:s22], [sflag:$0x8], $0x2000, $0x38;
	[tilespmem:$0xAE00] =	vst v63  }
0x12f: {  	s1 =	rddreg [dreg:$0x1b]  }
0x130: {  	[tilespmem:s14], [sflag:$0x3] =	stream.linear.gather [hbm4b:s1+s2], $0x40, $0x38;
	[tilespmem:$0xAE00] =	vst v63  }
0x131: {  	s9 =	rddreg [dreg:$0x1c]  }
0x132: {  	[tilespmem:s15], [sflag:$0x3] =	stream.linear.gather [hbm4b:s9+s2], $0x40, $0x38;
	[tilespmem:$0xAE00] =	vst v63  }
0x133: {  	_ =	swait.ge [sflag:s30], $0x2000  }
0x134: {  	[sflag:s30] =	ssyncset.done $0x0  }
0x135: {  	[sflag:s30] =	ssyncadd.s32 $0xFFFFE000  }
0x136: {  	_ =	swait.ge [sflag:s30], $0x2000  }
0x137: {  	[sflag:s30] =	ssyncset.done $0x0  }
0x138: {  	[sflag:s30] =	ssyncadd.s32 $0xFFFFE000  }
0x139: {  	_ =	swait.ge [sflag:s20], $0x40  }
0x13a: {  	[sflag:s20] =	ssyncset.done $0x0  }
0x13b: {  	[sflag:s20] =	ssyncadd.s32 $0xFFFFFFC0  }
0x13c: {  	_ =	swait.ge [sflag:s20], $0x40  }
0x13d: {  	[sflag:s20] =	ssyncset.done $0x0  }
0x13e: {  	[sflag:s20] =	ssyncadd.s32 $0xFFFFFFC0  }
0x13f: {  	[tilespmem:s21], [sflag:$0x6] =	stream.indirect.gather [hbm4b:s3+s17], $0x80, s12, s17, $0xb8;
	[tilespmem:$0xAE00] =	vst v63  }
0x140: {  	_ = 	snop  }
0x141: {  	[tilespmem:s22], [sflag:$0x6] =	stream.indirect.gather [hbm4b:s3+s17], $0x80, s13, s17, $0xb8;
	[tilespmem:$0xAE00] =	vst v63  }
0x142: {  	_ =	swait.ge [sflag:s23], $0x2000  }
0x143: {  	[sflag:s23] =	ssyncset.done $0x0  }
0x144: {  	[sflag:s23] =	ssyncadd.s32 $0xFFFFE000  }
0x145: {  	_ =	swait.ge [sflag:s23], $0x2000  }
0x146: {  	[sflag:s23] =	ssyncset.done $0x0  }
0x147: {  	[sflag:s23] =	ssyncadd.s32 $0xFFFFE000  }
0x148: {  	v52 =	vld [tilespmem:$0x2800]  }
0x149: {  	v53 =	vld [tilespmem:$0x2A00];
	_ =	sdelay $0x3  }
0x14a: {  	v1 =	vadd.s32 $0x1, v52  }
0x14b: {  	v2 =	vadd.s32 $0x1, v53;
	_ =	sdelay $0x2  }
0x14c: {  	v54 =	vld [tilespmem:$0x2810]  }
0x14d: {  	v1 =	vld.idx.msk [tilespmem:v1+s2+$0x0], $0xffff  }
0x14e: {  	v2 =	vld.idx.msk [tilespmem:v2+s2+$0x0], $0xffff  }
0x14f: {  	v55 =	vld [tilespmem:$0x2A10];
	_ =	sdelay $0x3  }
0x150: {  	v56 =	vadd.s32 $0x1, v54;
	v1 =	vadd.f32 v2, v1  }
0x151: {  	v57 =	vadd.s32 $0x1, v55  }
0x152: {  	v1 =	vadd.f32 v1, v0;
	_ =	sdelay $0x1  }
0x153: {  	v59 =	vld [tilespmem:$0x2820];
	[tilespmem:$0xAD00] =	vst v1  }
0x154: {  	v1 =	vld.idx.msk [tilespmem:v56+s2+$0x0], $0xffff  }
0x155: {  	v58 =	vld.idx.msk [tilespmem:v57+s2+$0x0], $0xffff  }
0x156: {  	v60 =	vld [tilespmem:$0x2A20];
	_ =	sdelay $0x3  }
0x157: {  	v61 =	vadd.s32 $0x1, v59;
	v1 =	vadd.f32 v58, v1  }
0x158: {  	v62 =	vadd.s32 $0x1, v60  }
0x159: {  	v1 =	vadd.f32 v1, v0;
	_ =	sdelay $0x1  }
0x15a: {  	v8 =	vld [tilespmem:$0x2830];
	[tilespmem:$0xAD10] =	vst v1  }
0x15b: {  	v1 =	vld.idx.msk [tilespmem:v61+s2+$0x0], $0xffff  }
0x15c: {  	v63 =	vld.idx.msk [tilespmem:v62+s2+$0x0], $0xffff  }
0x15d: {  	v9 =	vld [tilespmem:$0x2A30];
	_ =	sdelay $0x3  }
0x15e: {  	v10 =	vadd.s32 $0x1, v8;
	v1 =	vadd.f32 v63, v1  }
0x15f: {  	v11 =	vadd.s32 $0x1, v9  }
0x160: {  	v1 =	vadd.f32 v1, v0;
	_ =	sdelay $0x1  }
0x161: {  	[tilespmem:$0xAD20] =	vst v1  }
0x162: {  	v1 =	vld.idx.msk [tilespmem:v10+s2+$0x0], $0xffff  }
0x163: {  	v12 =	vld.idx.msk [tilespmem:v11+s2+$0x0], $0xffff;
	_ =	sdelay $0x4  }
0x164: {  	v1 =	vadd.f32 v12, v1;
	_ =	sdelay $0x1  }
0x165: {  	v1 =	vadd.f32 v1, v0  }
0x166: {  	s1 =	rddreg [dreg:$0x1d]  }
0x167: {  	s9 =	rddreg [dreg:$0x1e];
	[tilespmem:$0xAD30] =	vst v1  }
0x168: {  	[hbm4b:s1+s2] =	stream.linear.scatter [tilespmem:s18], [sflag:$0x7], $0x2000, $0x38;
	[tilespmem:$0xAE00] =	vst v63  }
0x169: {  	s1 =	rddreg [dreg:$0x1f]  }
0x16a: {  	[hbm4b:s9+s2] =	stream.linear.scatter [tilespmem:s19], [sflag:$0x7], $0x2000, $0x38;
	[tilespmem:$0xAE00] =	vst v63  }
0x16b: {  	s9 =	sld [smem:$0x7F9]  }
0x16c: {  	[tilespmem:s24], [sflag:$0x4] =	stream.linear.gather [hbm4b:s1+s2], $0x40, $0x38;
	[tilespmem:$0xAE00] =	vst v63  }
0x16d: {  	_ = 	snop  }
0x16e: {  	[tilespmem:s25], [sflag:$0x4] =	stream.linear.gather [hbm4b:s9+s2], $0x40, $0x38;
	[tilespmem:$0xAE00] =	vst v63  }
0x16f: {  	_ =	swait.ge [sflag:s26], $0x2000  }
0x170: {  	[sflag:s26] =	ssyncset.done $0x0  }
0x171: {  	[sflag:s26] =	ssyncadd.s32 $0xFFFFE000  }
0x172: {  	_ =	swait.ge [sflag:s26], $0x2000  }
0x173: {  	[sflag:s26] =	ssyncset.done $0x0  }
0x174: {  	[sflag:s26] =	ssyncadd.s32 $0xFFFFE000  }
0x175: {  	_ =	swait.ge [sflag:s28], $0x40  }
0x176: {  	[sflag:s28] =	ssyncset.done $0x0  }
0x177: {  	[sflag:s28] =	ssyncadd.s32 $0xFFFFFFC0  }
0x178: {  	_ =	swait.ge [sflag:s28], $0x40  }
0x179: {  	[sflag:s28] =	ssyncset.done $0x0  }
0x17a: {  	[sflag:s28] =	ssyncadd.s32 $0xFFFFFFC0  }
0x17b: {  	[tilespmem:s18], [sflag:$0x5] =	stream.indirect.gather [hbm4b:s3+s17], $0x80, s14, s17, $0xb8;
	[tilespmem:$0xAE00] =	vst v63  }
0x17c: {  	_ = 	snop  }
0x17d: {  	[tilespmem:s19], [sflag:$0x5] =	stream.indirect.gather [hbm4b:s3+s17], $0x80, s15, s17, $0xb8;
	[tilespmem:$0xAE00] =	vst v63  }
0x17e: {  	_ =	swait.ge [sflag:s29], $0x2000  }
0x17f: {  	[sflag:s29] =	ssyncset.done $0x0  }
0x180: {  	[sflag:s29] =	ssyncadd.s32 $0xFFFFE000  }
0x181: {  	_ =	swait.ge [sflag:s29], $0x2000  }
0x182: {  	[sflag:s29] =	ssyncset.done $0x0  }
0x183: {  	[sflag:s29] =	ssyncadd.s32 $0xFFFFE000  }
0x184: {  	v13 =	vld [tilespmem:$0x2880]  }
0x185: {  	v14 =	vld [tilespmem:$0x2A80];
	_ =	sdelay $0x3  }
0x186: {  	v1 =	vadd.s32 $0x1, v13  }
0x187: {  	v2 =	vadd.s32 $0x1, v14;
	_ =	sdelay $0x2  }
0x188: {  	v15 =	vld [tilespmem:$0x2890]  }
0x189: {  	v1 =	vld.idx.msk [tilespmem:v1+s2+$0x0], $0xffff  }
0x18a: {  	v2 =	vld.idx.msk [tilespmem:v2+s2+$0x0], $0xffff  }
0x18b: {  	v16 =	vld [tilespmem:$0x2A90];
	_ =	sdelay $0x3  }
0x18c: {  	v17 =	vadd.s32 $0x1, v15;
	v1 =	vadd.f32 v2, v1  }
0x18d: {  	v18 =	vadd.s32 $0x1, v16  }
0x18e: {  	v1 =	vadd.f32 v1, v0;
	_ =	sdelay $0x1  }
0x18f: {  	v20 =	vld [tilespmem:$0x28A0];
	[tilespmem:$0xAD40] =	vst v1  }
0x190: {  	v1 =	vld.idx.msk [tilespmem:v17+s2+$0x0], $0xffff  }
0x191: {  	v19 =	vld.idx.msk [tilespmem:v18+s2+$0x0], $0xffff  }
0x192: {  	v21 =	vld [tilespmem:$0x2AA0];
	_ =	sdelay $0x3  }
0x193: {  	v22 =	vadd.s32 $0x1, v20;
	v1 =	vadd.f32 v19, v1  }
0x194: {  	v23 =	vadd.s32 $0x1, v21  }
0x195: {  	v1 =	vadd.f32 v1, v0;
	_ =	sdelay $0x1  }
0x196: {  	v25 =	vld [tilespmem:$0x28B0];
	[tilespmem:$0xAD50] =	vst v1  }
0x197: {  	v1 =	vld.idx.msk [tilespmem:v22+s2+$0x0], $0xffff  }
0x198: {  	v24 =	vld.idx.msk [tilespmem:v23+s2+$0x0], $0xffff  }
0x199: {  	v26 =	vld [tilespmem:$0x2AB0];
	_ =	sdelay $0x3  }
0x19a: {  	v27 =	vadd.s32 $0x1, v25;
	v1 =	vadd.f32 v24, v1  }
0x19b: {  	v28 =	vadd.s32 $0x1, v26  }
0x19c: {  	v1 =	vadd.f32 v1, v0;
	_ =	sdelay $0x1  }
0x19d: {  	[tilespmem:$0xAD60] =	vst v1  }
0x19e: {  	v1 =	vld.idx.msk [tilespmem:v27+s2+$0x0], $0xffff  }
0x19f: {  	v29 =	vld.idx.msk [tilespmem:v28+s2+$0x0], $0xffff;
	_ =	sdelay $0x4  }
0x1a0: {  	v1 =	vadd.f32 v29, v1;
	_ =	sdelay $0x1  }
0x1a1: {  	s1 =	sld [smem:$0x7FA];
	v1 =	vadd.f32 v1, v0;
	_ =	sdelay $0x1  }
0x1a2: {  	s9 =	sld [smem:$0x7FB];
	[tilespmem:$0xAD70] =	vst v1  }
0x1a3: {  	[hbm4b:s1+s2] =	stream.linear.scatter [tilespmem:s21], [sflag:$0x8], $0x2000, $0x38;
	[tilespmem:$0xAE00] =	vst v63  }
0x1a4: {  	_ = 	snop  }
0x1a5: {  	[hbm4b:s9+s2] =	stream.linear.scatter [tilespmem:s22], [sflag:$0x8], $0x2000, $0x38;
	[tilespmem:$0xAE00] =	vst v63  }
0x1a6: {  	_ =	swait.ge [sflag:s30], $0x2000  }
0x1a7: {  	[sflag:s30] =	ssyncset.done $0x0  }
0x1a8: {  	[sflag:s30] =	ssyncadd.s32 $0xFFFFE000  }
0x1a9: {  	_ =	swait.ge [sflag:s30], $0x2000  }
0x1aa: {  	[sflag:s30] =	ssyncset.done $0x0  }
0x1ab: {  	[sflag:s30] =	ssyncadd.s32 $0xFFFFE000  }
0x1ac: {  	_ =	swait.ge [sflag:s31], $0x40  }
0x1ad: {  	[sflag:s31] =	ssyncset.done $0x0  }
0x1ae: {  	[sflag:s31] =	ssyncadd.s32 $0xFFFFFFC0  }
0x1af: {  	_ =	swait.ge [sflag:s31], $0x40  }
0x1b0: {  	[sflag:s31] =	ssyncset.done $0x0  }
0x1b1: {  	[sflag:s31] =	ssyncadd.s32 $0xFFFFFFC0  }
0x1b2: {  	[tilespmem:s21], [sflag:$0x6] =	stream.indirect.gather [hbm4b:s3+s17], $0x80, s24, s17, $0xb8;
	[tilespmem:$0xAE00] =	vst v63  }
0x1b3: {  	_ = 	snop  }
0x1b4: {  	[tilespmem:s22], [sflag:$0x6] =	stream.indirect.gather [hbm4b:s3+s17], $0x80, s25, s17, $0xb8;
	[tilespmem:$0xAE00] =	vst v63  }
0x1b5: {  	_ =	swait.ge [sflag:s23], $0x2000  }
0x1b6: {  	[sflag:s23] =	ssyncset.done $0x0  }
0x1b7: {  	[sflag:s23] =	ssyncadd.s32 $0xFFFFE000  }
0x1b8: {  	_ =	swait.ge [sflag:s23], $0x2000  }
0x1b9: {  	[sflag:s23] =	ssyncset.done $0x0  }
0x1ba: {  	[sflag:s23] =	ssyncadd.s32 $0xFFFFE000  }
0x1bb: {  	v30 =	vld [tilespmem:$0x2900]  }
0x1bc: {  	v31 =	vld [tilespmem:$0x2B00];
	_ =	sdelay $0x3  }
0x1bd: {  	v1 =	vadd.s32 $0x1, v30  }
0x1be: {  	v2 =	vadd.s32 $0x1, v31;
	_ =	sdelay $0x2  }
0x1bf: {  	v32 =	vld [tilespmem:$0x2910]  }
0x1c0: {  	v1 =	vld.idx.msk [tilespmem:v1+s2+$0x0], $0xffff  }
0x1c1: {  	v2 =	vld.idx.msk [tilespmem:v2+s2+$0x0], $0xffff  }
0x1c2: {  	v33 =	vld [tilespmem:$0x2B10];
	_ =	sdelay $0x3  }
0x1c3: {  	v34 =	vadd.s32 $0x1, v32;
	v1 =	vadd.f32 v2, v1  }
0x1c4: {  	v35 =	vadd.s32 $0x1, v33  }
0x1c5: {  	v1 =	vadd.f32 v1, v0;
	_ =	sdelay $0x1  }
0x1c6: {  	v37 =	vld [tilespmem:$0x2920];
	[tilespmem:$0xAD80] =	vst v1  }
0x1c7: {  	v1 =	vld.idx.msk [tilespmem:v34+s2+$0x0], $0xffff  }
0x1c8: {  	v36 =	vld.idx.msk [tilespmem:v35+s2+$0x0], $0xffff  }
0x1c9: {  	v38 =	vld [tilespmem:$0x2B20];
	_ =	sdelay $0x3  }
0x1ca: {  	v39 =	vadd.s32 $0x1, v37;
	v1 =	vadd.f32 v36, v1  }
0x1cb: {  	v40 =	vadd.s32 $0x1, v38  }
0x1cc: {  	v1 =	vadd.f32 v1, v0;
	_ =	sdelay $0x1  }
0x1cd: {  	v42 =	vld [tilespmem:$0x2930];
	[tilespmem:$0xAD90] =	vst v1  }
0x1ce: {  	v1 =	vld.idx.msk [tilespmem:v39+s2+$0x0], $0xffff  }
0x1cf: {  	v41 =	vld.idx.msk [tilespmem:v40+s2+$0x0], $0xffff  }
0x1d0: {  	v43 =	vld [tilespmem:$0x2B30];
	_ =	sdelay $0x3  }
0x1d1: {  	v44 =	vadd.s32 $0x1, v42;
	v1 =	vadd.f32 v41, v1  }
0x1d2: {  	v45 =	vadd.s32 $0x1, v43  }
0x1d3: {  	v1 =	vadd.f32 v1, v0;
	_ =	sdelay $0x1  }
0x1d4: {  	[tilespmem:$0xADA0] =	vst v1  }
0x1d5: {  	v1 =	vld.idx.msk [tilespmem:v44+s2+$0x0], $0xffff  }
0x1d6: {  	v46 =	vld.idx.msk [tilespmem:v45+s2+$0x0], $0xffff;
	_ =	sdelay $0x4  }
0x1d7: {  	v1 =	vadd.f32 v46, v1;
	_ =	sdelay $0x1  }
0x1d8: {  	s1 =	sld [smem:$0x7FC];
	v1 =	vadd.f32 v1, v0;
	_ =	sdelay $0x1  }
0x1d9: {  	s9 =	sld [smem:$0x7FD];
	[tilespmem:$0xADB0] =	vst v1  }
0x1da: {  	[hbm4b:s1+s2] =	stream.linear.scatter [tilespmem:s18], [sflag:$0x7], $0x2000, $0x38;
	[tilespmem:$0xAE00] =	vst v63  }
0x1db: {  	_ = 	snop  }
0x1dc: {  	[hbm4b:s9+s2] =	stream.linear.scatter [tilespmem:s19], [sflag:$0x7], $0x2000, $0x38;
	[tilespmem:$0xAE00] =	vst v63  }
0x1dd: {  	_ =	swait.ge [sflag:s26], $0x2000  }
0x1de: {  	[sflag:s26] =	ssyncset.done $0x0  }
0x1df: {  	[sflag:s26] =	ssyncadd.s32 $0xFFFFE000  }
0x1e0: {  	_ =	swait.ge [sflag:s26], $0x2000  }
0x1e1: {  	[sflag:s26] =	ssyncset.done $0x0  }
0x1e2: {  	[sflag:s26] =	ssyncadd.s32 $0xFFFFE000  }
0x1e3: {  	_ =	swait.ge [sflag:s29], $0x2000  }
0x1e4: {  	[sflag:s29] =	ssyncset.done $0x0  }
0x1e5: {  	[sflag:s29] =	ssyncadd.s32 $0xFFFFE000  }
0x1e6: {  	_ =	swait.ge [sflag:s29], $0x2000  }
0x1e7: {  	[sflag:s29] =	ssyncset.done $0x0  }
0x1e8: {  	[sflag:s29] =	ssyncadd.s32 $0xFFFFE000  }
0x1e9: {  	v47 =	vld [tilespmem:$0x2980]  }
0x1ea: {  	v48 =	vld [tilespmem:$0x2B80];
	_ =	sdelay $0x3  }
0x1eb: {  	v1 =	vadd.s32 $0x1, v47  }
0x1ec: {  	v2 =	vadd.s32 $0x1, v48;
	_ =	sdelay $0x2  }
0x1ed: {  	v49 =	vld [tilespmem:$0x2990]  }
0x1ee: {  	v1 =	vld.idx.msk [tilespmem:v1+s2+$0x0], $0xffff  }
0x1ef: {  	v2 =	vld.idx.msk [tilespmem:v2+s2+$0x0], $0xffff  }
0x1f0: {  	v50 =	vld [tilespmem:$0x2B90];
	_ =	sdelay $0x3  }
0x1f1: {  	v51 =	vadd.s32 $0x1, v49;
	v1 =	vadd.f32 v2, v1  }
0x1f2: {  	v52 =	vadd.s32 $0x1, v50  }
0x1f3: {  	v1 =	vadd.f32 v1, v0;
	_ =	sdelay $0x1  }
0x1f4: {  	v54 =	vld [tilespmem:$0x29A0];
	[tilespmem:$0xADC0] =	vst v1  }
0x1f5: {  	v1 =	vld.idx.msk [tilespmem:v51+s2+$0x0], $0xffff  }
0x1f6: {  	v53 =	vld.idx.msk [tilespmem:v52+s2+$0x0], $0xffff  }
0x1f7: {  	v55 =	vld [tilespmem:$0x2BA0];
	_ =	sdelay $0x3  }
0x1f8: {  	v56 =	vadd.s32 $0x1, v54;
	v1 =	vadd.f32 v53, v1  }
0x1f9: {  	v57 =	vadd.s32 $0x1, v55  }
0x1fa: {  	v1 =	vadd.f32 v1, v0;
	_ =	sdelay $0x1  }
0x1fb: {  	v59 =	vld [tilespmem:$0x29B0];
	[tilespmem:$0xADD0] =	vst v1  }
0x1fc: {  	v1 =	vld.idx.msk [tilespmem:v56+s2+$0x0], $0xffff  }
0x1fd: {  	v58 =	vld.idx.msk [tilespmem:v57+s2+$0x0], $0xffff  }
0x1fe: {  	v60 =	vld [tilespmem:$0x2BB0];
	_ =	sdelay $0x3  }
0x1ff: {  	v61 =	vadd.s32 $0x1, v59;
	v1 =	vadd.f32 v58, v1  }
0x200: {  	v62 =	vadd.s32 $0x1, v60  }
0x201: {  	v1 =	vadd.f32 v1, v0;
	_ =	sdelay $0x1  }
0x202: {  	[tilespmem:$0xADE0] =	vst v1  }
0x203: {  	v1 =	vld.idx.msk [tilespmem:v61+s2+$0x0], $0xffff  }
0x204: {  	v63 =	vld.idx.msk [tilespmem:v62+s2+$0x0], $0xffff;
	_ =	sdelay $0x4  }
0x205: {  	v1 =	vadd.f32 v63, v1;
	_ =	sdelay $0x1  }
0x206: {  	v0 =	vadd.f32 v1, v0;
	_ =	sdelay $0x1  }
0x207: {  	[tilespmem:$0xADF0] =	vst v0  }
0x208: {  	[hbm4b:s4+s2] =	stream.linear.scatter [tilespmem:s21], [sflag:$0x8], $0x2000, $0x38;
	[tilespmem:$0xAE00] =	vst v63  }
0x209: {  	_ = 	snop  }
0x20a: {  	[hbm4b:s5+s2] =	stream.linear.scatter [tilespmem:s22], [sflag:$0x8], $0x2000, $0x38;
	[tilespmem:$0xAE00] =	vst v63  }
0x20b: {  	_ =	swait.ge [sflag:s30], $0x2000  }
0x20c: {  	[sflag:s30] =	ssyncset.done $0x0  }
0x20d: {  	[sflag:s30] =	ssyncadd.s32 $0xFFFFE000  }
0x20e: {  	_ =	swait.ge [sflag:s30], $0x2000  }
0x20f: {  	p0 =	sne.s32 s7, $0x1;
	[sflag:s30] =	ssyncset.done $0x0  }
.Ltmp0:
0x210: {  	[sflag:s30] =	ssyncadd.s32 $0xFFFFE000;
	(pc) =	sbr.rel @p0 .LBB2_1-.Ltmp0, $4  }
0x211: {  	[hbm4b:s6+s2] =	stream.linear.scatter [tilespmem:s0], [sflag:$0x9], $0x200, $0x38;
	[tilespmem:$0xAE00] =	vst v63  }
0x212: {  	_ =	swait.ge [sflag:s8], $0x200  }
0x213: {  	[sflag:s8] =	ssyncset.done $0x0  }
0x214: {  	s7 =	sadd.s32 $0xFFFFFFFF, s7;
	[sflag:s8] =	ssyncadd.s32 $0xFFFFFE00  }
0x215: {  	_ =	sfence.sel $0x180000  }
0x216: {  	[bflag:$0x0] =	sbarrier.arrive $0xFFFF  }
0x217: {  	_ =	strace $0x9000004A  }
0x218: {  	s0 =	stileid.u32;
	[bflag:$0x2] =	sbarrier.arrive $0xFFFF  }
0x219: {  	p0 =	sne.s32 s0, $0x0;
	s0 =	rddreg [dreg:$0x4]  }
0x21a: {  	s0 =	sadd.s32 @!p0 $0x100000, s0  }
0x21b: {  	[sflag:s0] =	ssyncadd.tile.s32 @!p0 $0x1;
	_ =	shalt  }
.Lfunc_end2:
_tile_overlayer_lowered:
.L_overlay_start_2:
0x21c: {  	(tag) =	ssettag $0x2  }
0x21d: {  	s0 =	rddreg [dreg:$0x0];
	s2 =	stileid.u32  }
0x21e: {  	s1 =	rddreg [dreg:$0x1];
	p0 =	sne.s32 s2, $0x0  }
0x21f: {  	s3 =	rddreg [dreg:$0x2];
	[bflag:$0x3] =	sbarrier.arrive $0xFFFF;
	s2 =	simm.s32 @!p0 $0x1C09  }
0x220: {  	[timem:s3], [sflag:s2] =	dma.local @!p0 [hbm:s0], s1  }
0x221: {  	s0 =	simm.s32 @!p0 $0x9  }
0x222: {  	_ =	swait.ge @!p0 [sflag:s0], s1  }
0x223: {  	s1 =	ssub.s32 @!p0 $0x0, s1;
	[sflag:s0] =	ssyncset.done @!p0 $0x0  }
0x224: {  	[sflag:s0] =	ssyncadd.s32 @!p0 s1  }
0x225: {  	[bflag:$0x3] =	sbarrier.arrive $0xFFFF  }
0x226: {  	_ =	shalt  }

</sc_bundles>
